<compile_context>
chip_gen: v7x
topology: tpu7x:2x2x1
jax: 0.10.2.dev20260603
libtpu: 0.0.44.dev20260713+nightly
codegen_flags: <defaults>
</compile_context>

<pallas_src>
import functools

import jax
import jax.numpy as jnp
from jax import lax
from jax.experimental import pallas as pl
from jax.experimental.pallas import tpu as pltpu
from jax.experimental.pallas import tpu_sc as plsc

N = 10000
NP = 10240
E = 320000
NSUB = 16
CH = 128
EPS = E // NSUB
NCH = 158
NCHA = NCH
NPAIR = NCH // 2
EPAD = NSUB * NCHA * CH
PADIDX = NP - 8
SLAB = NP // NSUB
RB = 1024
NB = NP // RB
F32 = jnp.float32


def _deg_kernel(dst_hbm, deg_out, dst_v, part_v):
    c = lax.axis_index("c")
    s = lax.axis_index("s")

    @pl.when(c == 0)
    def _():
        zeros16 = jnp.zeros((16,), F32)

        def zero_body(i, carry):
            part_v[pl.ds(i * 16, 16)] = zeros16
            return carry

        lax.fori_loop(0, NP // 16, zero_body, 0)
        pltpu.sync_copy(dst_hbm.at[s], dst_v)
        ones16 = jnp.ones((16,), F32)

        def add_body(i, carry):
            idx = dst_v[pl.ds(i * 16, 16)]
            plsc.addupdate_scatter(part_v, [idx], ones16)
            return carry

        lax.fori_loop(0, (NCHA * CH) // 16, add_body, 0)
        pltpu.sync_copy(part_v, deg_out.at[s])


def _deg_call(dst_flat):
    mesh = plsc.VectorSubcoreMesh(core_axis_name="c", subcore_axis_name="s")
    return pl.kernel(
        _deg_kernel,
        mesh=mesh,
        out_type=jax.ShapeDtypeStruct((NSUB, NP), F32),
        scratch_types=[
            pltpu.VMEM((NCHA * CH,), jnp.int32),
            pltpu.VMEM((NP,), F32),
        ],
        compiler_params=pltpu.CompilerParams(needs_layout_passes=False),
    )(dst_flat)


def _prop_core(g, out, s, src_hbm, dst_hbm, src_c, dst_c, src_c2, dst_c2,
               rows_v, rows_w, acc, sem, sem2):
    pltpu.sync_copy(g.at[pl.ds(s * SLAB, SLAB)], acc.at[pl.ds(s * SLAB, SLAB)])
    plsc.subcore_barrier()

    def chunk_body(jj, carry):
        j0 = 2 * jj
        j1 = 2 * jj + 1
        pltpu.sync_copy(src_hbm.at[s, j0], src_c.at[0])
        g0 = pltpu.async_copy(g.at[src_c.at[0]], rows_v, sem)
        pltpu.sync_copy(dst_hbm.at[s, j0], dst_c.at[0])
        pltpu.sync_copy(src_hbm.at[s, j1], src_c2.at[0])
        g1 = pltpu.async_copy(g.at[src_c2.at[0]], rows_w, sem2)
        pltpu.sync_copy(dst_hbm.at[s, j1], dst_c2.at[0])
        g0.wait()
        pltpu.sync_copy(rows_v, acc.at[dst_c.at[0]], add=True)
        g1.wait()
        pltpu.sync_copy(rows_w, acc.at[dst_c2.at[0]], add=True)
        return carry

    lax.fori_loop(0, NPAIR, chunk_body, 0)
    plsc.subcore_barrier()
    pltpu.sync_copy(acc.at[pl.ds(s * SLAB, SLAB)], out.at[pl.ds(s * SLAB, SLAB)])


def _prop_kernel(ga, gb, src_hbm, dst_hbm, sa, sb, src_c, dst_c, src_c2,
                 dst_c2, rows_v, rows_w, acc, sem, sem2):
    c = lax.axis_index("c")
    s = lax.axis_index("s")

    @pl.when(c == 0)
    def _():
        _prop_core(ga, sa, s, src_hbm, dst_hbm, src_c, dst_c, src_c2, dst_c2,
                   rows_v, rows_w, acc, sem, sem2)

    @pl.when(c == 1)
    def _():
        _prop_core(gb, sb, s, src_hbm, dst_hbm, src_c, dst_c, src_c2, dst_c2,
                   rows_v, rows_w, acc, sem, sem2)


def _prop_call(ga, gb, src_t, dst_t):
    mesh = plsc.VectorSubcoreMesh(core_axis_name="c", subcore_axis_name="s")
    return pl.kernel(
        _prop_kernel,
        mesh=mesh,
        out_type=[
            jax.ShapeDtypeStruct((NP, 128), F32),
            jax.ShapeDtypeStruct((NP, 128), F32),
        ],
        scratch_types=[
            pltpu.VMEM((1, CH), jnp.int32),
            pltpu.VMEM((1, CH), jnp.int32),
            pltpu.VMEM((1, CH), jnp.int32),
            pltpu.VMEM((1, CH), jnp.int32),
            pltpu.VMEM((CH, 128), F32),
            pltpu.VMEM((CH, 128), F32),
            pltpu.VMEM_SHARED((NP, 128), F32),
            pltpu.SemaphoreType.DMA,
            pltpu.SemaphoreType.DMA,
        ],
    )(ga, gb, src_t, dst_t)


def _t1_body(x_ref, w_ref, degp_ref, ga_ref, gb_ref, dinv_ref):
    deg = jnp.sum(degp_ref[...], axis=0)
    dinv = lax.rsqrt(deg + 1.0)[:, None]
    dinv_ref[...] = dinv
    h = jnp.dot(x_ref[...], w_ref[...], preferred_element_type=F32)
    ga_ref[...] = h[:, :128] * dinv
    gb_ref[...] = h[:, 128:] * dinv


def _t1_call(xp, W1, deg_parts):
    return pl.pallas_call(
        _t1_body,
        grid=(NB,),
        in_specs=[
            pl.BlockSpec((RB, 128), lambda r: (r, 0)),
            pl.BlockSpec((128, 256), lambda r: (0, 0)),
            pl.BlockSpec((NSUB, RB), lambda r: (0, r)),
        ],
        out_specs=[
            pl.BlockSpec((RB, 128), lambda r: (r, 0)),
            pl.BlockSpec((RB, 128), lambda r: (r, 0)),
            pl.BlockSpec((RB, 1), lambda r: (r, 0)),
        ],
        out_shape=[
            jax.ShapeDtypeStruct((NP, 128), F32),
            jax.ShapeDtypeStruct((NP, 128), F32),
            jax.ShapeDtypeStruct((NP, 1), F32),
        ],
    )(xp, W1, deg_parts)


def _t2_body(sa_ref, sb_ref, dinv_ref, b_ref, w_ref, ga_ref, gb_ref):
    dv = dinv_ref[...]
    h0 = jnp.maximum(sa_ref[...] * dv + b_ref[0, :128], 0.0)
    h1 = jnp.maximum(sb_ref[...] * dv + b_ref[0, 128:], 0.0)
    hp = jnp.dot(h0, w_ref[:128, :], preferred_element_type=F32)
    hp = hp + jnp.dot(h1, w_ref[128:, :], preferred_element_type=F32)
    ga_ref[...] = hp[:, :128] * dv
    gb_ref[...] = hp[:, 128:] * dv


def _t2_call(sa, sb, dinv, b, W):
    return pl.pallas_call(
        _t2_body,
        grid=(NB,),
        in_specs=[
            pl.BlockSpec((RB, 128), lambda r: (r, 0)),
            pl.BlockSpec((RB, 128), lambda r: (r, 0)),
            pl.BlockSpec((RB, 1), lambda r: (r, 0)),
            pl.BlockSpec((1, 256), lambda r: (0, 0)),
            pl.BlockSpec((256, 256), lambda r: (0, 0)),
        ],
        out_specs=[
            pl.BlockSpec((RB, 128), lambda r: (r, 0)),
            pl.BlockSpec((RB, 128), lambda r: (r, 0)),
        ],
        out_shape=[
            jax.ShapeDtypeStruct((NP, 128), F32),
            jax.ShapeDtypeStruct((NP, 128), F32),
        ],
    )(sa, sb, dinv, b, W)


def _t4_body(sa_ref, sb_ref, dinv_ref, b_ref, p1_ref, pb1_ref, p2_ref,
             pb2_ref, out_ref):
    dv = dinv_ref[...]
    h0 = sa_ref[...] * dv + b_ref[0, :128]
    h1 = sb_ref[...] * dv + b_ref[0, 128:]
    z = jnp.dot(h0, p1_ref[:128, :], preferred_element_type=F32)
    z = z + jnp.dot(h1, p1_ref[128:, :], preferred_element_type=F32)
    z = jnp.maximum(z + pb1_ref[0, :], 0.0)
    sc = jnp.dot(z, p2_ref[...], preferred_element_type=F32) + pb2_ref[0, 0]
    out_ref[...] = jax.nn.sigmoid(sc)


def _t4_call(sa, sb, dinv, b3, P1, pb1, P2, pb2):
    return pl.pallas_call(
        _t4_body,
        grid=(NB,),
        in_specs=[
            pl.BlockSpec((RB, 128), lambda r: (r, 0)),
            pl.BlockSpec((RB, 128), lambda r: (r, 0)),
            pl.BlockSpec((RB, 1), lambda r: (r, 0)),
            pl.BlockSpec((1, 256), lambda r: (0, 0)),
            pl.BlockSpec((256, 128), lambda r: (0, 0)),
            pl.BlockSpec((1, 128), lambda r: (0, 0)),
            pl.BlockSpec((128, 1), lambda r: (0, 0)),
            pl.BlockSpec((1, 1), lambda r: (0, 0)),
        ],
        out_specs=pl.BlockSpec((RB, 1), lambda r: (r, 0)),
        out_shape=jax.ShapeDtypeStruct((NP, 1), F32),
    )(sa, sb, dinv, b3, P1, pb1, P2, pb2)


def kernel(x, edge_index, W1, b1, W2, b2, W3, b3, P1, pb1, P2, pb2):
    src = edge_index[0].astype(jnp.int32)
    dst = edge_index[1].astype(jnp.int32)
    npad = EPAD - E
    srcp = jnp.concatenate([src, jnp.full((npad,), PADIDX, jnp.int32)])
    dstp = jnp.concatenate([dst, jnp.full((npad,), PADIDX, jnp.int32)])
    src_t = srcp.reshape(NSUB, NCHA, CH)
    dst_t = dstp.reshape(NSUB, NCHA, CH)
    dst_flat = dstp.reshape(NSUB, NCHA * CH)
    xp = jnp.pad(x, ((0, NP - N), (0, 0)))

    deg_parts = _deg_call(dst_flat)
    ga, gb, dinv = _t1_call(xp, W1, deg_parts)
    sa, sb = _prop_call(ga, gb, src_t, dst_t)
    ga, gb = _t2_call(sa, sb, dinv, b1.reshape(1, 256), W2)
    sa, sb = _prop_call(ga, gb, src_t, dst_t)
    ga, gb = _t2_call(sa, sb, dinv, b2.reshape(1, 256), W3)
    sa, sb = _prop_call(ga, gb, src_t, dst_t)
    out = _t4_call(sa, sb, dinv, b3.reshape(1, 256), P1,
                   pb1.reshape(1, 128), P2, pb2.reshape(1, 1))
    return out[:N]

# --- scband reference (transcript-rebuilt; emitter-appended) ---
"""Pipeline reference for scband-improved-gcndetector-24455543783839 (READ-ONLY COPY).

The authoritative reference and input builder live on the scoring server;
editing this copy changes nothing except your own understanding.
"""

import jax, jax.numpy as jnp
import numpy as np

N_NODES = 10000


def gcn_conv(x, edge_index, W, b):
    n = x.shape[0]
    h = x @ W
    src = edge_index[0]
    dst = edge_index[1]
    # add self loops (PyG GCNConv default)
    loop = jnp.arange(n, dtype=edge_index.dtype)
    src2 = jnp.concatenate([src, loop])
    dst2 = jnp.concatenate([dst, loop])
    # symmetric normalization D^{-1/2} (A+I) D^{-1/2}
    deg = jnp.zeros((n,), dtype=h.dtype).at[dst2].add(1.0)
    dinv = jnp.where(deg > 0, 1.0 / jnp.sqrt(deg), 0.0)
    norm = dinv[src2] * dinv[dst2]
    msg = norm[:, None] * jnp.take(h, src2, axis=0)
    out = jnp.zeros_like(h).at[dst2].add(msg)
    return out + b


def setup_inputs(seed: int = 0) -> dict:
    key = jax.random.key(seed)
    ks = jax.random.split(key, 16)
    in_c, hid = 128, 256
    x = jax.random.normal(ks[0], (N_NODES, in_c), dtype=jnp.float32)
    edge_index = jax.random.randint(ks[1], (2, 320000), 0, N_NODES, dtype=jnp.int64)
    def glorot(k, fan_in, fan_out):
        s = jnp.sqrt(6.0 / (fan_in + fan_out))
        return jax.random.uniform(k, (fan_in, fan_out), dtype=jnp.float32, minval=-s, maxval=s)
    W1 = glorot(ks[2], in_c, hid); b1 = jnp.zeros((hid,), jnp.float32)
    W2 = glorot(ks[3], hid, hid); b2 = jnp.zeros((hid,), jnp.float32)
    W3 = glorot(ks[4], hid, hid); b3 = jnp.zeros((hid,), jnp.float32)
    P1 = glorot(ks[5], hid, hid // 2); pb1 = jnp.zeros((hid // 2,), jnp.float32)
    P2 = glorot(ks[6], hid // 2, 1); pb2 = jnp.zeros((1,), jnp.float32)
    return {"x": x, "edge_index": edge_index, "W1": W1, "b1": b1, "W2": W2, "b2": b2, "W3": W3, "b3": b3, "P1": P1, "pb1": pb1, "P2": P2, "pb2": pb2}


def reference(x, edge_index, W1, b1, W2, b2, W3, b3, P1, pb1, P2, pb2):
    # eval mode: dropout is identity
    h = gcn_conv(x, edge_index, W1, b1)
    h = jax.nn.relu(h)
    h = gcn_conv(h, edge_index, W2, b2)
    h = jax.nn.relu(h)
    h = gcn_conv(h, edge_index, W3, b3)
    z = jax.nn.relu(h @ P1 + pb1)
    scores = z @ P2 + pb2
    return jax.nn.sigmoid(scores)

if __name__ == "__main__":
    import jax
    _d = setup_inputs()
    print(jax.jit(kernel)(*tuple(_d.values())))

</pallas_src>

<mosaic_0001>
#map = affine_map<(d0, d1) -> (0, 0)>
#map1 = affine_map<(d0, d1) -> (0, 0, 0)>
module attributes {stable_mosaic.version = 14 : i64} {
  func.func @_prop_kernel(%arg0: i32, %arg1: i32, %arg2: memref<10240x128xf32, #tpu.memory_space<hbm>>, %arg3: memref<10240x128xf32, #tpu.memory_space<hbm>>, %arg4: memref<16x158x128xi32, #tpu.memory_space<hbm>>, %arg5: memref<16x158x128xi32, #tpu.memory_space<hbm>>, %arg6: memref<10240x128xf32, #tpu.memory_space<hbm>>, %arg7: memref<10240x128xf32, #tpu.memory_space<hbm>>, %arg8: memref<1x128xi32, #tpu.memory_space<vmem>>, %arg9: memref<1x128xi32, #tpu.memory_space<vmem>>, %arg10: memref<1x128xi32, #tpu.memory_space<vmem>>, %arg11: memref<1x128xi32, #tpu.memory_space<vmem>>, %arg12: memref<128x128xf32, #tpu.memory_space<vmem>>, %arg13: memref<128x128xf32, #tpu.memory_space<vmem>>, %arg14: memref<10240x128xf32, #tpu.memory_space<vmem_shared>>, %arg15: memref<!tpu.dma_semaphore, #tpu.memory_space<semaphore_mem>>, %arg16: memref<!tpu.dma_semaphore, #tpu.memory_space<semaphore_mem>>) attributes {dimension_semantics = [#tpu.dimension_semantics<core_parallel>, #tpu.dimension_semantics<subcore_parallel>], iteration_bounds = array<i64: 2, 16>, scalar_prefetch = 0 : i64, scratch_operands = 9 : i64, tpu.core_type = #tpu.core_type<sc_vector_subcore>, window_params = [{transform_indices = #map}, {transform_indices = #map}, {transform_indices = #map1}, {transform_indices = #map1}, {transform_indices = #map}, {transform_indices = #map}]} {
    %eq3A = arith.constant 0 : i32
    %eq3A_0 = arith.cmpi eq, %arg0, %eq3A : i32
    %convert_element_type3A = arith.extui %eq3A_0 : i1 to i32
    %cond3A = arith.constant 0 : i32
    %cond3A_1 = arith.cmpi ne, %convert_element_type3A, %cond3A : i32
    scf.if %cond3A_1 {
      %mul3A = arith.constant 640 : i32
      %mul3A_7 = arith.muli %arg1, %mul3A : i32
      %mul3A_8 = arith.constant 640 : i32
      %mul3A_9 = arith.muli %arg1, %mul3A_8 : i32
      "tpu.region"() ({
        %run_scoped3A = tpu.sem_alloc : memref<!tpu.dma_semaphore, #tpu.memory_space<semaphore_mem>>
        %dma_start3A = arith.constant 0 : i32
        %dma_start3A_20 = tpu.memref_slice %arg14[%mul3A_9, %dma_start3A] : memref<10240x128xf32, #tpu.memory_space<vmem_shared>> -> memref<640x128xf32, #tpu.memory_space<vmem_shared>>
        %dma_start3A_21 = arith.constant 0 : i32
        %dma_start3A_22 = tpu.memref_slice %arg2[%mul3A_7, %dma_start3A_21] : memref<10240x128xf32, #tpu.memory_space<hbm>> -> memref<640x128xf32, #tpu.memory_space<hbm>>
        tpu.enqueue_dma source(%dma_start3A_22 : memref<640x128xf32, #tpu.memory_space<hbm>>) target(%dma_start3A_20 : memref<640x128xf32, #tpu.memory_space<vmem_shared>>) target_semaphore(%run_scoped3A : memref<!tpu.dma_semaphore, #tpu.memory_space<semaphore_mem>>)
        %dma_wait3A = arith.constant 0 : i32
        %dma_wait3A_23 = tpu.memref_slice %arg14[%mul3A_9, %dma_wait3A] : memref<10240x128xf32, #tpu.memory_space<vmem_shared>> -> memref<640x128xf32, #tpu.memory_space<vmem_shared>>
        %dma_wait3A_24 = arith.constant 0 : i32
        %dma_wait3A_25 = tpu.memref_slice %arg2[%mul3A_7, %dma_wait3A_24] : memref<10240x128xf32, #tpu.memory_space<hbm>> -> memref<640x128xf32, #tpu.memory_space<hbm>>
        tpu.wait_dma2 semaphore(%run_scoped3A : memref<!tpu.dma_semaphore, #tpu.memory_space<semaphore_mem>>) src(%dma_wait3A_25 : memref<640x128xf32, #tpu.memory_space<hbm>>) dst(%dma_wait3A_23 : memref<640x128xf32, #tpu.memory_space<vmem_shared>>)
        tpu.yield
      }) : () -> ()
      %barrier3A = arith.constant 0 : index
      tpu.barrier barrier_id(%barrier3A)
      %scan3A = arith.constant 0 : i32
      %scan3A_10 = arith.constant 0 : i32
      %scan3A_11 = arith.constant 79 : i32
      %scan3A_12 = arith.addi %scan3A_10, %scan3A_11 : i32
      %scan3A_13 = arith.constant 1 : i32
      scf.for %scan3A_20 = %scan3A_10 to %scan3A_12 step %scan3A_13  : i32 {
        %mul3A_21 = arith.constant 2 : i32
        %mul3A_22 = arith.muli %mul3A_21, %scan3A_20 : i32
        %mul3A_23 = arith.constant 2 : i32
        %mul3A_24 = arith.muli %mul3A_23, %scan3A_20 : i32
        %add3A = arith.constant 1 : i32
        %add3A_25 = arith.addi %mul3A_24, %add3A : i32
        %run_scoped3A = arith.constant 0 : i32
        "tpu.region"() ({
          %run_scoped3A_57 = tpu.sem_alloc : memref<!tpu.dma_semaphore, #tpu.memory_space<semaphore_mem>>
          %dma_start3A_58 = arith.constant 0 : i32
          %dma_start3A_59 = tpu.memref_slice %arg8[%run_scoped3A, %dma_start3A_58] : memref<1x128xi32, #tpu.memory_space<vmem>> -> memref<1x128xi32, #tpu.memory_space<vmem>>
          %dma_start3A_60 = tpu.memref_squeeze %dma_start3A_59 : memref<1x128xi32, #tpu.memory_space<vmem>> -> memref<128xi32, #tpu.memory_space<vmem>>
          %dma_start3A_61 = arith.constant 0 : i32
          %dma_start3A_62 = tpu.memref_slice %arg4[%arg1, %mul3A_22, %dma_start3A_61] : memref<16x158x128xi32, #tpu.memory_space<hbm>> -> memref<1x1x128xi32, #tpu.memory_space<hbm>>
          %dma_start3A_63 = tpu.memref_squeeze %dma_start3A_62 : memref<1x1x128xi32, #tpu.memory_space<hbm>> -> memref<128xi32, #tpu.memory_space<hbm>>
          %dma_start3A_64 = arith.constant 0 : i32
          %dma_start3A_65 = tpu.memref_slice %arg8[%run_scoped3A, %dma_start3A_64] : memref<1x128xi32, #tpu.memory_space<vmem>> -> memref<1x128xi32, #tpu.memory_space<vmem>>
          %dma_start3A_66 = tpu.memref_squeeze %dma_start3A_65 : memref<1x128xi32, #tpu.memory_space<vmem>> -> memref<128xi32, #tpu.memory_space<vmem>>
          %dma_start3A_67 = arith.constant 0 : i32
          %dma_start3A_68 = tpu.memref_slice %arg4[%arg1, %mul3A_22, %dma_start3A_67] : memref<16x158x128xi32, #tpu.memory_space<hbm>> -> memref<1x1x128xi32, #tpu.memory_space<hbm>>
          %dma_start3A_69 = tpu.memref_squeeze %dma_start3A_68 : memref<1x1x128xi32, #tpu.memory_space<hbm>> -> memref<128xi32, #tpu.memory_space<hbm>>
          tpu.enqueue_dma source(%dma_start3A_69 : memref<128xi32, #tpu.memory_space<hbm>>) target(%dma_start3A_66 : memref<128xi32, #tpu.memory_space<vmem>>) target_semaphore(%run_scoped3A_57 : memref<!tpu.dma_semaphore, #tpu.memory_space<semaphore_mem>>)
          %dma_wait3A_70 = arith.constant 0 : i32
          %dma_wait3A_71 = tpu.memref_slice %arg8[%run_scoped3A, %dma_wait3A_70] : memref<1x128xi32, #tpu.memory_space<vmem>> -> memref<1x128xi32, #tpu.memory_space<vmem>>
          %dma_wait3A_72 = tpu.memref_squeeze %dma_wait3A_71 : memref<1x128xi32, #tpu.memory_space<vmem>> -> memref<128xi32, #tpu.memory_space<vmem>>
          %dma_wait3A_73 = arith.constant 0 : i32
          %dma_wait3A_74 = tpu.memref_slice %arg4[%arg1, %mul3A_22, %dma_wait3A_73] : memref<16x158x128xi32, #tpu.memory_space<hbm>> -> memref<1x1x128xi32, #tpu.memory_space<hbm>>
          %dma_wait3A_75 = tpu.memref_squeeze %dma_wait3A_74 : memref<1x1x128xi32, #tpu.memory_space<hbm>> -> memref<128xi32, #tpu.memory_space<hbm>>
          %dma_wait3A_76 = arith.constant 0 : i32
          %dma_wait3A_77 = tpu.memref_slice %arg8[%run_scoped3A, %dma_wait3A_76] : memref<1x128xi32, #tpu.memory_space<vmem>> -> memref<1x128xi32, #tpu.memory_space<vmem>>
          %dma_wait3A_78 = tpu.memref_squeeze %dma_wait3A_77 : memref<1x128xi32, #tpu.memory_space<vmem>> -> memref<128xi32, #tpu.memory_space<vmem>>
          %dma_wait3A_79 = arith.constant 0 : i32
          %dma_wait3A_80 = tpu.memref_slice %arg4[%arg1, %mul3A_22, %dma_wait3A_79] : memref<16x158x128xi32, #tpu.memory_space<hbm>> -> memref<1x1x128xi32, #tpu.memory_space<hbm>>
          %dma_wait3A_81 = tpu.memref_squeeze %dma_wait3A_80 : memref<1x1x128xi32, #tpu.memory_space<hbm>> -> memref<128xi32, #tpu.memory_space<hbm>>
          tpu.wait_dma2 semaphore(%run_scoped3A_57 : memref<!tpu.dma_semaphore, #tpu.memory_space<semaphore_mem>>) src(%dma_wait3A_81 : memref<128xi32, #tpu.memory_space<hbm>>) dst(%dma_wait3A_78 : memref<128xi32, #tpu.memory_space<vmem>>)
          tpu.yield
        }) : () -> ()
        %dma_start3A = arith.constant 0 : i32
        %dma_start3A_26 = arith.constant 0 : i32
        %dma_start3A_27 = tpu.memref_slice %arg8[%dma_start3A, %dma_start3A_26] : memref<1x128xi32, #tpu.memory_space<vmem>> -> memref<1x128xi32, #tpu.memory_space<vmem>>
        %dma_start3A_28 = tpu.memref_squeeze %dma_start3A_27 : memref<1x128xi32, #tpu.memory_space<vmem>> -> memref<128xi32, #tpu.memory_space<vmem>>
        %dma_start3A_29 = arith.constant 0 : i32
        %dma_start3A_30 = arith.constant 0 : i32
        %dma_start3A_31 = tpu.memref_slice %arg2[%dma_start3A_29, %dma_start3A_30] : memref<10240x128xf32, #tpu.memory_space<hbm>> -> memref<10240x128xf32, #tpu.memory_space<hbm>>
        tpu.enqueue_indirect_dma source(%dma_start3A_31 : memref<10240x128xf32, #tpu.memory_space<hbm>>) target(%arg12 : memref<128x128xf32, #tpu.memory_space<vmem>>) offsets(%dma_start3A_28 : memref<128xi32, #tpu.memory_space<vmem>>) semaphore(%arg15 : memref<!tpu.dma_semaphore, #tpu.memory_space<semaphore_mem>>)
        %run_scoped3A_32 = arith.constant 0 : i32
        "tpu.region"() ({
          %run_scoped3A_57 = tpu.sem_alloc : memref<!tpu.dma_semaphore, #tpu.memory_space<semaphore_mem>>
          %dma_start3A_58 = arith.constant 0 : i32
          %dma_start3A_59 = tpu.memref_slice %arg9[%run_scoped3A_32, %dma_start3A_58] : memref<1x128xi32, #tpu.memory_space<vmem>> -> memref<1x128xi32, #tpu.memory_space<vmem>>
          %dma_start3A_60 = tpu.memref_squeeze %dma_start3A_59 : memref<1x128xi32, #tpu.memory_space<vmem>> -> memref<128xi32, #tpu.memory_space<vmem>>
          %dma_start3A_61 = arith.constant 0 : i32
          %dma_start3A_62 = tpu.memref_slice %arg5[%arg1, %mul3A_22, %dma_start3A_61] : memref<16x158x128xi32, #tpu.memory_space<hbm>> -> memref<1x1x128xi32, #tpu.memory_space<hbm>>
          %dma_start3A_63 = tpu.memref_squeeze %dma_start3A_62 : memref<1x1x128xi32, #tpu.memory_space<hbm>> -> memref<128xi32, #tpu.memory_space<hbm>>
          %dma_start3A_64 = arith.constant 0 : i32
          %dma_start3A_65 = tpu.memref_slice %arg9[%run_scoped3A_32, %dma_start3A_64] : memref<1x128xi32, #tpu.memory_space<vmem>> -> memref<1x128xi32, #tpu.memory_space<vmem>>
          %dma_start3A_66 = tpu.memref_squeeze %dma_start3A_65 : memref<1x128xi32, #tpu.memory_space<vmem>> -> memref<128xi32, #tpu.memory_space<vmem>>
          %dma_start3A_67 = arith.constant 0 : i32
          %dma_start3A_68 = tpu.memref_slice %arg5[%arg1, %mul3A_22, %dma_start3A_67] : memref<16x158x128xi32, #tpu.memory_space<hbm>> -> memref<1x1x128xi32, #tpu.memory_space<hbm>>
          %dma_start3A_69 = tpu.memref_squeeze %dma_start3A_68 : memref<1x1x128xi32, #tpu.memory_space<hbm>> -> memref<128xi32, #tpu.memory_space<hbm>>
          tpu.enqueue_dma source(%dma_start3A_69 : memref<128xi32, #tpu.memory_space<hbm>>) target(%dma_start3A_66 : memref<128xi32, #tpu.memory_space<vmem>>) target_semaphore(%run_scoped3A_57 : memref<!tpu.dma_semaphore, #tpu.memory_space<semaphore_mem>>)
          %dma_wait3A_70 = arith.constant 0 : i32
          %dma_wait3A_71 = tpu.memref_slice %arg9[%run_scoped3A_32, %dma_wait3A_70] : memref<1x128xi32, #tpu.memory_space<vmem>> -> memref<1x128xi32, #tpu.memory_space<vmem>>
          %dma_wait3A_72 = tpu.memref_squeeze %dma_wait3A_71 : memref<1x128xi32, #tpu.memory_space<vmem>> -> memref<128xi32, #tpu.memory_space<vmem>>
          %dma_wait3A_73 = arith.constant 0 : i32
          %dma_wait3A_74 = tpu.memref_slice %arg5[%arg1, %mul3A_22, %dma_wait3A_73] : memref<16x158x128xi32, #tpu.memory_space<hbm>> -> memref<1x1x128xi32, #tpu.memory_space<hbm>>
          %dma_wait3A_75 = tpu.memref_squeeze %dma_wait3A_74 : memref<1x1x128xi32, #tpu.memory_space<hbm>> -> memref<128xi32, #tpu.memory_space<hbm>>
          %dma_wait3A_76 = arith.constant 0 : i32
          %dma_wait3A_77 = tpu.memref_slice %arg9[%run_scoped3A_32, %dma_wait3A_76] : memref<1x128xi32, #tpu.memory_space<vmem>> -> memref<1x128xi32, #tpu.memory_space<vmem>>
          %dma_wait3A_78 = tpu.memref_squeeze %dma_wait3A_77 : memref<1x128xi32, #tpu.memory_space<vmem>> -> memref<128xi32, #tpu.memory_space<vmem>>
          %dma_wait3A_79 = arith.constant 0 : i32
          %dma_wait3A_80 = tpu.memref_slice %arg5[%arg1, %mul3A_22, %dma_wait3A_79] : memref<16x158x128xi32, #tpu.memory_space<hbm>> -> memref<1x1x128xi32, #tpu.memory_space<hbm>>
          %dma_wait3A_81 = tpu.memref_squeeze %dma_wait3A_80 : memref<1x1x128xi32, #tpu.memory_space<hbm>> -> memref<128xi32, #tpu.memory_space<hbm>>
          tpu.wait_dma2 semaphore(%run_scoped3A_57 : memref<!tpu.dma_semaphore, #tpu.memory_space<semaphore_mem>>) src(%dma_wait3A_81 : memref<128xi32, #tpu.memory_space<hbm>>) dst(%dma_wait3A_78 : memref<128xi32, #tpu.memory_space<vmem>>)
          tpu.yield
        }) : () -> ()
        %run_scoped3A_33 = arith.constant 0 : i32
        "tpu.region"() ({
          %run_scoped3A_57 = tpu.sem_alloc : memref<!tpu.dma_semaphore, #tpu.memory_space<semaphore_mem>>
          %dma_start3A_58 = arith.constant 0 : i32
          %dma_start3A_59 = tpu.memref_slice %arg10[%run_scoped3A_33, %dma_start3A_58] : memref<1x128xi32, #tpu.memory_space<vmem>> -> memref<1x128xi32, #tpu.memory_space<vmem>>
          %dma_start3A_60 = tpu.memref_squeeze %dma_start3A_59 : memref<1x128xi32, #tpu.memory_space<vmem>> -> memref<128xi32, #tpu.memory_space<vmem>>
          %dma_start3A_61 = arith.constant 0 : i32
          %dma_start3A_62 = tpu.memref_slice %arg4[%arg1, %add3A_25, %dma_start3A_61] : memref<16x158x128xi32, #tpu.memory_space<hbm>> -> memref<1x1x128xi32, #tpu.memory_space<hbm>>
          %dma_start3A_63 = tpu.memref_squeeze %dma_start3A_62 : memref<1x1x128xi32, #tpu.memory_space<hbm>> -> memref<128xi32, #tpu.memory_space<hbm>>
          %dma_start3A_64 = arith.constant 0 : i32
          %dma_start3A_65 = tpu.memref_slice %arg10[%run_scoped3A_33, %dma_start3A_64] : memref<1x128xi32, #tpu.memory_space<vmem>> -> memref<1x128xi32, #tpu.memory_space<vmem>>
          %dma_start3A_66 = tpu.memref_squeeze %dma_start3A_65 : memref<1x128xi32, #tpu.memory_space<vmem>> -> memref<128xi32, #tpu.memory_space<vmem>>
          %dma_start3A_67 = arith.constant 0 : i32
          %dma_start3A_68 = tpu.memref_slice %arg4[%arg1, %add3A_25, %dma_start3A_67] : memref<16x158x128xi32, #tpu.memory_space<hbm>> -> memref<1x1x128xi32, #tpu.memory_space<hbm>>
          %dma_start3A_69 = tpu.memref_squeeze %dma_start3A_68 : memref<1x1x128xi32, #tpu.memory_space<hbm>> -> memref<128xi32, #tpu.memory_space<hbm>>
          tpu.enqueue_dma source(%dma_start3A_69 : memref<128xi32, #tpu.memory_space<hbm>>) target(%dma_start3A_66 : memref<128xi32, #tpu.memory_space<vmem>>) target_semaphore(%run_scoped3A_57 : memref<!tpu.dma_semaphore, #tpu.memory_space<semaphore_mem>>)
          %dma_wait3A_70 = arith.constant 0 : i32
          %dma_wait3A_71 = tpu.memref_slice %arg10[%run_scoped3A_33, %dma_wait3A_70] : memref<1x128xi32, #tpu.memory_space<vmem>> -> memref<1x128xi32, #tpu.memory_space<vmem>>
          %dma_wait3A_72 = tpu.memref_squeeze %dma_wait3A_71 : memref<1x128xi32, #tpu.memory_space<vmem>> -> memref<128xi32, #tpu.memory_space<vmem>>
          %dma_wait3A_73 = arith.constant 0 : i32
          %dma_wait3A_74 = tpu.memref_slice %arg4[%arg1, %add3A_25, %dma_wait3A_73] : memref<16x158x128xi32, #tpu.memory_space<hbm>> -> memref<1x1x128xi32, #tpu.memory_space<hbm>>
          %dma_wait3A_75 = tpu.memref_squeeze %dma_wait3A_74 : memref<1x1x128xi32, #tpu.memory_space<hbm>> -> memref<128xi32, #tpu.memory_space<hbm>>
          %dma_wait3A_76 = arith.constant 0 : i32
          %dma_wait3A_77 = tpu.memref_slice %arg10[%run_scoped3A_33, %dma_wait3A_76] : memref<1x128xi32, #tpu.memory_space<vmem>> -> memref<1x128xi32, #tpu.memory_space<vmem>>
          %dma_wait3A_78 = tpu.memref_squeeze %dma_wait3A_77 : memref<1x128xi32, #tpu.memory_space<vmem>> -> memref<128xi32, #tpu.memory_space<vmem>>
          %dma_wait3A_79 = arith.constant 0 : i32
          %dma_wait3A_80 = tpu.memref_slice %arg4[%arg1, %add3A_25, %dma_wait3A_79] : memref<16x158x128xi32, #tpu.memory_space<hbm>> -> memref<1x1x128xi32, #tpu.memory_space<hbm>>
          %dma_wait3A_81 = tpu.memref_squeeze %dma_wait3A_80 : memref<1x1x128xi32, #tpu.memory_space<hbm>> -> memref<128xi32, #tpu.memory_space<hbm>>
          tpu.wait_dma2 semaphore(%run_scoped3A_57 : memref<!tpu.dma_semaphore, #tpu.memory_space<semaphore_mem>>) src(%dma_wait3A_81 : memref<128xi32, #tpu.memory_space<hbm>>) dst(%dma_wait3A_78 : memref<128xi32, #tpu.memory_space<vmem>>)
          tpu.yield
        }) : () -> ()
        %dma_start3A_34 = arith.constant 0 : i32
        %dma_start3A_35 = arith.constant 0 : i32
        %dma_start3A_36 = tpu.memref_slice %arg10[%dma_start3A_34, %dma_start3A_35] : memref<1x128xi32, #tpu.memory_space<vmem>> -> memref<1x128xi32, #tpu.memory_space<vmem>>
        %dma_start3A_37 = tpu.memref_squeeze %dma_start3A_36 : memref<1x128xi32, #tpu.memory_space<vmem>> -> memref<128xi32, #tpu.memory_space<vmem>>
        %dma_start3A_38 = arith.constant 0 : i32
        %dma_start3A_39 = arith.constant 0 : i32
        %dma_start3A_40 = tpu.memref_slice %arg2[%dma_start3A_38, %dma_start3A_39] : memref<10240x128xf32, #tpu.memory_space<hbm>> -> memref<10240x128xf32, #tpu.memory_space<hbm>>
        tpu.enqueue_indirect_dma source(%dma_start3A_40 : memref<10240x128xf32, #tpu.memory_space<hbm>>) target(%arg13 : memref<128x128xf32, #tpu.memory_space<vmem>>) offsets(%dma_start3A_37 : memref<128xi32, #tpu.memory_space<vmem>>) semaphore(%arg16 : memref<!tpu.dma_semaphore, #tpu.memory_space<semaphore_mem>>)
        %run_scoped3A_41 = arith.constant 0 : i32
        "tpu.region"() ({
          %run_scoped3A_57 = tpu.sem_alloc : memref<!tpu.dma_semaphore, #tpu.memory_space<semaphore_mem>>
          %dma_start3A_58 = arith.constant 0 : i32
          %dma_start3A_59 = tpu.memref_slice %arg11[%run_scoped3A_41, %dma_start3A_58] : memref<1x128xi32, #tpu.memory_space<vmem>> -> memref<1x128xi32, #tpu.memory_space<vmem>>
          %dma_start3A_60 = tpu.memref_squeeze %dma_start3A_59 : memref<1x128xi32, #tpu.memory_space<vmem>> -> memref<128xi32, #tpu.memory_space<vmem>>
          %dma_start3A_61 = arith.constant 0 : i32
          %dma_start3A_62 = tpu.memref_slice %arg5[%arg1, %add3A_25, %dma_start3A_61] : memref<16x158x128xi32, #tpu.memory_space<hbm>> -> memref<1x1x128xi32, #tpu.memory_space<hbm>>
          %dma_start3A_63 = tpu.memref_squeeze %dma_start3A_62 : memref<1x1x128xi32, #tpu.memory_space<hbm>> -> memref<128xi32, #tpu.memory_space<hbm>>
          %dma_start3A_64 = arith.constant 0 : i32
          %dma_start3A_65 = tpu.memref_slice %arg11[%run_scoped3A_41, %dma_start3A_64] : memref<1x128xi32, #tpu.memory_space<vmem>> -> memref<1x128xi32, #tpu.memory_space<vmem>>
          %dma_start3A_66 = tpu.memref_squeeze %dma_start3A_65 : memref<1x128xi32, #tpu.memory_space<vmem>> -> memref<128xi32, #tpu.memory_space<vmem>>
          %dma_start3A_67 = arith.constant 0 : i32
          %dma_start3A_68 = tpu.memref_slice %arg5[%arg1, %add3A_25, %dma_start3A_67] : memref<16x158x128xi32, #tpu.memory_space<hbm>> -> memref<1x1x128xi32, #tpu.memory_space<hbm>>
          %dma_start3A_69 = tpu.memref_squeeze %dma_start3A_68 : memref<1x1x128xi32, #tpu.memory_space<hbm>> -> memref<128xi32, #tpu.memory_space<hbm>>
          tpu.enqueue_dma source(%dma_start3A_69 : memref<128xi32, #tpu.memory_space<hbm>>) target(%dma_start3A_66 : memref<128xi32, #tpu.memory_space<vmem>>) target_semaphore(%run_scoped3A_57 : memref<!tpu.dma_semaphore, #tpu.memory_space<semaphore_mem>>)
          %dma_wait3A_70 = arith.constant 0 : i32
          %dma_wait3A_71 = tpu.memref_slice %arg11[%run_scoped3A_41, %dma_wait3A_70] : memref<1x128xi32, #tpu.memory_space<vmem>> -> memref<1x128xi32, #tpu.memory_space<vmem>>
          %dma_wait3A_72 = tpu.memref_squeeze %dma_wait3A_71 : memref<1x128xi32, #tpu.memory_space<vmem>> -> memref<128xi32, #tpu.memory_space<vmem>>
          %dma_wait3A_73 = arith.constant 0 : i32
          %dma_wait3A_74 = tpu.memref_slice %arg5[%arg1, %add3A_25, %dma_wait3A_73] : memref<16x158x128xi32, #tpu.memory_space<hbm>> -> memref<1x1x128xi32, #tpu.memory_space<hbm>>
          %dma_wait3A_75 = tpu.memref_squeeze %dma_wait3A_74 : memref<1x1x128xi32, #tpu.memory_space<hbm>> -> memref<128xi32, #tpu.memory_space<hbm>>
          %dma_wait3A_76 = arith.constant 0 : i32
          %dma_wait3A_77 = tpu.memref_slice %arg11[%run_scoped3A_41, %dma_wait3A_76] : memref<1x128xi32, #tpu.memory_space<vmem>> -> memref<1x128xi32, #tpu.memory_space<vmem>>
          %dma_wait3A_78 = tpu.memref_squeeze %dma_wait3A_77 : memref<1x128xi32, #tpu.memory_space<vmem>> -> memref<128xi32, #tpu.memory_space<vmem>>
          %dma_wait3A_79 = arith.constant 0 : i32
          %dma_wait3A_80 = tpu.memref_slice %arg5[%arg1, %add3A_25, %dma_wait3A_79] : memref<16x158x128xi32, #tpu.memory_space<hbm>> -> memref<1x1x128xi32, #tpu.memory_space<hbm>>
          %dma_wait3A_81 = tpu.memref_squeeze %dma_wait3A_80 : memref<1x1x128xi32, #tpu.memory_space<hbm>> -> memref<128xi32, #tpu.memory_space<hbm>>
          tpu.wait_dma2 semaphore(%run_scoped3A_57 : memref<!tpu.dma_semaphore, #tpu.memory_space<semaphore_mem>>) src(%dma_wait3A_81 : memref<128xi32, #tpu.memory_space<hbm>>) dst(%dma_wait3A_78 : memref<128xi32, #tpu.memory_space<vmem>>)
          tpu.yield
        }) : () -> ()
        %dma_wait3A = arith.constant 0 : i32
        %dma_wait3A_42 = arith.constant 0 : i32
        %dma_wait3A_43 = tpu.memref_slice %arg8[%dma_wait3A, %dma_wait3A_42] : memref<1x128xi32, #tpu.memory_space<vmem>> -> memref<1x128xi32, #tpu.memory_space<vmem>>
        %dma_wait3A_44 = tpu.memref_squeeze %dma_wait3A_43 : memref<1x128xi32, #tpu.memory_space<vmem>> -> memref<128xi32, #tpu.memory_space<vmem>>
        %dma_wait3A_45 = arith.constant 0 : i32
        %dma_wait3A_46 = arith.constant 0 : i32
        %dma_wait3A_47 = tpu.memref_slice %arg2[%dma_wait3A_45, %dma_wait3A_46] : memref<10240x128xf32, #tpu.memory_space<hbm>> -> memref<10240x128xf32, #tpu.memory_space<hbm>>
        tpu.wait_indirect_dma semaphore(%arg15 : memref<!tpu.dma_semaphore, #tpu.memory_space<semaphore_mem>>) src(%dma_wait3A_47 : memref<10240x128xf32, #tpu.memory_space<hbm>>) dst(%arg12 : memref<128x128xf32, #tpu.memory_space<vmem>>)
        %run_scoped3A_48 = arith.constant 0 : i32
        "tpu.region"() ({
          %run_scoped3A_57 = tpu.sem_alloc : memref<!tpu.dma_semaphore, #tpu.memory_space<semaphore_mem>>
          %dma_start3A_58 = arith.constant 0 : i32
          %dma_start3A_59 = tpu.memref_slice %arg9[%run_scoped3A_48, %dma_start3A_58] : memref<1x128xi32, #tpu.memory_space<vmem>> -> memref<1x128xi32, #tpu.memory_space<vmem>>
          %dma_start3A_60 = tpu.memref_squeeze %dma_start3A_59 : memref<1x128xi32, #tpu.memory_space<vmem>> -> memref<128xi32, #tpu.memory_space<vmem>>
          %dma_start3A_61 = arith.constant 0 : i32
          %dma_start3A_62 = arith.constant 0 : i32
          %dma_start3A_63 = tpu.memref_slice %arg14[%dma_start3A_61, %dma_start3A_62] : memref<10240x128xf32, #tpu.memory_space<vmem_shared>> -> memref<10240x128xf32, #tpu.memory_space<vmem_shared>>
          tpu.enqueue_indirect_dma source(%arg12 : memref<128x128xf32, #tpu.memory_space<vmem>>) target(%dma_start3A_63 : memref<10240x128xf32, #tpu.memory_space<vmem_shared>>) offsets(%dma_start3A_60 : memref<128xi32, #tpu.memory_space<vmem>>) semaphore(%run_scoped3A_57 : memref<!tpu.dma_semaphore, #tpu.memory_space<semaphore_mem>>) {add = true}
          %dma_wait3A_64 = arith.constant 0 : i32
          %dma_wait3A_65 = tpu.memref_slice %arg9[%run_scoped3A_48, %dma_wait3A_64] : memref<1x128xi32, #tpu.memory_space<vmem>> -> memref<1x128xi32, #tpu.memory_space<vmem>>
          %dma_wait3A_66 = tpu.memref_squeeze %dma_wait3A_65 : memref<1x128xi32, #tpu.memory_space<vmem>> -> memref<128xi32, #tpu.memory_space<vmem>>
          %dma_wait3A_67 = arith.constant 0 : i32
          %dma_wait3A_68 = arith.constant 0 : i32
          %dma_wait3A_69 = tpu.memref_slice %arg14[%dma_wait3A_67, %dma_wait3A_68] : memref<10240x128xf32, #tpu.memory_space<vmem_shared>> -> memref<10240x128xf32, #tpu.memory_space<vmem_shared>>
          tpu.wait_indirect_dma semaphore(%run_scoped3A_57 : memref<!tpu.dma_semaphore, #tpu.memory_space<semaphore_mem>>) src(%arg12 : memref<128x128xf32, #tpu.memory_space<vmem>>) dst(%dma_wait3A_69 : memref<10240x128xf32, #tpu.memory_space<vmem_shared>>)
          tpu.yield
        }) : () -> ()
        %dma_wait3A_49 = arith.constant 0 : i32
        %dma_wait3A_50 = arith.constant 0 : i32
        %dma_wait3A_51 = tpu.memref_slice %arg10[%dma_wait3A_49, %dma_wait3A_50] : memref<1x128xi32, #tpu.memory_space<vmem>> -> memref<1x128xi32, #tpu.memory_space<vmem>>
        %dma_wait3A_52 = tpu.memref_squeeze %dma_wait3A_51 : memref<1x128xi32, #tpu.memory_space<vmem>> -> memref<128xi32, #tpu.memory_space<vmem>>
        %dma_wait3A_53 = arith.constant 0 : i32
        %dma_wait3A_54 = arith.constant 0 : i32
        %dma_wait3A_55 = tpu.memref_slice %arg2[%dma_wait3A_53, %dma_wait3A_54] : memref<10240x128xf32, #tpu.memory_space<hbm>> -> memref<10240x128xf32, #tpu.memory_space<hbm>>
        tpu.wait_indirect_dma semaphore(%arg16 : memref<!tpu.dma_semaphore, #tpu.memory_space<semaphore_mem>>) src(%dma_wait3A_55 : memref<10240x128xf32, #tpu.memory_space<hbm>>) dst(%arg13 : memref<128x128xf32, #tpu.memory_space<vmem>>)
        %run_scoped3A_56 = arith.constant 0 : i32
        "tpu.region"() ({
          %run_scoped3A_57 = tpu.sem_alloc : memref<!tpu.dma_semaphore, #tpu.memory_space<semaphore_mem>>
          %dma_start3A_58 = arith.constant 0 : i32
          %dma_start3A_59 = tpu.memref_slice %arg11[%run_scoped3A_56, %dma_start3A_58] : memref<1x128xi32, #tpu.memory_space<vmem>> -> memref<1x128xi32, #tpu.memory_space<vmem>>
          %dma_start3A_60 = tpu.memref_squeeze %dma_start3A_59 : memref<1x128xi32, #tpu.memory_space<vmem>> -> memref<128xi32, #tpu.memory_space<vmem>>
          %dma_start3A_61 = arith.constant 0 : i32
          %dma_start3A_62 = arith.constant 0 : i32
          %dma_start3A_63 = tpu.memref_slice %arg14[%dma_start3A_61, %dma_start3A_62] : memref<10240x128xf32, #tpu.memory_space<vmem_shared>> -> memref<10240x128xf32, #tpu.memory_space<vmem_shared>>
          tpu.enqueue_indirect_dma source(%arg13 : memref<128x128xf32, #tpu.memory_space<vmem>>) target(%dma_start3A_63 : memref<10240x128xf32, #tpu.memory_space<vmem_shared>>) offsets(%dma_start3A_60 : memref<128xi32, #tpu.memory_space<vmem>>) semaphore(%run_scoped3A_57 : memref<!tpu.dma_semaphore, #tpu.memory_space<semaphore_mem>>) {add = true}
          %dma_wait3A_64 = arith.constant 0 : i32
          %dma_wait3A_65 = tpu.memref_slice %arg11[%run_scoped3A_56, %dma_wait3A_64] : memref<1x128xi32, #tpu.memory_space<vmem>> -> memref<1x128xi32, #tpu.memory_space<vmem>>
          %dma_wait3A_66 = tpu.memref_squeeze %dma_wait3A_65 : memref<1x128xi32, #tpu.memory_space<vmem>> -> memref<128xi32, #tpu.memory_space<vmem>>
          %dma_wait3A_67 = arith.constant 0 : i32
          %dma_wait3A_68 = arith.constant 0 : i32
          %dma_wait3A_69 = tpu.memref_slice %arg14[%dma_wait3A_67, %dma_wait3A_68] : memref<10240x128xf32, #tpu.memory_space<vmem_shared>> -> memref<10240x128xf32, #tpu.memory_space<vmem_shared>>
          tpu.wait_indirect_dma semaphore(%run_scoped3A_57 : memref<!tpu.dma_semaphore, #tpu.memory_space<semaphore_mem>>) src(%arg13 : memref<128x128xf32, #tpu.memory_space<vmem>>) dst(%dma_wait3A_69 : memref<10240x128xf32, #tpu.memory_space<vmem_shared>>)
          tpu.yield
        }) : () -> ()
      }
      %scan3A_14 = arith.constant 79 : i32
      %barrier3A_15 = arith.constant 0 : index
      tpu.barrier barrier_id(%barrier3A_15)
      %mul3A_16 = arith.constant 640 : i32
      %mul3A_17 = arith.muli %arg1, %mul3A_16 : i32
      %mul3A_18 = arith.constant 640 : i32
      %mul3A_19 = arith.muli %arg1, %mul3A_18 : i32
      "tpu.region"() ({
        %run_scoped3A = tpu.sem_alloc : memref<!tpu.dma_semaphore, #tpu.memory_space<semaphore_mem>>
        %dma_start3A = arith.constant 0 : i32
        %dma_start3A_20 = tpu.memref_slice %arg6[%mul3A_19, %dma_start3A] : memref<10240x128xf32, #tpu.memory_space<hbm>> -> memref<640x128xf32, #tpu.memory_space<hbm>>
        %dma_start3A_21 = arith.constant 0 : i32
        %dma_start3A_22 = tpu.memref_slice %arg14[%mul3A_17, %dma_start3A_21] : memref<10240x128xf32, #tpu.memory_space<vmem_shared>> -> memref<640x128xf32, #tpu.memory_space<vmem_shared>>
        tpu.enqueue_dma source(%dma_start3A_22 : memref<640x128xf32, #tpu.memory_space<vmem_shared>>) target(%dma_start3A_20 : memref<640x128xf32, #tpu.memory_space<hbm>>) target_semaphore(%run_scoped3A : memref<!tpu.dma_semaphore, #tpu.memory_space<semaphore_mem>>)
        %dma_wait3A = arith.constant 0 : i32
        %dma_wait3A_23 = tpu.memref_slice %arg6[%mul3A_19, %dma_wait3A] : memref<10240x128xf32, #tpu.memory_space<hbm>> -> memref<640x128xf32, #tpu.memory_space<hbm>>
        %dma_wait3A_24 = arith.constant 0 : i32
        %dma_wait3A_25 = tpu.memref_slice %arg14[%mul3A_17, %dma_wait3A_24] : memref<10240x128xf32, #tpu.memory_space<vmem_shared>> -> memref<640x128xf32, #tpu.memory_space<vmem_shared>>
        tpu.wait_dma2 semaphore(%run_scoped3A : memref<!tpu.dma_semaphore, #tpu.memory_space<semaphore_mem>>) src(%dma_wait3A_25 : memref<640x128xf32, #tpu.memory_space<vmem_shared>>) dst(%dma_wait3A_23 : memref<640x128xf32, #tpu.memory_space<hbm>>)
        tpu.yield
      }) : () -> ()
    } else {
    }
    %eq3A_2 = arith.constant 1 : i32
    %eq3A_3 = arith.cmpi eq, %arg0, %eq3A_2 : i32
    %convert_element_type3A_4 = arith.extui %eq3A_3 : i1 to i32
    %cond3A_5 = arith.constant 0 : i32
    %cond3A_6 = arith.cmpi ne, %convert_element_type3A_4, %cond3A_5 : i32
    scf.if %cond3A_6 {
      %mul3A = arith.constant 640 : i32
      %mul3A_7 = arith.muli %arg1, %mul3A : i32
      %mul3A_8 = arith.constant 640 : i32
      %mul3A_9 = arith.muli %arg1, %mul3A_8 : i32
      "tpu.region"() ({
        %run_scoped3A = tpu.sem_alloc : memref<!tpu.dma_semaphore, #tpu.memory_space<semaphore_mem>>
        %dma_start3A = arith.constant 0 : i32
        %dma_start3A_20 = tpu.memref_slice %arg14[%mul3A_9, %dma_start3A] : memref<10240x128xf32, #tpu.memory_space<vmem_shared>> -> memref<640x128xf32, #tpu.memory_space<vmem_shared>>
        %dma_start3A_21 = arith.constant 0 : i32
        %dma_start3A_22 = tpu.memref_slice %arg3[%mul3A_7, %dma_start3A_21] : memref<10240x128xf32, #tpu.memory_space<hbm>> -> memref<640x128xf32, #tpu.memory_space<hbm>>
        tpu.enqueue_dma source(%dma_start3A_22 : memref<640x128xf32, #tpu.memory_space<hbm>>) target(%dma_start3A_20 : memref<640x128xf32, #tpu.memory_space<vmem_shared>>) target_semaphore(%run_scoped3A : memref<!tpu.dma_semaphore, #tpu.memory_space<semaphore_mem>>)
        %dma_wait3A = arith.constant 0 : i32
        %dma_wait3A_23 = tpu.memref_slice %arg14[%mul3A_9, %dma_wait3A] : memref<10240x128xf32, #tpu.memory_space<vmem_shared>> -> memref<640x128xf32, #tpu.memory_space<vmem_shared>>
        %dma_wait3A_24 = arith.constant 0 : i32
        %dma_wait3A_25 = tpu.memref_slice %arg3[%mul3A_7, %dma_wait3A_24] : memref<10240x128xf32, #tpu.memory_space<hbm>> -> memref<640x128xf32, #tpu.memory_space<hbm>>
        tpu.wait_dma2 semaphore(%run_scoped3A : memref<!tpu.dma_semaphore, #tpu.memory_space<semaphore_mem>>) src(%dma_wait3A_25 : memref<640x128xf32, #tpu.memory_space<hbm>>) dst(%dma_wait3A_23 : memref<640x128xf32, #tpu.memory_space<vmem_shared>>)
        tpu.yield
      }) : () -> ()
      %barrier3A = arith.constant 0 : index
      tpu.barrier barrier_id(%barrier3A)
      %scan3A = arith.constant 0 : i32
      %scan3A_10 = arith.constant 0 : i32
      %scan3A_11 = arith.constant 79 : i32
      %scan3A_12 = arith.addi %scan3A_10, %scan3A_11 : i32
      %scan3A_13 = arith.constant 1 : i32
      scf.for %scan3A_20 = %scan3A_10 to %scan3A_12 step %scan3A_13  : i32 {
        %mul3A_21 = arith.constant 2 : i32
        %mul3A_22 = arith.muli %mul3A_21, %scan3A_20 : i32
        %mul3A_23 = arith.constant 2 : i32
        %mul3A_24 = arith.muli %mul3A_23, %scan3A_20 : i32
        %add3A = arith.constant 1 : i32
        %add3A_25 = arith.addi %mul3A_24, %add3A : i32
        %run_scoped3A = arith.constant 0 : i32
        "tpu.region"() ({
          %run_scoped3A_57 = tpu.sem_alloc : memref<!tpu.dma_semaphore, #tpu.memory_space<semaphore_mem>>
          %dma_start3A_58 = arith.constant 0 : i32
          %dma_start3A_59 = tpu.memref_slice %arg8[%run_scoped3A, %dma_start3A_58] : memref<1x128xi32, #tpu.memory_space<vmem>> -> memref<1x128xi32, #tpu.memory_space<vmem>>
          %dma_start3A_60 = tpu.memref_squeeze %dma_start3A_59 : memref<1x128xi32, #tpu.memory_space<vmem>> -> memref<128xi32, #tpu.memory_space<vmem>>
          %dma_start3A_61 = arith.constant 0 : i32
          %dma_start3A_62 = tpu.memref_slice %arg4[%arg1, %mul3A_22, %dma_start3A_61] : memref<16x158x128xi32, #tpu.memory_space<hbm>> -> memref<1x1x128xi32, #tpu.memory_space<hbm>>
          %dma_start3A_63 = tpu.memref_squeeze %dma_start3A_62 : memref<1x1x128xi32, #tpu.memory_space<hbm>> -> memref<128xi32, #tpu.memory_space<hbm>>
          %dma_start3A_64 = arith.constant 0 : i32
          %dma_start3A_65 = tpu.memref_slice %arg8[%run_scoped3A, %dma_start3A_64] : memref<1x128xi32, #tpu.memory_space<vmem>> -> memref<1x128xi32, #tpu.memory_space<vmem>>
          %dma_start3A_66 = tpu.memref_squeeze %dma_start3A_65 : memref<1x128xi32, #tpu.memory_space<vmem>> -> memref<128xi32, #tpu.memory_space<vmem>>
          %dma_start3A_67 = arith.constant 0 : i32
          %dma_start3A_68 = tpu.memref_slice %arg4[%arg1, %mul3A_22, %dma_start3A_67] : memref<16x158x128xi32, #tpu.memory_space<hbm>> -> memref<1x1x128xi32, #tpu.memory_space<hbm>>
          %dma_start3A_69 = tpu.memref_squeeze %dma_start3A_68 : memref<1x1x128xi32, #tpu.memory_space<hbm>> -> memref<128xi32, #tpu.memory_space<hbm>>
          tpu.enqueue_dma source(%dma_start3A_69 : memref<128xi32, #tpu.memory_space<hbm>>) target(%dma_start3A_66 : memref<128xi32, #tpu.memory_space<vmem>>) target_semaphore(%run_scoped3A_57 : memref<!tpu.dma_semaphore, #tpu.memory_space<semaphore_mem>>)
          %dma_wait3A_70 = arith.constant 0 : i32
          %dma_wait3A_71 = tpu.memref_slice %arg8[%run_scoped3A, %dma_wait3A_70] : memref<1x128xi32, #tpu.memory_space<vmem>> -> memref<1x128xi32, #tpu.memory_space<vmem>>
          %dma_wait3A_72 = tpu.memref_squeeze %dma_wait3A_71 : memref<1x128xi32, #tpu.memory_space<vmem>> -> memref<128xi32, #tpu.memory_space<vmem>>
          %dma_wait3A_73 = arith.constant 0 : i32
          %dma_wait3A_74 = tpu.memref_slice %arg4[%arg1, %mul3A_22, %dma_wait3A_73] : memref<16x158x128xi32, #tpu.memory_space<hbm>> -> memref<1x1x128xi32, #tpu.memory_space<hbm>>
          %dma_wait3A_75 = tpu.memref_squeeze %dma_wait3A_74 : memref<1x1x128xi32, #tpu.memory_space<hbm>> -> memref<128xi32, #tpu.memory_space<hbm>>
          %dma_wait3A_76 = arith.constant 0 : i32
          %dma_wait3A_77 = tpu.memref_slice %arg8[%run_scoped3A, %dma_wait3A_76] : memref<1x128xi32, #tpu.memory_space<vmem>> -> memref<1x128xi32, #tpu.memory_space<vmem>>
          %dma_wait3A_78 = tpu.memref_squeeze %dma_wait3A_77 : memref<1x128xi32, #tpu.memory_space<vmem>> -> memref<128xi32, #tpu.memory_space<vmem>>
          %dma_wait3A_79 = arith.constant 0 : i32
          %dma_wait3A_80 = tpu.memref_slice %arg4[%arg1, %mul3A_22, %dma_wait3A_79] : memref<16x158x128xi32, #tpu.memory_space<hbm>> -> memref<1x1x128xi32, #tpu.memory_space<hbm>>
          %dma_wait3A_81 = tpu.memref_squeeze %dma_wait3A_80 : memref<1x1x128xi32, #tpu.memory_space<hbm>> -> memref<128xi32, #tpu.memory_space<hbm>>
          tpu.wait_dma2 semaphore(%run_scoped3A_57 : memref<!tpu.dma_semaphore, #tpu.memory_space<semaphore_mem>>) src(%dma_wait3A_81 : memref<128xi32, #tpu.memory_space<hbm>>) dst(%dma_wait3A_78 : memref<128xi32, #tpu.memory_space<vmem>>)
          tpu.yield
        }) : () -> ()
        %dma_start3A = arith.constant 0 : i32
        %dma_start3A_26 = arith.constant 0 : i32
        %dma_start3A_27 = tpu.memref_slice %arg8[%dma_start3A, %dma_start3A_26] : memref<1x128xi32, #tpu.memory_space<vmem>> -> memref<1x128xi32, #tpu.memory_space<vmem>>
        %dma_start3A_28 = tpu.memref_squeeze %dma_start3A_27 : memref<1x128xi32, #tpu.memory_space<vmem>> -> memref<128xi32, #tpu.memory_space<vmem>>
        %dma_start3A_29 = arith.constant 0 : i32
        %dma_start3A_30 = arith.constant 0 : i32
        %dma_start3A_31 = tpu.memref_slice %arg3[%dma_start3A_29, %dma_start3A_30] : memref<10240x128xf32, #tpu.memory_space<hbm>> -> memref<10240x128xf32, #tpu.memory_space<hbm>>
        tpu.enqueue_indirect_dma source(%dma_start3A_31 : memref<10240x128xf32, #tpu.memory_space<hbm>>) target(%arg12 : memref<128x128xf32, #tpu.memory_space<vmem>>) offsets(%dma_start3A_28 : memref<128xi32, #tpu.memory_space<vmem>>) semaphore(%arg15 : memref<!tpu.dma_semaphore, #tpu.memory_space<semaphore_mem>>)
        %run_scoped3A_32 = arith.constant 0 : i32
        "tpu.region"() ({
          %run_scoped3A_57 = tpu.sem_alloc : memref<!tpu.dma_semaphore, #tpu.memory_space<semaphore_mem>>
          %dma_start3A_58 = arith.constant 0 : i32
          %dma_start3A_59 = tpu.memref_slice %arg9[%run_scoped3A_32, %dma_start3A_58] : memref<1x128xi32, #tpu.memory_space<vmem>> -> memref<1x128xi32, #tpu.memory_space<vmem>>
          %dma_start3A_60 = tpu.memref_squeeze %dma_start3A_59 : memref<1x128xi32, #tpu.memory_space<vmem>> -> memref<128xi32, #tpu.memory_space<vmem>>
          %dma_start3A_61 = arith.constant 0 : i32
          %dma_start3A_62 = tpu.memref_slice %arg5[%arg1, %mul3A_22, %dma_start3A_61] : memref<16x158x128xi32, #tpu.memory_space<hbm>> -> memref<1x1x128xi32, #tpu.memory_space<hbm>>
          %dma_start3A_63 = tpu.memref_squeeze %dma_start3A_62 : memref<1x1x128xi32, #tpu.memory_space<hbm>> -> memref<128xi32, #tpu.memory_space<hbm>>
          %dma_start3A_64 = arith.constant 0 : i32
          %dma_start3A_65 = tpu.memref_slice %arg9[%run_scoped3A_32, %dma_start3A_64] : memref<1x128xi32, #tpu.memory_space<vmem>> -> memref<1x128xi32, #tpu.memory_space<vmem>>
          %dma_start3A_66 = tpu.memref_squeeze %dma_start3A_65 : memref<1x128xi32, #tpu.memory_space<vmem>> -> memref<128xi32, #tpu.memory_space<vmem>>
          %dma_start3A_67 = arith.constant 0 : i32
          %dma_start3A_68 = tpu.memref_slice %arg5[%arg1, %mul3A_22, %dma_start3A_67] : memref<16x158x128xi32, #tpu.memory_space<hbm>> -> memref<1x1x128xi32, #tpu.memory_space<hbm>>
          %dma_start3A_69 = tpu.memref_squeeze %dma_start3A_68 : memref<1x1x128xi32, #tpu.memory_space<hbm>> -> memref<128xi32, #tpu.memory_space<hbm>>
          tpu.enqueue_dma source(%dma_start3A_69 : memref<128xi32, #tpu.memory_space<hbm>>) target(%dma_start3A_66 : memref<128xi32, #tpu.memory_space<vmem>>) target_semaphore(%run_scoped3A_57 : memref<!tpu.dma_semaphore, #tpu.memory_space<semaphore_mem>>)
          %dma_wait3A_70 = arith.constant 0 : i32
          %dma_wait3A_71 = tpu.memref_slice %arg9[%run_scoped3A_32, %dma_wait3A_70] : memref<1x128xi32, #tpu.memory_space<vmem>> -> memref<1x128xi32, #tpu.memory_space<vmem>>
          %dma_wait3A_72 = tpu.memref_squeeze %dma_wait3A_71 : memref<1x128xi32, #tpu.memory_space<vmem>> -> memref<128xi32, #tpu.memory_space<vmem>>
          %dma_wait3A_73 = arith.constant 0 : i32
          %dma_wait3A_74 = tpu.memref_slice %arg5[%arg1, %mul3A_22, %dma_wait3A_73] : memref<16x158x128xi32, #tpu.memory_space<hbm>> -> memref<1x1x128xi32, #tpu.memory_space<hbm>>
          %dma_wait3A_75 = tpu.memref_squeeze %dma_wait3A_74 : memref<1x1x128xi32, #tpu.memory_space<hbm>> -> memref<128xi32, #tpu.memory_space<hbm>>
          %dma_wait3A_76 = arith.constant 0 : i32
          %dma_wait3A_77 = tpu.memref_slice %arg9[%run_scoped3A_32, %dma_wait3A_76] : memref<1x128xi32, #tpu.memory_space<vmem>> -> memref<1x128xi32, #tpu.memory_space<vmem>>
          %dma_wait3A_78 = tpu.memref_squeeze %dma_wait3A_77 : memref<1x128xi32, #tpu.memory_space<vmem>> -> memref<128xi32, #tpu.memory_space<vmem>>
          %dma_wait3A_79 = arith.constant 0 : i32
          %dma_wait3A_80 = tpu.memref_slice %arg5[%arg1, %mul3A_22, %dma_wait3A_79] : memref<16x158x128xi32, #tpu.memory_space<hbm>> -> memref<1x1x128xi32, #tpu.memory_space<hbm>>
          %dma_wait3A_81 = tpu.memref_squeeze %dma_wait3A_80 : memref<1x1x128xi32, #tpu.memory_space<hbm>> -> memref<128xi32, #tpu.memory_space<hbm>>
          tpu.wait_dma2 semaphore(%run_scoped3A_57 : memref<!tpu.dma_semaphore, #tpu.memory_space<semaphore_mem>>) src(%dma_wait3A_81 : memref<128xi32, #tpu.memory_space<hbm>>) dst(%dma_wait3A_78 : memref<128xi32, #tpu.memory_space<vmem>>)
          tpu.yield
        }) : () -> ()
        %run_scoped3A_33 = arith.constant 0 : i32
        "tpu.region"() ({
          %run_scoped3A_57 = tpu.sem_alloc : memref<!tpu.dma_semaphore, #tpu.memory_space<semaphore_mem>>
          %dma_start3A_58 = arith.constant 0 : i32
          %dma_start3A_59 = tpu.memref_slice %arg10[%run_scoped3A_33, %dma_start3A_58] : memref<1x128xi32, #tpu.memory_space<vmem>> -> memref<1x128xi32, #tpu.memory_space<vmem>>
          %dma_start3A_60 = tpu.memref_squeeze %dma_start3A_59 : memref<1x128xi32, #tpu.memory_space<vmem>> -> memref<128xi32, #tpu.memory_space<vmem>>
          %dma_start3A_61 = arith.constant 0 : i32
          %dma_start3A_62 = tpu.memref_slice %arg4[%arg1, %add3A_25, %dma_start3A_61] : memref<16x158x128xi32, #tpu.memory_space<hbm>> -> memref<1x1x128xi32, #tpu.memory_space<hbm>>
          %dma_start3A_63 = tpu.memref_squeeze %dma_start3A_62 : memref<1x1x128xi32, #tpu.memory_space<hbm>> -> memref<128xi32, #tpu.memory_space<hbm>>
          %dma_start3A_64 = arith.constant 0 : i32
          %dma_start3A_65 = tpu.memref_slice %arg10[%run_scoped3A_33, %dma_start3A_64] : memref<1x128xi32, #tpu.memory_space<vmem>> -> memref<1x128xi32, #tpu.memory_space<vmem>>
          %dma_start3A_66 = tpu.memref_squeeze %dma_start3A_65 : memref<1x128xi32, #tpu.memory_space<vmem>> -> memref<128xi32, #tpu.memory_space<vmem>>
          %dma_start3A_67 = arith.constant 0 : i32
          %dma_start3A_68 = tpu.memref_slice %arg4[%arg1, %add3A_25, %dma_start3A_67] : memref<16x158x128xi32, #tpu.memory_space<hbm>> -> memref<1x1x128xi32, #tpu.memory_space<hbm>>
          %dma_start3A_69 = tpu.memref_squeeze %dma_start3A_68 : memref<1x1x128xi32, #tpu.memory_space<hbm>> -> memref<128xi32, #tpu.memory_space<hbm>>
          tpu.enqueue_dma source(%dma_start3A_69 : memref<128xi32, #tpu.memory_space<hbm>>) target(%dma_start3A_66 : memref<128xi32, #tpu.memory_space<vmem>>) target_semaphore(%run_scoped3A_57 : memref<!tpu.dma_semaphore, #tpu.memory_space<semaphore_mem>>)
          %dma_wait3A_70 = arith.constant 0 : i32
          %dma_wait3A_71 = tpu.memref_slice %arg10[%run_scoped3A_33, %dma_wait3A_70] : memref<1x128xi32, #tpu.memory_space<vmem>> -> memref<1x128xi32, #tpu.memory_space<vmem>>
          %dma_wait3A_72 = tpu.memref_squeeze %dma_wait3A_71 : memref<1x128xi32, #tpu.memory_space<vmem>> -> memref<128xi32, #tpu.memory_space<vmem>>
          %dma_wait3A_73 = arith.constant 0 : i32
          %dma_wait3A_74 = tpu.memref_slice %arg4[%arg1, %add3A_25, %dma_wait3A_73] : memref<16x158x128xi32, #tpu.memory_space<hbm>> -> memref<1x1x128xi32, #tpu.memory_space<hbm>>
          %dma_wait3A_75 = tpu.memref_squeeze %dma_wait3A_74 : memref<1x1x128xi32, #tpu.memory_space<hbm>> -> memref<128xi32, #tpu.memory_space<hbm>>
          %dma_wait3A_76 = arith.constant 0 : i32
          %dma_wait3A_77 = tpu.memref_slice %arg10[%run_scoped3A_33, %dma_wait3A_76] : memref<1x128xi32, #tpu.memory_space<vmem>> -> memref<1x128xi32, #tpu.memory_space<vmem>>
          %dma_wait3A_78 = tpu.memref_squeeze %dma_wait3A_77 : memref<1x128xi32, #tpu.memory_space<vmem>> -> memref<128xi32, #tpu.memory_space<vmem>>
          %dma_wait3A_79 = arith.constant 0 : i32
          %dma_wait3A_80 = tpu.memref_slice %arg4[%arg1, %add3A_25, %dma_wait3A_79] : memref<16x158x128xi32, #tpu.memory_space<hbm>> -> memref<1x1x128xi32, #tpu.memory_space<hbm>>
          %dma_wait3A_81 = tpu.memref_squeeze %dma_wait3A_80 : memref<1x1x128xi32, #tpu.memory_space<hbm>> -> memref<128xi32, #tpu.memory_space<hbm>>
          tpu.wait_dma2 semaphore(%run_scoped3A_57 : memref<!tpu.dma_semaphore, #tpu.memory_space<semaphore_mem>>) src(%dma_wait3A_81 : memref<128xi32, #tpu.memory_space<hbm>>) dst(%dma_wait3A_78 : memref<128xi32, #tpu.memory_space<vmem>>)
          tpu.yield
        }) : () -> ()
        %dma_start3A_34 = arith.constant 0 : i32
        %dma_start3A_35 = arith.constant 0 : i32
        %dma_start3A_36 = tpu.memref_slice %arg10[%dma_start3A_34, %dma_start3A_35] : memref<1x128xi32, #tpu.memory_space<vmem>> -> memref<1x128xi32, #tpu.memory_space<vmem>>
        %dma_start3A_37 = tpu.memref_squeeze %dma_start3A_36 : memref<1x128xi32, #tpu.memory_space<vmem>> -> memref<128xi32, #tpu.memory_space<vmem>>
        %dma_start3A_38 = arith.constant 0 : i32
        %dma_start3A_39 = arith.constant 0 : i32
        %dma_start3A_40 = tpu.memref_slice %arg3[%dma_start3A_38, %dma_start3A_39] : memref<10240x128xf32, #tpu.memory_space<hbm>> -> memref<10240x128xf32, #tpu.memory_space<hbm>>
        tpu.enqueue_indirect_dma source(%dma_start3A_40 : memref<10240x128xf32, #tpu.memory_space<hbm>>) target(%arg13 : memref<128x128xf32, #tpu.memory_space<vmem>>) offsets(%dma_start3A_37 : memref<128xi32, #tpu.memory_space<vmem>>) semaphore(%arg16 : memref<!tpu.dma_semaphore, #tpu.memory_space<semaphore_mem>>)
        %run_scoped3A_41 = arith.constant 0 : i32
        "tpu.region"() ({
          %run_scoped3A_57 = tpu.sem_alloc : memref<!tpu.dma_semaphore, #tpu.memory_space<semaphore_mem>>
          %dma_start3A_58 = arith.constant 0 : i32
          %dma_start3A_59 = tpu.memref_slice %arg11[%run_scoped3A_41, %dma_start3A_58] : memref<1x128xi32, #tpu.memory_space<vmem>> -> memref<1x128xi32, #tpu.memory_space<vmem>>
          %dma_start3A_60 = tpu.memref_squeeze %dma_start3A_59 : memref<1x128xi32, #tpu.memory_space<vmem>> -> memref<128xi32, #tpu.memory_space<vmem>>
          %dma_start3A_61 = arith.constant 0 : i32
          %dma_start3A_62 = tpu.memref_slice %arg5[%arg1, %add3A_25, %dma_start3A_61] : memref<16x158x128xi32, #tpu.memory_space<hbm>> -> memref<1x1x128xi32, #tpu.memory_space<hbm>>
          %dma_start3A_63 = tpu.memref_squeeze %dma_start3A_62 : memref<1x1x128xi32, #tpu.memory_space<hbm>> -> memref<128xi32, #tpu.memory_space<hbm>>
          %dma_start3A_64 = arith.constant 0 : i32
          %dma_start3A_65 = tpu.memref_slice %arg11[%run_scoped3A_41, %dma_start3A_64] : memref<1x128xi32, #tpu.memory_space<vmem>> -> memref<1x128xi32, #tpu.memory_space<vmem>>
          %dma_start3A_66 = tpu.memref_squeeze %dma_start3A_65 : memref<1x128xi32, #tpu.memory_space<vmem>> -> memref<128xi32, #tpu.memory_space<vmem>>
          %dma_start3A_67 = arith.constant 0 : i32
          %dma_start3A_68 = tpu.memref_slice %arg5[%arg1, %add3A_25, %dma_start3A_67] : memref<16x158x128xi32, #tpu.memory_space<hbm>> -> memref<1x1x128xi32, #tpu.memory_space<hbm>>
          %dma_start3A_69 = tpu.memref_squeeze %dma_start3A_68 : memref<1x1x128xi32, #tpu.memory_space<hbm>> -> memref<128xi32, #tpu.memory_space<hbm>>
          tpu.enqueue_dma source(%dma_start3A_69 : memref<128xi32, #tpu.memory_space<hbm>>) target(%dma_start3A_66 : memref<128xi32, #tpu.memory_space<vmem>>) target_semaphore(%run_scoped3A_57 : memref<!tpu.dma_semaphore, #tpu.memory_space<semaphore_mem>>)
          %dma_wait3A_70 = arith.constant 0 : i32
          %dma_wait3A_71 = tpu.memref_slice %arg11[%run_scoped3A_41, %dma_wait3A_70] : memref<1x128xi32, #tpu.memory_space<vmem>> -> memref<1x128xi32, #tpu.memory_space<vmem>>
          %dma_wait3A_72 = tpu.memref_squeeze %dma_wait3A_71 : memref<1x128xi32, #tpu.memory_space<vmem>> -> memref<128xi32, #tpu.memory_space<vmem>>
          %dma_wait3A_73 = arith.constant 0 : i32
          %dma_wait3A_74 = tpu.memref_slice %arg5[%arg1, %add3A_25, %dma_wait3A_73] : memref<16x158x128xi32, #tpu.memory_space<hbm>> -> memref<1x1x128xi32, #tpu.memory_space<hbm>>
          %dma_wait3A_75 = tpu.memref_squeeze %dma_wait3A_74 : memref<1x1x128xi32, #tpu.memory_space<hbm>> -> memref<128xi32, #tpu.memory_space<hbm>>
          %dma_wait3A_76 = arith.constant 0 : i32
          %dma_wait3A_77 = tpu.memref_slice %arg11[%run_scoped3A_41, %dma_wait3A_76] : memref<1x128xi32, #tpu.memory_space<vmem>> -> memref<1x128xi32, #tpu.memory_space<vmem>>
          %dma_wait3A_78 = tpu.memref_squeeze %dma_wait3A_77 : memref<1x128xi32, #tpu.memory_space<vmem>> -> memref<128xi32, #tpu.memory_space<vmem>>
          %dma_wait3A_79 = arith.constant 0 : i32
          %dma_wait3A_80 = tpu.memref_slice %arg5[%arg1, %add3A_25, %dma_wait3A_79] : memref<16x158x128xi32, #tpu.memory_space<hbm>> -> memref<1x1x128xi32, #tpu.memory_space<hbm>>
          %dma_wait3A_81 = tpu.memref_squeeze %dma_wait3A_80 : memref<1x1x128xi32, #tpu.memory_space<hbm>> -> memref<128xi32, #tpu.memory_space<hbm>>
          tpu.wait_dma2 semaphore(%run_scoped3A_57 : memref<!tpu.dma_semaphore, #tpu.memory_space<semaphore_mem>>) src(%dma_wait3A_81 : memref<128xi32, #tpu.memory_space<hbm>>) dst(%dma_wait3A_78 : memref<128xi32, #tpu.memory_space<vmem>>)
          tpu.yield
        }) : () -> ()
        %dma_wait3A = arith.constant 0 : i32
        %dma_wait3A_42 = arith.constant 0 : i32
        %dma_wait3A_43 = tpu.memref_slice %arg8[%dma_wait3A, %dma_wait3A_42] : memref<1x128xi32, #tpu.memory_space<vmem>> -> memref<1x128xi32, #tpu.memory_space<vmem>>
        %dma_wait3A_44 = tpu.memref_squeeze %dma_wait3A_43 : memref<1x128xi32, #tpu.memory_space<vmem>> -> memref<128xi32, #tpu.memory_space<vmem>>
        %dma_wait3A_45 = arith.constant 0 : i32
        %dma_wait3A_46 = arith.constant 0 : i32
        %dma_wait3A_47 = tpu.memref_slice %arg3[%dma_wait3A_45, %dma_wait3A_46] : memref<10240x128xf32, #tpu.memory_space<hbm>> -> memref<10240x128xf32, #tpu.memory_space<hbm>>
        tpu.wait_indirect_dma semaphore(%arg15 : memref<!tpu.dma_semaphore, #tpu.memory_space<semaphore_mem>>) src(%dma_wait3A_47 : memref<10240x128xf32, #tpu.memory_space<hbm>>) dst(%arg12 : memref<128x128xf32, #tpu.memory_space<vmem>>)
        %run_scoped3A_48 = arith.constant 0 : i32
        "tpu.region"() ({
          %run_scoped3A_57 = tpu.sem_alloc : memref<!tpu.dma_semaphore, #tpu.memory_space<semaphore_mem>>
          %dma_start3A_58 = arith.constant 0 : i32
          %dma_start3A_59 = tpu.memref_slice %arg9[%run_scoped3A_48, %dma_start3A_58] : memref<1x128xi32, #tpu.memory_space<vmem>> -> memref<1x128xi32, #tpu.memory_space<vmem>>
          %dma_start3A_60 = tpu.memref_squeeze %dma_start3A_59 : memref<1x128xi32, #tpu.memory_space<vmem>> -> memref<128xi32, #tpu.memory_space<vmem>>
          %dma_start3A_61 = arith.constant 0 : i32
          %dma_start3A_62 = arith.constant 0 : i32
          %dma_start3A_63 = tpu.memref_slice %arg14[%dma_start3A_61, %dma_start3A_62] : memref<10240x128xf32, #tpu.memory_space<vmem_shared>> -> memref<10240x128xf32, #tpu.memory_space<vmem_shared>>
          tpu.enqueue_indirect_dma source(%arg12 : memref<128x128xf32, #tpu.memory_space<vmem>>) target(%dma_start3A_63 : memref<10240x128xf32, #tpu.memory_space<vmem_shared>>) offsets(%dma_start3A_60 : memref<128xi32, #tpu.memory_space<vmem>>) semaphore(%run_scoped3A_57 : memref<!tpu.dma_semaphore, #tpu.memory_space<semaphore_mem>>) {add = true}
          %dma_wait3A_64 = arith.constant 0 : i32
          %dma_wait3A_65 = tpu.memref_slice %arg9[%run_scoped3A_48, %dma_wait3A_64] : memref<1x128xi32, #tpu.memory_space<vmem>> -> memref<1x128xi32, #tpu.memory_space<vmem>>
          %dma_wait3A_66 = tpu.memref_squeeze %dma_wait3A_65 : memref<1x128xi32, #tpu.memory_space<vmem>> -> memref<128xi32, #tpu.memory_space<vmem>>
          %dma_wait3A_67 = arith.constant 0 : i32
          %dma_wait3A_68 = arith.constant 0 : i32
          %dma_wait3A_69 = tpu.memref_slice %arg14[%dma_wait3A_67, %dma_wait3A_68] : memref<10240x128xf32, #tpu.memory_space<vmem_shared>> -> memref<10240x128xf32, #tpu.memory_space<vmem_shared>>
          tpu.wait_indirect_dma semaphore(%run_scoped3A_57 : memref<!tpu.dma_semaphore, #tpu.memory_space<semaphore_mem>>) src(%arg12 : memref<128x128xf32, #tpu.memory_space<vmem>>) dst(%dma_wait3A_69 : memref<10240x128xf32, #tpu.memory_space<vmem_shared>>)
          tpu.yield
        }) : () -> ()
        %dma_wait3A_49 = arith.constant 0 : i32
        %dma_wait3A_50 = arith.constant 0 : i32
        %dma_wait3A_51 = tpu.memref_slice %arg10[%dma_wait3A_49, %dma_wait3A_50] : memref<1x128xi32, #tpu.memory_space<vmem>> -> memref<1x128xi32, #tpu.memory_space<vmem>>
        %dma_wait3A_52 = tpu.memref_squeeze %dma_wait3A_51 : memref<1x128xi32, #tpu.memory_space<vmem>> -> memref<128xi32, #tpu.memory_space<vmem>>
        %dma_wait3A_53 = arith.constant 0 : i32
        %dma_wait3A_54 = arith.constant 0 : i32
        %dma_wait3A_55 = tpu.memref_slice %arg3[%dma_wait3A_53, %dma_wait3A_54] : memref<10240x128xf32, #tpu.memory_space<hbm>> -> memref<10240x128xf32, #tpu.memory_space<hbm>>
        tpu.wait_indirect_dma semaphore(%arg16 : memref<!tpu.dma_semaphore, #tpu.memory_space<semaphore_mem>>) src(%dma_wait3A_55 : memref<10240x128xf32, #tpu.memory_space<hbm>>) dst(%arg13 : memref<128x128xf32, #tpu.memory_space<vmem>>)
        %run_scoped3A_56 = arith.constant 0 : i32
        "tpu.region"() ({
          %run_scoped3A_57 = tpu.sem_alloc : memref<!tpu.dma_semaphore, #tpu.memory_space<semaphore_mem>>
          %dma_start3A_58 = arith.constant 0 : i32
          %dma_start3A_59 = tpu.memref_slice %arg11[%run_scoped3A_56, %dma_start3A_58] : memref<1x128xi32, #tpu.memory_space<vmem>> -> memref<1x128xi32, #tpu.memory_space<vmem>>
          %dma_start3A_60 = tpu.memref_squeeze %dma_start3A_59 : memref<1x128xi32, #tpu.memory_space<vmem>> -> memref<128xi32, #tpu.memory_space<vmem>>
          %dma_start3A_61 = arith.constant 0 : i32
          %dma_start3A_62 = arith.constant 0 : i32
          %dma_start3A_63 = tpu.memref_slice %arg14[%dma_start3A_61, %dma_start3A_62] : memref<10240x128xf32, #tpu.memory_space<vmem_shared>> -> memref<10240x128xf32, #tpu.memory_space<vmem_shared>>
          tpu.enqueue_indirect_dma source(%arg13 : memref<128x128xf32, #tpu.memory_space<vmem>>) target(%dma_start3A_63 : memref<10240x128xf32, #tpu.memory_space<vmem_shared>>) offsets(%dma_start3A_60 : memref<128xi32, #tpu.memory_space<vmem>>) semaphore(%run_scoped3A_57 : memref<!tpu.dma_semaphore, #tpu.memory_space<semaphore_mem>>) {add = true}
          %dma_wait3A_64 = arith.constant 0 : i32
          %dma_wait3A_65 = tpu.memref_slice %arg11[%run_scoped3A_56, %dma_wait3A_64] : memref<1x128xi32, #tpu.memory_space<vmem>> -> memref<1x128xi32, #tpu.memory_space<vmem>>
          %dma_wait3A_66 = tpu.memref_squeeze %dma_wait3A_65 : memref<1x128xi32, #tpu.memory_space<vmem>> -> memref<128xi32, #tpu.memory_space<vmem>>
          %dma_wait3A_67 = arith.constant 0 : i32
          %dma_wait3A_68 = arith.constant 0 : i32
          %dma_wait3A_69 = tpu.memref_slice %arg14[%dma_wait3A_67, %dma_wait3A_68] : memref<10240x128xf32, #tpu.memory_space<vmem_shared>> -> memref<10240x128xf32, #tpu.memory_space<vmem_shared>>
          tpu.wait_indirect_dma semaphore(%run_scoped3A_57 : memref<!tpu.dma_semaphore, #tpu.memory_space<semaphore_mem>>) src(%arg13 : memref<128x128xf32, #tpu.memory_space<vmem>>) dst(%dma_wait3A_69 : memref<10240x128xf32, #tpu.memory_space<vmem_shared>>)
          tpu.yield
        }) : () -> ()
      }
      %scan3A_14 = arith.constant 79 : i32
      %barrier3A_15 = arith.constant 0 : index
      tpu.barrier barrier_id(%barrier3A_15)
      %mul3A_16 = arith.constant 640 : i32
      %mul3A_17 = arith.muli %arg1, %mul3A_16 : i32
      %mul3A_18 = arith.constant 640 : i32
      %mul3A_19 = arith.muli %arg1, %mul3A_18 : i32
      "tpu.region"() ({
        %run_scoped3A = tpu.sem_alloc : memref<!tpu.dma_semaphore, #tpu.memory_space<semaphore_mem>>
        %dma_start3A = arith.constant 0 : i32
        %dma_start3A_20 = tpu.memref_slice %arg7[%mul3A_19, %dma_start3A] : memref<10240x128xf32, #tpu.memory_space<hbm>> -> memref<640x128xf32, #tpu.memory_space<hbm>>
        %dma_start3A_21 = arith.constant 0 : i32
        %dma_start3A_22 = tpu.memref_slice %arg14[%mul3A_17, %dma_start3A_21] : memref<10240x128xf32, #tpu.memory_space<vmem_shared>> -> memref<640x128xf32, #tpu.memory_space<vmem_shared>>
        tpu.enqueue_dma source(%dma_start3A_22 : memref<640x128xf32, #tpu.memory_space<vmem_shared>>) target(%dma_start3A_20 : memref<640x128xf32, #tpu.memory_space<hbm>>) target_semaphore(%run_scoped3A : memref<!tpu.dma_semaphore, #tpu.memory_space<semaphore_mem>>)
        %dma_wait3A = arith.constant 0 : i32
        %dma_wait3A_23 = tpu.memref_slice %arg7[%mul3A_19, %dma_wait3A] : memref<10240x128xf32, #tpu.memory_space<hbm>> -> memref<640x128xf32, #tpu.memory_space<hbm>>
        %dma_wait3A_24 = arith.constant 0 : i32
        %dma_wait3A_25 = tpu.memref_slice %arg14[%mul3A_17, %dma_wait3A_24] : memref<10240x128xf32, #tpu.memory_space<vmem_shared>> -> memref<640x128xf32, #tpu.memory_space<vmem_shared>>
        tpu.wait_dma2 semaphore(%run_scoped3A : memref<!tpu.dma_semaphore, #tpu.memory_space<semaphore_mem>>) src(%dma_wait3A_25 : memref<640x128xf32, #tpu.memory_space<vmem_shared>>) dst(%dma_wait3A_23 : memref<640x128xf32, #tpu.memory_space<hbm>>)
        tpu.yield
      }) : () -> ()
    } else {
    }
    return
  }
}

#map = affine_map<(d0, d1) -> (0, 0)>
module attributes {stable_mosaic.version = 14 : i64} {
  func.func @_deg_kernel(%arg0: i32, %arg1: i32, %arg2: memref<16x20224xi32, #tpu.memory_space<hbm>>, %arg3: memref<16x10240xf32, #tpu.memory_space<hbm>>, %arg4: memref<20224xi32, #tpu.memory_space<vmem>>, %arg5: memref<10240xf32, #tpu.memory_space<vmem>>) attributes {dimension_semantics = [#tpu.dimension_semantics<core_parallel>, #tpu.dimension_semantics<subcore_parallel>], iteration_bounds = array<i64: 2, 16>, scalar_prefetch = 0 : i64, scratch_operands = 2 : i64, tpu.core_type = #tpu.core_type<sc_vector_subcore>, window_params = [{transform_indices = #map}, {transform_indices = #map}]} {
    %eq3A = arith.constant 0 : i32
    %eq3A_0 = arith.cmpi eq, %arg0, %eq3A : i32
    %convert_element_type3A = arith.extui %eq3A_0 : i1 to i32
    %cond3A = arith.constant 0 : i32
    %cond3A_1 = arith.cmpi ne, %convert_element_type3A, %cond3A : i32
    scf.if %cond3A_1 {
      %broadcast_in_dim3A = arith.constant 0.000000e+00 : f32
      %broadcast_in_dim3A_2 = vector.broadcast %broadcast_in_dim3A : f32 to vector<16xf32>
      %scan3A = arith.constant 0 : i32
      %scan3A_3 = arith.constant 0 : i32
      %scan3A_4 = arith.constant 640 : i32
      %scan3A_5 = arith.addi %scan3A_3, %scan3A_4 : i32
      %scan3A_6 = arith.constant 1 : i32
      scf.for %scan3A_16 = %scan3A_3 to %scan3A_5 step %scan3A_6  : i32 {
        %mul3A = arith.constant 16 : i32
        %mul3A_17 = arith.muli %scan3A_16, %mul3A : i32
        %swap3A = arith.index_cast %mul3A_17 : i32 to index
        %swap3A_18 = tpu.vector_load %arg5[%swap3A] {strides = array<i32>} : memref<10240xf32, #tpu.memory_space<vmem>>, vector<16xf32>,
        tpu.vector_store %arg5[%swap3A], %broadcast_in_dim3A_2 {strides = array<i32>} : memref<10240xf32, #tpu.memory_space<vmem>>, vector<16xf32>,
      }
      %scan3A_7 = arith.constant 640 : i32
      "tpu.region"() ({
        %run_scoped3A = tpu.sem_alloc : memref<!tpu.dma_semaphore, #tpu.memory_space<semaphore_mem>>
        %dma_start3A = arith.constant 0 : i32
        %dma_start3A_16 = tpu.memref_slice %arg2[%arg1, %dma_start3A] : memref<16x20224xi32, #tpu.memory_space<hbm>> -> memref<1x20224xi32, #tpu.memory_space<hbm>>
        %dma_start3A_17 = tpu.memref_squeeze %dma_start3A_16 : memref<1x20224xi32, #tpu.memory_space<hbm>> -> memref<20224xi32, #tpu.memory_space<hbm>>
        %dma_start3A_18 = arith.constant 0 : i32
        %dma_start3A_19 = tpu.memref_slice %arg2[%arg1, %dma_start3A_18] : memref<16x20224xi32, #tpu.memory_space<hbm>> -> memref<1x20224xi32, #tpu.memory_space<hbm>>
        %dma_start3A_20 = tpu.memref_squeeze %dma_start3A_19 : memref<1x20224xi32, #tpu.memory_space<hbm>> -> memref<20224xi32, #tpu.memory_space<hbm>>
        tpu.enqueue_dma source(%dma_start3A_20 : memref<20224xi32, #tpu.memory_space<hbm>>) target(%arg4 : memref<20224xi32, #tpu.memory_space<vmem>>) target_semaphore(%run_scoped3A : memref<!tpu.dma_semaphore, #tpu.memory_space<semaphore_mem>>)
        %dma_wait3A = arith.constant 0 : i32
        %dma_wait3A_21 = tpu.memref_slice %arg2[%arg1, %dma_wait3A] : memref<16x20224xi32, #tpu.memory_space<hbm>> -> memref<1x20224xi32, #tpu.memory_space<hbm>>
        %dma_wait3A_22 = tpu.memref_squeeze %dma_wait3A_21 : memref<1x20224xi32, #tpu.memory_space<hbm>> -> memref<20224xi32, #tpu.memory_space<hbm>>
        %dma_wait3A_23 = arith.constant 0 : i32
        %dma_wait3A_24 = tpu.memref_slice %arg2[%arg1, %dma_wait3A_23] : memref<16x20224xi32, #tpu.memory_space<hbm>> -> memref<1x20224xi32, #tpu.memory_space<hbm>>
        %dma_wait3A_25 = tpu.memref_squeeze %dma_wait3A_24 : memref<1x20224xi32, #tpu.memory_space<hbm>> -> memref<20224xi32, #tpu.memory_space<hbm>>
        tpu.wait_dma2 semaphore(%run_scoped3A : memref<!tpu.dma_semaphore, #tpu.memory_space<semaphore_mem>>) src(%dma_wait3A_25 : memref<20224xi32, #tpu.memory_space<hbm>>) dst(%arg4 : memref<20224xi32, #tpu.memory_space<vmem>>)
        tpu.yield
      }) : () -> ()
      %broadcast_in_dim3A_8 = arith.constant 1.000000e+00 : f32
      %broadcast_in_dim3A_9 = vector.broadcast %broadcast_in_dim3A_8 : f32 to vector<16xf32>
      %scan3A_10 = arith.constant 0 : i32
      %scan3A_11 = arith.constant 0 : i32
      %scan3A_12 = arith.constant 1264 : i32
      %scan3A_13 = arith.addi %scan3A_11, %scan3A_12 : i32
      %scan3A_14 = arith.constant 1 : i32
      scf.for %scan3A_16 = %scan3A_11 to %scan3A_13 step %scan3A_14  : i32 {
        %mul3A = arith.constant 16 : i32
        %mul3A_17 = arith.muli %scan3A_16, %mul3A : i32
        %get3A = arith.index_cast %mul3A_17 : i32 to index
        %get3A_18 = tpu.vector_load %arg4[%get3A] {strides = array<i32>} : memref<20224xi32, #tpu.memory_space<vmem>>, vector<16xi32>,
        tpu.vector_store_idx %arg5[%get3A_18], %broadcast_in_dim3A_9 {add = true} : memref<10240xf32, #tpu.memory_space<vmem>>[vector<16xi32>], vector<16xf32>,
      }
      %scan3A_15 = arith.constant 1264 : i32
      "tpu.region"() ({
        %run_scoped3A = tpu.sem_alloc : memref<!tpu.dma_semaphore, #tpu.memory_space<semaphore_mem>>
        %dma_start3A = arith.constant 0 : i32
        %dma_start3A_16 = tpu.memref_slice %arg3[%arg1, %dma_start3A] : memref<16x10240xf32, #tpu.memory_space<hbm>> -> memref<1x10240xf32, #tpu.memory_space<hbm>>
        %dma_start3A_17 = tpu.memref_squeeze %dma_start3A_16 : memref<1x10240xf32, #tpu.memory_space<hbm>> -> memref<10240xf32, #tpu.memory_space<hbm>>
        %dma_start3A_18 = arith.constant 0 : i32
        %dma_start3A_19 = tpu.memref_slice %arg3[%arg1, %dma_start3A_18] : memref<16x10240xf32, #tpu.memory_space<hbm>> -> memref<1x10240xf32, #tpu.memory_space<hbm>>
        %dma_start3A_20 = tpu.memref_squeeze %dma_start3A_19 : memref<1x10240xf32, #tpu.memory_space<hbm>> -> memref<10240xf32, #tpu.memory_space<hbm>>
        tpu.enqueue_dma source(%arg5 : memref<10240xf32, #tpu.memory_space<vmem>>) target(%dma_start3A_20 : memref<10240xf32, #tpu.memory_space<hbm>>) target_semaphore(%run_scoped3A : memref<!tpu.dma_semaphore, #tpu.memory_space<semaphore_mem>>)
        %dma_wait3A = arith.constant 0 : i32
        %dma_wait3A_21 = tpu.memref_slice %arg3[%arg1, %dma_wait3A] : memref<16x10240xf32, #tpu.memory_space<hbm>> -> memref<1x10240xf32, #tpu.memory_space<hbm>>
        %dma_wait3A_22 = tpu.memref_squeeze %dma_wait3A_21 : memref<1x10240xf32, #tpu.memory_space<hbm>> -> memref<10240xf32, #tpu.memory_space<hbm>>
        %dma_wait3A_23 = arith.constant 0 : i32
        %dma_wait3A_24 = tpu.memref_slice %arg3[%arg1, %dma_wait3A_23] : memref<16x10240xf32, #tpu.memory_space<hbm>> -> memref<1x10240xf32, #tpu.memory_space<hbm>>
        %dma_wait3A_25 = tpu.memref_squeeze %dma_wait3A_24 : memref<1x10240xf32, #tpu.memory_space<hbm>> -> memref<10240xf32, #tpu.memory_space<hbm>>
        tpu.wait_dma2 semaphore(%run_scoped3A : memref<!tpu.dma_semaphore, #tpu.memory_space<semaphore_mem>>) src(%arg5 : memref<10240xf32, #tpu.memory_space<vmem>>) dst(%dma_wait3A_25 : memref<10240xf32, #tpu.memory_space<hbm>>)
        tpu.yield
      }) : () -> ()
    } else {
    }
    return
  }
}

#map = affine_map<(d0, d1) -> (0, 0)>
#map1 = affine_map<(d0, d1) -> (0, 0, 0)>
module attributes {stable_mosaic.version = 14 : i64} {
  func.func @_prop_kernel(%arg0: i32, %arg1: i32, %arg2: memref<10240x128xf32, #tpu.memory_space<hbm>>, %arg3: memref<10240x128xf32, #tpu.memory_space<hbm>>, %arg4: memref<16x158x128xi32, #tpu.memory_space<hbm>>, %arg5: memref<16x158x128xi32, #tpu.memory_space<hbm>>, %arg6: memref<10240x128xf32, #tpu.memory_space<hbm>>, %arg7: memref<10240x128xf32, #tpu.memory_space<hbm>>, %arg8: memref<1x128xi32, #tpu.memory_space<vmem>>, %arg9: memref<1x128xi32, #tpu.memory_space<vmem>>, %arg10: memref<1x128xi32, #tpu.memory_space<vmem>>, %arg11: memref<1x128xi32, #tpu.memory_space<vmem>>, %arg12: memref<128x128xf32, #tpu.memory_space<vmem>>, %arg13: memref<128x128xf32, #tpu.memory_space<vmem>>, %arg14: memref<10240x128xf32, #tpu.memory_space<vmem_shared>>, %arg15: memref<!tpu.dma_semaphore, #tpu.memory_space<semaphore_mem>>, %arg16: memref<!tpu.dma_semaphore, #tpu.memory_space<semaphore_mem>>) attributes {dimension_semantics = [#tpu.dimension_semantics<core_parallel>, #tpu.dimension_semantics<subcore_parallel>], iteration_bounds = array<i64: 2, 16>, scalar_prefetch = 0 : i64, scratch_operands = 9 : i64, tpu.core_type = #tpu.core_type<sc_vector_subcore>, window_params = [{transform_indices = #map}, {transform_indices = #map}, {transform_indices = #map1}, {transform_indices = #map1}, {transform_indices = #map}, {transform_indices = #map}]} {
    %eq3A = arith.constant 0 : i32
    %eq3A_0 = arith.cmpi eq, %arg0, %eq3A : i32
    %convert_element_type3A = arith.extui %eq3A_0 : i1 to i32
    %cond3A = arith.constant 0 : i32
    %cond3A_1 = arith.cmpi ne, %convert_element_type3A, %cond3A : i32
    scf.if %cond3A_1 {
      %mul3A = arith.constant 640 : i32
      %mul3A_7 = arith.muli %arg1, %mul3A : i32
      %mul3A_8 = arith.constant 640 : i32
      %mul3A_9 = arith.muli %arg1, %mul3A_8 : i32
      "tpu.region"() ({
        %run_scoped3A = tpu.sem_alloc : memref<!tpu.dma_semaphore, #tpu.memory_space<semaphore_mem>>
        %dma_start3A = arith.constant 0 : i32
        %dma_start3A_20 = tpu.memref_slice %arg14[%mul3A_9, %dma_start3A] : memref<10240x128xf32, #tpu.memory_space<vmem_shared>> -> memref<640x128xf32, #tpu.memory_space<vmem_shared>>
        %dma_start3A_21 = arith.constant 0 : i32
        %dma_start3A_22 = tpu.memref_slice %arg2[%mul3A_7, %dma_start3A_21] : memref<10240x128xf32, #tpu.memory_space<hbm>> -> memref<640x128xf32, #tpu.memory_space<hbm>>
        tpu.enqueue_dma source(%dma_start3A_22 : memref<640x128xf32, #tpu.memory_space<hbm>>) target(%dma_start3A_20 : memref<640x128xf32, #tpu.memory_space<vmem_shared>>) target_semaphore(%run_scoped3A : memref<!tpu.dma_semaphore, #tpu.memory_space<semaphore_mem>>)
        %dma_wait3A = arith.constant 0 : i32
        %dma_wait3A_23 = tpu.memref_slice %arg14[%mul3A_9, %dma_wait3A] : memref<10240x128xf32, #tpu.memory_space<vmem_shared>> -> memref<640x128xf32, #tpu.memory_space<vmem_shared>>
        %dma_wait3A_24 = arith.constant 0 : i32
        %dma_wait3A_25 = tpu.memref_slice %arg2[%mul3A_7, %dma_wait3A_24] : memref<10240x128xf32, #tpu.memory_space<hbm>> -> memref<640x128xf32, #tpu.memory_space<hbm>>
        tpu.wait_dma2 semaphore(%run_scoped3A : memref<!tpu.dma_semaphore, #tpu.memory_space<semaphore_mem>>) src(%dma_wait3A_25 : memref<640x128xf32, #tpu.memory_space<hbm>>) dst(%dma_wait3A_23 : memref<640x128xf32, #tpu.memory_space<vmem_shared>>)
        tpu.yield
      }) : () -> ()
      %barrier3A = arith.constant 0 : index
      tpu.barrier barrier_id(%barrier3A)
      %scan3A = arith.constant 0 : i32
      %scan3A_10 = arith.constant 0 : i32
      %scan3A_11 = arith.constant 79 : i32
      %scan3A_12 = arith.addi %scan3A_10, %scan3A_11 : i32
      %scan3A_13 = arith.constant 1 : i32
      scf.for %scan3A_20 = %scan3A_10 to %scan3A_12 step %scan3A_13  : i32 {
        %mul3A_21 = arith.constant 2 : i32
        %mul3A_22 = arith.muli %mul3A_21, %scan3A_20 : i32
        %mul3A_23 = arith.constant 2 : i32
        %mul3A_24 = arith.muli %mul3A_23, %scan3A_20 : i32
        %add3A = arith.constant 1 : i32
        %add3A_25 = arith.addi %mul3A_24, %add3A : i32
        %run_scoped3A = arith.constant 0 : i32
        "tpu.region"() ({
          %run_scoped3A_57 = tpu.sem_alloc : memref<!tpu.dma_semaphore, #tpu.memory_space<semaphore_mem>>
          %dma_start3A_58 = arith.constant 0 : i32
          %dma_start3A_59 = tpu.memref_slice %arg8[%run_scoped3A, %dma_start3A_58] : memref<1x128xi32, #tpu.memory_space<vmem>> -> memref<1x128xi32, #tpu.memory_space<vmem>>
          %dma_start3A_60 = tpu.memref_squeeze %dma_start3A_59 : memref<1x128xi32, #tpu.memory_space<vmem>> -> memref<128xi32, #tpu.memory_space<vmem>>
          %dma_start3A_61 = arith.constant 0 : i32
          %dma_start3A_62 = tpu.memref_slice %arg4[%arg1, %mul3A_22, %dma_start3A_61] : memref<16x158x128xi32, #tpu.memory_space<hbm>> -> memref<1x1x128xi32, #tpu.memory_space<hbm>>
          %dma_start3A_63 = tpu.memref_squeeze %dma_start3A_62 : memref<1x1x128xi32, #tpu.memory_space<hbm>> -> memref<128xi32, #tpu.memory_space<hbm>>
          %dma_start3A_64 = arith.constant 0 : i32
          %dma_start3A_65 = tpu.memref_slice %arg8[%run_scoped3A, %dma_start3A_64] : memref<1x128xi32, #tpu.memory_space<vmem>> -> memref<1x128xi32, #tpu.memory_space<vmem>>
          %dma_start3A_66 = tpu.memref_squeeze %dma_start3A_65 : memref<1x128xi32, #tpu.memory_space<vmem>> -> memref<128xi32, #tpu.memory_space<vmem>>
          %dma_start3A_67 = arith.constant 0 : i32
          %dma_start3A_68 = tpu.memref_slice %arg4[%arg1, %mul3A_22, %dma_start3A_67] : memref<16x158x128xi32, #tpu.memory_space<hbm>> -> memref<1x1x128xi32, #tpu.memory_space<hbm>>
          %dma_start3A_69 = tpu.memref_squeeze %dma_start3A_68 : memref<1x1x128xi32, #tpu.memory_space<hbm>> -> memref<128xi32, #tpu.memory_space<hbm>>
          tpu.enqueue_dma source(%dma_start3A_69 : memref<128xi32, #tpu.memory_space<hbm>>) target(%dma_start3A_66 : memref<128xi32, #tpu.memory_space<vmem>>) target_semaphore(%run_scoped3A_57 : memref<!tpu.dma_semaphore, #tpu.memory_space<semaphore_mem>>)
          %dma_wait3A_70 = arith.constant 0 : i32
          %dma_wait3A_71 = tpu.memref_slice %arg8[%run_scoped3A, %dma_wait3A_70] : memref<1x128xi32, #tpu.memory_space<vmem>> -> memref<1x128xi32, #tpu.memory_space<vmem>>
          %dma_wait3A_72 = tpu.memref_squeeze %dma_wait3A_71 : memref<1x128xi32, #tpu.memory_space<vmem>> -> memref<128xi32, #tpu.memory_space<vmem>>
          %dma_wait3A_73 = arith.constant 0 : i32
          %dma_wait3A_74 = tpu.memref_slice %arg4[%arg1, %mul3A_22, %dma_wait3A_73] : memref<16x158x128xi32, #tpu.memory_space<hbm>> -> memref<1x1x128xi32, #tpu.memory_space<hbm>>
          %dma_wait3A_75 = tpu.memref_squeeze %dma_wait3A_74 : memref<1x1x128xi32, #tpu.memory_space<hbm>> -> memref<128xi32, #tpu.memory_space<hbm>>
          %dma_wait3A_76 = arith.constant 0 : i32
          %dma_wait3A_77 = tpu.memref_slice %arg8[%run_scoped3A, %dma_wait3A_76] : memref<1x128xi32, #tpu.memory_space<vmem>> -> memref<1x128xi32, #tpu.memory_space<vmem>>
          %dma_wait3A_78 = tpu.memref_squeeze %dma_wait3A_77 : memref<1x128xi32, #tpu.memory_space<vmem>> -> memref<128xi32, #tpu.memory_space<vmem>>
          %dma_wait3A_79 = arith.constant 0 : i32
          %dma_wait3A_80 = tpu.memref_slice %arg4[%arg1, %mul3A_22, %dma_wait3A_79] : memref<16x158x128xi32, #tpu.memory_space<hbm>> -> memref<1x1x128xi32, #tpu.memory_space<hbm>>
          %dma_wait3A_81 = tpu.memref_squeeze %dma_wait3A_80 : memref<1x1x128xi32, #tpu.memory_space<hbm>> -> memref<128xi32, #tpu.memory_space<hbm>>
          tpu.wait_dma2 semaphore(%run_scoped3A_57 : memref<!tpu.dma_semaphore, #tpu.memory_space<semaphore_mem>>) src(%dma_wait3A_81 : memref<128xi32, #tpu.memory_space<hbm>>) dst(%dma_wait3A_78 : memref<128xi32, #tpu.memory_space<vmem>>)
          tpu.yield
        }) : () -> ()
        %dma_start3A = arith.constant 0 : i32
        %dma_start3A_26 = arith.constant 0 : i32
        %dma_start3A_27 = tpu.memref_slice %arg8[%dma_start3A, %dma_start3A_26] : memref<1x128xi32, #tpu.memory_space<vmem>> -> memref<1x128xi32, #tpu.memory_space<vmem>>
        %dma_start3A_28 = tpu.memref_squeeze %dma_start3A_27 : memref<1x128xi32, #tpu.memory_space<vmem>> -> memref<128xi32, #tpu.memory_space<vmem>>
        %dma_start3A_29 = arith.constant 0 : i32
        %dma_start3A_30 = arith.constant 0 : i32
        %dma_start3A_31 = tpu.memref_slice %arg2[%dma_start3A_29, %dma_start3A_30] : memref<10240x128xf32, #tpu.memory_space<hbm>> -> memref<10240x128xf32, #tpu.memory_space<hbm>>
        tpu.enqueue_indirect_dma source(%dma_start3A_31 : memref<10240x128xf32, #tpu.memory_space<hbm>>) target(%arg12 : memref<128x128xf32, #tpu.memory_space<vmem>>) offsets(%dma_start3A_28 : memref<128xi32, #tpu.memory_space<vmem>>) semaphore(%arg15 : memref<!tpu.dma_semaphore, #tpu.memory_space<semaphore_mem>>)
        %run_scoped3A_32 = arith.constant 0 : i32
        "tpu.region"() ({
          %run_scoped3A_57 = tpu.sem_alloc : memref<!tpu.dma_semaphore, #tpu.memory_space<semaphore_mem>>
          %dma_start3A_58 = arith.constant 0 : i32
          %dma_start3A_59 = tpu.memref_slice %arg9[%run_scoped3A_32, %dma_start3A_58] : memref<1x128xi32, #tpu.memory_space<vmem>> -> memref<1x128xi32, #tpu.memory_space<vmem>>
          %dma_start3A_60 = tpu.memref_squeeze %dma_start3A_59 : memref<1x128xi32, #tpu.memory_space<vmem>> -> memref<128xi32, #tpu.memory_space<vmem>>
          %dma_start3A_61 = arith.constant 0 : i32
          %dma_start3A_62 = tpu.memref_slice %arg5[%arg1, %mul3A_22, %dma_start3A_61] : memref<16x158x128xi32, #tpu.memory_space<hbm>> -> memref<1x1x128xi32, #tpu.memory_space<hbm>>
          %dma_start3A_63 = tpu.memref_squeeze %dma_start3A_62 : memref<1x1x128xi32, #tpu.memory_space<hbm>> -> memref<128xi32, #tpu.memory_space<hbm>>
          %dma_start3A_64 = arith.constant 0 : i32
          %dma_start3A_65 = tpu.memref_slice %arg9[%run_scoped3A_32, %dma_start3A_64] : memref<1x128xi32, #tpu.memory_space<vmem>> -> memref<1x128xi32, #tpu.memory_space<vmem>>
          %dma_start3A_66 = tpu.memref_squeeze %dma_start3A_65 : memref<1x128xi32, #tpu.memory_space<vmem>> -> memref<128xi32, #tpu.memory_space<vmem>>
          %dma_start3A_67 = arith.constant 0 : i32
          %dma_start3A_68 = tpu.memref_slice %arg5[%arg1, %mul3A_22, %dma_start3A_67] : memref<16x158x128xi32, #tpu.memory_space<hbm>> -> memref<1x1x128xi32, #tpu.memory_space<hbm>>
          %dma_start3A_69 = tpu.memref_squeeze %dma_start3A_68 : memref<1x1x128xi32, #tpu.memory_space<hbm>> -> memref<128xi32, #tpu.memory_space<hbm>>
          tpu.enqueue_dma source(%dma_start3A_69 : memref<128xi32, #tpu.memory_space<hbm>>) target(%dma_start3A_66 : memref<128xi32, #tpu.memory_space<vmem>>) target_semaphore(%run_scoped3A_57 : memref<!tpu.dma_semaphore, #tpu.memory_space<semaphore_mem>>)
          %dma_wait3A_70 = arith.constant 0 : i32
          %dma_wait3A_71 = tpu.memref_slice %arg9[%run_scoped3A_32, %dma_wait3A_70] : memref<1x128xi32, #tpu.memory_space<vmem>> -> memref<1x128xi32, #tpu.memory_space<vmem>>
          %dma_wait3A_72 = tpu.memref_squeeze %dma_wait3A_71 : memref<1x128xi32, #tpu.memory_space<vmem>> -> memref<128xi32, #tpu.memory_space<vmem>>
          %dma_wait3A_73 = arith.constant 0 : i32
          %dma_wait3A_74 = tpu.memref_slice %arg5[%arg1, %mul3A_22, %dma_wait3A_73] : memref<16x158x128xi32, #tpu.memory_space<hbm>> -> memref<1x1x128xi32, #tpu.memory_space<hbm>>
          %dma_wait3A_75 = tpu.memref_squeeze %dma_wait3A_74 : memref<1x1x128xi32, #tpu.memory_space<hbm>> -> memref<128xi32, #tpu.memory_space<hbm>>
          %dma_wait3A_76 = arith.constant 0 : i32
          %dma_wait3A_77 = tpu.memref_slice %arg9[%run_scoped3A_32, %dma_wait3A_76] : memref<1x128xi32, #tpu.memory_space<vmem>> -> memref<1x128xi32, #tpu.memory_space<vmem>>
          %dma_wait3A_78 = tpu.memref_squeeze %dma_wait3A_77 : memref<1x128xi32, #tpu.memory_space<vmem>> -> memref<128xi32, #tpu.memory_space<vmem>>
          %dma_wait3A_79 = arith.constant 0 : i32
          %dma_wait3A_80 = tpu.memref_slice %arg5[%arg1, %mul3A_22, %dma_wait3A_79] : memref<16x158x128xi32, #tpu.memory_space<hbm>> -> memref<1x1x128xi32, #tpu.memory_space<hbm>>
          %dma_wait3A_81 = tpu.memref_squeeze %dma_wait3A_80 : memref<1x1x128xi32, #tpu.memory_space<hbm>> -> memref<128xi32, #tpu.memory_space<hbm>>
          tpu.wait_dma2 semaphore(%run_scoped3A_57 : memref<!tpu.dma_semaphore, #tpu.memory_space<semaphore_mem>>) src(%dma_wait3A_81 : memref<128xi32, #tpu.memory_space<hbm>>) dst(%dma_wait3A_78 : memref<128xi32, #tpu.memory_space<vmem>>)
          tpu.yield
        }) : () -> ()
        %run_scoped3A_33 = arith.constant 0 : i32
        "tpu.region"() ({
          %run_scoped3A_57 = tpu.sem_alloc : memref<!tpu.dma_semaphore, #tpu.memory_space<semaphore_mem>>
          %dma_start3A_58 = arith.constant 0 : i32
          %dma_start3A_59 = tpu.memref_slice %arg10[%run_scoped3A_33, %dma_start3A_58] : memref<1x128xi32, #tpu.memory_space<vmem>> -> memref<1x128xi32, #tpu.memory_space<vmem>>
          %dma_start3A_60 = tpu.memref_squeeze %dma_start3A_59 : memref<1x128xi32, #tpu.memory_space<vmem>> -> memref<128xi32, #tpu.memory_space<vmem>>
          %dma_start3A_61 = arith.constant 0 : i32
          %dma_start3A_62 = tpu.memref_slice %arg4[%arg1, %add3A_25, %dma_start3A_61] : memref<16x158x128xi32, #tpu.memory_space<hbm>> -> memref<1x1x128xi32, #tpu.memory_space<hbm>>
          %dma_start3A_63 = tpu.memref_squeeze %dma_start3A_62 : memref<1x1x128xi32, #tpu.memory_space<hbm>> -> memref<128xi32, #tpu.memory_space<hbm>>
          %dma_start3A_64 = arith.constant 0 : i32
          %dma_start3A_65 = tpu.memref_slice %arg10[%run_scoped3A_33, %dma_start3A_64] : memref<1x128xi32, #tpu.memory_space<vmem>> -> memref<1x128xi32, #tpu.memory_space<vmem>>
          %dma_start3A_66 = tpu.memref_squeeze %dma_start3A_65 : memref<1x128xi32, #tpu.memory_space<vmem>> -> memref<128xi32, #tpu.memory_space<vmem>>
          %dma_start3A_67 = arith.constant 0 : i32
          %dma_start3A_68 = tpu.memref_slice %arg4[%arg1, %add3A_25, %dma_start3A_67] : memref<16x158x128xi32, #tpu.memory_space<hbm>> -> memref<1x1x128xi32, #tpu.memory_space<hbm>>
          %dma_start3A_69 = tpu.memref_squeeze %dma_start3A_68 : memref<1x1x128xi32, #tpu.memory_space<hbm>> -> memref<128xi32, #tpu.memory_space<hbm>>
          tpu.enqueue_dma source(%dma_start3A_69 : memref<128xi32, #tpu.memory_space<hbm>>) target(%dma_start3A_66 : memref<128xi32, #tpu.memory_space<vmem>>) target_semaphore(%run_scoped3A_57 : memref<!tpu.dma_semaphore, #tpu.memory_space<semaphore_mem>>)
          %dma_wait3A_70 = arith.constant 0 : i32
          %dma_wait3A_71 = tpu.memref_slice %arg10[%run_scoped3A_33, %dma_wait3A_70] : memref<1x128xi32, #tpu.memory_space<vmem>> -> memref<1x128xi32, #tpu.memory_space<vmem>>
          %dma_wait3A_72 = tpu.memref_squeeze %dma_wait3A_71 : memref<1x128xi32, #tpu.memory_space<vmem>> -> memref<128xi32, #tpu.memory_space<vmem>>
          %dma_wait3A_73 = arith.constant 0 : i32
          %dma_wait3A_74 = tpu.memref_slice %arg4[%arg1, %add3A_25, %dma_wait3A_73] : memref<16x158x128xi32, #tpu.memory_space<hbm>> -> memref<1x1x128xi32, #tpu.memory_space<hbm>>
          %dma_wait3A_75 = tpu.memref_squeeze %dma_wait3A_74 : memref<1x1x128xi32, #tpu.memory_space<hbm>> -> memref<128xi32, #tpu.memory_space<hbm>>
          %dma_wait3A_76 = arith.constant 0 : i32
          %dma_wait3A_77 = tpu.memref_slice %arg10[%run_scoped3A_33, %dma_wait3A_76] : memref<1x128xi32, #tpu.memory_space<vmem>> -> memref<1x128xi32, #tpu.memory_space<vmem>>
          %dma_wait3A_78 = tpu.memref_squeeze %dma_wait3A_77 : memref<1x128xi32, #tpu.memory_space<vmem>> -> memref<128xi32, #tpu.memory_space<vmem>>
          %dma_wait3A_79 = arith.constant 0 : i32
          %dma_wait3A_80 = tpu.memref_slice %arg4[%arg1, %add3A_25, %dma_wait3A_79] : memref<16x158x128xi32, #tpu.memory_space<hbm>> -> memref<1x1x128xi32, #tpu.memory_space<hbm>>
          %dma_wait3A_81 = tpu.memref_squeeze %dma_wait3A_80 : memref<1x1x128xi32, #tpu.memory_space<hbm>> -> memref<128xi32, #tpu.memory_space<hbm>>
          tpu.wait_dma2 semaphore(%run_scoped3A_57 : memref<!tpu.dma_semaphore, #tpu.memory_space<semaphore_mem>>) src(%dma_wait3A_81 : memref<128xi32, #tpu.memory_space<hbm>>) dst(%dma_wait3A_78 : memref<128xi32, #tpu.memory_space<vmem>>)
          tpu.yield
        }) : () -> ()
        %dma_start3A_34 = arith.constant 0 : i32
        %dma_start3A_35 = arith.constant 0 : i32
        %dma_start3A_36 = tpu.memref_slice %arg10[%dma_start3A_34, %dma_start3A_35] : memref<1x128xi32, #tpu.memory_space<vmem>> -> memref<1x128xi32, #tpu.memory_space<vmem>>
        %dma_start3A_37 = tpu.memref_squeeze %dma_start3A_36 : memref<1x128xi32, #tpu.memory_space<vmem>> -> memref<128xi32, #tpu.memory_space<vmem>>
        %dma_start3A_38 = arith.constant 0 : i32
        %dma_start3A_39 = arith.constant 0 : i32
        %dma_start3A_40 = tpu.memref_slice %arg2[%dma_start3A_38, %dma_start3A_39] : memref<10240x128xf32, #tpu.memory_space<hbm>> -> memref<10240x128xf32, #tpu.memory_space<hbm>>
        tpu.enqueue_indirect_dma source(%dma_start3A_40 : memref<10240x128xf32, #tpu.memory_space<hbm>>) target(%arg13 : memref<128x128xf32, #tpu.memory_space<vmem>>) offsets(%dma_start3A_37 : memref<128xi32, #tpu.memory_space<vmem>>) semaphore(%arg16 : memref<!tpu.dma_semaphore, #tpu.memory_space<semaphore_mem>>)
        %run_scoped3A_41 = arith.constant 0 : i32
        "tpu.region"() ({
          %run_scoped3A_57 = tpu.sem_alloc : memref<!tpu.dma_semaphore, #tpu.memory_space<semaphore_mem>>
          %dma_start3A_58 = arith.constant 0 : i32
          %dma_start3A_59 = tpu.memref_slice %arg11[%run_scoped3A_41, %dma_start3A_58] : memref<1x128xi32, #tpu.memory_space<vmem>> -> memref<1x128xi32, #tpu.memory_space<vmem>>
          %dma_start3A_60 = tpu.memref_squeeze %dma_start3A_59 : memref<1x128xi32, #tpu.memory_space<vmem>> -> memref<128xi32, #tpu.memory_space<vmem>>
          %dma_start3A_61 = arith.constant 0 : i32
          %dma_start3A_62 = tpu.memref_slice %arg5[%arg1, %add3A_25, %dma_start3A_61] : memref<16x158x128xi32, #tpu.memory_space<hbm>> -> memref<1x1x128xi32, #tpu.memory_space<hbm>>
          %dma_start3A_63 = tpu.memref_squeeze %dma_start3A_62 : memref<1x1x128xi32, #tpu.memory_space<hbm>> -> memref<128xi32, #tpu.memory_space<hbm>>
          %dma_start3A_64 = arith.constant 0 : i32
          %dma_start3A_65 = tpu.memref_slice %arg11[%run_scoped3A_41, %dma_start3A_64] : memref<1x128xi32, #tpu.memory_space<vmem>> -> memref<1x128xi32, #tpu.memory_space<vmem>>
          %dma_start3A_66 = tpu.memref_squeeze %dma_start3A_65 : memref<1x128xi32, #tpu.memory_space<vmem>> -> memref<128xi32, #tpu.memory_space<vmem>>
          %dma_start3A_67 = arith.constant 0 : i32
          %dma_start3A_68 = tpu.memref_slice %arg5[%arg1, %add3A_25, %dma_start3A_67] : memref<16x158x128xi32, #tpu.memory_space<hbm>> -> memref<1x1x128xi32, #tpu.memory_space<hbm>>
          %dma_start3A_69 = tpu.memref_squeeze %dma_start3A_68 : memref<1x1x128xi32, #tpu.memory_space<hbm>> -> memref<128xi32, #tpu.memory_space<hbm>>
          tpu.enqueue_dma source(%dma_start3A_69 : memref<128xi32, #tpu.memory_space<hbm>>) target(%dma_start3A_66 : memref<128xi32, #tpu.memory_space<vmem>>) target_semaphore(%run_scoped3A_57 : memref<!tpu.dma_semaphore, #tpu.memory_space<semaphore_mem>>)
          %dma_wait3A_70 = arith.constant 0 : i32
          %dma_wait3A_71 = tpu.memref_slice %arg11[%run_scoped3A_41, %dma_wait3A_70] : memref<1x128xi32, #tpu.memory_space<vmem>> -> memref<1x128xi32, #tpu.memory_space<vmem>>
          %dma_wait3A_72 = tpu.memref_squeeze %dma_wait3A_71 : memref<1x128xi32, #tpu.memory_space<vmem>> -> memref<128xi32, #tpu.memory_space<vmem>>
          %dma_wait3A_73 = arith.constant 0 : i32
          %dma_wait3A_74 = tpu.memref_slice %arg5[%arg1, %add3A_25, %dma_wait3A_73] : memref<16x158x128xi32, #tpu.memory_space<hbm>> -> memref<1x1x128xi32, #tpu.memory_space<hbm>>
          %dma_wait3A_75 = tpu.memref_squeeze %dma_wait3A_74 : memref<1x1x128xi32, #tpu.memory_space<hbm>> -> memref<128xi32, #tpu.memory_space<hbm>>
          %dma_wait3A_76 = arith.constant 0 : i32
          %dma_wait3A_77 = tpu.memref_slice %arg11[%run_scoped3A_41, %dma_wait3A_76] : memref<1x128xi32, #tpu.memory_space<vmem>> -> memref<1x128xi32, #tpu.memory_space<vmem>>
          %dma_wait3A_78 = tpu.memref_squeeze %dma_wait3A_77 : memref<1x128xi32, #tpu.memory_space<vmem>> -> memref<128xi32, #tpu.memory_space<vmem>>
          %dma_wait3A_79 = arith.constant 0 : i32
          %dma_wait3A_80 = tpu.memref_slice %arg5[%arg1, %add3A_25, %dma_wait3A_79] : memref<16x158x128xi32, #tpu.memory_space<hbm>> -> memref<1x1x128xi32, #tpu.memory_space<hbm>>
          %dma_wait3A_81 = tpu.memref_squeeze %dma_wait3A_80 : memref<1x1x128xi32, #tpu.memory_space<hbm>> -> memref<128xi32, #tpu.memory_space<hbm>>
          tpu.wait_dma2 semaphore(%run_scoped3A_57 : memref<!tpu.dma_semaphore, #tpu.memory_space<semaphore_mem>>) src(%dma_wait3A_81 : memref<128xi32, #tpu.memory_space<hbm>>) dst(%dma_wait3A_78 : memref<128xi32, #tpu.memory_space<vmem>>)
          tpu.yield
        }) : () -> ()
        %dma_wait3A = arith.constant 0 : i32
        %dma_wait3A_42 = arith.constant 0 : i32
        %dma_wait3A_43 = tpu.memref_slice %arg8[%dma_wait3A, %dma_wait3A_42] : memref<1x128xi32, #tpu.memory_space<vmem>> -> memref<1x128xi32, #tpu.memory_space<vmem>>
        %dma_wait3A_44 = tpu.memref_squeeze %dma_wait3A_43 : memref<1x128xi32, #tpu.memory_space<vmem>> -> memref<128xi32, #tpu.memory_space<vmem>>
        %dma_wait3A_45 = arith.constant 0 : i32
        %dma_wait3A_46 = arith.constant 0 : i32
        %dma_wait3A_47 = tpu.memref_slice %arg2[%dma_wait3A_45, %dma_wait3A_46] : memref<10240x128xf32, #tpu.memory_space<hbm>> -> memref<10240x128xf32, #tpu.memory_space<hbm>>
        tpu.wait_indirect_dma semaphore(%arg15 : memref<!tpu.dma_semaphore, #tpu.memory_space<semaphore_mem>>) src(%dma_wait3A_47 : memref<10240x128xf32, #tpu.memory_space<hbm>>) dst(%arg12 : memref<128x128xf32, #tpu.memory_space<vmem>>)
        %run_scoped3A_48 = arith.constant 0 : i32
        "tpu.region"() ({
          %run_scoped3A_57 = tpu.sem_alloc : memref<!tpu.dma_semaphore, #tpu.memory_space<semaphore_mem>>
          %dma_start3A_58 = arith.constant 0 : i32
          %dma_start3A_59 = tpu.memref_slice %arg9[%run_scoped3A_48, %dma_start3A_58] : memref<1x128xi32, #tpu.memory_space<vmem>> -> memref<1x128xi32, #tpu.memory_space<vmem>>
          %dma_start3A_60 = tpu.memref_squeeze %dma_start3A_59 : memref<1x128xi32, #tpu.memory_space<vmem>> -> memref<128xi32, #tpu.memory_space<vmem>>
          %dma_start3A_61 = arith.constant 0 : i32
          %dma_start3A_62 = arith.constant 0 : i32
          %dma_start3A_63 = tpu.memref_slice %arg14[%dma_start3A_61, %dma_start3A_62] : memref<10240x128xf32, #tpu.memory_space<vmem_shared>> -> memref<10240x128xf32, #tpu.memory_space<vmem_shared>>
          tpu.enqueue_indirect_dma source(%arg12 : memref<128x128xf32, #tpu.memory_space<vmem>>) target(%dma_start3A_63 : memref<10240x128xf32, #tpu.memory_space<vmem_shared>>) offsets(%dma_start3A_60 : memref<128xi32, #tpu.memory_space<vmem>>) semaphore(%run_scoped3A_57 : memref<!tpu.dma_semaphore, #tpu.memory_space<semaphore_mem>>) {add = true}
          %dma_wait3A_64 = arith.constant 0 : i32
          %dma_wait3A_65 = tpu.memref_slice %arg9[%run_scoped3A_48, %dma_wait3A_64] : memref<1x128xi32, #tpu.memory_space<vmem>> -> memref<1x128xi32, #tpu.memory_space<vmem>>
          %dma_wait3A_66 = tpu.memref_squeeze %dma_wait3A_65 : memref<1x128xi32, #tpu.memory_space<vmem>> -> memref<128xi32, #tpu.memory_space<vmem>>
          %dma_wait3A_67 = arith.constant 0 : i32
          %dma_wait3A_68 = arith.constant 0 : i32
          %dma_wait3A_69 = tpu.memref_slice %arg14[%dma_wait3A_67, %dma_wait3A_68] : memref<10240x128xf32, #tpu.memory_space<vmem_shared>> -> memref<10240x128xf32, #tpu.memory_space<vmem_shared>>
          tpu.wait_indirect_dma semaphore(%run_scoped3A_57 : memref<!tpu.dma_semaphore, #tpu.memory_space<semaphore_mem>>) src(%arg12 : memref<128x128xf32, #tpu.memory_space<vmem>>) dst(%dma_wait3A_69 : memref<10240x128xf32, #tpu.memory_space<vmem_shared>>)
          tpu.yield
        }) : () -> ()
        %dma_wait3A_49 = arith.constant 0 : i32
        %dma_wait3A_50 = arith.constant 0 : i32
        %dma_wait3A_51 = tpu.memref_slice %arg10[%dma_wait3A_49, %dma_wait3A_50] : memref<1x128xi32, #tpu.memory_space<vmem>> -> memref<1x128xi32, #tpu.memory_space<vmem>>
        %dma_wait3A_52 = tpu.memref_squeeze %dma_wait3A_51 : memref<1x128xi32, #tpu.memory_space<vmem>> -> memref<128xi32, #tpu.memory_space<vmem>>
        %dma_wait3A_53 = arith.constant 0 : i32
        %dma_wait3A_54 = arith.constant 0 : i32
        %dma_wait3A_55 = tpu.memref_slice %arg2[%dma_wait3A_53, %dma_wait3A_54] : memref<10240x128xf32, #tpu.memory_space<hbm>> -> memref<10240x128xf32, #tpu.memory_space<hbm>>
        tpu.wait_indirect_dma semaphore(%arg16 : memref<!tpu.dma_semaphore, #tpu.memory_space<semaphore_mem>>) src(%dma_wait3A_55 : memref<10240x128xf32, #tpu.memory_space<hbm>>) dst(%arg13 : memref<128x128xf32, #tpu.memory_space<vmem>>)
        %run_scoped3A_56 = arith.constant 0 : i32
        "tpu.region"() ({
          %run_scoped3A_57 = tpu.sem_alloc : memref<!tpu.dma_semaphore, #tpu.memory_space<semaphore_mem>>
          %dma_start3A_58 = arith.constant 0 : i32
          %dma_start3A_59 = tpu.memref_slice %arg11[%run_scoped3A_56, %dma_start3A_58] : memref<1x128xi32, #tpu.memory_space<vmem>> -> memref<1x128xi32, #tpu.memory_space<vmem>>
          %dma_start3A_60 = tpu.memref_squeeze %dma_start3A_59 : memref<1x128xi32, #tpu.memory_space<vmem>> -> memref<128xi32, #tpu.memory_space<vmem>>
          %dma_start3A_61 = arith.constant 0 : i32
          %dma_start3A_62 = arith.constant 0 : i32
          %dma_start3A_63 = tpu.memref_slice %arg14[%dma_start3A_61, %dma_start3A_62] : memref<10240x128xf32, #tpu.memory_space<vmem_shared>> -> memref<10240x128xf32, #tpu.memory_space<vmem_shared>>
          tpu.enqueue_indirect_dma source(%arg13 : memref<128x128xf32, #tpu.memory_space<vmem>>) target(%dma_start3A_63 : memref<10240x128xf32, #tpu.memory_space<vmem_shared>>) offsets(%dma_start3A_60 : memref<128xi32, #tpu.memory_space<vmem>>) semaphore(%run_scoped3A_57 : memref<!tpu.dma_semaphore, #tpu.memory_space<semaphore_mem>>) {add = true}
          %dma_wait3A_64 = arith.constant 0 : i32
          %dma_wait3A_65 = tpu.memref_slice %arg11[%run_scoped3A_56, %dma_wait3A_64] : memref<1x128xi32, #tpu.memory_space<vmem>> -> memref<1x128xi32, #tpu.memory_space<vmem>>
          %dma_wait3A_66 = tpu.memref_squeeze %dma_wait3A_65 : memref<1x128xi32, #tpu.memory_space<vmem>> -> memref<128xi32, #tpu.memory_space<vmem>>
          %dma_wait3A_67 = arith.constant 0 : i32
          %dma_wait3A_68 = arith.constant 0 : i32
          %dma_wait3A_69 = tpu.memref_slice %arg14[%dma_wait3A_67, %dma_wait3A_68] : memref<10240x128xf32, #tpu.memory_space<vmem_shared>> -> memref<10240x128xf32, #tpu.memory_space<vmem_shared>>
          tpu.wait_indirect_dma semaphore(%run_scoped3A_57 : memref<!tpu.dma_semaphore, #tpu.memory_space<semaphore_mem>>) src(%arg13 : memref<128x128xf32, #tpu.memory_space<vmem>>) dst(%dma_wait3A_69 : memref<10240x128xf32, #tpu.memory_space<vmem_shared>>)
          tpu.yield
        }) : () -> ()
      }
      %scan3A_14 = arith.constant 79 : i32
      %barrier3A_15 = arith.constant 0 : index
      tpu.barrier barrier_id(%barrier3A_15)
      %mul3A_16 = arith.constant 640 : i32
      %mul3A_17 = arith.muli %arg1, %mul3A_16 : i32
      %mul3A_18 = arith.constant 640 : i32
      %mul3A_19 = arith.muli %arg1, %mul3A_18 : i32
      "tpu.region"() ({
        %run_scoped3A = tpu.sem_alloc : memref<!tpu.dma_semaphore, #tpu.memory_space<semaphore_mem>>
        %dma_start3A = arith.constant 0 : i32
        %dma_start3A_20 = tpu.memref_slice %arg6[%mul3A_19, %dma_start3A] : memref<10240x128xf32, #tpu.memory_space<hbm>> -> memref<640x128xf32, #tpu.memory_space<hbm>>
        %dma_start3A_21 = arith.constant 0 : i32
        %dma_start3A_22 = tpu.memref_slice %arg14[%mul3A_17, %dma_start3A_21] : memref<10240x128xf32, #tpu.memory_space<vmem_shared>> -> memref<640x128xf32, #tpu.memory_space<vmem_shared>>
        tpu.enqueue_dma source(%dma_start3A_22 : memref<640x128xf32, #tpu.memory_space<vmem_shared>>) target(%dma_start3A_20 : memref<640x128xf32, #tpu.memory_space<hbm>>) target_semaphore(%run_scoped3A : memref<!tpu.dma_semaphore, #tpu.memory_space<semaphore_mem>>)
        %dma_wait3A = arith.constant 0 : i32
        %dma_wait3A_23 = tpu.memref_slice %arg6[%mul3A_19, %dma_wait3A] : memref<10240x128xf32, #tpu.memory_space<hbm>> -> memref<640x128xf32, #tpu.memory_space<hbm>>
        %dma_wait3A_24 = arith.constant 0 : i32
        %dma_wait3A_25 = tpu.memref_slice %arg14[%mul3A_17, %dma_wait3A_24] : memref<10240x128xf32, #tpu.memory_space<vmem_shared>> -> memref<640x128xf32, #tpu.memory_space<vmem_shared>>
        tpu.wait_dma2 semaphore(%run_scoped3A : memref<!tpu.dma_semaphore, #tpu.memory_space<semaphore_mem>>) src(%dma_wait3A_25 : memref<640x128xf32, #tpu.memory_space<vmem_shared>>) dst(%dma_wait3A_23 : memref<640x128xf32, #tpu.memory_space<hbm>>)
        tpu.yield
      }) : () -> ()
    } else {
    }
    %eq3A_2 = arith.constant 1 : i32
    %eq3A_3 = arith.cmpi eq, %arg0, %eq3A_2 : i32
    %convert_element_type3A_4 = arith.extui %eq3A_3 : i1 to i32
    %cond3A_5 = arith.constant 0 : i32
    %cond3A_6 = arith.cmpi ne, %convert_element_type3A_4, %cond3A_5 : i32
    scf.if %cond3A_6 {
      %mul3A = arith.constant 640 : i32
      %mul3A_7 = arith.muli %arg1, %mul3A : i32
      %mul3A_8 = arith.constant 640 : i32
      %mul3A_9 = arith.muli %arg1, %mul3A_8 : i32
      "tpu.region"() ({
        %run_scoped3A = tpu.sem_alloc : memref<!tpu.dma_semaphore, #tpu.memory_space<semaphore_mem>>
        %dma_start3A = arith.constant 0 : i32
        %dma_start3A_20 = tpu.memref_slice %arg14[%mul3A_9, %dma_start3A] : memref<10240x128xf32, #tpu.memory_space<vmem_shared>> -> memref<640x128xf32, #tpu.memory_space<vmem_shared>>
        %dma_start3A_21 = arith.constant 0 : i32
        %dma_start3A_22 = tpu.memref_slice %arg3[%mul3A_7, %dma_start3A_21] : memref<10240x128xf32, #tpu.memory_space<hbm>> -> memref<640x128xf32, #tpu.memory_space<hbm>>
        tpu.enqueue_dma source(%dma_start3A_22 : memref<640x128xf32, #tpu.memory_space<hbm>>) target(%dma_start3A_20 : memref<640x128xf32, #tpu.memory_space<vmem_shared>>) target_semaphore(%run_scoped3A : memref<!tpu.dma_semaphore, #tpu.memory_space<semaphore_mem>>)
        %dma_wait3A = arith.constant 0 : i32
        %dma_wait3A_23 = tpu.memref_slice %arg14[%mul3A_9, %dma_wait3A] : memref<10240x128xf32, #tpu.memory_space<vmem_shared>> -> memref<640x128xf32, #tpu.memory_space<vmem_shared>>
        %dma_wait3A_24 = arith.constant 0 : i32
        %dma_wait3A_25 = tpu.memref_slice %arg3[%mul3A_7, %dma_wait3A_24] : memref<10240x128xf32, #tpu.memory_space<hbm>> -> memref<640x128xf32, #tpu.memory_space<hbm>>
        tpu.wait_dma2 semaphore(%run_scoped3A : memref<!tpu.dma_semaphore, #tpu.memory_space<semaphore_mem>>) src(%dma_wait3A_25 : memref<640x128xf32, #tpu.memory_space<hbm>>) dst(%dma_wait3A_23 : memref<640x128xf32, #tpu.memory_space<vmem_shared>>)
        tpu.yield
      }) : () -> ()
      %barrier3A = arith.constant 0 : index
      tpu.barrier barrier_id(%barrier3A)
      %scan3A = arith.constant 0 : i32
      %scan3A_10 = arith.constant 0 : i32
      %scan3A_11 = arith.constant 79 : i32
      %scan3A_12 = arith.addi %scan3A_10, %scan3A_11 : i32
      %scan3A_13 = arith.constant 1 : i32
      scf.for %scan3A_20 = %scan3A_10 to %scan3A_12 step %scan3A_13  : i32 {
        %mul3A_21 = arith.constant 2 : i32
        %mul3A_22 = arith.muli %mul3A_21, %scan3A_20 : i32
        %mul3A_23 = arith.constant 2 : i32
        %mul3A_24 = arith.muli %mul3A_23, %scan3A_20 : i32
        %add3A = arith.constant 1 : i32
        %add3A_25 = arith.addi %mul3A_24, %add3A : i32
        %run_scoped3A = arith.constant 0 : i32
        "tpu.region"() ({
          %run_scoped3A_57 = tpu.sem_alloc : memref<!tpu.dma_semaphore, #tpu.memory_space<semaphore_mem>>
          %dma_start3A_58 = arith.constant 0 : i32
          %dma_start3A_59 = tpu.memref_slice %arg8[%run_scoped3A, %dma_start3A_58] : memref<1x128xi32, #tpu.memory_space<vmem>> -> memref<1x128xi32, #tpu.memory_space<vmem>>
          %dma_start3A_60 = tpu.memref_squeeze %dma_start3A_59 : memref<1x128xi32, #tpu.memory_space<vmem>> -> memref<128xi32, #tpu.memory_space<vmem>>
          %dma_start3A_61 = arith.constant 0 : i32
          %dma_start3A_62 = tpu.memref_slice %arg4[%arg1, %mul3A_22, %dma_start3A_61] : memref<16x158x128xi32, #tpu.memory_space<hbm>> -> memref<1x1x128xi32, #tpu.memory_space<hbm>>
          %dma_start3A_63 = tpu.memref_squeeze %dma_start3A_62 : memref<1x1x128xi32, #tpu.memory_space<hbm>> -> memref<128xi32, #tpu.memory_space<hbm>>
          %dma_start3A_64 = arith.constant 0 : i32
          %dma_start3A_65 = tpu.memref_slice %arg8[%run_scoped3A, %dma_start3A_64] : memref<1x128xi32, #tpu.memory_space<vmem>> -> memref<1x128xi32, #tpu.memory_space<vmem>>
          %dma_start3A_66 = tpu.memref_squeeze %dma_start3A_65 : memref<1x128xi32, #tpu.memory_space<vmem>> -> memref<128xi32, #tpu.memory_space<vmem>>
          %dma_start3A_67 = arith.constant 0 : i32
          %dma_start3A_68 = tpu.memref_slice %arg4[%arg1, %mul3A_22, %dma_start3A_67] : memref<16x158x128xi32, #tpu.memory_space<hbm>> -> memref<1x1x128xi32, #tpu.memory_space<hbm>>
          %dma_start3A_69 = tpu.memref_squeeze %dma_start3A_68 : memref<1x1x128xi32, #tpu.memory_space<hbm>> -> memref<128xi32, #tpu.memory_space<hbm>>
          tpu.enqueue_dma source(%dma_start3A_69 : memref<128xi32, #tpu.memory_space<hbm>>) target(%dma_start3A_66 : memref<128xi32, #tpu.memory_space<vmem>>) target_semaphore(%run_scoped3A_57 : memref<!tpu.dma_semaphore, #tpu.memory_space<semaphore_mem>>)
          %dma_wait3A_70 = arith.constant 0 : i32
          %dma_wait3A_71 = tpu.memref_slice %arg8[%run_scoped3A, %dma_wait3A_70] : memref<1x128xi32, #tpu.memory_space<vmem>> -> memref<1x128xi32, #tpu.memory_space<vmem>>
          %dma_wait3A_72 = tpu.memref_squeeze %dma_wait3A_71 : memref<1x128xi32, #tpu.memory_space<vmem>> -> memref<128xi32, #tpu.memory_space<vmem>>
          %dma_wait3A_73 = arith.constant 0 : i32
          %dma_wait3A_74 = tpu.memref_slice %arg4[%arg1, %mul3A_22, %dma_wait3A_73] : memref<16x158x128xi32, #tpu.memory_space<hbm>> -> memref<1x1x128xi32, #tpu.memory_space<hbm>>
          %dma_wait3A_75 = tpu.memref_squeeze %dma_wait3A_74 : memref<1x1x128xi32, #tpu.memory_space<hbm>> -> memref<128xi32, #tpu.memory_space<hbm>>
          %dma_wait3A_76 = arith.constant 0 : i32
          %dma_wait3A_77 = tpu.memref_slice %arg8[%run_scoped3A, %dma_wait3A_76] : memref<1x128xi32, #tpu.memory_space<vmem>> -> memref<1x128xi32, #tpu.memory_space<vmem>>
          %dma_wait3A_78 = tpu.memref_squeeze %dma_wait3A_77 : memref<1x128xi32, #tpu.memory_space<vmem>> -> memref<128xi32, #tpu.memory_space<vmem>>
          %dma_wait3A_79 = arith.constant 0 : i32
          %dma_wait3A_80 = tpu.memref_slice %arg4[%arg1, %mul3A_22, %dma_wait3A_79] : memref<16x158x128xi32, #tpu.memory_space<hbm>> -> memref<1x1x128xi32, #tpu.memory_space<hbm>>
          %dma_wait3A_81 = tpu.memref_squeeze %dma_wait3A_80 : memref<1x1x128xi32, #tpu.memory_space<hbm>> -> memref<128xi32, #tpu.memory_space<hbm>>
          tpu.wait_dma2 semaphore(%run_scoped3A_57 : memref<!tpu.dma_semaphore, #tpu.memory_space<semaphore_mem>>) src(%dma_wait3A_81 : memref<128xi32, #tpu.memory_space<hbm>>) dst(%dma_wait3A_78 : memref<128xi32, #tpu.memory_space<vmem>>)
          tpu.yield
        }) : () -> ()
        %dma_start3A = arith.constant 0 : i32
        %dma_start3A_26 = arith.constant 0 : i32
        %dma_start3A_27 = tpu.memref_slice %arg8[%dma_start3A, %dma_start3A_26] : memref<1x128xi32, #tpu.memory_space<vmem>> -> memref<1x128xi32, #tpu.memory_space<vmem>>
        %dma_start3A_28 = tpu.memref_squeeze %dma_start3A_27 : memref<1x128xi32, #tpu.memory_space<vmem>> -> memref<128xi32, #tpu.memory_space<vmem>>
        %dma_start3A_29 = arith.constant 0 : i32
        %dma_start3A_30 = arith.constant 0 : i32
        %dma_start3A_31 = tpu.memref_slice %arg3[%dma_start3A_29, %dma_start3A_30] : memref<10240x128xf32, #tpu.memory_space<hbm>> -> memref<10240x128xf32, #tpu.memory_space<hbm>>
        tpu.enqueue_indirect_dma source(%dma_start3A_31 : memref<10240x128xf32, #tpu.memory_space<hbm>>) target(%arg12 : memref<128x128xf32, #tpu.memory_space<vmem>>) offsets(%dma_start3A_28 : memref<128xi32, #tpu.memory_space<vmem>>) semaphore(%arg15 : memref<!tpu.dma_semaphore, #tpu.memory_space<semaphore_mem>>)
        %run_scoped3A_32 = arith.constant 0 : i32
        "tpu.region"() ({
          %run_scoped3A_57 = tpu.sem_alloc : memref<!tpu.dma_semaphore, #tpu.memory_space<semaphore_mem>>
          %dma_start3A_58 = arith.constant 0 : i32
          %dma_start3A_59 = tpu.memref_slice %arg9[%run_scoped3A_32, %dma_start3A_58] : memref<1x128xi32, #tpu.memory_space<vmem>> -> memref<1x128xi32, #tpu.memory_space<vmem>>
          %dma_start3A_60 = tpu.memref_squeeze %dma_start3A_59 : memref<1x128xi32, #tpu.memory_space<vmem>> -> memref<128xi32, #tpu.memory_space<vmem>>
          %dma_start3A_61 = arith.constant 0 : i32
          %dma_start3A_62 = tpu.memref_slice %arg5[%arg1, %mul3A_22, %dma_start3A_61] : memref<16x158x128xi32, #tpu.memory_space<hbm>> -> memref<1x1x128xi32, #tpu.memory_space<hbm>>
          %dma_start3A_63 = tpu.memref_squeeze %dma_start3A_62 : memref<1x1x128xi32, #tpu.memory_space<hbm>> -> memref<128xi32, #tpu.memory_space<hbm>>
          %dma_start3A_64 = arith.constant 0 : i32
          %dma_start3A_65 = tpu.memref_slice %arg9[%run_scoped3A_32, %dma_start3A_64] : memref<1x128xi32, #tpu.memory_space<vmem>> -> memref<1x128xi32, #tpu.memory_space<vmem>>
          %dma_start3A_66 = tpu.memref_squeeze %dma_start3A_65 : memref<1x128xi32, #tpu.memory_space<vmem>> -> memref<128xi32, #tpu.memory_space<vmem>>
          %dma_start3A_67 = arith.constant 0 : i32
          %dma_start3A_68 = tpu.memref_slice %arg5[%arg1, %mul3A_22, %dma_start3A_67] : memref<16x158x128xi32, #tpu.memory_space<hbm>> -> memref<1x1x128xi32, #tpu.memory_space<hbm>>
          %dma_start3A_69 = tpu.memref_squeeze %dma_start3A_68 : memref<1x1x128xi32, #tpu.memory_space<hbm>> -> memref<128xi32, #tpu.memory_space<hbm>>
          tpu.enqueue_dma source(%dma_start3A_69 : memref<128xi32, #tpu.memory_space<hbm>>) target(%dma_start3A_66 : memref<128xi32, #tpu.memory_space<vmem>>) target_semaphore(%run_scoped3A_57 : memref<!tpu.dma_semaphore, #tpu.memory_space<semaphore_mem>>)
          %dma_wait3A_70 = arith.constant 0 : i32
          %dma_wait3A_71 = tpu.memref_slice %arg9[%run_scoped3A_32, %dma_wait3A_70] : memref<1x128xi32, #tpu.memory_space<vmem>> -> memref<1x128xi32, #tpu.memory_space<vmem>>
          %dma_wait3A_72 = tpu.memref_squeeze %dma_wait3A_71 : memref<1x128xi32, #tpu.memory_space<vmem>> -> memref<128xi32, #tpu.memory_space<vmem>>
          %dma_wait3A_73 = arith.constant 0 : i32
          %dma_wait3A_74 = tpu.memref_slice %arg5[%arg1, %mul3A_22, %dma_wait3A_73] : memref<16x158x128xi32, #tpu.memory_space<hbm>> -> memref<1x1x128xi32, #tpu.memory_space<hbm>>
          %dma_wait3A_75 = tpu.memref_squeeze %dma_wait3A_74 : memref<1x1x128xi32, #tpu.memory_space<hbm>> -> memref<128xi32, #tpu.memory_space<hbm>>
          %dma_wait3A_76 = arith.constant 0 : i32
          %dma_wait3A_77 = tpu.memref_slice %arg9[%run_scoped3A_32, %dma_wait3A_76] : memref<1x128xi32, #tpu.memory_space<vmem>> -> memref<1x128xi32, #tpu.memory_space<vmem>>
          %dma_wait3A_78 = tpu.memref_squeeze %dma_wait3A_77 : memref<1x128xi32, #tpu.memory_space<vmem>> -> memref<128xi32, #tpu.memory_space<vmem>>
          %dma_wait3A_79 = arith.constant 0 : i32
          %dma_wait3A_80 = tpu.memref_slice %arg5[%arg1, %mul3A_22, %dma_wait3A_79] : memref<16x158x128xi32, #tpu.memory_space<hbm>> -> memref<1x1x128xi32, #tpu.memory_space<hbm>>
          %dma_wait3A_81 = tpu.memref_squeeze %dma_wait3A_80 : memref<1x1x128xi32, #tpu.memory_space<hbm>> -> memref<128xi32, #tpu.memory_space<hbm>>
          tpu.wait_dma2 semaphore(%run_scoped3A_57 : memref<!tpu.dma_semaphore, #tpu.memory_space<semaphore_mem>>) src(%dma_wait3A_81 : memref<128xi32, #tpu.memory_space<hbm>>) dst(%dma_wait3A_78 : memref<128xi32, #tpu.memory_space<vmem>>)
          tpu.yield
        }) : () -> ()
        %run_scoped3A_33 = arith.constant 0 : i32
        "tpu.region"() ({
          %run_scoped3A_57 = tpu.sem_alloc : memref<!tpu.dma_semaphore, #tpu.memory_space<semaphore_mem>>
          %dma_start3A_58 = arith.constant 0 : i32
          %dma_start3A_59 = tpu.memref_slice %arg10[%run_scoped3A_33, %dma_start3A_58] : memref<1x128xi32, #tpu.memory_space<vmem>> -> memref<1x128xi32, #tpu.memory_space<vmem>>
          %dma_start3A_60 = tpu.memref_squeeze %dma_start3A_59 : memref<1x128xi32, #tpu.memory_space<vmem>> -> memref<128xi32, #tpu.memory_space<vmem>>
          %dma_start3A_61 = arith.constant 0 : i32
          %dma_start3A_62 = tpu.memref_slice %arg4[%arg1, %add3A_25, %dma_start3A_61] : memref<16x158x128xi32, #tpu.memory_space<hbm>> -> memref<1x1x128xi32, #tpu.memory_space<hbm>>
          %dma_start3A_63 = tpu.memref_squeeze %dma_start3A_62 : memref<1x1x128xi32, #tpu.memory_space<hbm>> -> memref<128xi32, #tpu.memory_space<hbm>>
          %dma_start3A_64 = arith.constant 0 : i32
          %dma_start3A_65 = tpu.memref_slice %arg10[%run_scoped3A_33, %dma_start3A_64] : memref<1x128xi32, #tpu.memory_space<vmem>> -> memref<1x128xi32, #tpu.memory_space<vmem>>
          %dma_start3A_66 = tpu.memref_squeeze %dma_start3A_65 : memref<1x128xi32, #tpu.memory_space<vmem>> -> memref<128xi32, #tpu.memory_space<vmem>>
          %dma_start3A_67 = arith.constant 0 : i32
          %dma_start3A_68 = tpu.memref_slice %arg4[%arg1, %add3A_25, %dma_start3A_67] : memref<16x158x128xi32, #tpu.memory_space<hbm>> -> memref<1x1x128xi32, #tpu.memory_space<hbm>>
          %dma_start3A_69 = tpu.memref_squeeze %dma_start3A_68 : memref<1x1x128xi32, #tpu.memory_space<hbm>> -> memref<128xi32, #tpu.memory_space<hbm>>
          tpu.enqueue_dma source(%dma_start3A_69 : memref<128xi32, #tpu.memory_space<hbm>>) target(%dma_start3A_66 : memref<128xi32, #tpu.memory_space<vmem>>) target_semaphore(%run_scoped3A_57 : memref<!tpu.dma_semaphore, #tpu.memory_space<semaphore_mem>>)
          %dma_wait3A_70 = arith.constant 0 : i32
          %dma_wait3A_71 = tpu.memref_slice %arg10[%run_scoped3A_33, %dma_wait3A_70] : memref<1x128xi32, #tpu.memory_space<vmem>> -> memref<1x128xi32, #tpu.memory_space<vmem>>
          %dma_wait3A_72 = tpu.memref_squeeze %dma_wait3A_71 : memref<1x128xi32, #tpu.memory_space<vmem>> -> memref<128xi32, #tpu.memory_space<vmem>>
          %dma_wait3A_73 = arith.constant 0 : i32
          %dma_wait3A_74 = tpu.memref_slice %arg4[%arg1, %add3A_25, %dma_wait3A_73] : memref<16x158x128xi32, #tpu.memory_space<hbm>> -> memref<1x1x128xi32, #tpu.memory_space<hbm>>
          %dma_wait3A_75 = tpu.memref_squeeze %dma_wait3A_74 : memref<1x1x128xi32, #tpu.memory_space<hbm>> -> memref<128xi32, #tpu.memory_space<hbm>>
          %dma_wait3A_76 = arith.constant 0 : i32
          %dma_wait3A_77 = tpu.memref_slice %arg10[%run_scoped3A_33, %dma_wait3A_76] : memref<1x128xi32, #tpu.memory_space<vmem>> -> memref<1x128xi32, #tpu.memory_space<vmem>>
          %dma_wait3A_78 = tpu.memref_squeeze %dma_wait3A_77 : memref<1x128xi32, #tpu.memory_space<vmem>> -> memref<128xi32, #tpu.memory_space<vmem>>
          %dma_wait3A_79 = arith.constant 0 : i32
          %dma_wait3A_80 = tpu.memref_slice %arg4[%arg1, %add3A_25, %dma_wait3A_79] : memref<16x158x128xi32, #tpu.memory_space<hbm>> -> memref<1x1x128xi32, #tpu.memory_space<hbm>>
          %dma_wait3A_81 = tpu.memref_squeeze %dma_wait3A_80 : memref<1x1x128xi32, #tpu.memory_space<hbm>> -> memref<128xi32, #tpu.memory_space<hbm>>
          tpu.wait_dma2 semaphore(%run_scoped3A_57 : memref<!tpu.dma_semaphore, #tpu.memory_space<semaphore_mem>>) src(%dma_wait3A_81 : memref<128xi32, #tpu.memory_space<hbm>>) dst(%dma_wait3A_78 : memref<128xi32, #tpu.memory_space<vmem>>)
          tpu.yield
        }) : () -> ()
        %dma_start3A_34 = arith.constant 0 : i32
        %dma_start3A_35 = arith.constant 0 : i32
        %dma_start3A_36 = tpu.memref_slice %arg10[%dma_start3A_34, %dma_start3A_35] : memref<1x128xi32, #tpu.memory_space<vmem>> -> memref<1x128xi32, #tpu.memory_space<vmem>>
        %dma_start3A_37 = tpu.memref_squeeze %dma_start3A_36 : memref<1x128xi32, #tpu.memory_space<vmem>> -> memref<128xi32, #tpu.memory_space<vmem>>
        %dma_start3A_38 = arith.constant 0 : i32
        %dma_start3A_39 = arith.constant 0 : i32
        %dma_start3A_40 = tpu.memref_slice %arg3[%dma_start3A_38, %dma_start3A_39] : memref<10240x128xf32, #tpu.memory_space<hbm>> -> memref<10240x128xf32, #tpu.memory_space<hbm>>
        tpu.enqueue_indirect_dma source(%dma_start3A_40 : memref<10240x128xf32, #tpu.memory_space<hbm>>) target(%arg13 : memref<128x128xf32, #tpu.memory_space<vmem>>) offsets(%dma_start3A_37 : memref<128xi32, #tpu.memory_space<vmem>>) semaphore(%arg16 : memref<!tpu.dma_semaphore, #tpu.memory_space<semaphore_mem>>)
        %run_scoped3A_41 = arith.constant 0 : i32
        "tpu.region"() ({
          %run_scoped3A_57 = tpu.sem_alloc : memref<!tpu.dma_semaphore, #tpu.memory_space<semaphore_mem>>
          %dma_start3A_58 = arith.constant 0 : i32
          %dma_start3A_59 = tpu.memref_slice %arg11[%run_scoped3A_41, %dma_start3A_58] : memref<1x128xi32, #tpu.memory_space<vmem>> -> memref<1x128xi32, #tpu.memory_space<vmem>>
          %dma_start3A_60 = tpu.memref_squeeze %dma_start3A_59 : memref<1x128xi32, #tpu.memory_space<vmem>> -> memref<128xi32, #tpu.memory_space<vmem>>
          %dma_start3A_61 = arith.constant 0 : i32
          %dma_start3A_62 = tpu.memref_slice %arg5[%arg1, %add3A_25, %dma_start3A_61] : memref<16x158x128xi32, #tpu.memory_space<hbm>> -> memref<1x1x128xi32, #tpu.memory_space<hbm>>
          %dma_start3A_63 = tpu.memref_squeeze %dma_start3A_62 : memref<1x1x128xi32, #tpu.memory_space<hbm>> -> memref<128xi32, #tpu.memory_space<hbm>>
          %dma_start3A_64 = arith.constant 0 : i32
          %dma_start3A_65 = tpu.memref_slice %arg11[%run_scoped3A_41, %dma_start3A_64] : memref<1x128xi32, #tpu.memory_space<vmem>> -> memref<1x128xi32, #tpu.memory_space<vmem>>
          %dma_start3A_66 = tpu.memref_squeeze %dma_start3A_65 : memref<1x128xi32, #tpu.memory_space<vmem>> -> memref<128xi32, #tpu.memory_space<vmem>>
          %dma_start3A_67 = arith.constant 0 : i32
          %dma_start3A_68 = tpu.memref_slice %arg5[%arg1, %add3A_25, %dma_start3A_67] : memref<16x158x128xi32, #tpu.memory_space<hbm>> -> memref<1x1x128xi32, #tpu.memory_space<hbm>>
          %dma_start3A_69 = tpu.memref_squeeze %dma_start3A_68 : memref<1x1x128xi32, #tpu.memory_space<hbm>> -> memref<128xi32, #tpu.memory_space<hbm>>
          tpu.enqueue_dma source(%dma_start3A_69 : memref<128xi32, #tpu.memory_space<hbm>>) target(%dma_start3A_66 : memref<128xi32, #tpu.memory_space<vmem>>) target_semaphore(%run_scoped3A_57 : memref<!tpu.dma_semaphore, #tpu.memory_space<semaphore_mem>>)
          %dma_wait3A_70 = arith.constant 0 : i32
          %dma_wait3A_71 = tpu.memref_slice %arg11[%run_scoped3A_41, %dma_wait3A_70] : memref<1x128xi32, #tpu.memory_space<vmem>> -> memref<1x128xi32, #tpu.memory_space<vmem>>
          %dma_wait3A_72 = tpu.memref_squeeze %dma_wait3A_71 : memref<1x128xi32, #tpu.memory_space<vmem>> -> memref<128xi32, #tpu.memory_space<vmem>>
          %dma_wait3A_73 = arith.constant 0 : i32
          %dma_wait3A_74 = tpu.memref_slice %arg5[%arg1, %add3A_25, %dma_wait3A_73] : memref<16x158x128xi32, #tpu.memory_space<hbm>> -> memref<1x1x128xi32, #tpu.memory_space<hbm>>
          %dma_wait3A_75 = tpu.memref_squeeze %dma_wait3A_74 : memref<1x1x128xi32, #tpu.memory_space<hbm>> -> memref<128xi32, #tpu.memory_space<hbm>>
          %dma_wait3A_76 = arith.constant 0 : i32
          %dma_wait3A_77 = tpu.memref_slice %arg11[%run_scoped3A_41, %dma_wait3A_76] : memref<1x128xi32, #tpu.memory_space<vmem>> -> memref<1x128xi32, #tpu.memory_space<vmem>>
          %dma_wait3A_78 = tpu.memref_squeeze %dma_wait3A_77 : memref<1x128xi32, #tpu.memory_space<vmem>> -> memref<128xi32, #tpu.memory_space<vmem>>
          %dma_wait3A_79 = arith.constant 0 : i32
          %dma_wait3A_80 = tpu.memref_slice %arg5[%arg1, %add3A_25, %dma_wait3A_79] : memref<16x158x128xi32, #tpu.memory_space<hbm>> -> memref<1x1x128xi32, #tpu.memory_space<hbm>>
          %dma_wait3A_81 = tpu.memref_squeeze %dma_wait3A_80 : memref<1x1x128xi32, #tpu.memory_space<hbm>> -> memref<128xi32, #tpu.memory_space<hbm>>
          tpu.wait_dma2 semaphore(%run_scoped3A_57 : memref<!tpu.dma_semaphore, #tpu.memory_space<semaphore_mem>>) src(%dma_wait3A_81 : memref<128xi32, #tpu.memory_space<hbm>>) dst(%dma_wait3A_78 : memref<128xi32, #tpu.memory_space<vmem>>)
          tpu.yield
        }) : () -> ()
        %dma_wait3A = arith.constant 0 : i32
        %dma_wait3A_42 = arith.constant 0 : i32
        %dma_wait3A_43 = tpu.memref_slice %arg8[%dma_wait3A, %dma_wait3A_42] : memref<1x128xi32, #tpu.memory_space<vmem>> -> memref<1x128xi32, #tpu.memory_space<vmem>>
        %dma_wait3A_44 = tpu.memref_squeeze %dma_wait3A_43 : memref<1x128xi32, #tpu.memory_space<vmem>> -> memref<128xi32, #tpu.memory_space<vmem>>
        %dma_wait3A_45 = arith.constant 0 : i32
        %dma_wait3A_46 = arith.constant 0 : i32
        %dma_wait3A_47 = tpu.memref_slice %arg3[%dma_wait3A_45, %dma_wait3A_46] : memref<10240x128xf32, #tpu.memory_space<hbm>> -> memref<10240x128xf32, #tpu.memory_space<hbm>>
        tpu.wait_indirect_dma semaphore(%arg15 : memref<!tpu.dma_semaphore, #tpu.memory_space<semaphore_mem>>) src(%dma_wait3A_47 : memref<10240x128xf32, #tpu.memory_space<hbm>>) dst(%arg12 : memref<128x128xf32, #tpu.memory_space<vmem>>)
        %run_scoped3A_48 = arith.constant 0 : i32
        "tpu.region"() ({
          %run_scoped3A_57 = tpu.sem_alloc : memref<!tpu.dma_semaphore, #tpu.memory_space<semaphore_mem>>
          %dma_start3A_58 = arith.constant 0 : i32
          %dma_start3A_59 = tpu.memref_slice %arg9[%run_scoped3A_48, %dma_start3A_58] : memref<1x128xi32, #tpu.memory_space<vmem>> -> memref<1x128xi32, #tpu.memory_space<vmem>>
          %dma_start3A_60 = tpu.memref_squeeze %dma_start3A_59 : memref<1x128xi32, #tpu.memory_space<vmem>> -> memref<128xi32, #tpu.memory_space<vmem>>
          %dma_start3A_61 = arith.constant 0 : i32
          %dma_start3A_62 = arith.constant 0 : i32
          %dma_start3A_63 = tpu.memref_slice %arg14[%dma_start3A_61, %dma_start3A_62] : memref<10240x128xf32, #tpu.memory_space<vmem_shared>> -> memref<10240x128xf32, #tpu.memory_space<vmem_shared>>
          tpu.enqueue_indirect_dma source(%arg12 : memref<128x128xf32, #tpu.memory_space<vmem>>) target(%dma_start3A_63 : memref<10240x128xf32, #tpu.memory_space<vmem_shared>>) offsets(%dma_start3A_60 : memref<128xi32, #tpu.memory_space<vmem>>) semaphore(%run_scoped3A_57 : memref<!tpu.dma_semaphore, #tpu.memory_space<semaphore_mem>>) {add = true}
          %dma_wait3A_64 = arith.constant 0 : i32
          %dma_wait3A_65 = tpu.memref_slice %arg9[%run_scoped3A_48, %dma_wait3A_64] : memref<1x128xi32, #tpu.memory_space<vmem>> -> memref<1x128xi32, #tpu.memory_space<vmem>>
          %dma_wait3A_66 = tpu.memref_squeeze %dma_wait3A_65 : memref<1x128xi32, #tpu.memory_space<vmem>> -> memref<128xi32, #tpu.memory_space<vmem>>
          %dma_wait3A_67 = arith.constant 0 : i32
          %dma_wait3A_68 = arith.constant 0 : i32
          %dma_wait3A_69 = tpu.memref_slice %arg14[%dma_wait3A_67, %dma_wait3A_68] : memref<10240x128xf32, #tpu.memory_space<vmem_shared>> -> memref<10240x128xf32, #tpu.memory_space<vmem_shared>>
          tpu.wait_indirect_dma semaphore(%run_scoped3A_57 : memref<!tpu.dma_semaphore, #tpu.memory_space<semaphore_mem>>) src(%arg12 : memref<128x128xf32, #tpu.memory_space<vmem>>) dst(%dma_wait3A_69 : memref<10240x128xf32, #tpu.memory_space<vmem_shared>>)
          tpu.yield
        }) : () -> ()
        %dma_wait3A_49 = arith.constant 0 : i32
        %dma_wait3A_50 = arith.constant 0 : i32
        %dma_wait3A_51 = tpu.memref_slice %arg10[%dma_wait3A_49, %dma_wait3A_50] : memref<1x128xi32, #tpu.memory_space<vmem>> -> memref<1x128xi32, #tpu.memory_space<vmem>>
        %dma_wait3A_52 = tpu.memref_squeeze %dma_wait3A_51 : memref<1x128xi32, #tpu.memory_space<vmem>> -> memref<128xi32, #tpu.memory_space<vmem>>
        %dma_wait3A_53 = arith.constant 0 : i32
        %dma_wait3A_54 = arith.constant 0 : i32
        %dma_wait3A_55 = tpu.memref_slice %arg3[%dma_wait3A_53, %dma_wait3A_54] : memref<10240x128xf32, #tpu.memory_space<hbm>> -> memref<10240x128xf32, #tpu.memory_space<hbm>>
        tpu.wait_indirect_dma semaphore(%arg16 : memref<!tpu.dma_semaphore, #tpu.memory_space<semaphore_mem>>) src(%dma_wait3A_55 : memref<10240x128xf32, #tpu.memory_space<hbm>>) dst(%arg13 : memref<128x128xf32, #tpu.memory_space<vmem>>)
        %run_scoped3A_56 = arith.constant 0 : i32
        "tpu.region"() ({
          %run_scoped3A_57 = tpu.sem_alloc : memref<!tpu.dma_semaphore, #tpu.memory_space<semaphore_mem>>
          %dma_start3A_58 = arith.constant 0 : i32
          %dma_start3A_59 = tpu.memref_slice %arg11[%run_scoped3A_56, %dma_start3A_58] : memref<1x128xi32, #tpu.memory_space<vmem>> -> memref<1x128xi32, #tpu.memory_space<vmem>>
          %dma_start3A_60 = tpu.memref_squeeze %dma_start3A_59 : memref<1x128xi32, #tpu.memory_space<vmem>> -> memref<128xi32, #tpu.memory_space<vmem>>
          %dma_start3A_61 = arith.constant 0 : i32
          %dma_start3A_62 = arith.constant 0 : i32
          %dma_start3A_63 = tpu.memref_slice %arg14[%dma_start3A_61, %dma_start3A_62] : memref<10240x128xf32, #tpu.memory_space<vmem_shared>> -> memref<10240x128xf32, #tpu.memory_space<vmem_shared>>
          tpu.enqueue_indirect_dma source(%arg13 : memref<128x128xf32, #tpu.memory_space<vmem>>) target(%dma_start3A_63 : memref<10240x128xf32, #tpu.memory_space<vmem_shared>>) offsets(%dma_start3A_60 : memref<128xi32, #tpu.memory_space<vmem>>) semaphore(%run_scoped3A_57 : memref<!tpu.dma_semaphore, #tpu.memory_space<semaphore_mem>>) {add = true}
          %dma_wait3A_64 = arith.constant 0 : i32
          %dma_wait3A_65 = tpu.memref_slice %arg11[%run_scoped3A_56, %dma_wait3A_64] : memref<1x128xi32, #tpu.memory_space<vmem>> -> memref<1x128xi32, #tpu.memory_space<vmem>>
          %dma_wait3A_66 = tpu.memref_squeeze %dma_wait3A_65 : memref<1x128xi32, #tpu.memory_space<vmem>> -> memref<128xi32, #tpu.memory_space<vmem>>
          %dma_wait3A_67 = arith.constant 0 : i32
          %dma_wait3A_68 = arith.constant 0 : i32
          %dma_wait3A_69 = tpu.memref_slice %arg14[%dma_wait3A_67, %dma_wait3A_68] : memref<10240x128xf32, #tpu.memory_space<vmem_shared>> -> memref<10240x128xf32, #tpu.memory_space<vmem_shared>>
          tpu.wait_indirect_dma semaphore(%run_scoped3A_57 : memref<!tpu.dma_semaphore, #tpu.memory_space<semaphore_mem>>) src(%arg13 : memref<128x128xf32, #tpu.memory_space<vmem>>) dst(%dma_wait3A_69 : memref<10240x128xf32, #tpu.memory_space<vmem_shared>>)
          tpu.yield
        }) : () -> ()
      }
      %scan3A_14 = arith.constant 79 : i32
      %barrier3A_15 = arith.constant 0 : index
      tpu.barrier barrier_id(%barrier3A_15)
      %mul3A_16 = arith.constant 640 : i32
      %mul3A_17 = arith.muli %arg1, %mul3A_16 : i32
      %mul3A_18 = arith.constant 640 : i32
      %mul3A_19 = arith.muli %arg1, %mul3A_18 : i32
      "tpu.region"() ({
        %run_scoped3A = tpu.sem_alloc : memref<!tpu.dma_semaphore, #tpu.memory_space<semaphore_mem>>
        %dma_start3A = arith.constant 0 : i32
        %dma_start3A_20 = tpu.memref_slice %arg7[%mul3A_19, %dma_start3A] : memref<10240x128xf32, #tpu.memory_space<hbm>> -> memref<640x128xf32, #tpu.memory_space<hbm>>
        %dma_start3A_21 = arith.constant 0 : i32
        %dma_start3A_22 = tpu.memref_slice %arg14[%mul3A_17, %dma_start3A_21] : memref<10240x128xf32, #tpu.memory_space<vmem_shared>> -> memref<640x128xf32, #tpu.memory_space<vmem_shared>>
        tpu.enqueue_dma source(%dma_start3A_22 : memref<640x128xf32, #tpu.memory_space<vmem_shared>>) target(%dma_start3A_20 : memref<640x128xf32, #tpu.memory_space<hbm>>) target_semaphore(%run_scoped3A : memref<!tpu.dma_semaphore, #tpu.memory_space<semaphore_mem>>)
        %dma_wait3A = arith.constant 0 : i32
        %dma_wait3A_23 = tpu.memref_slice %arg7[%mul3A_19, %dma_wait3A] : memref<10240x128xf32, #tpu.memory_space<hbm>> -> memref<640x128xf32, #tpu.memory_space<hbm>>
        %dma_wait3A_24 = arith.constant 0 : i32
        %dma_wait3A_25 = tpu.memref_slice %arg14[%mul3A_17, %dma_wait3A_24] : memref<10240x128xf32, #tpu.memory_space<vmem_shared>> -> memref<640x128xf32, #tpu.memory_space<vmem_shared>>
        tpu.wait_dma2 semaphore(%run_scoped3A : memref<!tpu.dma_semaphore, #tpu.memory_space<semaphore_mem>>) src(%dma_wait3A_25 : memref<640x128xf32, #tpu.memory_space<vmem_shared>>) dst(%dma_wait3A_23 : memref<640x128xf32, #tpu.memory_space<hbm>>)
        tpu.yield
      }) : () -> ()
    } else {
    }
    return
  }
}

#map = affine_map<(d0, d1) -> (0, 0)>
#map1 = affine_map<(d0, d1) -> (0, 0, 0)>
module attributes {stable_mosaic.version = 14 : i64} {
  func.func @_prop_kernel(%arg0: i32, %arg1: i32, %arg2: memref<10240x128xf32, #tpu.memory_space<hbm>>, %arg3: memref<10240x128xf32, #tpu.memory_space<hbm>>, %arg4: memref<16x158x128xi32, #tpu.memory_space<hbm>>, %arg5: memref<16x158x128xi32, #tpu.memory_space<hbm>>, %arg6: memref<10240x128xf32, #tpu.memory_space<hbm>>, %arg7: memref<10240x128xf32, #tpu.memory_space<hbm>>, %arg8: memref<1x128xi32, #tpu.memory_space<vmem>>, %arg9: memref<1x128xi32, #tpu.memory_space<vmem>>, %arg10: memref<1x128xi32, #tpu.memory_space<vmem>>, %arg11: memref<1x128xi32, #tpu.memory_space<vmem>>, %arg12: memref<128x128xf32, #tpu.memory_space<vmem>>, %arg13: memref<128x128xf32, #tpu.memory_space<vmem>>, %arg14: memref<10240x128xf32, #tpu.memory_space<vmem_shared>>, %arg15: memref<!tpu.dma_semaphore, #tpu.memory_space<semaphore_mem>>, %arg16: memref<!tpu.dma_semaphore, #tpu.memory_space<semaphore_mem>>) attributes {dimension_semantics = [#tpu.dimension_semantics<core_parallel>, #tpu.dimension_semantics<subcore_parallel>], iteration_bounds = array<i64: 2, 16>, scalar_prefetch = 0 : i64, scratch_operands = 9 : i64, tpu.core_type = #tpu.core_type<sc_vector_subcore>, window_params = [{transform_indices = #map}, {transform_indices = #map}, {transform_indices = #map1}, {transform_indices = #map1}, {transform_indices = #map}, {transform_indices = #map}]} {
    %eq3A = arith.constant 0 : i32
    %eq3A_0 = arith.cmpi eq, %arg0, %eq3A : i32
    %convert_element_type3A = arith.extui %eq3A_0 : i1 to i32
    %cond3A = arith.constant 0 : i32
    %cond3A_1 = arith.cmpi ne, %convert_element_type3A, %cond3A : i32
    scf.if %cond3A_1 {
      %mul3A = arith.constant 640 : i32
      %mul3A_7 = arith.muli %arg1, %mul3A : i32
      %mul3A_8 = arith.constant 640 : i32
      %mul3A_9 = arith.muli %arg1, %mul3A_8 : i32
      "tpu.region"() ({
        %run_scoped3A = tpu.sem_alloc : memref<!tpu.dma_semaphore, #tpu.memory_space<semaphore_mem>>
        %dma_start3A = arith.constant 0 : i32
        %dma_start3A_20 = tpu.memref_slice %arg14[%mul3A_9, %dma_start3A] : memref<10240x128xf32, #tpu.memory_space<vmem_shared>> -> memref<640x128xf32, #tpu.memory_space<vmem_shared>>
        %dma_start3A_21 = arith.constant 0 : i32
        %dma_start3A_22 = tpu.memref_slice %arg2[%mul3A_7, %dma_start3A_21] : memref<10240x128xf32, #tpu.memory_space<hbm>> -> memref<640x128xf32, #tpu.memory_space<hbm>>
        tpu.enqueue_dma source(%dma_start3A_22 : memref<640x128xf32, #tpu.memory_space<hbm>>) target(%dma_start3A_20 : memref<640x128xf32, #tpu.memory_space<vmem_shared>>) target_semaphore(%run_scoped3A : memref<!tpu.dma_semaphore, #tpu.memory_space<semaphore_mem>>)
        %dma_wait3A = arith.constant 0 : i32
        %dma_wait3A_23 = tpu.memref_slice %arg14[%mul3A_9, %dma_wait3A] : memref<10240x128xf32, #tpu.memory_space<vmem_shared>> -> memref<640x128xf32, #tpu.memory_space<vmem_shared>>
        %dma_wait3A_24 = arith.constant 0 : i32
        %dma_wait3A_25 = tpu.memref_slice %arg2[%mul3A_7, %dma_wait3A_24] : memref<10240x128xf32, #tpu.memory_space<hbm>> -> memref<640x128xf32, #tpu.memory_space<hbm>>
        tpu.wait_dma2 semaphore(%run_scoped3A : memref<!tpu.dma_semaphore, #tpu.memory_space<semaphore_mem>>) src(%dma_wait3A_25 : memref<640x128xf32, #tpu.memory_space<hbm>>) dst(%dma_wait3A_23 : memref<640x128xf32, #tpu.memory_space<vmem_shared>>)
        tpu.yield
      }) : () -> ()
      %barrier3A = arith.constant 0 : index
      tpu.barrier barrier_id(%barrier3A)
      %scan3A = arith.constant 0 : i32
      %scan3A_10 = arith.constant 0 : i32
      %scan3A_11 = arith.constant 79 : i32
      %scan3A_12 = arith.addi %scan3A_10, %scan3A_11 : i32
      %scan3A_13 = arith.constant 1 : i32
      scf.for %scan3A_20 = %scan3A_10 to %scan3A_12 step %scan3A_13  : i32 {
        %mul3A_21 = arith.constant 2 : i32
        %mul3A_22 = arith.muli %mul3A_21, %scan3A_20 : i32
        %mul3A_23 = arith.constant 2 : i32
        %mul3A_24 = arith.muli %mul3A_23, %scan3A_20 : i32
        %add3A = arith.constant 1 : i32
        %add3A_25 = arith.addi %mul3A_24, %add3A : i32
        %run_scoped3A = arith.constant 0 : i32
        "tpu.region"() ({
          %run_scoped3A_57 = tpu.sem_alloc : memref<!tpu.dma_semaphore, #tpu.memory_space<semaphore_mem>>
          %dma_start3A_58 = arith.constant 0 : i32
          %dma_start3A_59 = tpu.memref_slice %arg8[%run_scoped3A, %dma_start3A_58] : memref<1x128xi32, #tpu.memory_space<vmem>> -> memref<1x128xi32, #tpu.memory_space<vmem>>
          %dma_start3A_60 = tpu.memref_squeeze %dma_start3A_59 : memref<1x128xi32, #tpu.memory_space<vmem>> -> memref<128xi32, #tpu.memory_space<vmem>>
          %dma_start3A_61 = arith.constant 0 : i32
          %dma_start3A_62 = tpu.memref_slice %arg4[%arg1, %mul3A_22, %dma_start3A_61] : memref<16x158x128xi32, #tpu.memory_space<hbm>> -> memref<1x1x128xi32, #tpu.memory_space<hbm>>
          %dma_start3A_63 = tpu.memref_squeeze %dma_start3A_62 : memref<1x1x128xi32, #tpu.memory_space<hbm>> -> memref<128xi32, #tpu.memory_space<hbm>>
          %dma_start3A_64 = arith.constant 0 : i32
          %dma_start3A_65 = tpu.memref_slice %arg8[%run_scoped3A, %dma_start3A_64] : memref<1x128xi32, #tpu.memory_space<vmem>> -> memref<1x128xi32, #tpu.memory_space<vmem>>
          %dma_start3A_66 = tpu.memref_squeeze %dma_start3A_65 : memref<1x128xi32, #tpu.memory_space<vmem>> -> memref<128xi32, #tpu.memory_space<vmem>>
          %dma_start3A_67 = arith.constant 0 : i32
          %dma_start3A_68 = tpu.memref_slice %arg4[%arg1, %mul3A_22, %dma_start3A_67] : memref<16x158x128xi32, #tpu.memory_space<hbm>> -> memref<1x1x128xi32, #tpu.memory_space<hbm>>
          %dma_start3A_69 = tpu.memref_squeeze %dma_start3A_68 : memref<1x1x128xi32, #tpu.memory_space<hbm>> -> memref<128xi32, #tpu.memory_space<hbm>>
          tpu.enqueue_dma source(%dma_start3A_69 : memref<128xi32, #tpu.memory_space<hbm>>) target(%dma_start3A_66 : memref<128xi32, #tpu.memory_space<vmem>>) target_semaphore(%run_scoped3A_57 : memref<!tpu.dma_semaphore, #tpu.memory_space<semaphore_mem>>)
          %dma_wait3A_70 = arith.constant 0 : i32
          %dma_wait3A_71 = tpu.memref_slice %arg8[%run_scoped3A, %dma_wait3A_70] : memref<1x128xi32, #tpu.memory_space<vmem>> -> memref<1x128xi32, #tpu.memory_space<vmem>>
          %dma_wait3A_72 = tpu.memref_squeeze %dma_wait3A_71 : memref<1x128xi32, #tpu.memory_space<vmem>> -> memref<128xi32, #tpu.memory_space<vmem>>
          %dma_wait3A_73 = arith.constant 0 : i32
          %dma_wait3A_74 = tpu.memref_slice %arg4[%arg1, %mul3A_22, %dma_wait3A_73] : memref<16x158x128xi32, #tpu.memory_space<hbm>> -> memref<1x1x128xi32, #tpu.memory_space<hbm>>
          %dma_wait3A_75 = tpu.memref_squeeze %dma_wait3A_74 : memref<1x1x128xi32, #tpu.memory_space<hbm>> -> memref<128xi32, #tpu.memory_space<hbm>>
          %dma_wait3A_76 = arith.constant 0 : i32
          %dma_wait3A_77 = tpu.memref_slice %arg8[%run_scoped3A, %dma_wait3A_76] : memref<1x128xi32, #tpu.memory_space<vmem>> -> memref<1x128xi32, #tpu.memory_space<vmem>>
          %dma_wait3A_78 = tpu.memref_squeeze %dma_wait3A_77 : memref<1x128xi32, #tpu.memory_space<vmem>> -> memref<128xi32, #tpu.memory_space<vmem>>
          %dma_wait3A_79 = arith.constant 0 : i32
          %dma_wait3A_80 = tpu.memref_slice %arg4[%arg1, %mul3A_22, %dma_wait3A_79] : memref<16x158x128xi32, #tpu.memory_space<hbm>> -> memref<1x1x128xi32, #tpu.memory_space<hbm>>
          %dma_wait3A_81 = tpu.memref_squeeze %dma_wait3A_80 : memref<1x1x128xi32, #tpu.memory_space<hbm>> -> memref<128xi32, #tpu.memory_space<hbm>>
          tpu.wait_dma2 semaphore(%run_scoped3A_57 : memref<!tpu.dma_semaphore, #tpu.memory_space<semaphore_mem>>) src(%dma_wait3A_81 : memref<128xi32, #tpu.memory_space<hbm>>) dst(%dma_wait3A_78 : memref<128xi32, #tpu.memory_space<vmem>>)
          tpu.yield
        }) : () -> ()
        %dma_start3A = arith.constant 0 : i32
        %dma_start3A_26 = arith.constant 0 : i32
        %dma_start3A_27 = tpu.memref_slice %arg8[%dma_start3A, %dma_start3A_26] : memref<1x128xi32, #tpu.memory_space<vmem>> -> memref<1x128xi32, #tpu.memory_space<vmem>>
        %dma_start3A_28 = tpu.memref_squeeze %dma_start3A_27 : memref<1x128xi32, #tpu.memory_space<vmem>> -> memref<128xi32, #tpu.memory_space<vmem>>
        %dma_start3A_29 = arith.constant 0 : i32
        %dma_start3A_30 = arith.constant 0 : i32
        %dma_start3A_31 = tpu.memref_slice %arg2[%dma_start3A_29, %dma_start3A_30] : memref<10240x128xf32, #tpu.memory_space<hbm>> -> memref<10240x128xf32, #tpu.memory_space<hbm>>
        tpu.enqueue_indirect_dma source(%dma_start3A_31 : memref<10240x128xf32, #tpu.memory_space<hbm>>) target(%arg12 : memref<128x128xf32, #tpu.memory_space<vmem>>) offsets(%dma_start3A_28 : memref<128xi32, #tpu.memory_space<vmem>>) semaphore(%arg15 : memref<!tpu.dma_semaphore, #tpu.memory_space<semaphore_mem>>)
        %run_scoped3A_32 = arith.constant 0 : i32
        "tpu.region"() ({
          %run_scoped3A_57 = tpu.sem_alloc : memref<!tpu.dma_semaphore, #tpu.memory_space<semaphore_mem>>
          %dma_start3A_58 = arith.constant 0 : i32
          %dma_start3A_59 = tpu.memref_slice %arg9[%run_scoped3A_32, %dma_start3A_58] : memref<1x128xi32, #tpu.memory_space<vmem>> -> memref<1x128xi32, #tpu.memory_space<vmem>>
          %dma_start3A_60 = tpu.memref_squeeze %dma_start3A_59 : memref<1x128xi32, #tpu.memory_space<vmem>> -> memref<128xi32, #tpu.memory_space<vmem>>
          %dma_start3A_61 = arith.constant 0 : i32
          %dma_start3A_62 = tpu.memref_slice %arg5[%arg1, %mul3A_22, %dma_start3A_61] : memref<16x158x128xi32, #tpu.memory_space<hbm>> -> memref<1x1x128xi32, #tpu.memory_space<hbm>>
          %dma_start3A_63 = tpu.memref_squeeze %dma_start3A_62 : memref<1x1x128xi32, #tpu.memory_space<hbm>> -> memref<128xi32, #tpu.memory_space<hbm>>
          %dma_start3A_64 = arith.constant 0 : i32
          %dma_start3A_65 = tpu.memref_slice %arg9[%run_scoped3A_32, %dma_start3A_64] : memref<1x128xi32, #tpu.memory_space<vmem>> -> memref<1x128xi32, #tpu.memory_space<vmem>>
          %dma_start3A_66 = tpu.memref_squeeze %dma_start3A_65 : memref<1x128xi32, #tpu.memory_space<vmem>> -> memref<128xi32, #tpu.memory_space<vmem>>
          %dma_start3A_67 = arith.constant 0 : i32
          %dma_start3A_68 = tpu.memref_slice %arg5[%arg1, %mul3A_22, %dma_start3A_67] : memref<16x158x128xi32, #tpu.memory_space<hbm>> -> memref<1x1x128xi32, #tpu.memory_space<hbm>>
          %dma_start3A_69 = tpu.memref_squeeze %dma_start3A_68 : memref<1x1x128xi32, #tpu.memory_space<hbm>> -> memref<128xi32, #tpu.memory_space<hbm>>
          tpu.enqueue_dma source(%dma_start3A_69 : memref<128xi32, #tpu.memory_space<hbm>>) target(%dma_start3A_66 : memref<128xi32, #tpu.memory_space<vmem>>) target_semaphore(%run_scoped3A_57 : memref<!tpu.dma_semaphore, #tpu.memory_space<semaphore_mem>>)
          %dma_wait3A_70 = arith.constant 0 : i32
          %dma_wait3A_71 = tpu.memref_slice %arg9[%run_scoped3A_32, %dma_wait3A_70] : memref<1x128xi32, #tpu.memory_space<vmem>> -> memref<1x128xi32, #tpu.memory_space<vmem>>
          %dma_wait3A_72 = tpu.memref_squeeze %dma_wait3A_71 : memref<1x128xi32, #tpu.memory_space<vmem>> -> memref<128xi32, #tpu.memory_space<vmem>>
          %dma_wait3A_73 = arith.constant 0 : i32
          %dma_wait3A_74 = tpu.memref_slice %arg5[%arg1, %mul3A_22, %dma_wait3A_73] : memref<16x158x128xi32, #tpu.memory_space<hbm>> -> memref<1x1x128xi32, #tpu.memory_space<hbm>>
          %dma_wait3A_75 = tpu.memref_squeeze %dma_wait3A_74 : memref<1x1x128xi32, #tpu.memory_space<hbm>> -> memref<128xi32, #tpu.memory_space<hbm>>
          %dma_wait3A_76 = arith.constant 0 : i32
          %dma_wait3A_77 = tpu.memref_slice %arg9[%run_scoped3A_32, %dma_wait3A_76] : memref<1x128xi32, #tpu.memory_space<vmem>> -> memref<1x128xi32, #tpu.memory_space<vmem>>
          %dma_wait3A_78 = tpu.memref_squeeze %dma_wait3A_77 : memref<1x128xi32, #tpu.memory_space<vmem>> -> memref<128xi32, #tpu.memory_space<vmem>>
          %dma_wait3A_79 = arith.constant 0 : i32
          %dma_wait3A_80 = tpu.memref_slice %arg5[%arg1, %mul3A_22, %dma_wait3A_79] : memref<16x158x128xi32, #tpu.memory_space<hbm>> -> memref<1x1x128xi32, #tpu.memory_space<hbm>>
          %dma_wait3A_81 = tpu.memref_squeeze %dma_wait3A_80 : memref<1x1x128xi32, #tpu.memory_space<hbm>> -> memref<128xi32, #tpu.memory_space<hbm>>
          tpu.wait_dma2 semaphore(%run_scoped3A_57 : memref<!tpu.dma_semaphore, #tpu.memory_space<semaphore_mem>>) src(%dma_wait3A_81 : memref<128xi32, #tpu.memory_space<hbm>>) dst(%dma_wait3A_78 : memref<128xi32, #tpu.memory_space<vmem>>)
          tpu.yield
        }) : () -> ()
        %run_scoped3A_33 = arith.constant 0 : i32
        "tpu.region"() ({
          %run_scoped3A_57 = tpu.sem_alloc : memref<!tpu.dma_semaphore, #tpu.memory_space<semaphore_mem>>
          %dma_start3A_58 = arith.constant 0 : i32
          %dma_start3A_59 = tpu.memref_slice %arg10[%run_scoped3A_33, %dma_start3A_58] : memref<1x128xi32, #tpu.memory_space<vmem>> -> memref<1x128xi32, #tpu.memory_space<vmem>>
          %dma_start3A_60 = tpu.memref_squeeze %dma_start3A_59 : memref<1x128xi32, #tpu.memory_space<vmem>> -> memref<128xi32, #tpu.memory_space<vmem>>
          %dma_start3A_61 = arith.constant 0 : i32
          %dma_start3A_62 = tpu.memref_slice %arg4[%arg1, %add3A_25, %dma_start3A_61] : memref<16x158x128xi32, #tpu.memory_space<hbm>> -> memref<1x1x128xi32, #tpu.memory_space<hbm>>
          %dma_start3A_63 = tpu.memref_squeeze %dma_start3A_62 : memref<1x1x128xi32, #tpu.memory_space<hbm>> -> memref<128xi32, #tpu.memory_space<hbm>>
          %dma_start3A_64 = arith.constant 0 : i32
          %dma_start3A_65 = tpu.memref_slice %arg10[%run_scoped3A_33, %dma_start3A_64] : memref<1x128xi32, #tpu.memory_space<vmem>> -> memref<1x128xi32, #tpu.memory_space<vmem>>
          %dma_start3A_66 = tpu.memref_squeeze %dma_start3A_65 : memref<1x128xi32, #tpu.memory_space<vmem>> -> memref<128xi32, #tpu.memory_space<vmem>>
          %dma_start3A_67 = arith.constant 0 : i32
          %dma_start3A_68 = tpu.memref_slice %arg4[%arg1, %add3A_25, %dma_start3A_67] : memref<16x158x128xi32, #tpu.memory_space<hbm>> -> memref<1x1x128xi32, #tpu.memory_space<hbm>>
          %dma_start3A_69 = tpu.memref_squeeze %dma_start3A_68 : memref<1x1x128xi32, #tpu.memory_space<hbm>> -> memref<128xi32, #tpu.memory_space<hbm>>
          tpu.enqueue_dma source(%dma_start3A_69 : memref<128xi32, #tpu.memory_space<hbm>>) target(%dma_start3A_66 : memref<128xi32, #tpu.memory_space<vmem>>) target_semaphore(%run_scoped3A_57 : memref<!tpu.dma_semaphore, #tpu.memory_space<semaphore_mem>>)
          %dma_wait3A_70 = arith.constant 0 : i32
          %dma_wait3A_71 = tpu.memref_slice %arg10[%run_scoped3A_33, %dma_wait3A_70] : memref<1x128xi32, #tpu.memory_space<vmem>> -> memref<1x128xi32, #tpu.memory_space<vmem>>
          %dma_wait3A_72 = tpu.memref_squeeze %dma_wait3A_71 : memref<1x128xi32, #tpu.memory_space<vmem>> -> memref<128xi32, #tpu.memory_space<vmem>>
          %dma_wait3A_73 = arith.constant 0 : i32
          %dma_wait3A_74 = tpu.memref_slice %arg4[%arg1, %add3A_25, %dma_wait3A_73] : memref<16x158x128xi32, #tpu.memory_space<hbm>> -> memref<1x1x128xi32, #tpu.memory_space<hbm>>
          %dma_wait3A_75 = tpu.memref_squeeze %dma_wait3A_74 : memref<1x1x128xi32, #tpu.memory_space<hbm>> -> memref<128xi32, #tpu.memory_space<hbm>>
          %dma_wait3A_76 = arith.constant 0 : i32
          %dma_wait3A_77 = tpu.memref_slice %arg10[%run_scoped3A_33, %dma_wait3A_76] : memref<1x128xi32, #tpu.memory_space<vmem>> -> memref<1x128xi32, #tpu.memory_space<vmem>>
          %dma_wait3A_78 = tpu.memref_squeeze %dma_wait3A_77 : memref<1x128xi32, #tpu.memory_space<vmem>> -> memref<128xi32, #tpu.memory_space<vmem>>
          %dma_wait3A_79 = arith.constant 0 : i32
          %dma_wait3A_80 = tpu.memref_slice %arg4[%arg1, %add3A_25, %dma_wait3A_79] : memref<16x158x128xi32, #tpu.memory_space<hbm>> -> memref<1x1x128xi32, #tpu.memory_space<hbm>>
          %dma_wait3A_81 = tpu.memref_squeeze %dma_wait3A_80 : memref<1x1x128xi32, #tpu.memory_space<hbm>> -> memref<128xi32, #tpu.memory_space<hbm>>
          tpu.wait_dma2 semaphore(%run_scoped3A_57 : memref<!tpu.dma_semaphore, #tpu.memory_space<semaphore_mem>>) src(%dma_wait3A_81 : memref<128xi32, #tpu.memory_space<hbm>>) dst(%dma_wait3A_78 : memref<128xi32, #tpu.memory_space<vmem>>)
          tpu.yield
        }) : () -> ()
        %dma_start3A_34 = arith.constant 0 : i32
        %dma_start3A_35 = arith.constant 0 : i32
        %dma_start3A_36 = tpu.memref_slice %arg10[%dma_start3A_34, %dma_start3A_35] : memref<1x128xi32, #tpu.memory_space<vmem>> -> memref<1x128xi32, #tpu.memory_space<vmem>>
        %dma_start3A_37 = tpu.memref_squeeze %dma_start3A_36 : memref<1x128xi32, #tpu.memory_space<vmem>> -> memref<128xi32, #tpu.memory_space<vmem>>
        %dma_start3A_38 = arith.constant 0 : i32
        %dma_start3A_39 = arith.constant 0 : i32
        %dma_start3A_40 = tpu.memref_slice %arg2[%dma_start3A_38, %dma_start3A_39] : memref<10240x128xf32, #tpu.memory_space<hbm>> -> memref<10240x128xf32, #tpu.memory_space<hbm>>
        tpu.enqueue_indirect_dma source(%dma_start3A_40 : memref<10240x128xf32, #tpu.memory_space<hbm>>) target(%arg13 : memref<128x128xf32, #tpu.memory_space<vmem>>) offsets(%dma_start3A_37 : memref<128xi32, #tpu.memory_space<vmem>>) semaphore(%arg16 : memref<!tpu.dma_semaphore, #tpu.memory_space<semaphore_mem>>)
        %run_scoped3A_41 = arith.constant 0 : i32
        "tpu.region"() ({
          %run_scoped3A_57 = tpu.sem_alloc : memref<!tpu.dma_semaphore, #tpu.memory_space<semaphore_mem>>
          %dma_start3A_58 = arith.constant 0 : i32
          %dma_start3A_59 = tpu.memref_slice %arg11[%run_scoped3A_41, %dma_start3A_58] : memref<1x128xi32, #tpu.memory_space<vmem>> -> memref<1x128xi32, #tpu.memory_space<vmem>>
          %dma_start3A_60 = tpu.memref_squeeze %dma_start3A_59 : memref<1x128xi32, #tpu.memory_space<vmem>> -> memref<128xi32, #tpu.memory_space<vmem>>
          %dma_start3A_61 = arith.constant 0 : i32
          %dma_start3A_62 = tpu.memref_slice %arg5[%arg1, %add3A_25, %dma_start3A_61] : memref<16x158x128xi32, #tpu.memory_space<hbm>> -> memref<1x1x128xi32, #tpu.memory_space<hbm>>
          %dma_start3A_63 = tpu.memref_squeeze %dma_start3A_62 : memref<1x1x128xi32, #tpu.memory_space<hbm>> -> memref<128xi32, #tpu.memory_space<hbm>>
          %dma_start3A_64 = arith.constant 0 : i32
          %dma_start3A_65 = tpu.memref_slice %arg11[%run_scoped3A_41, %dma_start3A_64] : memref<1x128xi32, #tpu.memory_space<vmem>> -> memref<1x128xi32, #tpu.memory_space<vmem>>
          %dma_start3A_66 = tpu.memref_squeeze %dma_start3A_65 : memref<1x128xi32, #tpu.memory_space<vmem>> -> memref<128xi32, #tpu.memory_space<vmem>>
          %dma_start3A_67 = arith.constant 0 : i32
          %dma_start3A_68 = tpu.memref_slice %arg5[%arg1, %add3A_25, %dma_start3A_67] : memref<16x158x128xi32, #tpu.memory_space<hbm>> -> memref<1x1x128xi32, #tpu.memory_space<hbm>>
          %dma_start3A_69 = tpu.memref_squeeze %dma_start3A_68 : memref<1x1x128xi32, #tpu.memory_space<hbm>> -> memref<128xi32, #tpu.memory_space<hbm>>
          tpu.enqueue_dma source(%dma_start3A_69 : memref<128xi32, #tpu.memory_space<hbm>>) target(%dma_start3A_66 : memref<128xi32, #tpu.memory_space<vmem>>) target_semaphore(%run_scoped3A_57 : memref<!tpu.dma_semaphore, #tpu.memory_space<semaphore_mem>>)
          %dma_wait3A_70 = arith.constant 0 : i32
          %dma_wait3A_71 = tpu.memref_slice %arg11[%run_scoped3A_41, %dma_wait3A_70] : memref<1x128xi32, #tpu.memory_space<vmem>> -> memref<1x128xi32, #tpu.memory_space<vmem>>
          %dma_wait3A_72 = tpu.memref_squeeze %dma_wait3A_71 : memref<1x128xi32, #tpu.memory_space<vmem>> -> memref<128xi32, #tpu.memory_space<vmem>>
          %dma_wait3A_73 = arith.constant 0 : i32
          %dma_wait3A_74 = tpu.memref_slice %arg5[%arg1, %add3A_25, %dma_wait3A_73] : memref<16x158x128xi32, #tpu.memory_space<hbm>> -> memref<1x1x128xi32, #tpu.memory_space<hbm>>
          %dma_wait3A_75 = tpu.memref_squeeze %dma_wait3A_74 : memref<1x1x128xi32, #tpu.memory_space<hbm>> -> memref<128xi32, #tpu.memory_space<hbm>>
          %dma_wait3A_76 = arith.constant 0 : i32
          %dma_wait3A_77 = tpu.memref_slice %arg11[%run_scoped3A_41, %dma_wait3A_76] : memref<1x128xi32, #tpu.memory_space<vmem>> -> memref<1x128xi32, #tpu.memory_space<vmem>>
          %dma_wait3A_78 = tpu.memref_squeeze %dma_wait3A_77 : memref<1x128xi32, #tpu.memory_space<vmem>> -> memref<128xi32, #tpu.memory_space<vmem>>
          %dma_wait3A_79 = arith.constant 0 : i32
          %dma_wait3A_80 = tpu.memref_slice %arg5[%arg1, %add3A_25, %dma_wait3A_79] : memref<16x158x128xi32, #tpu.memory_space<hbm>> -> memref<1x1x128xi32, #tpu.memory_space<hbm>>
          %dma_wait3A_81 = tpu.memref_squeeze %dma_wait3A_80 : memref<1x1x128xi32, #tpu.memory_space<hbm>> -> memref<128xi32, #tpu.memory_space<hbm>>
          tpu.wait_dma2 semaphore(%run_scoped3A_57 : memref<!tpu.dma_semaphore, #tpu.memory_space<semaphore_mem>>) src(%dma_wait3A_81 : memref<128xi32, #tpu.memory_space<hbm>>) dst(%dma_wait3A_78 : memref<128xi32, #tpu.memory_space<vmem>>)
          tpu.yield
        }) : () -> ()
        %dma_wait3A = arith.constant 0 : i32
        %dma_wait3A_42 = arith.constant 0 : i32
        %dma_wait3A_43 = tpu.memref_slice %arg8[%dma_wait3A, %dma_wait3A_42] : memref<1x128xi32, #tpu.memory_space<vmem>> -> memref<1x128xi32, #tpu.memory_space<vmem>>
        %dma_wait3A_44 = tpu.memref_squeeze %dma_wait3A_43 : memref<1x128xi32, #tpu.memory_space<vmem>> -> memref<128xi32, #tpu.memory_space<vmem>>
        %dma_wait3A_45 = arith.constant 0 : i32
        %dma_wait3A_46 = arith.constant 0 : i32
        %dma_wait3A_47 = tpu.memref_slice %arg2[%dma_wait3A_45, %dma_wait3A_46] : memref<10240x128xf32, #tpu.memory_space<hbm>> -> memref<10240x128xf32, #tpu.memory_space<hbm>>
        tpu.wait_indirect_dma semaphore(%arg15 : memref<!tpu.dma_semaphore, #tpu.memory_space<semaphore_mem>>) src(%dma_wait3A_47 : memref<10240x128xf32, #tpu.memory_space<hbm>>) dst(%arg12 : memref<128x128xf32, #tpu.memory_space<vmem>>)
        %run_scoped3A_48 = arith.constant 0 : i32
        "tpu.region"() ({
          %run_scoped3A_57 = tpu.sem_alloc : memref<!tpu.dma_semaphore, #tpu.memory_space<semaphore_mem>>
          %dma_start3A_58 = arith.constant 0 : i32
          %dma_start3A_59 = tpu.memref_slice %arg9[%run_scoped3A_48, %dma_start3A_58] : memref<1x128xi32, #tpu.memory_space<vmem>> -> memref<1x128xi32, #tpu.memory_space<vmem>>
          %dma_start3A_60 = tpu.memref_squeeze %dma_start3A_59 : memref<1x128xi32, #tpu.memory_space<vmem>> -> memref<128xi32, #tpu.memory_space<vmem>>
          %dma_start3A_61 = arith.constant 0 : i32
          %dma_start3A_62 = arith.constant 0 : i32
          %dma_start3A_63 = tpu.memref_slice %arg14[%dma_start3A_61, %dma_start3A_62] : memref<10240x128xf32, #tpu.memory_space<vmem_shared>> -> memref<10240x128xf32, #tpu.memory_space<vmem_shared>>
          tpu.enqueue_indirect_dma source(%arg12 : memref<128x128xf32, #tpu.memory_space<vmem>>) target(%dma_start3A_63 : memref<10240x128xf32, #tpu.memory_space<vmem_shared>>) offsets(%dma_start3A_60 : memref<128xi32, #tpu.memory_space<vmem>>) semaphore(%run_scoped3A_57 : memref<!tpu.dma_semaphore, #tpu.memory_space<semaphore_mem>>) {add = true}
          %dma_wait3A_64 = arith.constant 0 : i32
          %dma_wait3A_65 = tpu.memref_slice %arg9[%run_scoped3A_48, %dma_wait3A_64] : memref<1x128xi32, #tpu.memory_space<vmem>> -> memref<1x128xi32, #tpu.memory_space<vmem>>
          %dma_wait3A_66 = tpu.memref_squeeze %dma_wait3A_65 : memref<1x128xi32, #tpu.memory_space<vmem>> -> memref<128xi32, #tpu.memory_space<vmem>>
          %dma_wait3A_67 = arith.constant 0 : i32
          %dma_wait3A_68 = arith.constant 0 : i32
          %dma_wait3A_69 = tpu.memref_slice %arg14[%dma_wait3A_67, %dma_wait3A_68] : memref<10240x128xf32, #tpu.memory_space<vmem_shared>> -> memref<10240x128xf32, #tpu.memory_space<vmem_shared>>
          tpu.wait_indirect_dma semaphore(%run_scoped3A_57 : memref<!tpu.dma_semaphore, #tpu.memory_space<semaphore_mem>>) src(%arg12 : memref<128x128xf32, #tpu.memory_space<vmem>>) dst(%dma_wait3A_69 : memref<10240x128xf32, #tpu.memory_space<vmem_shared>>)
          tpu.yield
        }) : () -> ()
        %dma_wait3A_49 = arith.constant 0 : i32
        %dma_wait3A_50 = arith.constant 0 : i32
        %dma_wait3A_51 = tpu.memref_slice %arg10[%dma_wait3A_49, %dma_wait3A_50] : memref<1x128xi32, #tpu.memory_space<vmem>> -> memref<1x128xi32, #tpu.memory_space<vmem>>
        %dma_wait3A_52 = tpu.memref_squeeze %dma_wait3A_51 : memref<1x128xi32, #tpu.memory_space<vmem>> -> memref<128xi32, #tpu.memory_space<vmem>>
        %dma_wait3A_53 = arith.constant 0 : i32
        %dma_wait3A_54 = arith.constant 0 : i32
        %dma_wait3A_55 = tpu.memref_slice %arg2[%dma_wait3A_53, %dma_wait3A_54] : memref<10240x128xf32, #tpu.memory_space<hbm>> -> memref<10240x128xf32, #tpu.memory_space<hbm>>
        tpu.wait_indirect_dma semaphore(%arg16 : memref<!tpu.dma_semaphore, #tpu.memory_space<semaphore_mem>>) src(%dma_wait3A_55 : memref<10240x128xf32, #tpu.memory_space<hbm>>) dst(%arg13 : memref<128x128xf32, #tpu.memory_space<vmem>>)
        %run_scoped3A_56 = arith.constant 0 : i32
        "tpu.region"() ({
          %run_scoped3A_57 = tpu.sem_alloc : memref<!tpu.dma_semaphore, #tpu.memory_space<semaphore_mem>>
          %dma_start3A_58 = arith.constant 0 : i32
          %dma_start3A_59 = tpu.memref_slice %arg11[%run_scoped3A_56, %dma_start3A_58] : memref<1x128xi32, #tpu.memory_space<vmem>> -> memref<1x128xi32, #tpu.memory_space<vmem>>
          %dma_start3A_60 = tpu.memref_squeeze %dma_start3A_59 : memref<1x128xi32, #tpu.memory_space<vmem>> -> memref<128xi32, #tpu.memory_space<vmem>>
          %dma_start3A_61 = arith.constant 0 : i32
          %dma_start3A_62 = arith.constant 0 : i32
          %dma_start3A_63 = tpu.memref_slice %arg14[%dma_start3A_61, %dma_start3A_62] : memref<10240x128xf32, #tpu.memory_space<vmem_shared>> -> memref<10240x128xf32, #tpu.memory_space<vmem_shared>>
          tpu.enqueue_indirect_dma source(%arg13 : memref<128x128xf32, #tpu.memory_space<vmem>>) target(%dma_start3A_63 : memref<10240x128xf32, #tpu.memory_space<vmem_shared>>) offsets(%dma_start3A_60 : memref<128xi32, #tpu.memory_space<vmem>>) semaphore(%run_scoped3A_57 : memref<!tpu.dma_semaphore, #tpu.memory_space<semaphore_mem>>) {add = true}
          %dma_wait3A_64 = arith.constant 0 : i32
          %dma_wait3A_65 = tpu.memref_slice %arg11[%run_scoped3A_56, %dma_wait3A_64] : memref<1x128xi32, #tpu.memory_space<vmem>> -> memref<1x128xi32, #tpu.memory_space<vmem>>
          %dma_wait3A_66 = tpu.memref_squeeze %dma_wait3A_65 : memref<1x128xi32, #tpu.memory_space<vmem>> -> memref<128xi32, #tpu.memory_space<vmem>>
          %dma_wait3A_67 = arith.constant 0 : i32
          %dma_wait3A_68 = arith.constant 0 : i32
          %dma_wait3A_69 = tpu.memref_slice %arg14[%dma_wait3A_67, %dma_wait3A_68] : memref<10240x128xf32, #tpu.memory_space<vmem_shared>> -> memref<10240x128xf32, #tpu.memory_space<vmem_shared>>
          tpu.wait_indirect_dma semaphore(%run_scoped3A_57 : memref<!tpu.dma_semaphore, #tpu.memory_space<semaphore_mem>>) src(%arg13 : memref<128x128xf32, #tpu.memory_space<vmem>>) dst(%dma_wait3A_69 : memref<10240x128xf32, #tpu.memory_space<vmem_shared>>)
          tpu.yield
        }) : () -> ()
      }
      %scan3A_14 = arith.constant 79 : i32
      %barrier3A_15 = arith.constant 0 : index
      tpu.barrier barrier_id(%barrier3A_15)
      %mul3A_16 = arith.constant 640 : i32
      %mul3A_17 = arith.muli %arg1, %mul3A_16 : i32
      %mul3A_18 = arith.constant 640 : i32
      %mul3A_19 = arith.muli %arg1, %mul3A_18 : i32
      "tpu.region"() ({
        %run_scoped3A = tpu.sem_alloc : memref<!tpu.dma_semaphore, #tpu.memory_space<semaphore_mem>>
        %dma_start3A = arith.constant 0 : i32
        %dma_start3A_20 = tpu.memref_slice %arg6[%mul3A_19, %dma_start3A] : memref<10240x128xf32, #tpu.memory_space<hbm>> -> memref<640x128xf32, #tpu.memory_space<hbm>>
        %dma_start3A_21 = arith.constant 0 : i32
        %dma_start3A_22 = tpu.memref_slice %arg14[%mul3A_17, %dma_start3A_21] : memref<10240x128xf32, #tpu.memory_space<vmem_shared>> -> memref<640x128xf32, #tpu.memory_space<vmem_shared>>
        tpu.enqueue_dma source(%dma_start3A_22 : memref<640x128xf32, #tpu.memory_space<vmem_shared>>) target(%dma_start3A_20 : memref<640x128xf32, #tpu.memory_space<hbm>>) target_semaphore(%run_scoped3A : memref<!tpu.dma_semaphore, #tpu.memory_space<semaphore_mem>>)
        %dma_wait3A = arith.constant 0 : i32
        %dma_wait3A_23 = tpu.memref_slice %arg6[%mul3A_19, %dma_wait3A] : memref<10240x128xf32, #tpu.memory_space<hbm>> -> memref<640x128xf32, #tpu.memory_space<hbm>>
        %dma_wait3A_24 = arith.constant 0 : i32
        %dma_wait3A_25 = tpu.memref_slice %arg14[%mul3A_17, %dma_wait3A_24] : memref<10240x128xf32, #tpu.memory_space<vmem_shared>> -> memref<640x128xf32, #tpu.memory_space<vmem_shared>>
        tpu.wait_dma2 semaphore(%run_scoped3A : memref<!tpu.dma_semaphore, #tpu.memory_space<semaphore_mem>>) src(%dma_wait3A_25 : memref<640x128xf32, #tpu.memory_space<vmem_shared>>) dst(%dma_wait3A_23 : memref<640x128xf32, #tpu.memory_space<hbm>>)
        tpu.yield
      }) : () -> ()
    } else {
    }
    %eq3A_2 = arith.constant 1 : i32
    %eq3A_3 = arith.cmpi eq, %arg0, %eq3A_2 : i32
    %convert_element_type3A_4 = arith.extui %eq3A_3 : i1 to i32
    %cond3A_5 = arith.constant 0 : i32
    %cond3A_6 = arith.cmpi ne, %convert_element_type3A_4, %cond3A_5 : i32
    scf.if %cond3A_6 {
      %mul3A = arith.constant 640 : i32
      %mul3A_7 = arith.muli %arg1, %mul3A : i32
      %mul3A_8 = arith.constant 640 : i32
      %mul3A_9 = arith.muli %arg1, %mul3A_8 : i32
      "tpu.region"() ({
        %run_scoped3A = tpu.sem_alloc : memref<!tpu.dma_semaphore, #tpu.memory_space<semaphore_mem>>
        %dma_start3A = arith.constant 0 : i32
        %dma_start3A_20 = tpu.memref_slice %arg14[%mul3A_9, %dma_start3A] : memref<10240x128xf32, #tpu.memory_space<vmem_shared>> -> memref<640x128xf32, #tpu.memory_space<vmem_shared>>
        %dma_start3A_21 = arith.constant 0 : i32
        %dma_start3A_22 = tpu.memref_slice %arg3[%mul3A_7, %dma_start3A_21] : memref<10240x128xf32, #tpu.memory_space<hbm>> -> memref<640x128xf32, #tpu.memory_space<hbm>>
        tpu.enqueue_dma source(%dma_start3A_22 : memref<640x128xf32, #tpu.memory_space<hbm>>) target(%dma_start3A_20 : memref<640x128xf32, #tpu.memory_space<vmem_shared>>) target_semaphore(%run_scoped3A : memref<!tpu.dma_semaphore, #tpu.memory_space<semaphore_mem>>)
        %dma_wait3A = arith.constant 0 : i32
        %dma_wait3A_23 = tpu.memref_slice %arg14[%mul3A_9, %dma_wait3A] : memref<10240x128xf32, #tpu.memory_space<vmem_shared>> -> memref<640x128xf32, #tpu.memory_space<vmem_shared>>
        %dma_wait3A_24 = arith.constant 0 : i32
        %dma_wait3A_25 = tpu.memref_slice %arg3[%mul3A_7, %dma_wait3A_24] : memref<10240x128xf32, #tpu.memory_space<hbm>> -> memref<640x128xf32, #tpu.memory_space<hbm>>
        tpu.wait_dma2 semaphore(%run_scoped3A : memref<!tpu.dma_semaphore, #tpu.memory_space<semaphore_mem>>) src(%dma_wait3A_25 : memref<640x128xf32, #tpu.memory_space<hbm>>) dst(%dma_wait3A_23 : memref<640x128xf32, #tpu.memory_space<vmem_shared>>)
        tpu.yield
      }) : () -> ()
      %barrier3A = arith.constant 0 : index
      tpu.barrier barrier_id(%barrier3A)
      %scan3A = arith.constant 0 : i32
      %scan3A_10 = arith.constant 0 : i32
      %scan3A_11 = arith.constant 79 : i32
      %scan3A_12 = arith.addi %scan3A_10, %scan3A_11 : i32
      %scan3A_13 = arith.constant 1 : i32
      scf.for %scan3A_20 = %scan3A_10 to %scan3A_12 step %scan3A_13  : i32 {
        %mul3A_21 = arith.constant 2 : i32
        %mul3A_22 = arith.muli %mul3A_21, %scan3A_20 : i32
        %mul3A_23 = arith.constant 2 : i32
        %mul3A_24 = arith.muli %mul3A_23, %scan3A_20 : i32
        %add3A = arith.constant 1 : i32
        %add3A_25 = arith.addi %mul3A_24, %add3A : i32
        %run_scoped3A = arith.constant 0 : i32
        "tpu.region"() ({
          %run_scoped3A_57 = tpu.sem_alloc : memref<!tpu.dma_semaphore, #tpu.memory_space<semaphore_mem>>
          %dma_start3A_58 = arith.constant 0 : i32
          %dma_start3A_59 = tpu.memref_slice %arg8[%run_scoped3A, %dma_start3A_58] : memref<1x128xi32, #tpu.memory_space<vmem>> -> memref<1x128xi32, #tpu.memory_space<vmem>>
          %dma_start3A_60 = tpu.memref_squeeze %dma_start3A_59 : memref<1x128xi32, #tpu.memory_space<vmem>> -> memref<128xi32, #tpu.memory_space<vmem>>
          %dma_start3A_61 = arith.constant 0 : i32
          %dma_start3A_62 = tpu.memref_slice %arg4[%arg1, %mul3A_22, %dma_start3A_61] : memref<16x158x128xi32, #tpu.memory_space<hbm>> -> memref<1x1x128xi32, #tpu.memory_space<hbm>>
          %dma_start3A_63 = tpu.memref_squeeze %dma_start3A_62 : memref<1x1x128xi32, #tpu.memory_space<hbm>> -> memref<128xi32, #tpu.memory_space<hbm>>
          %dma_start3A_64 = arith.constant 0 : i32
          %dma_start3A_65 = tpu.memref_slice %arg8[%run_scoped3A, %dma_start3A_64] : memref<1x128xi32, #tpu.memory_space<vmem>> -> memref<1x128xi32, #tpu.memory_space<vmem>>
          %dma_start3A_66 = tpu.memref_squeeze %dma_start3A_65 : memref<1x128xi32, #tpu.memory_space<vmem>> -> memref<128xi32, #tpu.memory_space<vmem>>
          %dma_start3A_67 = arith.constant 0 : i32
          %dma_start3A_68 = tpu.memref_slice %arg4[%arg1, %mul3A_22, %dma_start3A_67] : memref<16x158x128xi32, #tpu.memory_space<hbm>> -> memref<1x1x128xi32, #tpu.memory_space<hbm>>
          %dma_start3A_69 = tpu.memref_squeeze %dma_start3A_68 : memref<1x1x128xi32, #tpu.memory_space<hbm>> -> memref<128xi32, #tpu.memory_space<hbm>>
          tpu.enqueue_dma source(%dma_start3A_69 : memref<128xi32, #tpu.memory_space<hbm>>) target(%dma_start3A_66 : memref<128xi32, #tpu.memory_space<vmem>>) target_semaphore(%run_scoped3A_57 : memref<!tpu.dma_semaphore, #tpu.memory_space<semaphore_mem>>)
          %dma_wait3A_70 = arith.constant 0 : i32
          %dma_wait3A_71 = tpu.memref_slice %arg8[%run_scoped3A, %dma_wait3A_70] : memref<1x128xi32, #tpu.memory_space<vmem>> -> memref<1x128xi32, #tpu.memory_space<vmem>>
          %dma_wait3A_72 = tpu.memref_squeeze %dma_wait3A_71 : memref<1x128xi32, #tpu.memory_space<vmem>> -> memref<128xi32, #tpu.memory_space<vmem>>
          %dma_wait3A_73 = arith.constant 0 : i32
          %dma_wait3A_74 = tpu.memref_slice %arg4[%arg1, %mul3A_22, %dma_wait3A_73] : memref<16x158x128xi32, #tpu.memory_space<hbm>> -> memref<1x1x128xi32, #tpu.memory_space<hbm>>
          %dma_wait3A_75 = tpu.memref_squeeze %dma_wait3A_74 : memref<1x1x128xi32, #tpu.memory_space<hbm>> -> memref<128xi32, #tpu.memory_space<hbm>>
          %dma_wait3A_76 = arith.constant 0 : i32
          %dma_wait3A_77 = tpu.memref_slice %arg8[%run_scoped3A, %dma_wait3A_76] : memref<1x128xi32, #tpu.memory_space<vmem>> -> memref<1x128xi32, #tpu.memory_space<vmem>>
          %dma_wait3A_78 = tpu.memref_squeeze %dma_wait3A_77 : memref<1x128xi32, #tpu.memory_space<vmem>> -> memref<128xi32, #tpu.memory_space<vmem>>
          %dma_wait3A_79 = arith.constant 0 : i32
          %dma_wait3A_80 = tpu.memref_slice %arg4[%arg1, %mul3A_22, %dma_wait3A_79] : memref<16x158x128xi32, #tpu.memory_space<hbm>> -> memref<1x1x128xi32, #tpu.memory_space<hbm>>
          %dma_wait3A_81 = tpu.memref_squeeze %dma_wait3A_80 : memref<1x1x128xi32, #tpu.memory_space<hbm>> -> memref<128xi32, #tpu.memory_space<hbm>>
          tpu.wait_dma2 semaphore(%run_scoped3A_57 : memref<!tpu.dma_semaphore, #tpu.memory_space<semaphore_mem>>) src(%dma_wait3A_81 : memref<128xi32, #tpu.memory_space<hbm>>) dst(%dma_wait3A_78 : memref<128xi32, #tpu.memory_space<vmem>>)
          tpu.yield
        }) : () -> ()
        %dma_start3A = arith.constant 0 : i32
        %dma_start3A_26 = arith.constant 0 : i32
        %dma_start3A_27 = tpu.memref_slice %arg8[%dma_start3A, %dma_start3A_26] : memref<1x128xi32, #tpu.memory_space<vmem>> -> memref<1x128xi32, #tpu.memory_space<vmem>>
        %dma_start3A_28 = tpu.memref_squeeze %dma_start3A_27 : memref<1x128xi32, #tpu.memory_space<vmem>> -> memref<128xi32, #tpu.memory_space<vmem>>
        %dma_start3A_29 = arith.constant 0 : i32
        %dma_start3A_30 = arith.constant 0 : i32
        %dma_start3A_31 = tpu.memref_slice %arg3[%dma_start3A_29, %dma_start3A_30] : memref<10240x128xf32, #tpu.memory_space<hbm>> -> memref<10240x128xf32, #tpu.memory_space<hbm>>
        tpu.enqueue_indirect_dma source(%dma_start3A_31 : memref<10240x128xf32, #tpu.memory_space<hbm>>) target(%arg12 : memref<128x128xf32, #tpu.memory_space<vmem>>) offsets(%dma_start3A_28 : memref<128xi32, #tpu.memory_space<vmem>>) semaphore(%arg15 : memref<!tpu.dma_semaphore, #tpu.memory_space<semaphore_mem>>)
        %run_scoped3A_32 = arith.constant 0 : i32
        "tpu.region"() ({
          %run_scoped3A_57 = tpu.sem_alloc : memref<!tpu.dma_semaphore, #tpu.memory_space<semaphore_mem>>
          %dma_start3A_58 = arith.constant 0 : i32
          %dma_start3A_59 = tpu.memref_slice %arg9[%run_scoped3A_32, %dma_start3A_58] : memref<1x128xi32, #tpu.memory_space<vmem>> -> memref<1x128xi32, #tpu.memory_space<vmem>>
          %dma_start3A_60 = tpu.memref_squeeze %dma_start3A_59 : memref<1x128xi32, #tpu.memory_space<vmem>> -> memref<128xi32, #tpu.memory_space<vmem>>
          %dma_start3A_61 = arith.constant 0 : i32
          %dma_start3A_62 = tpu.memref_slice %arg5[%arg1, %mul3A_22, %dma_start3A_61] : memref<16x158x128xi32, #tpu.memory_space<hbm>> -> memref<1x1x128xi32, #tpu.memory_space<hbm>>
          %dma_start3A_63 = tpu.memref_squeeze %dma_start3A_62 : memref<1x1x128xi32, #tpu.memory_space<hbm>> -> memref<128xi32, #tpu.memory_space<hbm>>
          %dma_start3A_64 = arith.constant 0 : i32
          %dma_start3A_65 = tpu.memref_slice %arg9[%run_scoped3A_32, %dma_start3A_64] : memref<1x128xi32, #tpu.memory_space<vmem>> -> memref<1x128xi32, #tpu.memory_space<vmem>>
          %dma_start3A_66 = tpu.memref_squeeze %dma_start3A_65 : memref<1x128xi32, #tpu.memory_space<vmem>> -> memref<128xi32, #tpu.memory_space<vmem>>
          %dma_start3A_67 = arith.constant 0 : i32
          %dma_start3A_68 = tpu.memref_slice %arg5[%arg1, %mul3A_22, %dma_start3A_67] : memref<16x158x128xi32, #tpu.memory_space<hbm>> -> memref<1x1x128xi32, #tpu.memory_space<hbm>>
          %dma_start3A_69 = tpu.memref_squeeze %dma_start3A_68 : memref<1x1x128xi32, #tpu.memory_space<hbm>> -> memref<128xi32, #tpu.memory_space<hbm>>
          tpu.enqueue_dma source(%dma_start3A_69 : memref<128xi32, #tpu.memory_space<hbm>>) target(%dma_start3A_66 : memref<128xi32, #tpu.memory_space<vmem>>) target_semaphore(%run_scoped3A_57 : memref<!tpu.dma_semaphore, #tpu.memory_space<semaphore_mem>>)
          %dma_wait3A_70 = arith.constant 0 : i32
          %dma_wait3A_71 = tpu.memref_slice %arg9[%run_scoped3A_32, %dma_wait3A_70] : memref<1x128xi32, #tpu.memory_space<vmem>> -> memref<1x128xi32, #tpu.memory_space<vmem>>
          %dma_wait3A_72 = tpu.memref_squeeze %dma_wait3A_71 : memref<1x128xi32, #tpu.memory_space<vmem>> -> memref<128xi32, #tpu.memory_space<vmem>>
          %dma_wait3A_73 = arith.constant 0 : i32
          %dma_wait3A_74 = tpu.memref_slice %arg5[%arg1, %mul3A_22, %dma_wait3A_73] : memref<16x158x128xi32, #tpu.memory_space<hbm>> -> memref<1x1x128xi32, #tpu.memory_space<hbm>>
          %dma_wait3A_75 = tpu.memref_squeeze %dma_wait3A_74 : memref<1x1x128xi32, #tpu.memory_space<hbm>> -> memref<128xi32, #tpu.memory_space<hbm>>
          %dma_wait3A_76 = arith.constant 0 : i32
          %dma_wait3A_77 = tpu.memref_slice %arg9[%run_scoped3A_32, %dma_wait3A_76] : memref<1x128xi32, #tpu.memory_space<vmem>> -> memref<1x128xi32, #tpu.memory_space<vmem>>
          %dma_wait3A_78 = tpu.memref_squeeze %dma_wait3A_77 : memref<1x128xi32, #tpu.memory_space<vmem>> -> memref<128xi32, #tpu.memory_space<vmem>>
          %dma_wait3A_79 = arith.constant 0 : i32
          %dma_wait3A_80 = tpu.memref_slice %arg5[%arg1, %mul3A_22, %dma_wait3A_79] : memref<16x158x128xi32, #tpu.memory_space<hbm>> -> memref<1x1x128xi32, #tpu.memory_space<hbm>>
          %dma_wait3A_81 = tpu.memref_squeeze %dma_wait3A_80 : memref<1x1x128xi32, #tpu.memory_space<hbm>> -> memref<128xi32, #tpu.memory_space<hbm>>
          tpu.wait_dma2 semaphore(%run_scoped3A_57 : memref<!tpu.dma_semaphore, #tpu.memory_space<semaphore_mem>>) src(%dma_wait3A_81 : memref<128xi32, #tpu.memory_space<hbm>>) dst(%dma_wait3A_78 : memref<128xi32, #tpu.memory_space<vmem>>)
          tpu.yield
        }) : () -> ()
        %run_scoped3A_33 = arith.constant 0 : i32
        "tpu.region"() ({
          %run_scoped3A_57 = tpu.sem_alloc : memref<!tpu.dma_semaphore, #tpu.memory_space<semaphore_mem>>
          %dma_start3A_58 = arith.constant 0 : i32
          %dma_start3A_59 = tpu.memref_slice %arg10[%run_scoped3A_33, %dma_start3A_58] : memref<1x128xi32, #tpu.memory_space<vmem>> -> memref<1x128xi32, #tpu.memory_space<vmem>>
          %dma_start3A_60 = tpu.memref_squeeze %dma_start3A_59 : memref<1x128xi32, #tpu.memory_space<vmem>> -> memref<128xi32, #tpu.memory_space<vmem>>
          %dma_start3A_61 = arith.constant 0 : i32
          %dma_start3A_62 = tpu.memref_slice %arg4[%arg1, %add3A_25, %dma_start3A_61] : memref<16x158x128xi32, #tpu.memory_space<hbm>> -> memref<1x1x128xi32, #tpu.memory_space<hbm>>
          %dma_start3A_63 = tpu.memref_squeeze %dma_start3A_62 : memref<1x1x128xi32, #tpu.memory_space<hbm>> -> memref<128xi32, #tpu.memory_space<hbm>>
          %dma_start3A_64 = arith.constant 0 : i32
          %dma_start3A_65 = tpu.memref_slice %arg10[%run_scoped3A_33, %dma_start3A_64] : memref<1x128xi32, #tpu.memory_space<vmem>> -> memref<1x128xi32, #tpu.memory_space<vmem>>
          %dma_start3A_66 = tpu.memref_squeeze %dma_start3A_65 : memref<1x128xi32, #tpu.memory_space<vmem>> -> memref<128xi32, #tpu.memory_space<vmem>>
          %dma_start3A_67 = arith.constant 0 : i32
          %dma_start3A_68 = tpu.memref_slice %arg4[%arg1, %add3A_25, %dma_start3A_67] : memref<16x158x128xi32, #tpu.memory_space<hbm>> -> memref<1x1x128xi32, #tpu.memory_space<hbm>>
          %dma_start3A_69 = tpu.memref_squeeze %dma_start3A_68 : memref<1x1x128xi32, #tpu.memory_space<hbm>> -> memref<128xi32, #tpu.memory_space<hbm>>
          tpu.enqueue_dma source(%dma_start3A_69 : memref<128xi32, #tpu.memory_space<hbm>>) target(%dma_start3A_66 : memref<128xi32, #tpu.memory_space<vmem>>) target_semaphore(%run_scoped3A_57 : memref<!tpu.dma_semaphore, #tpu.memory_space<semaphore_mem>>)
          %dma_wait3A_70 = arith.constant 0 : i32
          %dma_wait3A_71 = tpu.memref_slice %arg10[%run_scoped3A_33, %dma_wait3A_70] : memref<1x128xi32, #tpu.memory_space<vmem>> -> memref<1x128xi32, #tpu.memory_space<vmem>>
          %dma_wait3A_72 = tpu.memref_squeeze %dma_wait3A_71 : memref<1x128xi32, #tpu.memory_space<vmem>> -> memref<128xi32, #tpu.memory_space<vmem>>
          %dma_wait3A_73 = arith.constant 0 : i32
          %dma_wait3A_74 = tpu.memref_slice %arg4[%arg1, %add3A_25, %dma_wait3A_73] : memref<16x158x128xi32, #tpu.memory_space<hbm>> -> memref<1x1x128xi32, #tpu.memory_space<hbm>>
          %dma_wait3A_75 = tpu.memref_squeeze %dma_wait3A_74 : memref<1x1x128xi32, #tpu.memory_space<hbm>> -> memref<128xi32, #tpu.memory_space<hbm>>
          %dma_wait3A_76 = arith.constant 0 : i32
          %dma_wait3A_77 = tpu.memref_slice %arg10[%run_scoped3A_33, %dma_wait3A_76] : memref<1x128xi32, #tpu.memory_space<vmem>> -> memref<1x128xi32, #tpu.memory_space<vmem>>
          %dma_wait3A_78 = tpu.memref_squeeze %dma_wait3A_77 : memref<1x128xi32, #tpu.memory_space<vmem>> -> memref<128xi32, #tpu.memory_space<vmem>>
          %dma_wait3A_79 = arith.constant 0 : i32
          %dma_wait3A_80 = tpu.memref_slice %arg4[%arg1, %add3A_25, %dma_wait3A_79] : memref<16x158x128xi32, #tpu.memory_space<hbm>> -> memref<1x1x128xi32, #tpu.memory_space<hbm>>
          %dma_wait3A_81 = tpu.memref_squeeze %dma_wait3A_80 : memref<1x1x128xi32, #tpu.memory_space<hbm>> -> memref<128xi32, #tpu.memory_space<hbm>>
          tpu.wait_dma2 semaphore(%run_scoped3A_57 : memref<!tpu.dma_semaphore, #tpu.memory_space<semaphore_mem>>) src(%dma_wait3A_81 : memref<128xi32, #tpu.memory_space<hbm>>) dst(%dma_wait3A_78 : memref<128xi32, #tpu.memory_space<vmem>>)
          tpu.yield
        }) : () -> ()
        %dma_start3A_34 = arith.constant 0 : i32
        %dma_start3A_35 = arith.constant 0 : i32
        %dma_start3A_36 = tpu.memref_slice %arg10[%dma_start3A_34, %dma_start3A_35] : memref<1x128xi32, #tpu.memory_space<vmem>> -> memref<1x128xi32, #tpu.memory_space<vmem>>
        %dma_start3A_37 = tpu.memref_squeeze %dma_start3A_36 : memref<1x128xi32, #tpu.memory_space<vmem>> -> memref<128xi32, #tpu.memory_space<vmem>>
        %dma_start3A_38 = arith.constant 0 : i32
        %dma_start3A_39 = arith.constant 0 : i32
        %dma_start3A_40 = tpu.memref_slice %arg3[%dma_start3A_38, %dma_start3A_39] : memref<10240x128xf32, #tpu.memory_space<hbm>> -> memref<10240x128xf32, #tpu.memory_space<hbm>>
        tpu.enqueue_indirect_dma source(%dma_start3A_40 : memref<10240x128xf32, #tpu.memory_space<hbm>>) target(%arg13 : memref<128x128xf32, #tpu.memory_space<vmem>>) offsets(%dma_start3A_37 : memref<128xi32, #tpu.memory_space<vmem>>) semaphore(%arg16 : memref<!tpu.dma_semaphore, #tpu.memory_space<semaphore_mem>>)
        %run_scoped3A_41 = arith.constant 0 : i32
        "tpu.region"() ({
          %run_scoped3A_57 = tpu.sem_alloc : memref<!tpu.dma_semaphore, #tpu.memory_space<semaphore_mem>>
          %dma_start3A_58 = arith.constant 0 : i32
          %dma_start3A_59 = tpu.memref_slice %arg11[%run_scoped3A_41, %dma_start3A_58] : memref<1x128xi32, #tpu.memory_space<vmem>> -> memref<1x128xi32, #tpu.memory_space<vmem>>
          %dma_start3A_60 = tpu.memref_squeeze %dma_start3A_59 : memref<1x128xi32, #tpu.memory_space<vmem>> -> memref<128xi32, #tpu.memory_space<vmem>>
          %dma_start3A_61 = arith.constant 0 : i32
          %dma_start3A_62 = tpu.memref_slice %arg5[%arg1, %add3A_25, %dma_start3A_61] : memref<16x158x128xi32, #tpu.memory_space<hbm>> -> memref<1x1x128xi32, #tpu.memory_space<hbm>>
          %dma_start3A_63 = tpu.memref_squeeze %dma_start3A_62 : memref<1x1x128xi32, #tpu.memory_space<hbm>> -> memref<128xi32, #tpu.memory_space<hbm>>
          %dma_start3A_64 = arith.constant 0 : i32
          %dma_start3A_65 = tpu.memref_slice %arg11[%run_scoped3A_41, %dma_start3A_64] : memref<1x128xi32, #tpu.memory_space<vmem>> -> memref<1x128xi32, #tpu.memory_space<vmem>>
          %dma_start3A_66 = tpu.memref_squeeze %dma_start3A_65 : memref<1x128xi32, #tpu.memory_space<vmem>> -> memref<128xi32, #tpu.memory_space<vmem>>
          %dma_start3A_67 = arith.constant 0 : i32
          %dma_start3A_68 = tpu.memref_slice %arg5[%arg1, %add3A_25, %dma_start3A_67] : memref<16x158x128xi32, #tpu.memory_space<hbm>> -> memref<1x1x128xi32, #tpu.memory_space<hbm>>
          %dma_start3A_69 = tpu.memref_squeeze %dma_start3A_68 : memref<1x1x128xi32, #tpu.memory_space<hbm>> -> memref<128xi32, #tpu.memory_space<hbm>>
          tpu.enqueue_dma source(%dma_start3A_69 : memref<128xi32, #tpu.memory_space<hbm>>) target(%dma_start3A_66 : memref<128xi32, #tpu.memory_space<vmem>>) target_semaphore(%run_scoped3A_57 : memref<!tpu.dma_semaphore, #tpu.memory_space<semaphore_mem>>)
          %dma_wait3A_70 = arith.constant 0 : i32
          %dma_wait3A_71 = tpu.memref_slice %arg11[%run_scoped3A_41, %dma_wait3A_70] : memref<1x128xi32, #tpu.memory_space<vmem>> -> memref<1x128xi32, #tpu.memory_space<vmem>>
          %dma_wait3A_72 = tpu.memref_squeeze %dma_wait3A_71 : memref<1x128xi32, #tpu.memory_space<vmem>> -> memref<128xi32, #tpu.memory_space<vmem>>
          %dma_wait3A_73 = arith.constant 0 : i32
          %dma_wait3A_74 = tpu.memref_slice %arg5[%arg1, %add3A_25, %dma_wait3A_73] : memref<16x158x128xi32, #tpu.memory_space<hbm>> -> memref<1x1x128xi32, #tpu.memory_space<hbm>>
          %dma_wait3A_75 = tpu.memref_squeeze %dma_wait3A_74 : memref<1x1x128xi32, #tpu.memory_space<hbm>> -> memref<128xi32, #tpu.memory_space<hbm>>
          %dma_wait3A_76 = arith.constant 0 : i32
          %dma_wait3A_77 = tpu.memref_slice %arg11[%run_scoped3A_41, %dma_wait3A_76] : memref<1x128xi32, #tpu.memory_space<vmem>> -> memref<1x128xi32, #tpu.memory_space<vmem>>
          %dma_wait3A_78 = tpu.memref_squeeze %dma_wait3A_77 : memref<1x128xi32, #tpu.memory_space<vmem>> -> memref<128xi32, #tpu.memory_space<vmem>>
          %dma_wait3A_79 = arith.constant 0 : i32
          %dma_wait3A_80 = tpu.memref_slice %arg5[%arg1, %add3A_25, %dma_wait3A_79] : memref<16x158x128xi32, #tpu.memory_space<hbm>> -> memref<1x1x128xi32, #tpu.memory_space<hbm>>
          %dma_wait3A_81 = tpu.memref_squeeze %dma_wait3A_80 : memref<1x1x128xi32, #tpu.memory_space<hbm>> -> memref<128xi32, #tpu.memory_space<hbm>>
          tpu.wait_dma2 semaphore(%run_scoped3A_57 : memref<!tpu.dma_semaphore, #tpu.memory_space<semaphore_mem>>) src(%dma_wait3A_81 : memref<128xi32, #tpu.memory_space<hbm>>) dst(%dma_wait3A_78 : memref<128xi32, #tpu.memory_space<vmem>>)
          tpu.yield
        }) : () -> ()
        %dma_wait3A = arith.constant 0 : i32
        %dma_wait3A_42 = arith.constant 0 : i32
        %dma_wait3A_43 = tpu.memref_slice %arg8[%dma_wait3A, %dma_wait3A_42] : memref<1x128xi32, #tpu.memory_space<vmem>> -> memref<1x128xi32, #tpu.memory_space<vmem>>
        %dma_wait3A_44 = tpu.memref_squeeze %dma_wait3A_43 : memref<1x128xi32, #tpu.memory_space<vmem>> -> memref<128xi32, #tpu.memory_space<vmem>>
        %dma_wait3A_45 = arith.constant 0 : i32
        %dma_wait3A_46 = arith.constant 0 : i32
        %dma_wait3A_47 = tpu.memref_slice %arg3[%dma_wait3A_45, %dma_wait3A_46] : memref<10240x128xf32, #tpu.memory_space<hbm>> -> memref<10240x128xf32, #tpu.memory_space<hbm>>
        tpu.wait_indirect_dma semaphore(%arg15 : memref<!tpu.dma_semaphore, #tpu.memory_space<semaphore_mem>>) src(%dma_wait3A_47 : memref<10240x128xf32, #tpu.memory_space<hbm>>) dst(%arg12 : memref<128x128xf32, #tpu.memory_space<vmem>>)
        %run_scoped3A_48 = arith.constant 0 : i32
        "tpu.region"() ({
          %run_scoped3A_57 = tpu.sem_alloc : memref<!tpu.dma_semaphore, #tpu.memory_space<semaphore_mem>>
          %dma_start3A_58 = arith.constant 0 : i32
          %dma_start3A_59 = tpu.memref_slice %arg9[%run_scoped3A_48, %dma_start3A_58] : memref<1x128xi32, #tpu.memory_space<vmem>> -> memref<1x128xi32, #tpu.memory_space<vmem>>
          %dma_start3A_60 = tpu.memref_squeeze %dma_start3A_59 : memref<1x128xi32, #tpu.memory_space<vmem>> -> memref<128xi32, #tpu.memory_space<vmem>>
          %dma_start3A_61 = arith.constant 0 : i32
          %dma_start3A_62 = arith.constant 0 : i32
          %dma_start3A_63 = tpu.memref_slice %arg14[%dma_start3A_61, %dma_start3A_62] : memref<10240x128xf32, #tpu.memory_space<vmem_shared>> -> memref<10240x128xf32, #tpu.memory_space<vmem_shared>>
          tpu.enqueue_indirect_dma source(%arg12 : memref<128x128xf32, #tpu.memory_space<vmem>>) target(%dma_start3A_63 : memref<10240x128xf32, #tpu.memory_space<vmem_shared>>) offsets(%dma_start3A_60 : memref<128xi32, #tpu.memory_space<vmem>>) semaphore(%run_scoped3A_57 : memref<!tpu.dma_semaphore, #tpu.memory_space<semaphore_mem>>) {add = true}
          %dma_wait3A_64 = arith.constant 0 : i32
          %dma_wait3A_65 = tpu.memref_slice %arg9[%run_scoped3A_48, %dma_wait3A_64] : memref<1x128xi32, #tpu.memory_space<vmem>> -> memref<1x128xi32, #tpu.memory_space<vmem>>
          %dma_wait3A_66 = tpu.memref_squeeze %dma_wait3A_65 : memref<1x128xi32, #tpu.memory_space<vmem>> -> memref<128xi32, #tpu.memory_space<vmem>>
          %dma_wait3A_67 = arith.constant 0 : i32
          %dma_wait3A_68 = arith.constant 0 : i32
          %dma_wait3A_69 = tpu.memref_slice %arg14[%dma_wait3A_67, %dma_wait3A_68] : memref<10240x128xf32, #tpu.memory_space<vmem_shared>> -> memref<10240x128xf32, #tpu.memory_space<vmem_shared>>
          tpu.wait_indirect_dma semaphore(%run_scoped3A_57 : memref<!tpu.dma_semaphore, #tpu.memory_space<semaphore_mem>>) src(%arg12 : memref<128x128xf32, #tpu.memory_space<vmem>>) dst(%dma_wait3A_69 : memref<10240x128xf32, #tpu.memory_space<vmem_shared>>)
          tpu.yield
        }) : () -> ()
        %dma_wait3A_49 = arith.constant 0 : i32
        %dma_wait3A_50 = arith.constant 0 : i32
        %dma_wait3A_51 = tpu.memref_slice %arg10[%dma_wait3A_49, %dma_wait3A_50] : memref<1x128xi32, #tpu.memory_space<vmem>> -> memref<1x128xi32, #tpu.memory_space<vmem>>
        %dma_wait3A_52 = tpu.memref_squeeze %dma_wait3A_51 : memref<1x128xi32, #tpu.memory_space<vmem>> -> memref<128xi32, #tpu.memory_space<vmem>>
        %dma_wait3A_53 = arith.constant 0 : i32
        %dma_wait3A_54 = arith.constant 0 : i32
        %dma_wait3A_55 = tpu.memref_slice %arg3[%dma_wait3A_53, %dma_wait3A_54] : memref<10240x128xf32, #tpu.memory_space<hbm>> -> memref<10240x128xf32, #tpu.memory_space<hbm>>
        tpu.wait_indirect_dma semaphore(%arg16 : memref<!tpu.dma_semaphore, #tpu.memory_space<semaphore_mem>>) src(%dma_wait3A_55 : memref<10240x128xf32, #tpu.memory_space<hbm>>) dst(%arg13 : memref<128x128xf32, #tpu.memory_space<vmem>>)
        %run_scoped3A_56 = arith.constant 0 : i32
        "tpu.region"() ({
          %run_scoped3A_57 = tpu.sem_alloc : memref<!tpu.dma_semaphore, #tpu.memory_space<semaphore_mem>>
          %dma_start3A_58 = arith.constant 0 : i32
          %dma_start3A_59 = tpu.memref_slice %arg11[%run_scoped3A_56, %dma_start3A_58] : memref<1x128xi32, #tpu.memory_space<vmem>> -> memref<1x128xi32, #tpu.memory_space<vmem>>
          %dma_start3A_60 = tpu.memref_squeeze %dma_start3A_59 : memref<1x128xi32, #tpu.memory_space<vmem>> -> memref<128xi32, #tpu.memory_space<vmem>>
          %dma_start3A_61 = arith.constant 0 : i32
          %dma_start3A_62 = arith.constant 0 : i32
          %dma_start3A_63 = tpu.memref_slice %arg14[%dma_start3A_61, %dma_start3A_62] : memref<10240x128xf32, #tpu.memory_space<vmem_shared>> -> memref<10240x128xf32, #tpu.memory_space<vmem_shared>>
          tpu.enqueue_indirect_dma source(%arg13 : memref<128x128xf32, #tpu.memory_space<vmem>>) target(%dma_start3A_63 : memref<10240x128xf32, #tpu.memory_space<vmem_shared>>) offsets(%dma_start3A_60 : memref<128xi32, #tpu.memory_space<vmem>>) semaphore(%run_scoped3A_57 : memref<!tpu.dma_semaphore, #tpu.memory_space<semaphore_mem>>) {add = true}
          %dma_wait3A_64 = arith.constant 0 : i32
          %dma_wait3A_65 = tpu.memref_slice %arg11[%run_scoped3A_56, %dma_wait3A_64] : memref<1x128xi32, #tpu.memory_space<vmem>> -> memref<1x128xi32, #tpu.memory_space<vmem>>
          %dma_wait3A_66 = tpu.memref_squeeze %dma_wait3A_65 : memref<1x128xi32, #tpu.memory_space<vmem>> -> memref<128xi32, #tpu.memory_space<vmem>>
          %dma_wait3A_67 = arith.constant 0 : i32
          %dma_wait3A_68 = arith.constant 0 : i32
          %dma_wait3A_69 = tpu.memref_slice %arg14[%dma_wait3A_67, %dma_wait3A_68] : memref<10240x128xf32, #tpu.memory_space<vmem_shared>> -> memref<10240x128xf32, #tpu.memory_space<vmem_shared>>
          tpu.wait_indirect_dma semaphore(%run_scoped3A_57 : memref<!tpu.dma_semaphore, #tpu.memory_space<semaphore_mem>>) src(%arg13 : memref<128x128xf32, #tpu.memory_space<vmem>>) dst(%dma_wait3A_69 : memref<10240x128xf32, #tpu.memory_space<vmem_shared>>)
          tpu.yield
        }) : () -> ()
      }
      %scan3A_14 = arith.constant 79 : i32
      %barrier3A_15 = arith.constant 0 : index
      tpu.barrier barrier_id(%barrier3A_15)
      %mul3A_16 = arith.constant 640 : i32
      %mul3A_17 = arith.muli %arg1, %mul3A_16 : i32
      %mul3A_18 = arith.constant 640 : i32
      %mul3A_19 = arith.muli %arg1, %mul3A_18 : i32
      "tpu.region"() ({
        %run_scoped3A = tpu.sem_alloc : memref<!tpu.dma_semaphore, #tpu.memory_space<semaphore_mem>>
        %dma_start3A = arith.constant 0 : i32
        %dma_start3A_20 = tpu.memref_slice %arg7[%mul3A_19, %dma_start3A] : memref<10240x128xf32, #tpu.memory_space<hbm>> -> memref<640x128xf32, #tpu.memory_space<hbm>>
        %dma_start3A_21 = arith.constant 0 : i32
        %dma_start3A_22 = tpu.memref_slice %arg14[%mul3A_17, %dma_start3A_21] : memref<10240x128xf32, #tpu.memory_space<vmem_shared>> -> memref<640x128xf32, #tpu.memory_space<vmem_shared>>
        tpu.enqueue_dma source(%dma_start3A_22 : memref<640x128xf32, #tpu.memory_space<vmem_shared>>) target(%dma_start3A_20 : memref<640x128xf32, #tpu.memory_space<hbm>>) target_semaphore(%run_scoped3A : memref<!tpu.dma_semaphore, #tpu.memory_space<semaphore_mem>>)
        %dma_wait3A = arith.constant 0 : i32
        %dma_wait3A_23 = tpu.memref_slice %arg7[%mul3A_19, %dma_wait3A] : memref<10240x128xf32, #tpu.memory_space<hbm>> -> memref<640x128xf32, #tpu.memory_space<hbm>>
        %dma_wait3A_24 = arith.constant 0 : i32
        %dma_wait3A_25 = tpu.memref_slice %arg14[%mul3A_17, %dma_wait3A_24] : memref<10240x128xf32, #tpu.memory_space<vmem_shared>> -> memref<640x128xf32, #tpu.memory_space<vmem_shared>>
        tpu.wait_dma2 semaphore(%run_scoped3A : memref<!tpu.dma_semaphore, #tpu.memory_space<semaphore_mem>>) src(%dma_wait3A_25 : memref<640x128xf32, #tpu.memory_space<vmem_shared>>) dst(%dma_wait3A_23 : memref<640x128xf32, #tpu.memory_space<hbm>>)
        tpu.yield
      }) : () -> ()
    } else {
    }
    return
  }
}

module attributes {stable_mosaic.version = 14 : i64} {
  func.func @_t1_body(%arg0: i32, %arg1: memref<1024x128xf32, #tpu.memory_space<vmem>>, %arg2: memref<128x256xf32, #tpu.memory_space<vmem>>, %arg3: memref<16x1024xf32, #tpu.memory_space<vmem>>, %arg4: memref<1024x128xf32, #tpu.memory_space<vmem>>, %arg5: memref<1024x128xf32, #tpu.memory_space<vmem>>, %arg6: memref<1024x1xf32, #tpu.memory_space<vmem>>) attributes {dimension_semantics = [#tpu.dimension_semantics<arbitrary>], iteration_bounds = array<i64: 10>, scalar_prefetch = 0 : i64, scratch_operands = 0 : i64, tpu.core_type = #tpu.core_type<tc>, window_params = [{transform_indices = @transform_0, window_bounds = array<i64: 1024, 128>}, {pipeline_mode = #tpu.pipeline_mode<synchronous>, transform_indices = @transform_1, window_bounds = array<i64: 128, 256>}, {transform_indices = @transform_2, window_bounds = array<i64: 16, 1024>}, {transform_indices = @transform_3, window_bounds = array<i64: 1024, 128>}, {transform_indices = @transform_4, window_bounds = array<i64: 1024, 128>}, {transform_indices = @transform_5, window_bounds = array<i64: 1024, 1>}]} {
    %get3A = arith.constant 0 : index
    %get3A_0 = arith.constant 0 : index
    %get3A_1 = vector.load %arg3[%get3A, %get3A_0] : memref<16x1024xf32, #tpu.memory_space<vmem>>, vector<16x1024xf32>
    %reduce_sum3A = arith.constant dense<0.000000e+00> : vector<1024xf32>
    %reduce_sum3A_2 = vector.multi_reduction <add>, %get3A_1, %reduce_sum3A [0] : vector<16x1024xf32> to vector<1024xf32>
    %add3A = arith.constant 1.000000e+00 : f32
    %add3A_3 = vector.broadcast %add3A : f32 to vector<1024xf32>
    %add3A_4 = arith.addf %reduce_sum3A_2, %add3A_3 : vector<1024xf32>
    %rsqrt3A = math.rsqrt %add3A_4 : vector<1024xf32>
    %broadcast_in_dim3A = vector.shape_cast %rsqrt3A : vector<1024xf32> to vector<1024x1xf32>
    %swap3A = arith.constant 0 : index
    %swap3A_5 = arith.constant 0 : index
    %swap3A_6 = vector.load %arg6[%swap3A, %swap3A_5] : memref<1024x1xf32, #tpu.memory_space<vmem>>, vector<1024x1xf32>
    tpu.vector_store %arg6[%swap3A, %swap3A_5], %broadcast_in_dim3A {strides = array<i32>} : memref<1024x1xf32, #tpu.memory_space<vmem>>, vector<1024x1xf32>,
    %get3A_7 = arith.constant 0 : index
    %get3A_8 = arith.constant 0 : index
    %get3A_9 = vector.load %arg1[%get3A_7, %get3A_8] : memref<1024x128xf32, #tpu.memory_space<vmem>>, vector<1024x128xf32>
    %get3A_10 = arith.constant 0 : index
    %get3A_11 = arith.constant 0 : index
    %get3A_12 = vector.load %arg2[%get3A_10, %get3A_11] : memref<128x256xf32, #tpu.memory_space<vmem>>, vector<128x256xf32>
    %dot_general3A = arith.constant dense<0.000000e+00> : vector<1024x256xf32>
    %dot_general3A_13 = tpu.matmul %get3A_9, %get3A_12, %dot_general3A {dimension_numbers = #tpu.dot_dimension_numbers<[1], [0], [0], [1], [0, 0, 1, 1], [], []>, transpose_lhs_hint = false} : vector<1024x128xf32>, vector<128x256xf32>, vector<1024x256xf32> -> vector<1024x256xf32>
    %slice3A = vector.extract_strided_slice %dot_general3A_13 {offsets = [0, 0], sizes = [1024, 128], strides = [1, 1]} : vector<1024x256xf32> to vector<1024x128xf32>
    %mul3A = vector.broadcast %broadcast_in_dim3A : vector<1024x1xf32> to vector<1024x128xf32>
    %mul3A_14 = arith.mulf %slice3A, %mul3A : vector<1024x128xf32>
    %swap3A_15 = arith.constant 0 : index
    %swap3A_16 = arith.constant 0 : index
    %swap3A_17 = vector.load %arg4[%swap3A_15, %swap3A_16] : memref<1024x128xf32, #tpu.memory_space<vmem>>, vector<1024x128xf32>
    tpu.vector_store %arg4[%swap3A_15, %swap3A_16], %mul3A_14 {strides = array<i32>} : memref<1024x128xf32, #tpu.memory_space<vmem>>, vector<1024x128xf32>,
    %slice3A_18 = vector.extract_strided_slice %dot_general3A_13 {offsets = [0, 128], sizes = [1024, 128], strides = [1, 1]} : vector<1024x256xf32> to vector<1024x128xf32>
    %mul3A_19 = vector.broadcast %broadcast_in_dim3A : vector<1024x1xf32> to vector<1024x128xf32>
    %mul3A_20 = arith.mulf %slice3A_18, %mul3A_19 : vector<1024x128xf32>
    %swap3A_21 = arith.constant 0 : index
    %swap3A_22 = arith.constant 0 : index
    %swap3A_23 = vector.load %arg5[%swap3A_21, %swap3A_22] : memref<1024x128xf32, #tpu.memory_space<vmem>>, vector<1024x128xf32>
    tpu.vector_store %arg5[%swap3A_21, %swap3A_22], %mul3A_20 {strides = array<i32>} : memref<1024x128xf32, #tpu.memory_space<vmem>>, vector<1024x128xf32>,
    return
  }
  func.func @transform_0(%arg0: i32) -> (i32, i32) {
    %c0_i32 = arith.constant 0 : i32
    %c0_i32_0 = arith.constant 0 : i32
    return %arg0, %c0_i32 : i32, i32
  }
  func.func @transform_1(%arg0: i32) -> (i32, i32) {
    %c0_i32 = arith.constant 0 : i32
    %c0_i32_0 = arith.constant 0 : i32
    %c0_i32_1 = arith.constant 0 : i32
    return %c0_i32, %c0_i32_0 : i32, i32
  }
  func.func @transform_2(%arg0: i32) -> (i32, i32) {
    %c0_i32 = arith.constant 0 : i32
    %c0_i32_0 = arith.constant 0 : i32
    return %c0_i32, %arg0 : i32, i32
  }
  func.func @transform_3(%arg0: i32) -> (i32, i32) {
    %c0_i32 = arith.constant 0 : i32
    %c0_i32_0 = arith.constant 0 : i32
    return %arg0, %c0_i32 : i32, i32
  }
  func.func @transform_4(%arg0: i32) -> (i32, i32) {
    %c0_i32 = arith.constant 0 : i32
    %c0_i32_0 = arith.constant 0 : i32
    return %arg0, %c0_i32 : i32, i32
  }
  func.func @transform_5(%arg0: i32) -> (i32, i32) {
    %c0_i32 = arith.constant 0 : i32
    %c0_i32_0 = arith.constant 0 : i32
    return %arg0, %c0_i32 : i32, i32
  }
}

module attributes {stable_mosaic.version = 14 : i64} {
  func.func @_t2_body(%arg0: i32, %arg1: memref<1024x128xf32, #tpu.memory_space<vmem>>, %arg2: memref<1024x128xf32, #tpu.memory_space<vmem>>, %arg3: memref<1024x1xf32, #tpu.memory_space<vmem>>, %arg4: memref<1x256xf32, #tpu.memory_space<vmem>>, %arg5: memref<256x256xf32, #tpu.memory_space<vmem>>, %arg6: memref<1024x128xf32, #tpu.memory_space<vmem>>, %arg7: memref<1024x128xf32, #tpu.memory_space<vmem>>) attributes {dimension_semantics = [#tpu.dimension_semantics<arbitrary>], iteration_bounds = array<i64: 10>, scalar_prefetch = 0 : i64, scratch_operands = 0 : i64, tpu.core_type = #tpu.core_type<tc>, window_params = [{transform_indices = @transform_0, window_bounds = array<i64: 1024, 128>}, {transform_indices = @transform_1, window_bounds = array<i64: 1024, 128>}, {transform_indices = @transform_2, window_bounds = array<i64: 1024, 1>}, {pipeline_mode = #tpu.pipeline_mode<synchronous>, transform_indices = @transform_3, window_bounds = array<i64: 1, 256>}, {pipeline_mode = #tpu.pipeline_mode<synchronous>, transform_indices = @transform_4, window_bounds = array<i64: 256, 256>}, {transform_indices = @transform_5, window_bounds = array<i64: 1024, 128>}, {transform_indices = @transform_6, window_bounds = array<i64: 1024, 128>}]} {
    %get3A = arith.constant 0 : index
    %get3A_0 = arith.constant 0 : index
    %get3A_1 = vector.load %arg3[%get3A, %get3A_0] : memref<1024x1xf32, #tpu.memory_space<vmem>>, vector<1024x1xf32>
    %get3A_2 = arith.constant 0 : index
    %get3A_3 = arith.constant 0 : index
    %get3A_4 = vector.load %arg1[%get3A_2, %get3A_3] : memref<1024x128xf32, #tpu.memory_space<vmem>>, vector<1024x128xf32>
    %mul3A = vector.broadcast %get3A_1 : vector<1024x1xf32> to vector<1024x128xf32>
    %mul3A_5 = arith.mulf %get3A_4, %mul3A : vector<1024x128xf32>
    %get3A_6 = arith.constant 0 : index
    %get3A_7 = arith.constant 0 : index
    %get3A_8 = vector.load %arg4[%get3A_6, %get3A_7] : memref<1x256xf32, #tpu.memory_space<vmem>>, vector<1x128xf32>
    %get3A_9 = vector.shape_cast %get3A_8 : vector<1x128xf32> to vector<128xf32>
    %broadcast_in_dim3A = vector.shape_cast %get3A_9 : vector<128xf32> to vector<1x128xf32>
    %add3A = vector.broadcast %broadcast_in_dim3A : vector<1x128xf32> to vector<1024x128xf32>
    %add3A_10 = arith.addf %mul3A_5, %add3A : vector<1024x128xf32>
    %max3A = arith.constant 0.000000e+00 : f32
    %max3A_11 = vector.broadcast %max3A : f32 to vector<1024x128xf32>
    %max3A_12 = arith.maximumf %add3A_10, %max3A_11 : vector<1024x128xf32>
    %get3A_13 = arith.constant 0 : index
    %get3A_14 = arith.constant 0 : index
    %get3A_15 = vector.load %arg2[%get3A_13, %get3A_14] : memref<1024x128xf32, #tpu.memory_space<vmem>>, vector<1024x128xf32>
    %mul3A_16 = vector.broadcast %get3A_1 : vector<1024x1xf32> to vector<1024x128xf32>
    %mul3A_17 = arith.mulf %get3A_15, %mul3A_16 : vector<1024x128xf32>
    %get3A_18 = arith.constant 0 : index
    %get3A_19 = arith.constant 128 : index
    %get3A_20 = vector.load %arg4[%get3A_18, %get3A_19] : memref<1x256xf32, #tpu.memory_space<vmem>>, vector<1x128xf32>
    %get3A_21 = vector.shape_cast %get3A_20 : vector<1x128xf32> to vector<128xf32>
    %broadcast_in_dim3A_22 = vector.shape_cast %get3A_21 : vector<128xf32> to vector<1x128xf32>
    %add3A_23 = vector.broadcast %broadcast_in_dim3A_22 : vector<1x128xf32> to vector<1024x128xf32>
    %add3A_24 = arith.addf %mul3A_17, %add3A_23 : vector<1024x128xf32>
    %max3A_25 = arith.constant 0.000000e+00 : f32
    %max3A_26 = vector.broadcast %max3A_25 : f32 to vector<1024x128xf32>
    %max3A_27 = arith.maximumf %add3A_24, %max3A_26 : vector<1024x128xf32>
    %get3A_28 = arith.constant 0 : index
    %get3A_29 = arith.constant 0 : index
    %get3A_30 = vector.load %arg5[%get3A_28, %get3A_29] : memref<256x256xf32, #tpu.memory_space<vmem>>, vector<128x256xf32>
    %dot_general3A = arith.constant dense<0.000000e+00> : vector<1024x256xf32>
    %dot_general3A_31 = tpu.matmul %max3A_12, %get3A_30, %dot_general3A {dimension_numbers = #tpu.dot_dimension_numbers<[1], [0], [0], [1], [0, 0, 1, 1], [], []>, transpose_lhs_hint = false} : vector<1024x128xf32>, vector<128x256xf32>, vector<1024x256xf32> -> vector<1024x256xf32>
    %get3A_32 = arith.constant 128 : index
    %get3A_33 = arith.constant 0 : index
    %get3A_34 = vector.load %arg5[%get3A_32, %get3A_33] : memref<256x256xf32, #tpu.memory_space<vmem>>, vector<128x256xf32>
    %dot_general3A_35 = arith.constant dense<0.000000e+00> : vector<1024x256xf32>
    %dot_general3A_36 = tpu.matmul %max3A_27, %get3A_34, %dot_general3A_35 {dimension_numbers = #tpu.dot_dimension_numbers<[1], [0], [0], [1], [0, 0, 1, 1], [], []>, transpose_lhs_hint = false} : vector<1024x128xf32>, vector<128x256xf32>, vector<1024x256xf32> -> vector<1024x256xf32>
    %add3A_37 = arith.addf %dot_general3A_31, %dot_general3A_36 : vector<1024x256xf32>
    %slice3A = vector.extract_strided_slice %add3A_37 {offsets = [0, 0], sizes = [1024, 128], strides = [1, 1]} : vector<1024x256xf32> to vector<1024x128xf32>
    %mul3A_38 = vector.broadcast %get3A_1 : vector<1024x1xf32> to vector<1024x128xf32>
    %mul3A_39 = arith.mulf %slice3A, %mul3A_38 : vector<1024x128xf32>
    %swap3A = arith.constant 0 : index
    %swap3A_40 = arith.constant 0 : index
    %swap3A_41 = vector.load %arg6[%swap3A, %swap3A_40] : memref<1024x128xf32, #tpu.memory_space<vmem>>, vector<1024x128xf32>
    tpu.vector_store %arg6[%swap3A, %swap3A_40], %mul3A_39 {strides = array<i32>} : memref<1024x128xf32, #tpu.memory_space<vmem>>, vector<1024x128xf32>,
    %slice3A_42 = vector.extract_strided_slice %add3A_37 {offsets = [0, 128], sizes = [1024, 128], strides = [1, 1]} : vector<1024x256xf32> to vector<1024x128xf32>
    %mul3A_43 = vector.broadcast %get3A_1 : vector<1024x1xf32> to vector<1024x128xf32>
    %mul3A_44 = arith.mulf %slice3A_42, %mul3A_43 : vector<1024x128xf32>
    %swap3A_45 = arith.constant 0 : index
    %swap3A_46 = arith.constant 0 : index
    %swap3A_47 = vector.load %arg7[%swap3A_45, %swap3A_46] : memref<1024x128xf32, #tpu.memory_space<vmem>>, vector<1024x128xf32>
    tpu.vector_store %arg7[%swap3A_45, %swap3A_46], %mul3A_44 {strides = array<i32>} : memref<1024x128xf32, #tpu.memory_space<vmem>>, vector<1024x128xf32>,
    return
  }
  func.func @transform_0(%arg0: i32) -> (i32, i32) {
    %c0_i32 = arith.constant 0 : i32
    %c0_i32_0 = arith.constant 0 : i32
    return %arg0, %c0_i32 : i32, i32
  }
  func.func @transform_1(%arg0: i32) -> (i32, i32) {
    %c0_i32 = arith.constant 0 : i32
    %c0_i32_0 = arith.constant 0 : i32
    return %arg0, %c0_i32 : i32, i32
  }
  func.func @transform_2(%arg0: i32) -> (i32, i32) {
    %c0_i32 = arith.constant 0 : i32
    %c0_i32_0 = arith.constant 0 : i32
    return %arg0, %c0_i32 : i32, i32
  }
  func.func @transform_3(%arg0: i32) -> (i32, i32) {
    %c0_i32 = arith.constant 0 : i32
    %c0_i32_0 = arith.constant 0 : i32
    %c0_i32_1 = arith.constant 0 : i32
    return %c0_i32, %c0_i32_0 : i32, i32
  }
  func.func @transform_4(%arg0: i32) -> (i32, i32) {
    %c0_i32 = arith.constant 0 : i32
    %c0_i32_0 = arith.constant 0 : i32
    %c0_i32_1 = arith.constant 0 : i32
    return %c0_i32, %c0_i32_0 : i32, i32
  }
  func.func @transform_5(%arg0: i32) -> (i32, i32) {
    %c0_i32 = arith.constant 0 : i32
    %c0_i32_0 = arith.constant 0 : i32
    return %arg0, %c0_i32 : i32, i32
  }
  func.func @transform_6(%arg0: i32) -> (i32, i32) {
    %c0_i32 = arith.constant 0 : i32
    %c0_i32_0 = arith.constant 0 : i32
    return %arg0, %c0_i32 : i32, i32
  }
}

module attributes {stable_mosaic.version = 14 : i64} {
  func.func @_t4_body(%arg0: i32, %arg1: memref<1024x128xf32, #tpu.memory_space<vmem>>, %arg2: memref<1024x128xf32, #tpu.memory_space<vmem>>, %arg3: memref<1024x1xf32, #tpu.memory_space<vmem>>, %arg4: memref<1x256xf32, #tpu.memory_space<vmem>>, %arg5: memref<256x128xf32, #tpu.memory_space<vmem>>, %arg6: memref<1x128xf32, #tpu.memory_space<vmem>>, %arg7: memref<128x1xf32, #tpu.memory_space<vmem>>, %arg8: memref<1x1xf32, #tpu.memory_space<vmem>>, %arg9: memref<1024x1xf32, #tpu.memory_space<vmem>>) attributes {dimension_semantics = [#tpu.dimension_semantics<arbitrary>], iteration_bounds = array<i64: 10>, scalar_prefetch = 0 : i64, scratch_operands = 0 : i64, tpu.core_type = #tpu.core_type<tc>, window_params = [{transform_indices = @transform_0, window_bounds = array<i64: 1024, 128>}, {transform_indices = @transform_1, window_bounds = array<i64: 1024, 128>}, {transform_indices = @transform_2, window_bounds = array<i64: 1024, 1>}, {pipeline_mode = #tpu.pipeline_mode<synchronous>, transform_indices = @transform_3, window_bounds = array<i64: 1, 256>}, {pipeline_mode = #tpu.pipeline_mode<synchronous>, transform_indices = @transform_4, window_bounds = array<i64: 256, 128>}, {pipeline_mode = #tpu.pipeline_mode<synchronous>, transform_indices = @transform_5, window_bounds = array<i64: 1, 128>}, {pipeline_mode = #tpu.pipeline_mode<synchronous>, transform_indices = @transform_6, window_bounds = array<i64: 128, 1>}, {pipeline_mode = #tpu.pipeline_mode<synchronous>, transform_indices = @transform_7, window_bounds = array<i64: 1, 1>}, {transform_indices = @transform_8, window_bounds = array<i64: 1024, 1>}]} {
    %get3A = arith.constant 0 : index
    %get3A_0 = arith.constant 0 : index
    %get3A_1 = vector.load %arg3[%get3A, %get3A_0] : memref<1024x1xf32, #tpu.memory_space<vmem>>, vector<1024x1xf32>
    %get3A_2 = arith.constant 0 : index
    %get3A_3 = arith.constant 0 : index
    %get3A_4 = vector.load %arg1[%get3A_2, %get3A_3] : memref<1024x128xf32, #tpu.memory_space<vmem>>, vector<1024x128xf32>
    %mul3A = vector.broadcast %get3A_1 : vector<1024x1xf32> to vector<1024x128xf32>
    %mul3A_5 = arith.mulf %get3A_4, %mul3A : vector<1024x128xf32>
    %get3A_6 = arith.constant 0 : index
    %get3A_7 = arith.constant 0 : index
    %get3A_8 = vector.load %arg4[%get3A_6, %get3A_7] : memref<1x256xf32, #tpu.memory_space<vmem>>, vector<1x128xf32>
    %get3A_9 = vector.shape_cast %get3A_8 : vector<1x128xf32> to vector<128xf32>
    %broadcast_in_dim3A = vector.shape_cast %get3A_9 : vector<128xf32> to vector<1x128xf32>
    %add3A = vector.broadcast %broadcast_in_dim3A : vector<1x128xf32> to vector<1024x128xf32>
    %add3A_10 = arith.addf %mul3A_5, %add3A : vector<1024x128xf32>
    %get3A_11 = arith.constant 0 : index
    %get3A_12 = arith.constant 0 : index
    %get3A_13 = vector.load %arg2[%get3A_11, %get3A_12] : memref<1024x128xf32, #tpu.memory_space<vmem>>, vector<1024x128xf32>
    %mul3A_14 = vector.broadcast %get3A_1 : vector<1024x1xf32> to vector<1024x128xf32>
    %mul3A_15 = arith.mulf %get3A_13, %mul3A_14 : vector<1024x128xf32>
    %get3A_16 = arith.constant 0 : index
    %get3A_17 = arith.constant 128 : index
    %get3A_18 = vector.load %arg4[%get3A_16, %get3A_17] : memref<1x256xf32, #tpu.memory_space<vmem>>, vector<1x128xf32>
    %get3A_19 = vector.shape_cast %get3A_18 : vector<1x128xf32> to vector<128xf32>
    %broadcast_in_dim3A_20 = vector.shape_cast %get3A_19 : vector<128xf32> to vector<1x128xf32>
    %add3A_21 = vector.broadcast %broadcast_in_dim3A_20 : vector<1x128xf32> to vector<1024x128xf32>
    %add3A_22 = arith.addf %mul3A_15, %add3A_21 : vector<1024x128xf32>
    %get3A_23 = arith.constant 0 : index
    %get3A_24 = arith.constant 0 : index
    %get3A_25 = vector.load %arg5[%get3A_23, %get3A_24] : memref<256x128xf32, #tpu.memory_space<vmem>>, vector<128x128xf32>
    %dot_general3A = arith.constant dense<0.000000e+00> : vector<1024x128xf32>
    %dot_general3A_26 = tpu.matmul %add3A_10, %get3A_25, %dot_general3A {dimension_numbers = #tpu.dot_dimension_numbers<[1], [0], [0], [1], [0, 0, 1, 1], [], []>, transpose_lhs_hint = false} : vector<1024x128xf32>, vector<128x128xf32>, vector<1024x128xf32> -> vector<1024x128xf32>
    %get3A_27 = arith.constant 128 : index
    %get3A_28 = arith.constant 0 : index
    %get3A_29 = vector.load %arg5[%get3A_27, %get3A_28] : memref<256x128xf32, #tpu.memory_space<vmem>>, vector<128x128xf32>
    %dot_general3A_30 = arith.constant dense<0.000000e+00> : vector<1024x128xf32>
    %dot_general3A_31 = tpu.matmul %add3A_22, %get3A_29, %dot_general3A_30 {dimension_numbers = #tpu.dot_dimension_numbers<[1], [0], [0], [1], [0, 0, 1, 1], [], []>, transpose_lhs_hint = false} : vector<1024x128xf32>, vector<128x128xf32>, vector<1024x128xf32> -> vector<1024x128xf32>
    %add3A_32 = arith.addf %dot_general3A_26, %dot_general3A_31 : vector<1024x128xf32>
    %get3A_33 = arith.constant 0 : index
    %get3A_34 = arith.constant 0 : index
    %get3A_35 = vector.load %arg6[%get3A_33, %get3A_34] : memref<1x128xf32, #tpu.memory_space<vmem>>, vector<1x128xf32>
    %get3A_36 = vector.shape_cast %get3A_35 : vector<1x128xf32> to vector<128xf32>
    %broadcast_in_dim3A_37 = vector.shape_cast %get3A_36 : vector<128xf32> to vector<1x128xf32>
    %add3A_38 = vector.broadcast %broadcast_in_dim3A_37 : vector<1x128xf32> to vector<1024x128xf32>
    %add3A_39 = arith.addf %add3A_32, %add3A_38 : vector<1024x128xf32>
    %max3A = arith.constant 0.000000e+00 : f32
    %max3A_40 = vector.broadcast %max3A : f32 to vector<1024x128xf32>
    %max3A_41 = arith.maximumf %add3A_39, %max3A_40 : vector<1024x128xf32>
    %get3A_42 = arith.constant 0 : index
    %get3A_43 = arith.constant 0 : index
    %get3A_44 = vector.load %arg7[%get3A_42, %get3A_43] : memref<128x1xf32, #tpu.memory_space<vmem>>, vector<128x1xf32>
    %dot_general3A_45 = arith.constant dense<0.000000e+00> : vector<1024x1xf32>
    %dot_general3A_46 = tpu.matmul %max3A_41, %get3A_44, %dot_general3A_45 {dimension_numbers = #tpu.dot_dimension_numbers<[1], [0], [0], [1], [0, 0, 1, 1], [], []>, transpose_lhs_hint = false} : vector<1024x128xf32>, vector<128x1xf32>, vector<1024x1xf32> -> vector<1024x1xf32>
    %get3A_47 = arith.constant 0 : index
    %get3A_48 = arith.constant 0 : index
    %get3A_49 = vector.load %arg8[%get3A_47, %get3A_48] : memref<1x1xf32, #tpu.memory_space<vmem>>, vector<1x1xf32>
    %get3A_50 = vector.extract %get3A_49[0, 0] : f32 from vector<1x1xf32>
    %add3A_51 = vector.broadcast %get3A_50 : f32 to vector<1024x1xf32>
    %add3A_52 = arith.addf %dot_general3A_46, %add3A_51 : vector<1024x1xf32>
    %logistic3A = arith.negf %add3A_52 : vector<1024x1xf32>
    %logistic3A_53 = math.exp %logistic3A : vector<1024x1xf32>
    %logistic3A_54 = arith.constant 1.000000e+00 : f32
    %logistic3A_55 = vector.broadcast %logistic3A_54 : f32 to vector<1024x1xf32>
    %logistic3A_56 = arith.addf %logistic3A_55, %logistic3A_53 : vector<1024x1xf32>
    %logistic3A_57 = arith.divf %logistic3A_55, %logistic3A_56 : vector<1024x1xf32>
    %swap3A = arith.constant 0 : index
    %swap3A_58 = arith.constant 0 : index
    %swap3A_59 = vector.load %arg9[%swap3A, %swap3A_58] : memref<1024x1xf32, #tpu.memory_space<vmem>>, vector<1024x1xf32>
    tpu.vector_store %arg9[%swap3A, %swap3A_58], %logistic3A_57 {strides = array<i32>} : memref<1024x1xf32, #tpu.memory_space<vmem>>, vector<1024x1xf32>,
    return
  }
  func.func @transform_0(%arg0: i32) -> (i32, i32) {
    %c0_i32 = arith.constant 0 : i32
    %c0_i32_0 = arith.constant 0 : i32
    return %arg0, %c0_i32 : i32, i32
  }
  func.func @transform_1(%arg0: i32) -> (i32, i32) {
    %c0_i32 = arith.constant 0 : i32
    %c0_i32_0 = arith.constant 0 : i32
    return %arg0, %c0_i32 : i32, i32
  }
  func.func @transform_2(%arg0: i32) -> (i32, i32) {
    %c0_i32 = arith.constant 0 : i32
    %c0_i32_0 = arith.constant 0 : i32
    return %arg0, %c0_i32 : i32, i32
  }
  func.func @transform_3(%arg0: i32) -> (i32, i32) {
    %c0_i32 = arith.constant 0 : i32
    %c0_i32_0 = arith.constant 0 : i32
    %c0_i32_1 = arith.constant 0 : i32
    return %c0_i32, %c0_i32_0 : i32, i32
  }
  func.func @transform_4(%arg0: i32) -> (i32, i32) {
    %c0_i32 = arith.constant 0 : i32
    %c0_i32_0 = arith.constant 0 : i32
    %c0_i32_1 = arith.constant 0 : i32
    return %c0_i32, %c0_i32_0 : i32, i32
  }
  func.func @transform_5(%arg0: i32) -> (i32, i32) {
    %c0_i32 = arith.constant 0 : i32
    %c0_i32_0 = arith.constant 0 : i32
    %c0_i32_1 = arith.constant 0 : i32
    return %c0_i32, %c0_i32_0 : i32, i32
  }
  func.func @transform_6(%arg0: i32) -> (i32, i32) {
    %c0_i32 = arith.constant 0 : i32
    %c0_i32_0 = arith.constant 0 : i32
    %c0_i32_1 = arith.constant 0 : i32
    return %c0_i32, %c0_i32_0 : i32, i32
  }
  func.func @transform_7(%arg0: i32) -> (i32, i32) {
    %c0_i32 = arith.constant 0 : i32
    %c0_i32_0 = arith.constant 0 : i32
    %c0_i32_1 = arith.constant 0 : i32
    return %c0_i32, %c0_i32_0 : i32, i32
  }
  func.func @transform_8(%arg0: i32) -> (i32, i32) {
    %c0_i32 = arith.constant 0 : i32
    %c0_i32_0 = arith.constant 0 : i32
    return %arg0, %c0_i32 : i32, i32
  }
}

</mosaic_0001>

<sc_bundles>
// kernel: kernel.10.cloned.1.call-start
scs
__scs_entry_jumppad:
0x0: {  	(pc) =	sbr.rel $0x88, $3  }
0x1: {  	(tag) =	ssettag $0x0;
	lr =	simm.s32 $0x1  }
0x2: {  	[smem:$0x3F95] =	sst lr;
	_ =	strace $0xD0000000  }
0x3: {  	_ = 	snop  }
0x4: {  	_ = 	snop  }
0x5: {  	_ = 	snop  }
0x6: {  	_ = 	snop  }
0x7: {  	_ = 	snop  }
__scs_overlays_trampoline_lowered:
0x8: {  	[smem:$0x3FA4] =	sst s0  }
0x9: {  	[smem:$0x3FA5] =	sst s1  }
0xa: {  	[smem:$0x3FA6] =	sst s2  }
0xb: {  	[smem:$0x3FA7] =	sst s3  }
0xc: {  	[smem:$0x3FA8] =	sst s4  }
0xd: {  	[smem:$0x3FA9] =	sst s5  }
0xe: {  	[smem:$0x3FAA] =	sst s6  }
0xf: {  	[smem:$0x3FAB] =	sst s7  }
0x10: {  	[smem:$0x3FAC] =	sst s8  }
0x11: {  	[smem:$0x3FAD] =	sst s9;
	s0 =	simm.s32 @!p0 $0x0  }
0x12: {  	s1 =	sld [smem:$0x3F93];
	s0 =	simm.s32 @p0 $0x1  }
0x13: {  	[smem:$0x3FAE] =	sst s0;
	s0 =	simm.s32 @!p1 $0x0  }
0x14: {  	s2 =	sld [smem:$0x3F92];
	s0 =	simm.s32 @p1 $0x1  }
0x15: {  	[smem:$0x3FAF] =	sst s0;
	s0 =	simm.s32 @!p2 $0x0  }
0x16: {  	s3 =	sld [smem:$0x3FDB];
	s0 =	simm.s32 @p2 $0x1  }
0x17: {  	s4 =	simm.s32 $0x1BF5;
	[smem:$0x3FB1] =	sst s0  }
0x18: {  	s0 =	sld [smem:$0x3F94];
	_ =	swait.ge [sflag:s4], $0x0  }
0x19: {  	s7 =	sld [smem:$0x3F95]  }
0x1a: {  	s8 =	sadd.s32 $0xFFFFE003, lr  }
0x1b: {  	s9 =	sadd.s32 $0xFFFFFEF7, lr;
	s5 =	simm.s32 $0xFFFFFFFF;
	p2 =	slt.u32 s8, $0xFFFFF086  }
0x1c: {  	p1 =	slt.u32 s9, $0xF7A;
	s5 =	simm.s32 @!p2 $0x0  }
0x1d: {  	s5 =	simm.s32 @p1 $0x1;
	p0 =	seq.s32 s7, s2  }
0x1e: {  	s7 =	smul.u32 @!p0 $0xF7A, s2;
	p2 =	seq.s32 @!p0 s5, $0x0  }
0x1f: {  	s9 =	smul.u32 $0xF7A, s1;
	s8 =	simm.s32 @!p0 $0x1BF5;
	p2 =	por !p2, p0  }
0x20: {  	[sflag:s8] =	ssyncset.s32 @!p0 $0xFFFFF086;
	s6 =	sadd.s32 @!p0 s3, s7;
	s7 =	simm.s32 @!p0 $0x108  }
0x21: {  	s3 =	sadd.s32 s3, s9;
	s6 =	sadd.s32 @!p0 $0x88, s6;
	s7 =	simm.s32 @p2 $0x1082  }
0x22: {  	[simem:s7], [sflag:s8] =	dma.local @!p0 [hbm:s6], $0xF7A  }
0x23: {  	s9 =	sor.u32 $0xD0000000, s2;
	s6 =	simm.s32 $0x108;
	_ =	swait.ge @!p0 [sflag:s8], $0x0  }
0x24: {  	s3 =	sadd.s32 $0x88, s3;
	s6 =	simm.s32 @!p1 $0x1082;
	[sflag:s4] =	ssyncset.s32 $0xFFFFF086  }
0x25: {  	[simem:s6], [sflag:s4] =	dma.local [hbm:s3], $0xF7A  }
0x26: {  	[smem:$0x3F95] =	sst s1;
	(tag) =	ssettag s2;
	_ =	strace s9  }
0x27: {  	s1 =	sld [smem:$0x3FA5]  }
0x28: {  	s2 =	sld [smem:$0x3FA6]  }
0x29: {  	s4 =	sld [smem:$0x3FA8]  }
0x2a: {  	p0 =	seq.s32 s5, $0x0;
	s5 =	sld [smem:$0x3FA9]  }
0x2b: {  	s6 =	sld [smem:$0x3FAA]  }
0x2c: {  	s7 =	sld [smem:$0x3FAB]  }
0x2d: {  	s3 =	simm.s32 $0x108;
	s8 =	sld [smem:$0x3FAC]  }
0x2e: {  	s3 =	simm.s32 @!p0 $0x1082;
	s9 =	sld [smem:$0x3FAD]  }
0x2f: {  	lr =	sadd.s32 s0, s3;
	s0 =	sld [smem:$0x3FA4]  }
0x30: {  	s3 =	sld [smem:$0x3FA7]  }
0x31: {  	[smem:$0x3FB0] =	sst s10  }
0x32: {  	s10 =	sld [smem:$0x3FAE];
	_ =	sdelay $0x3  }
0x33: {  	p0 =	seq.s32 s10, $0x1;
	s10 =	sld [smem:$0x3FB0];
	_ =	sdelay $0x3  }
0x34: {  	[smem:$0x3FB0] =	sst s10  }
0x35: {  	s10 =	sld [smem:$0x3FAF];
	_ =	sdelay $0x3  }
0x36: {  	p1 =	seq.s32 s10, $0x1;
	s10 =	sld [smem:$0x3FB0];
	_ =	sdelay $0x3  }
0x37: {  	[smem:$0x3FB0] =	sst s10  }
0x38: {  	s10 =	sld [smem:$0x3FB1]  }
0x39: {  	_ = 	snop;
	(pc) =	sbr.ind lr, $3  }
0x3a: {  	_ = 	snop  }
0x3b: {  	_ = 	snop  }
0x3c: {  	p2 =	seq.s32 s10, $0x1;
	s10 =	sld [smem:$0x3FB0]  }
0x3d: {  	_ =	shalt  }
0x3e: {  	_ =	shalt  }
0x3f: {  	_ =	shalt  }
0x40: {  	_ =	shalt  }
0x41: {  	_ =	shalt  }
0x42: {  	_ =	shalt  }
0x43: {  	_ =	shalt  }
0x44: {  	_ =	shalt  }
0x45: {  	_ =	shalt  }
0x46: {  	_ =	shalt  }
0x47: {  	_ =	shalt  }
0x48: {  	_ =	shalt  }
0x49: {  	_ =	shalt  }
0x4a: {  	_ =	shalt  }
0x4b: {  	_ =	shalt  }
0x4c: {  	_ =	shalt  }
0x4d: {  	_ =	shalt  }
0x4e: {  	_ =	shalt  }
0x4f: {  	_ =	shalt  }
0x50: {  	_ =	shalt  }
0x51: {  	_ =	shalt  }
0x52: {  	_ =	shalt  }
0x53: {  	_ =	shalt  }
0x54: {  	_ =	shalt  }
0x55: {  	_ =	shalt  }
0x56: {  	_ =	shalt  }
0x57: {  	_ =	shalt  }
0x58: {  	_ =	shalt  }
0x59: {  	_ =	shalt  }
0x5a: {  	_ =	shalt  }
0x5b: {  	_ =	shalt  }
0x5c: {  	_ =	shalt  }
0x5d: {  	_ =	shalt  }
0x5e: {  	_ =	shalt  }
0x5f: {  	_ =	shalt  }
0x60: {  	_ =	shalt  }
0x61: {  	_ =	shalt  }
0x62: {  	_ =	shalt  }
0x63: {  	_ =	shalt  }
0x64: {  	_ =	shalt  }
0x65: {  	_ =	shalt  }
0x66: {  	_ =	shalt  }
0x67: {  	_ =	shalt  }
0x68: {  	_ =	shalt  }
0x69: {  	_ =	shalt  }
0x6a: {  	_ =	shalt  }
0x6b: {  	_ =	shalt  }
0x6c: {  	_ =	shalt  }
0x6d: {  	_ =	shalt  }
0x6e: {  	_ =	shalt  }
0x6f: {  	_ =	shalt  }
0x70: {  	_ =	shalt  }
0x71: {  	_ =	shalt  }
0x72: {  	_ =	shalt  }
0x73: {  	_ =	shalt  }
0x74: {  	_ =	shalt  }
0x75: {  	_ =	shalt  }
0x76: {  	_ =	shalt  }
0x77: {  	_ =	shalt  }
0x78: {  	_ =	shalt  }
0x79: {  	_ =	shalt  }
0x7a: {  	_ =	shalt  }
0x7b: {  	_ =	shalt  }
0x7c: {  	_ =	shalt  }
0x7d: {  	_ =	shalt  }
0x7e: {  	_ =	shalt  }
0x7f: {  	_ =	shalt  }
0x80: {  	_ =	shalt  }
0x81: {  	_ =	shalt  }
0x82: {  	_ =	shalt  }
0x83: {  	_ =	shalt  }
0x84: {  	_ =	shalt  }
0x85: {  	_ =	shalt  }
0x86: {  	_ =	shalt  }
0x87: {  	_ =	shalt  }
.Lfunc_end0:
.L_simem_size_0:
called_computation_lowered:
.L_overlay_start_0:
0x88: {  	s2 =	sld [smem:$0x3FD9]  }
0x89: {  	s3 =	sld [smem:$0x3FFE];
	_ =	sdelay $0x1  }
0x8a: {  	s1 =	srdreg.scid  }
0x8b: {  	s0 =	sand.u32 $0x1, s1  }
0x8c: {  	s16 =	sshll.u32 s0, $0xA;
	s2 =	sadd.s32 s3, s2  }
0x8d: {  	s2 =	sadd.s32 s2, s16  }
0x8e: {  	[smem:$0x3FBC] =	sst s2  }
0x8f: {  	_ = 	snop  }
0x90: {  	(tm) =	ssettm $0x1  }
0x91: {  	s17 =	sld [smem:$0x3FFB];
	_ =	sdelay $0x3  }
0x92: {  	_ =	strace s17  }
0x93: {  	s2 =	sld [smem:$0x3FFC];
	_ =	sdelay $0x3  }
0x94: {  	_ =	strace s2  }
0x95: {  	s2 =	sld [smem:$0x3FFD];
	_ =	sdelay $0x3  }
0x96: {  	_ =	strace s2  }
0x97: {  	_ =	strace $0x8FFFFFFF  }
0x98: {  	s18 =	sld [smem:$0x3FDB];
	_ =	sdelay $0x1  }
0x99: {  	s19 =	simm.s32 $_scs_section_size  }
0x9a: {  	s4 =	simm.s32 $_size__tile_overlayer_lowered;
	s5 =	simm.s32 $_tile_overlayer_lowered  }
0x9b: {  	s22 =	simm.s32 $0x1BFF;
	s21 =	sshll.u32 s5, $0x1;
	s2 =	sadd.s32 s19, s18  }
0x9c: {  	s6 =	simm.s32 $0x0;
	s20 =	sshll.u32 s4, $0x1;
	s4 =	sadd.s32 s21, s2  }
0x9d: {  	[timem:s6], [sflag:s22] =	dma.local [hbm:s4], s20  }
0x9e: {  	_ =	swait.ge [sflag:s22], s20  }
0x9f: {  	s3 =	ssub.s32 $0x0, s20;
	[sflag:s22] =	ssyncset.done $0x0  }
0xa0: {  	[sflag:s22] =	ssyncadd.s32 s3;
	_ =	sdelay $0x1  }
0xa1: {  	s23 =	simm.s32 $0x1B8B  }
0xa2: {  	_ =	swait.ge [sflag:s23], $0x1  }
0xa3: {  	[sflag:s23] =	ssyncset.done $0x0  }
0xa4: {  	s25 =	simm.s32 $0x1B8E;
	s24 =	sld [smem:$0x3FFE];
	[sflag:s23] =	ssyncadd.s32 $0xFFFFFFFF  }
0xa5: {  	s26 =	simm.s32 $execute0_lowered;
	[smem:$0x3FD2] =	sst s25  }
0xa6: {  	s4 =	sshll.u32 s26, $0x1;
	_ =	strace $0x80000046;
	[dreg:$0x1] =	wrdreg $0xFFFFFFFF  }
0xa7: {  	s28 =	simm.s32 $_size_execute0_lowered;
	s2 =	sadd.s32 s2, s4;
	[dreg:$0x0] =	wrdreg $0x0  }
0xa8: {  	s4 =	sshll.u32 s28, $0x1;
	[dreg:$0x2] =	wrdreg s2  }
0xa9: {  	[dreg:$0x3] =	wrdreg s4  }
0xaa: {  	[dreg:$0x4] =	wrdreg $0xC0  }
0xab: {  	_ =	task [dreg:s6], $0x5FFFF  }
0xac: {  	[dreg:$0x1] =	wrdreg $0xFFFFFFFF  }
0xad: {  	[dreg:$0x0] =	wrdreg $0x60  }
0xae: {  	[dreg:$0x2] =	wrdreg s24  }
0xaf: {  	[dreg:$0x3] =	wrdreg $0x9  }
0xb0: {  	_ =	task.clear_ibuf [dreg:s6], $0x4FFFF;
	_ =	strace $0x90000046  }
0xb1: {  	s29 =	simm.s32 $0x9;
	_ =	strace $0x80000048  }
0xb2: {  	_ =	swait.ge [sflag:s29], $0x1  }
0xb3: {  	[sflag:s29] =	ssyncadd.s32 $0xFFFFFFFF  }
0xb4: {  	_ =	strace $0x90000048  }
0xb5: {  	_ =	sfence  }
0xb6: {  	s30 =	sld [smem:$0x0];
	_ =	sdelay $0x2  }
0xb7: {  	s31 =	sshll.u32 s1, $0xD;
	s1 =	sshrl.u32 s1, $0x2  }
0xb8: {  	s3 =	sand.u32 $0x4000, s31;
	s1 =	sadd.s32 s1, s30  }
0xb9: {  	s0 =	sor.u32 s3, s0;
	s1 =	sshll.u32 s1, $0x11  }
0xba: {  	s0 =	sor.u32 s1, s0  }
0xbb: {  	s0 =	sadd.s32 $0x8F2B, s0  }
0xbc: {  	[sflag:s0] =	ssyncadd.remote.s32 $0x1  }
0xbd: {  	_ =	sfence.sel $0xFFFF  }
0xbe: {  	[dreg:$0x0] =	wrdreg $0xFFFFFFFF;
	(pc) =	sbr.abs _section_cstart, $3  }
0xbf: {  	[dreg:$0x1] =	wrdreg $0xFFFFFFFF  }
0xc0: {  	_ =	task.clear_ibuf [dreg:s6], $0x2FFFF;
	_ =	strace $0x9FFFFFFF  }
0xc1: {  	(tm) =	ssettm $0x7FFFFFFF  }
tec
execute0_lowered:
.L_overlay_start_1:
0x0: {  	(tag) =	ssettag $0x1  }
0x1: {  	s1 =	srdreg.scid  }
0x2: {  	s1 =	sand.u32 $0x1, s1  }
0x3: {  	p0 =	seq.s32 s1, $0x1  }
.Ltmp0:
0x4: {  	_ = 	snop;
	(pc) =	sbr.rel @p0 .LBB2_6-.Ltmp0, $4  }
0x5: {  	_ = 	snop  }
0x6: {  	s2 =	rddreg [dreg:$0x0];
	s3 =	simm.s32 $0x0  }
0x7: {  	[smem:$0x7FF] =	sst s3  }
0x8: {  	s0 =	rddreg [dreg:$0x1];
	_ =	strace $0x80000047;
	s1 =	stileid.u32  }
0x9: {  	s3 =	sshrl.u32 s1, $0x3  }
0xa: {  	s4 =	sshll.u32 s1, $0x7;
	s5 =	smul.u32 $0x14000, s3  }
0xb: {  	s4 =	sand.u32 $0x380, s4;
	s3 =	smul.u32 $0x27800, s3  }
0xc: {  	s5 =	sor.u32 s4, s5  }
0xd: {  	s31 =	sadd.s32 $0x5800, s2;
	s3 =	sor.u32 s4, s3;
	s5 =	sshrl.u32 s5, $0x3  }
0xe: {  	s4 =	simm.s32 $0x40;
	s3 =	sshrl.u32 s3, $0x3;
	s5 =	sadd.s32 s5, s2  }
0xf: {  	v0 =	vimm.f32 $0.0e+00;
	s3 =	sadd.s32 s31, s3;
	s2 =	sadd.s32 $0xF600, s5;
	s5 =	simm.s32 $0x0  }
.LBB2_2:
0x10: {  	p0 =	sne.s32 s4, $0x9FC0;
	[tilespmem:s5+$0x4F00] =	vst v0;
	s5 =	smov.u32 s4;
	s4 =	sadd.s32 $0x40, s4  }
.Ltmp1:
0x11: {  	(pc) =	sbr.rel @p0 .LBB2_2-.Ltmp1, $2  }
0x12: {  	_ =	sdelay $0x2  }
0x13: {  	s5 =	sshra.s32 s5, $0x2  }
0x14: {  	s4 =	simm.s32 $0x80  }
0x15: {  	[tilespmem:s5+$0x4F00] =	vst v0;
	s30 =	simm.s32 $0x400;
	s6 =	simm.s32 $0x0;
	s31 =	simm.s32 $0x1  }
0x16: {  	[tilespmem:s6], [sflag:$0x1] =	stream.strided.gather [hbm4b:s3+s4], $0x4F00, s30, s4, $0x38;
	[tilespmem:$0x7700] =	vst v63  }
0x17: {  	_ =	swait.ge [sflag:s31], $0x4F00  }
0x18: {  	s5 =	simm.s32 $0x0;
	[sflag:s31] =	ssyncset.done $0x0  }
0x19: {  	v0 =	vimm.f32 $1.000000000e+00;
	s3 =	simm.s32 $0x4F00;
	s4 =	simm.s32 $0x40;
	[sflag:s31] =	ssyncadd.s32 $0xFFFFB100  }
.LBB2_4:
0x1a: {  	p0 =	sne.s32 s4, $0x13BC0;
	v1 =	vld [tilespmem:s5+$0x0];
	_ =	sdelay $0x3  }
.Ltmp2:
0x1b: {  	(pc) =	sbr.rel @p0 .LBB2_4-.Ltmp2, $2  }
0x1c: {  	_ =	sdelay $0x2  }
0x1d: {  	s5 =	sshra.s32 s4, $0x2;
	s4 =	sadd.s32 $0x40, s4;
	[tilespmem:v1+s3+$0x0] =	vst.idx.add.f32.msk $0xffff, v0  }
0x1e: {  	v1 =	vld [tilespmem:s5+$0x0];
	_ =	sdelay $0x6  }
0x1f: {  	s29 =	simm.s32 $0x80  }
0x20: {  	s4 =	simm.s32 $0x400;
	s30 =	simm.s32 $0x4F00;
	s31 =	simm.s32 $0x1;
	[tilespmem:v1+s3+$0x0] =	vst.idx.add.f32.msk $0xffff, v0  }
0x21: {  	[hbm4b:s2+s29] =	stream.strided.scatter [tilespmem:s30], [sflag:$0x1], $0x2800, s4, s29, $0x38;
	[tilespmem:$0x7700] =	vst v63  }
0x22: {  	_ =	swait.ge [sflag:s31], $0x2800  }
0x23: {  	[sflag:s31] =	ssyncset.done $0x0  }
0x24: {  	[sflag:s31] =	ssyncadd.s32 $0xFFFFD800  }
.LBB2_6:
0x25: {  	_ =	sfence.sel $0x180000  }
0x26: {  	[bflag:$0x0] =	sbarrier.arrive $0xFFFF  }
0x27: {  	p0 =	sne.s32 s1, $0x0;
	_ =	strace $0x90000047  }
0x28: {  	s0 =	sadd.s32 @!p0 $0x100000, s0;
	[bflag:$0x2] =	sbarrier.arrive $0xFFFF  }
0x29: {  	[sflag:s0] =	ssyncadd.tile.s32 @!p0 $0x1;
	_ =	shalt  }
.Lfunc_end2:
_tile_overlayer_lowered:
.L_overlay_start_2:
0x2a: {  	(tag) =	ssettag $0x2  }
0x2b: {  	s0 =	rddreg [dreg:$0x0];
	s2 =	stileid.u32  }
0x2c: {  	s1 =	rddreg [dreg:$0x1];
	p0 =	sne.s32 s2, $0x0  }
0x2d: {  	s3 =	rddreg [dreg:$0x2];
	[bflag:$0x3] =	sbarrier.arrive $0xFFFF;
	s2 =	simm.s32 @!p0 $0x1C01  }
0x2e: {  	[timem:s3], [sflag:s2] =	dma.local @!p0 [hbm:s0], s1  }
0x2f: {  	s0 =	simm.s32 @!p0 $0x1  }
0x30: {  	_ =	swait.ge @!p0 [sflag:s0], s1  }
0x31: {  	s1 =	ssub.s32 @!p0 $0x0, s1;
	[sflag:s0] =	ssyncset.done @!p0 $0x0  }
0x32: {  	[sflag:s0] =	ssyncadd.s32 @!p0 s1  }
0x33: {  	[bflag:$0x3] =	sbarrier.arrive $0xFFFF  }
0x34: {  	_ =	shalt  }

// kernel: kernel.13.cloned.1.call-start
scs
__scs_entry_jumppad:
0x0: {  	(pc) =	sbr.rel $0x88, $3  }
0x1: {  	(tag) =	ssettag $0x0;
	lr =	simm.s32 $0x1  }
0x2: {  	[smem:$0x3F95] =	sst lr;
	_ =	strace $0xD0000000  }
0x3: {  	_ = 	snop  }
0x4: {  	_ = 	snop  }
0x5: {  	_ = 	snop  }
0x6: {  	_ = 	snop  }
0x7: {  	_ = 	snop  }
__scs_overlays_trampoline_lowered:
0x8: {  	[smem:$0x3FA4] =	sst s0  }
0x9: {  	[smem:$0x3FA5] =	sst s1  }
0xa: {  	[smem:$0x3FA6] =	sst s2  }
0xb: {  	[smem:$0x3FA7] =	sst s3  }
0xc: {  	[smem:$0x3FA8] =	sst s4  }
0xd: {  	[smem:$0x3FA9] =	sst s5  }
0xe: {  	[smem:$0x3FAA] =	sst s6  }
0xf: {  	[smem:$0x3FAB] =	sst s7  }
0x10: {  	[smem:$0x3FAC] =	sst s8  }
0x11: {  	[smem:$0x3FAD] =	sst s9;
	s0 =	simm.s32 @!p0 $0x0  }
0x12: {  	s1 =	sld [smem:$0x3F93];
	s0 =	simm.s32 @p0 $0x1  }
0x13: {  	[smem:$0x3FAE] =	sst s0;
	s0 =	simm.s32 @!p1 $0x0  }
0x14: {  	s2 =	sld [smem:$0x3F92];
	s0 =	simm.s32 @p1 $0x1  }
0x15: {  	[smem:$0x3FAF] =	sst s0;
	s0 =	simm.s32 @!p2 $0x0  }
0x16: {  	s3 =	sld [smem:$0x3FDB];
	s0 =	simm.s32 @p2 $0x1  }
0x17: {  	s4 =	simm.s32 $0x1BF5;
	[smem:$0x3FB1] =	sst s0  }
0x18: {  	s0 =	sld [smem:$0x3F94];
	_ =	swait.ge [sflag:s4], $0x0  }
0x19: {  	s7 =	sld [smem:$0x3F95]  }
0x1a: {  	s8 =	sadd.s32 $0xFFFFE003, lr  }
0x1b: {  	s9 =	sadd.s32 $0xFFFFFEF7, lr;
	s5 =	simm.s32 $0xFFFFFFFF;
	p2 =	slt.u32 s8, $0xFFFFF086  }
0x1c: {  	p1 =	slt.u32 s9, $0xF7A;
	s5 =	simm.s32 @!p2 $0x0  }
0x1d: {  	s5 =	simm.s32 @p1 $0x1;
	p0 =	seq.s32 s7, s2  }
0x1e: {  	s7 =	smul.u32 @!p0 $0xF7A, s2;
	p2 =	seq.s32 @!p0 s5, $0x0  }
0x1f: {  	s9 =	smul.u32 $0xF7A, s1;
	s8 =	simm.s32 @!p0 $0x1BF5;
	p2 =	por !p2, p0  }
0x20: {  	[sflag:s8] =	ssyncset.s32 @!p0 $0xFFFFF086;
	s6 =	sadd.s32 @!p0 s3, s7;
	s7 =	simm.s32 @!p0 $0x108  }
0x21: {  	s3 =	sadd.s32 s3, s9;
	s6 =	sadd.s32 @!p0 $0x88, s6;
	s7 =	simm.s32 @p2 $0x1082  }
0x22: {  	[simem:s7], [sflag:s8] =	dma.local @!p0 [hbm:s6], $0xF7A  }
0x23: {  	s9 =	sor.u32 $0xD0000000, s2;
	s6 =	simm.s32 $0x108;
	_ =	swait.ge @!p0 [sflag:s8], $0x0  }
0x24: {  	s3 =	sadd.s32 $0x88, s3;
	s6 =	simm.s32 @!p1 $0x1082;
	[sflag:s4] =	ssyncset.s32 $0xFFFFF086  }
0x25: {  	[simem:s6], [sflag:s4] =	dma.local [hbm:s3], $0xF7A  }
0x26: {  	[smem:$0x3F95] =	sst s1;
	(tag) =	ssettag s2;
	_ =	strace s9  }
0x27: {  	s1 =	sld [smem:$0x3FA5]  }
0x28: {  	s2 =	sld [smem:$0x3FA6]  }
0x29: {  	s4 =	sld [smem:$0x3FA8]  }
0x2a: {  	p0 =	seq.s32 s5, $0x0;
	s5 =	sld [smem:$0x3FA9]  }
0x2b: {  	s6 =	sld [smem:$0x3FAA]  }
0x2c: {  	s7 =	sld [smem:$0x3FAB]  }
0x2d: {  	s3 =	simm.s32 $0x108;
	s8 =	sld [smem:$0x3FAC]  }
0x2e: {  	s3 =	simm.s32 @!p0 $0x1082;
	s9 =	sld [smem:$0x3FAD]  }
0x2f: {  	lr =	sadd.s32 s0, s3;
	s0 =	sld [smem:$0x3FA4]  }
0x30: {  	s3 =	sld [smem:$0x3FA7]  }
0x31: {  	[smem:$0x3FB0] =	sst s10  }
0x32: {  	s10 =	sld [smem:$0x3FAE];
	_ =	sdelay $0x3  }
0x33: {  	p0 =	seq.s32 s10, $0x1;
	s10 =	sld [smem:$0x3FB0];
	_ =	sdelay $0x3  }
0x34: {  	[smem:$0x3FB0] =	sst s10  }
0x35: {  	s10 =	sld [smem:$0x3FAF];
	_ =	sdelay $0x3  }
0x36: {  	p1 =	seq.s32 s10, $0x1;
	s10 =	sld [smem:$0x3FB0];
	_ =	sdelay $0x3  }
0x37: {  	[smem:$0x3FB0] =	sst s10  }
0x38: {  	s10 =	sld [smem:$0x3FB1]  }
0x39: {  	_ = 	snop;
	(pc) =	sbr.ind lr, $3  }
0x3a: {  	_ = 	snop  }
0x3b: {  	_ = 	snop  }
0x3c: {  	p2 =	seq.s32 s10, $0x1;
	s10 =	sld [smem:$0x3FB0]  }
0x3d: {  	_ =	shalt  }
0x3e: {  	_ =	shalt  }
0x3f: {  	_ =	shalt  }
0x40: {  	_ =	shalt  }
0x41: {  	_ =	shalt  }
0x42: {  	_ =	shalt  }
0x43: {  	_ =	shalt  }
0x44: {  	_ =	shalt  }
0x45: {  	_ =	shalt  }
0x46: {  	_ =	shalt  }
0x47: {  	_ =	shalt  }
0x48: {  	_ =	shalt  }
0x49: {  	_ =	shalt  }
0x4a: {  	_ =	shalt  }
0x4b: {  	_ =	shalt  }
0x4c: {  	_ =	shalt  }
0x4d: {  	_ =	shalt  }
0x4e: {  	_ =	shalt  }
0x4f: {  	_ =	shalt  }
0x50: {  	_ =	shalt  }
0x51: {  	_ =	shalt  }
0x52: {  	_ =	shalt  }
0x53: {  	_ =	shalt  }
0x54: {  	_ =	shalt  }
0x55: {  	_ =	shalt  }
0x56: {  	_ =	shalt  }
0x57: {  	_ =	shalt  }
0x58: {  	_ =	shalt  }
0x59: {  	_ =	shalt  }
0x5a: {  	_ =	shalt  }
0x5b: {  	_ =	shalt  }
0x5c: {  	_ =	shalt  }
0x5d: {  	_ =	shalt  }
0x5e: {  	_ =	shalt  }
0x5f: {  	_ =	shalt  }
0x60: {  	_ =	shalt  }
0x61: {  	_ =	shalt  }
0x62: {  	_ =	shalt  }
0x63: {  	_ =	shalt  }
0x64: {  	_ =	shalt  }
0x65: {  	_ =	shalt  }
0x66: {  	_ =	shalt  }
0x67: {  	_ =	shalt  }
0x68: {  	_ =	shalt  }
0x69: {  	_ =	shalt  }
0x6a: {  	_ =	shalt  }
0x6b: {  	_ =	shalt  }
0x6c: {  	_ =	shalt  }
0x6d: {  	_ =	shalt  }
0x6e: {  	_ =	shalt  }
0x6f: {  	_ =	shalt  }
0x70: {  	_ =	shalt  }
0x71: {  	_ =	shalt  }
0x72: {  	_ =	shalt  }
0x73: {  	_ =	shalt  }
0x74: {  	_ =	shalt  }
0x75: {  	_ =	shalt  }
0x76: {  	_ =	shalt  }
0x77: {  	_ =	shalt  }
0x78: {  	_ =	shalt  }
0x79: {  	_ =	shalt  }
0x7a: {  	_ =	shalt  }
0x7b: {  	_ =	shalt  }
0x7c: {  	_ =	shalt  }
0x7d: {  	_ =	shalt  }
0x7e: {  	_ =	shalt  }
0x7f: {  	_ =	shalt  }
0x80: {  	_ =	shalt  }
0x81: {  	_ =	shalt  }
0x82: {  	_ =	shalt  }
0x83: {  	_ =	shalt  }
0x84: {  	_ =	shalt  }
0x85: {  	_ =	shalt  }
0x86: {  	_ =	shalt  }
0x87: {  	_ =	shalt  }
.Lfunc_end0:
.L_simem_size_0:
called_computation.1_lowered:
.L_overlay_start_0:
0x88: {  	s2 =	sld [smem:$0x3FD9]  }
0x89: {  	s3 =	sld [smem:$0x3FFE];
	_ =	sdelay $0x1  }
0x8a: {  	s1 =	srdreg.scid  }
0x8b: {  	s0 =	sand.u32 $0x1, s1  }
0x8c: {  	s16 =	sshll.u32 s0, $0xA;
	s2 =	sadd.s32 s3, s2  }
0x8d: {  	s2 =	sadd.s32 s2, s16  }
0x8e: {  	[smem:$0x3FBC] =	sst s2  }
0x8f: {  	_ = 	snop  }
0x90: {  	(tm) =	ssettm $0x1  }
0x91: {  	s17 =	sld [smem:$0x3FFB];
	_ =	sdelay $0x3  }
0x92: {  	_ =	strace s17  }
0x93: {  	s2 =	sld [smem:$0x3FFC];
	_ =	sdelay $0x3  }
0x94: {  	_ =	strace s2  }
0x95: {  	s2 =	sld [smem:$0x3FFD];
	_ =	sdelay $0x3  }
0x96: {  	_ =	strace s2  }
0x97: {  	_ =	strace $0x8FFFFFFF  }
0x98: {  	s18 =	sld [smem:$0x3FDB];
	_ =	sdelay $0x1  }
0x99: {  	s19 =	simm.s32 $_scs_section_size  }
0x9a: {  	s4 =	simm.s32 $_size__tile_overlayer_lowered;
	s5 =	simm.s32 $_tile_overlayer_lowered  }
0x9b: {  	s22 =	simm.s32 $0x1BFF;
	s21 =	sshll.u32 s5, $0x1;
	s2 =	sadd.s32 s19, s18  }
0x9c: {  	s6 =	simm.s32 $0x0;
	s20 =	sshll.u32 s4, $0x1;
	s4 =	sadd.s32 s21, s2  }
0x9d: {  	[timem:s6], [sflag:s22] =	dma.local [hbm:s4], s20  }
0x9e: {  	_ =	swait.ge [sflag:s22], s20  }
0x9f: {  	s3 =	ssub.s32 $0x0, s20;
	[sflag:s22] =	ssyncset.done $0x0  }
0xa0: {  	[sflag:s22] =	ssyncadd.s32 s3;
	_ =	sdelay $0x1  }
0xa1: {  	s23 =	simm.s32 $0x1B8B  }
0xa2: {  	_ =	swait.ge [sflag:s23], $0x1  }
0xa3: {  	[sflag:s23] =	ssyncset.done $0x0  }
0xa4: {  	s25 =	simm.s32 $0x1B8E;
	s24 =	sld [smem:$0x3FFE];
	[sflag:s23] =	ssyncadd.s32 $0xFFFFFFFF  }
0xa5: {  	s26 =	simm.s32 $execute0_lowered;
	[smem:$0x3FD2] =	sst s25  }
0xa6: {  	s4 =	sshll.u32 s26, $0x1;
	_ =	strace $0x80000049;
	[dreg:$0x1] =	wrdreg $0xFFFFFFFF  }
0xa7: {  	s28 =	simm.s32 $_size_execute0_lowered;
	s2 =	sadd.s32 s2, s4;
	[dreg:$0x0] =	wrdreg $0x0  }
0xa8: {  	s4 =	sshll.u32 s28, $0x1;
	[dreg:$0x2] =	wrdreg s2  }
0xa9: {  	[dreg:$0x3] =	wrdreg s4  }
0xaa: {  	[dreg:$0x4] =	wrdreg $0xC0  }
0xab: {  	_ =	task [dreg:s6], $0x5FFFF  }
0xac: {  	[dreg:$0x1] =	wrdreg $0xFFFFFFFF  }
0xad: {  	[dreg:$0x0] =	wrdreg $0x60  }
0xae: {  	[dreg:$0x2] =	wrdreg s24  }
0xaf: {  	[dreg:$0x3] =	wrdreg $0x82000  }
0xb0: {  	[dreg:$0x4] =	wrdreg $0x9  }
0xb1: {  	_ =	task.clear_ibuf [dreg:s6], $0x5FFFF;
	_ =	strace $0x90000049  }
0xb2: {  	s29 =	simm.s32 $0x9;
	_ =	strace $0x8000004B  }
0xb3: {  	_ =	swait.ge [sflag:s29], $0x1  }
0xb4: {  	[sflag:s29] =	ssyncadd.s32 $0xFFFFFFFF  }
0xb5: {  	_ =	strace $0x9000004B  }
0xb6: {  	_ =	sfence  }
0xb7: {  	s30 =	sld [smem:$0x0];
	_ =	sdelay $0x2  }
0xb8: {  	s31 =	sshll.u32 s1, $0xD;
	s1 =	sshrl.u32 s1, $0x2  }
0xb9: {  	s3 =	sand.u32 $0x4000, s31;
	s1 =	sadd.s32 s1, s30  }
0xba: {  	s0 =	sor.u32 s3, s0;
	s1 =	sshll.u32 s1, $0x11  }
0xbb: {  	s0 =	sor.u32 s1, s0  }
0xbc: {  	s0 =	sadd.s32 $0x8F2B, s0  }
0xbd: {  	[sflag:s0] =	ssyncadd.remote.s32 $0x1  }
0xbe: {  	_ =	sfence.sel $0xFFFF  }
0xbf: {  	[dreg:$0x0] =	wrdreg $0xFFFFFFFF;
	(pc) =	sbr.abs _section_cstart, $3  }
0xc0: {  	[dreg:$0x1] =	wrdreg $0xFFFFFFFF  }
0xc1: {  	_ =	task.clear_ibuf [dreg:s6], $0x2FFFF;
	_ =	strace $0x9FFFFFFF  }
0xc2: {  	(tm) =	ssettm $0x7FFFFFFF  }
0xc3: {  	_ =	shalt  }
tec
execute0_lowered:
.L_overlay_start_1:
0x0: {  	(tag) =	ssettag $0x1  }
0x1: {  	s10 =	rddreg [dreg:$0x0]  }
0x2: {  	s1 =	rddreg [dreg:$0x1];
	s2 =	simm.s32 $0x0  }
0x3: {  	s7 =	srdreg.scid;
	s3 =	stileid.u32;
	s18 =	simm.s32 $0x3  }
0x4: {  	s19 =	simm.s32 $0x80;
	s20 =	simm.s32 $0x200;
	s21 =	simm.s32 $0x100  }
0x5: {  	s22 =	simm.s32 $0x4200;
	s23 =	simm.s32 $0x180;
	s24 =	simm.s32 $0x1  }
0x6: {  	s25 =	simm.s32 $0x2;
	s26 =	simm.s32 $0x0;
	[smem:$0x7FF] =	sst s2  }
0x7: {  	s4 =	sadd.s32 $0x28600, s10;
	s5 =	sadd.s32 $0x50600, s10;
	s6 =	sadd.s32 $0x1E600, s10  }
0x8: {  	s11 =	sand.u32 $0x1, s7;
	s7 =	sadd.s32 $0x14600, s10;
	s13 =	smul.u32 $0x50000, s3  }
0x9: {  	s8 =	sadd.s32 $0xA0600, s10;
	s9 =	smul.u32 $0x2800, s3;
	s10 =	sadd.s32 $0xC8600, s10  }
.Ltmp0:
0xa: {  	_ =	strace $0x8000004A;
	s12 =	ssub.s32 $0x2, s11;
	(pc) =	sbr.rel .LBB2_1-.Ltmp0, $4  }
0xb: {  	p0 =	seq.s32 s11, $0x1;
	s14 =	sshrl.u32 s12, $0x1;
	s31 =	sshrl.u32 s13, $0x2  }
0xc: {  	s11 =	sadd.s32 s4, s9;
	s13 =	sadd.s32 s5, s9;
	s15 =	ssub.s32 s12, s14  }
0xd: {  	s17 =	sadd.s32 s31, s1;
	s12 =	smul.u32 $0x5000, s3;
	s14 =	sshll.u32 s3, $0x6  }
0xe: {  	s15 =	smax.u32 s15, $0x1;
	s16 =	sor.u32 $0x1C03, s14;
	s17 =	sshrl.u32 s17, $0x3  }
.LBB2_7:
0xf: {  	[spmem:s1] =	stream.indirect.scatter.add.f32 [tilespmem:s22], [sflag:$0x3], $0x80, s23, s19, $0xb8;
	[tilespmem:$0x1C200] =	vst v63  }
0x10: {  	_ =	swait.ge [sflag:s18], $0x4000  }
0x11: {  	[sflag:s18] =	ssyncset.done $0x0  }
0x12: {  	s0 =	sadd.s32 s6, s30;
	[sflag:s18] =	ssyncadd.s32 $0xFFFFC000  }
0x13: {  	[tilespmem:s2], [sflag:$0x3] =	stream.linear.gather [hbm4b:s0+s2], $0x80, $0x38;
	[tilespmem:$0x1C200] =	vst v63  }
0x14: {  	_ =	swait.ge [sflag:s18], $0x80  }
0x15: {  	[sflag:s18] =	ssyncset.done $0x0  }
0x16: {  	[sflag:s18] =	ssyncadd.s32 $0xFFFFFF80  }
0x17: {  	[tilespmem:s20], [sflag:$0x1] =	stream.indirect.gather [hbm4b:s5+s19], $0x80, s2, s19, $0xb8;
	[tilespmem:$0x1C200] =	vst v63  }
0x18: {  	s31 =	sadd.s32 s7, s30  }
0x19: {  	[tilespmem:s19], [sflag:$0x3] =	stream.linear.gather [hbm4b:s31+s2], $0x80, $0x38;
	[tilespmem:$0x1C200] =	vst v63  }
0x1a: {  	_ =	swait.ge [sflag:s18], $0x80  }
0x1b: {  	s31 =	sor.u32 $0x10, s30;
	[sflag:s18] =	ssyncset.done $0x0  }
0x1c: {  	s28 =	sadd.s32 s6, s31;
	[sflag:s18] =	ssyncadd.s32 $0xFFFFFF80  }
0x1d: {  	[tilespmem:s21], [sflag:$0x3] =	stream.linear.gather [hbm4b:s28+s2], $0x80, $0x38;
	[tilespmem:$0x1C200] =	vst v63  }
0x1e: {  	_ =	swait.ge [sflag:s18], $0x80  }
0x1f: {  	[sflag:s18] =	ssyncset.done $0x0  }
0x20: {  	[sflag:s18] =	ssyncadd.s32 $0xFFFFFF80  }
0x21: {  	[tilespmem:s22], [sflag:$0x2] =	stream.indirect.gather [hbm4b:s5+s19], $0x80, s21, s19, $0xb8;
	[tilespmem:$0x1C200] =	vst v63  }
0x22: {  	s0 =	sadd.s32 s7, s31  }
0x23: {  	[tilespmem:s23], [sflag:$0x3] =	stream.linear.gather [hbm4b:s0+s2], $0x80, $0x38;
	[tilespmem:$0x1C200] =	vst v63  }
0x24: {  	_ =	swait.ge [sflag:s18], $0x80  }
0x25: {  	[sflag:s18] =	ssyncset.done $0x0  }
0x26: {  	[sflag:s18] =	ssyncadd.s32 $0xFFFFFF80  }
0x27: {  	_ =	swait.ge [sflag:s24], $0x4000  }
0x28: {  	[sflag:s24] =	ssyncset.done $0x0  }
0x29: {  	[sflag:s24] =	ssyncadd.s32 $0xFFFFC000  }
0x2a: {  	[spmem:s1] =	stream.indirect.scatter.add.f32 [tilespmem:s20], [sflag:$0x3], $0x80, s19, s19, $0xb8;
	[tilespmem:$0x1C200] =	vst v63  }
0x2b: {  	_ =	swait.ge [sflag:s18], $0x4000  }
0x2c: {  	[sflag:s18] =	ssyncset.done $0x0  }
0x2d: {  	[sflag:s18] =	ssyncadd.s32 $0xFFFFC000  }
0x2e: {  	_ =	swait.ge [sflag:s25], $0x4000  }
0x2f: {  	[sflag:s25] =	ssyncset.done $0x0  }
0x30: {  	[sflag:s25] =	ssyncadd.s32 $0xFFFFC000  }
0x31: {  	[spmem:s1] =	stream.indirect.scatter.add.f32 [tilespmem:s22], [sflag:$0x3], $0x80, s23, s19, $0xb8;
	[tilespmem:$0x1C200] =	vst v63  }
0x32: {  	_ =	swait.ge [sflag:s18], $0x4000  }
0x33: {  	[sflag:s18] =	ssyncset.done $0x0  }
0x34: {  	s29 =	smov.u32 s10;
	s28 =	smov.u32 s16;
	[sflag:s18] =	ssyncadd.s32 $0xFFFFC000  }
.LBB2_8:
0x35: {  	s26 =	sadd.s32 $0x1, s26  }
0x36: {  	p1 =	sne.s32 s26, s15  }
.Ltmp1:
0x37: {  	s0 =	sadd.s32 s29, s9;
	[bflag:$0x0] =	sbarrier.arrive $0xFFFF;
	(pc) =	sbr.rel @!p1 .LBB2_9-.Ltmp1, $4  }
0x38: {  	[hbm:s0], [sflag:s28] =	dma.local [spmem:s17], $0x2800  }
0x39: {  	_ =	swait.ge [sflag:s18], $0x2800  }
0x3a: {  	[sflag:s18] =	ssyncset.done $0x0  }
0x3b: {  	[sflag:s18] =	ssyncadd.s32 $0xFFFFD800  }
.LBB2_1:
.Ltmp2:
0x3c: {  	(pc) =	sbr.rel @!p0 .LBB2_2-.Ltmp2, $1  }
0x3d: {  	_ =	sdelay $0x3  }
0x3e: {  	[spmem:s17], [sflag:s16] =	dma.local [hbm:s13], $0x2800  }
0x3f: {  	s0 =	simm.s32 $0x0  }
0x40: {  	s28 =	sand.u32 $0x7C00, s0  }
0x41: {  	_ =	swait.ge [sflag:s18], $0x2800;
	s0 =	sand.u32 $0x300, s0;
	s28 =	sadd.s32 s12, s28  }
0x42: {  	[sflag:s18] =	ssyncset.done $0x0;
	s0 =	sor.u32 s0, s28  }
0x43: {  	[sflag:s18] =	ssyncadd.s32 $0xFFFFD800;
	s0 =	sshrl.u32 s0, $0x3  }
0x44: {  	[bflag:$0x0] =	sbarrier.arrive $0xFFFF;
	s28 =	sadd.s32 s6, s0  }
0x45: {  	[tilespmem:s2], [sflag:$0x3] =	stream.linear.gather [hbm4b:s28+s2], $0x80, $0x38;
	[tilespmem:$0x1C200] =	vst v63  }
0x46: {  	_ =	swait.ge [sflag:s18], $0x80  }
0x47: {  	[sflag:s18] =	ssyncset.done $0x0  }
0x48: {  	[sflag:s18] =	ssyncadd.s32 $0xFFFFFF80  }
0x49: {  	[tilespmem:s20], [sflag:$0x1] =	stream.indirect.gather [hbm4b:s5+s19], $0x80, s2, s19, $0xb8;
	[tilespmem:$0x1C200] =	vst v63  }
0x4a: {  	s28 =	sadd.s32 s7, s0  }
0x4b: {  	[tilespmem:s19], [sflag:$0x3] =	stream.linear.gather [hbm4b:s28+s2], $0x80, $0x38;
	[tilespmem:$0x1C200] =	vst v63  }
0x4c: {  	_ =	swait.ge [sflag:s18], $0x80  }
0x4d: {  	s0 =	sor.u32 $0x10, s0;
	[sflag:s18] =	ssyncset.done $0x0  }
0x4e: {  	s28 =	sadd.s32 s6, s0;
	[sflag:s18] =	ssyncadd.s32 $0xFFFFFF80  }
0x4f: {  	[tilespmem:s21], [sflag:$0x3] =	stream.linear.gather [hbm4b:s28+s2], $0x80, $0x38;
	[tilespmem:$0x1C200] =	vst v63  }
0x50: {  	_ =	swait.ge [sflag:s18], $0x80  }
0x51: {  	[sflag:s18] =	ssyncset.done $0x0  }
0x52: {  	[sflag:s18] =	ssyncadd.s32 $0xFFFFFF80  }
0x53: {  	[tilespmem:s22], [sflag:$0x2] =	stream.indirect.gather [hbm4b:s5+s19], $0x80, s21, s19, $0xb8;
	[tilespmem:$0x1C200] =	vst v63  }
0x54: {  	s0 =	sadd.s32 s7, s0  }
0x55: {  	[tilespmem:s23], [sflag:$0x3] =	stream.linear.gather [hbm4b:s0+s2], $0x80, $0x38;
	[tilespmem:$0x1C200] =	vst v63  }
0x56: {  	_ =	swait.ge [sflag:s18], $0x80  }
0x57: {  	[sflag:s18] =	ssyncset.done $0x0  }
0x58: {  	[sflag:s18] =	ssyncadd.s32 $0xFFFFFF80  }
0x59: {  	_ =	swait.ge [sflag:s24], $0x4000  }
0x5a: {  	[sflag:s24] =	ssyncset.done $0x0  }
0x5b: {  	[sflag:s24] =	ssyncadd.s32 $0xFFFFC000  }
0x5c: {  	[spmem:s1] =	stream.indirect.scatter.add.f32 [tilespmem:s20], [sflag:$0x3], $0x80, s19, s19, $0xb8;
	[tilespmem:$0x1C200] =	vst v63  }
0x5d: {  	_ =	swait.ge [sflag:s18], $0x4000  }
0x5e: {  	s31 =	simm.s32 $0x100;
	[sflag:s18] =	ssyncset.done $0x0  }
0x5f: {  	s28 =	sand.u32 $0x7C00, s31;
	[sflag:s18] =	ssyncadd.s32 $0xFFFFC000  }
0x60: {  	s28 =	sadd.s32 s12, s28;
	s0 =	sand.u32 $0x300, s31;
	_ =	swait.ge [sflag:s25], $0x4000  }
0x61: {  	s0 =	sor.u32 s0, s28;
	[sflag:s25] =	ssyncset.done $0x0  }
0x62: {  	s28 =	simm.s32 $0x200;
	s30 =	sshrl.u32 s0, $0x3;
	[sflag:s25] =	ssyncadd.s32 $0xFFFFC000  }
.LBB2_6:
0x63: {  	[spmem:s1] =	stream.indirect.scatter.add.f32 [tilespmem:s22], [sflag:$0x3], $0x80, s23, s19, $0xb8;
	[tilespmem:$0x1C200] =	vst v63  }
0x64: {  	s29 =	smov.u32 s28  }
0x65: {  	p1 =	sne.s32 s28, $0x4E00;
	s28 =	sadd.s32 $0x100, s28;
	_ =	swait.ge [sflag:s18], $0x4000  }
0x66: {  	[sflag:s18] =	ssyncset.done $0x0  }
0x67: {  	s0 =	sadd.s32 s6, s30;
	[sflag:s18] =	ssyncadd.s32 $0xFFFFC000  }
0x68: {  	[tilespmem:s2], [sflag:$0x3] =	stream.linear.gather [hbm4b:s0+s2], $0x80, $0x38;
	[tilespmem:$0x1C200] =	vst v63  }
0x69: {  	_ =	swait.ge [sflag:s18], $0x80  }
0x6a: {  	[sflag:s18] =	ssyncset.done $0x0  }
0x6b: {  	[sflag:s18] =	ssyncadd.s32 $0xFFFFFF80  }
0x6c: {  	[tilespmem:s20], [sflag:$0x1] =	stream.indirect.gather [hbm4b:s5+s19], $0x80, s2, s19, $0xb8;
	[tilespmem:$0x1C200] =	vst v63  }
0x6d: {  	s0 =	sadd.s32 s7, s30  }
0x6e: {  	[tilespmem:s19], [sflag:$0x3] =	stream.linear.gather [hbm4b:s0+s2], $0x80, $0x38;
	[tilespmem:$0x1C200] =	vst v63  }
0x6f: {  	_ =	swait.ge [sflag:s18], $0x80  }
0x70: {  	s0 =	sor.u32 $0x10, s30;
	[sflag:s18] =	ssyncset.done $0x0  }
0x71: {  	s30 =	sadd.s32 s6, s0;
	[sflag:s18] =	ssyncadd.s32 $0xFFFFFF80  }
0x72: {  	[tilespmem:s21], [sflag:$0x3] =	stream.linear.gather [hbm4b:s30+s2], $0x80, $0x38;
	[tilespmem:$0x1C200] =	vst v63  }
0x73: {  	_ =	swait.ge [sflag:s18], $0x80  }
0x74: {  	[sflag:s18] =	ssyncset.done $0x0  }
0x75: {  	[sflag:s18] =	ssyncadd.s32 $0xFFFFFF80  }
0x76: {  	[tilespmem:s22], [sflag:$0x2] =	stream.indirect.gather [hbm4b:s5+s19], $0x80, s21, s19, $0xb8;
	[tilespmem:$0x1C200] =	vst v63  }
0x77: {  	s0 =	sadd.s32 s7, s0  }
0x78: {  	[tilespmem:s23], [sflag:$0x3] =	stream.linear.gather [hbm4b:s0+s2], $0x80, $0x38;
	[tilespmem:$0x1C200] =	vst v63  }
0x79: {  	_ =	swait.ge [sflag:s18], $0x80  }
0x7a: {  	[sflag:s18] =	ssyncset.done $0x0  }
0x7b: {  	[sflag:s18] =	ssyncadd.s32 $0xFFFFFF80  }
0x7c: {  	_ =	swait.ge [sflag:s24], $0x4000  }
0x7d: {  	[sflag:s24] =	ssyncset.done $0x0  }
0x7e: {  	[sflag:s24] =	ssyncadd.s32 $0xFFFFC000  }
0x7f: {  	[spmem:s1] =	stream.indirect.scatter.add.f32 [tilespmem:s20], [sflag:$0x3], $0x80, s19, s19, $0xb8;
	[tilespmem:$0x1C200] =	vst v63  }
0x80: {  	_ =	swait.ge [sflag:s18], $0x4000  }
.Ltmp3:
0x81: {  	[sflag:s18] =	ssyncset.done $0x0;
	(pc) =	sbr.rel @p1 .LBB2_6-.Ltmp3, $4  }
0x82: {  	s0 =	sand.u32 $0x7C00, s29;
	[sflag:s18] =	ssyncadd.s32 $0xFFFFC000  }
0x83: {  	s29 =	sand.u32 $0x300, s29;
	s0 =	sadd.s32 s12, s0;
	_ =	swait.ge [sflag:s25], $0x4000  }
0x84: {  	s0 =	sor.u32 s29, s0;
	[sflag:s25] =	ssyncset.done $0x0  }
0x85: {  	s30 =	sshrl.u32 s0, $0x3;
	[sflag:s25] =	ssyncadd.s32 $0xFFFFC000  }
.Ltmp4:
0x86: {  	_ = 	snop;
	(pc) =	sbr.rel .LBB2_7-.Ltmp4, $1  }
0x87: {  	_ =	sdelay $0x3  }
.LBB2_2:
0x88: {  	s28 =	sor.u32 $0x1C03, s14;
	s29 =	simm.s32 $0x0  }
0x89: {  	[spmem:s17], [sflag:s28] =	dma.local [hbm:s11], $0x2800  }
0x8a: {  	s30 =	sand.u32 $0x7C00, s29  }
0x8b: {  	s29 =	sand.u32 $0x300, s29;
	_ =	swait.ge [sflag:s18], $0x2800;
	s30 =	sadd.s32 s12, s30  }
0x8c: {  	[sflag:s18] =	ssyncset.done $0x0;
	s29 =	sor.u32 s29, s30  }
0x8d: {  	[sflag:s18] =	ssyncadd.s32 $0xFFFFD800;
	s29 =	sshrl.u32 s29, $0x3  }
0x8e: {  	[bflag:$0x0] =	sbarrier.arrive $0xFFFF;
	s0 =	sadd.s32 s6, s29  }
0x8f: {  	[tilespmem:s2], [sflag:$0x3] =	stream.linear.gather [hbm4b:s0+s2], $0x80, $0x38;
	[tilespmem:$0x1C200] =	vst v63  }
0x90: {  	_ =	swait.ge [sflag:s18], $0x80  }
0x91: {  	[sflag:s18] =	ssyncset.done $0x0  }
0x92: {  	[sflag:s18] =	ssyncadd.s32 $0xFFFFFF80  }
0x93: {  	[tilespmem:s20], [sflag:$0x1] =	stream.indirect.gather [hbm4b:s4+s19], $0x80, s2, s19, $0xb8;
	[tilespmem:$0x1C200] =	vst v63  }
0x94: {  	s0 =	sadd.s32 s7, s29  }
0x95: {  	[tilespmem:s19], [sflag:$0x3] =	stream.linear.gather [hbm4b:s0+s2], $0x80, $0x38;
	[tilespmem:$0x1C200] =	vst v63  }
0x96: {  	_ =	swait.ge [sflag:s18], $0x80  }
0x97: {  	s29 =	sor.u32 $0x10, s29;
	[sflag:s18] =	ssyncset.done $0x0  }
0x98: {  	s0 =	sadd.s32 s6, s29;
	[sflag:s18] =	ssyncadd.s32 $0xFFFFFF80  }
0x99: {  	[tilespmem:s21], [sflag:$0x3] =	stream.linear.gather [hbm4b:s0+s2], $0x80, $0x38;
	[tilespmem:$0x1C200] =	vst v63  }
0x9a: {  	_ =	swait.ge [sflag:s18], $0x80  }
0x9b: {  	[sflag:s18] =	ssyncset.done $0x0  }
0x9c: {  	[sflag:s18] =	ssyncadd.s32 $0xFFFFFF80  }
0x9d: {  	[tilespmem:s22], [sflag:$0x2] =	stream.indirect.gather [hbm4b:s4+s19], $0x80, s21, s19, $0xb8;
	[tilespmem:$0x1C200] =	vst v63  }
0x9e: {  	s29 =	sadd.s32 s7, s29  }
0x9f: {  	[tilespmem:s23], [sflag:$0x3] =	stream.linear.gather [hbm4b:s29+s2], $0x80, $0x38;
	[tilespmem:$0x1C200] =	vst v63  }
0xa0: {  	_ =	swait.ge [sflag:s18], $0x80  }
0xa1: {  	[sflag:s18] =	ssyncset.done $0x0  }
0xa2: {  	[sflag:s18] =	ssyncadd.s32 $0xFFFFFF80  }
0xa3: {  	_ =	swait.ge [sflag:s24], $0x4000  }
0xa4: {  	[sflag:s24] =	ssyncset.done $0x0  }
0xa5: {  	[sflag:s24] =	ssyncadd.s32 $0xFFFFC000  }
0xa6: {  	[spmem:s1] =	stream.indirect.scatter.add.f32 [tilespmem:s20], [sflag:$0x3], $0x80, s19, s19, $0xb8;
	[tilespmem:$0x1C200] =	vst v63  }
0xa7: {  	_ =	swait.ge [sflag:s18], $0x4000  }
0xa8: {  	s29 =	simm.s32 $0x100;
	[sflag:s18] =	ssyncset.done $0x0  }
0xa9: {  	s0 =	sand.u32 $0x7C00, s29;
	[sflag:s18] =	ssyncadd.s32 $0xFFFFC000  }
0xaa: {  	s29 =	sand.u32 $0x300, s29;
	s30 =	sadd.s32 s12, s0;
	_ =	swait.ge [sflag:s25], $0x4000  }
0xab: {  	s30 =	sor.u32 s29, s30;
	[sflag:s25] =	ssyncset.done $0x0  }
0xac: {  	s29 =	simm.s32 $0x200;
	s31 =	sshrl.u32 s30, $0x3;
	[sflag:s25] =	ssyncadd.s32 $0xFFFFC000  }
.LBB2_3:
0xad: {  	[spmem:s1] =	stream.indirect.scatter.add.f32 [tilespmem:s22], [sflag:$0x3], $0x80, s23, s19, $0xb8;
	[tilespmem:$0x1C200] =	vst v63  }
0xae: {  	s30 =	smov.u32 s29  }
0xaf: {  	p1 =	seq.s32 s29, $0x4E00;
	s29 =	sadd.s32 $0x100, s29;
	_ =	swait.ge [sflag:s18], $0x4000  }
0xb0: {  	[sflag:s18] =	ssyncset.done $0x0  }
0xb1: {  	s0 =	sadd.s32 s6, s31;
	[sflag:s18] =	ssyncadd.s32 $0xFFFFC000  }
0xb2: {  	[tilespmem:s2], [sflag:$0x3] =	stream.linear.gather [hbm4b:s0+s2], $0x80, $0x38;
	[tilespmem:$0x1C200] =	vst v63  }
0xb3: {  	_ =	swait.ge [sflag:s18], $0x80  }
0xb4: {  	[sflag:s18] =	ssyncset.done $0x0  }
0xb5: {  	[sflag:s18] =	ssyncadd.s32 $0xFFFFFF80  }
0xb6: {  	[tilespmem:s20], [sflag:$0x1] =	stream.indirect.gather [hbm4b:s4+s19], $0x80, s2, s19, $0xb8;
	[tilespmem:$0x1C200] =	vst v63  }
0xb7: {  	s0 =	sadd.s32 s7, s31  }
0xb8: {  	[tilespmem:s19], [sflag:$0x3] =	stream.linear.gather [hbm4b:s0+s2], $0x80, $0x38;
	[tilespmem:$0x1C200] =	vst v63  }
0xb9: {  	_ =	swait.ge [sflag:s18], $0x80  }
0xba: {  	s0 =	sor.u32 $0x10, s31;
	[sflag:s18] =	ssyncset.done $0x0  }
0xbb: {  	s31 =	sadd.s32 s6, s0;
	[sflag:s18] =	ssyncadd.s32 $0xFFFFFF80  }
0xbc: {  	[tilespmem:s21], [sflag:$0x3] =	stream.linear.gather [hbm4b:s31+s2], $0x80, $0x38;
	[tilespmem:$0x1C200] =	vst v63  }
0xbd: {  	_ =	swait.ge [sflag:s18], $0x80  }
0xbe: {  	[sflag:s18] =	ssyncset.done $0x0  }
0xbf: {  	[sflag:s18] =	ssyncadd.s32 $0xFFFFFF80  }
0xc0: {  	[tilespmem:s22], [sflag:$0x2] =	stream.indirect.gather [hbm4b:s4+s19], $0x80, s21, s19, $0xb8;
	[tilespmem:$0x1C200] =	vst v63  }
0xc1: {  	s0 =	sadd.s32 s7, s0  }
0xc2: {  	[tilespmem:s23], [sflag:$0x3] =	stream.linear.gather [hbm4b:s0+s2], $0x80, $0x38;
	[tilespmem:$0x1C200] =	vst v63  }
0xc3: {  	_ =	swait.ge [sflag:s18], $0x80  }
0xc4: {  	[sflag:s18] =	ssyncset.done $0x0  }
0xc5: {  	[sflag:s18] =	ssyncadd.s32 $0xFFFFFF80  }
0xc6: {  	_ =	swait.ge [sflag:s24], $0x4000  }
0xc7: {  	[sflag:s24] =	ssyncset.done $0x0  }
0xc8: {  	[sflag:s24] =	ssyncadd.s32 $0xFFFFC000  }
0xc9: {  	[spmem:s1] =	stream.indirect.scatter.add.f32 [tilespmem:s20], [sflag:$0x3], $0x80, s19, s19, $0xb8;
	[tilespmem:$0x1C200] =	vst v63  }
0xca: {  	_ =	swait.ge [sflag:s18], $0x4000  }
.Ltmp5:
0xcb: {  	[sflag:s18] =	ssyncset.done $0x0;
	(pc) =	sbr.rel @!p1 .LBB2_3-.Ltmp5, $4  }
0xcc: {  	s0 =	sand.u32 $0x7C00, s30;
	[sflag:s18] =	ssyncadd.s32 $0xFFFFC000  }
0xcd: {  	s30 =	sand.u32 $0x300, s30;
	s0 =	sadd.s32 s12, s0;
	_ =	swait.ge [sflag:s25], $0x4000  }
0xce: {  	s0 =	sor.u32 s30, s0;
	[sflag:s25] =	ssyncset.done $0x0  }
0xcf: {  	s31 =	sshrl.u32 s0, $0x3;
	[sflag:s25] =	ssyncadd.s32 $0xFFFFC000  }
0xd0: {  	[spmem:s1] =	stream.indirect.scatter.add.f32 [tilespmem:s22], [sflag:$0x3], $0x80, s23, s19, $0xb8;
	[tilespmem:$0x1C200] =	vst v63  }
0xd1: {  	_ =	swait.ge [sflag:s18], $0x4000  }
0xd2: {  	[sflag:s18] =	ssyncset.done $0x0  }
0xd3: {  	s0 =	sadd.s32 s6, s31;
	[sflag:s18] =	ssyncadd.s32 $0xFFFFC000  }
0xd4: {  	[tilespmem:s2], [sflag:$0x3] =	stream.linear.gather [hbm4b:s0+s2], $0x80, $0x38;
	[tilespmem:$0x1C200] =	vst v63  }
0xd5: {  	_ =	swait.ge [sflag:s18], $0x80  }
0xd6: {  	[sflag:s18] =	ssyncset.done $0x0  }
0xd7: {  	[sflag:s18] =	ssyncadd.s32 $0xFFFFFF80  }
0xd8: {  	[tilespmem:s20], [sflag:$0x1] =	stream.indirect.gather [hbm4b:s4+s19], $0x80, s2, s19, $0xb8;
	[tilespmem:$0x1C200] =	vst v63  }
0xd9: {  	s30 =	sadd.s32 s7, s31  }
0xda: {  	[tilespmem:s19], [sflag:$0x3] =	stream.linear.gather [hbm4b:s30+s2], $0x80, $0x38;
	[tilespmem:$0x1C200] =	vst v63  }
0xdb: {  	_ =	swait.ge [sflag:s18], $0x80  }
0xdc: {  	s31 =	sor.u32 $0x10, s31;
	[sflag:s18] =	ssyncset.done $0x0  }
0xdd: {  	s29 =	sadd.s32 s6, s31;
	[sflag:s18] =	ssyncadd.s32 $0xFFFFFF80  }
0xde: {  	[tilespmem:s21], [sflag:$0x3] =	stream.linear.gather [hbm4b:s29+s2], $0x80, $0x38;
	[tilespmem:$0x1C200] =	vst v63  }
0xdf: {  	_ =	swait.ge [sflag:s18], $0x80  }
0xe0: {  	[sflag:s18] =	ssyncset.done $0x0  }
0xe1: {  	[sflag:s18] =	ssyncadd.s32 $0xFFFFFF80  }
0xe2: {  	[tilespmem:s22], [sflag:$0x2] =	stream.indirect.gather [hbm4b:s4+s19], $0x80, s21, s19, $0xb8;
	[tilespmem:$0x1C200] =	vst v63  }
0xe3: {  	s0 =	sadd.s32 s7, s31  }
0xe4: {  	[tilespmem:s23], [sflag:$0x3] =	stream.linear.gather [hbm4b:s0+s2], $0x80, $0x38;
	[tilespmem:$0x1C200] =	vst v63  }
0xe5: {  	_ =	swait.ge [sflag:s18], $0x80  }
0xe6: {  	[sflag:s18] =	ssyncset.done $0x0  }
0xe7: {  	[sflag:s18] =	ssyncadd.s32 $0xFFFFFF80  }
0xe8: {  	_ =	swait.ge [sflag:s24], $0x4000  }
0xe9: {  	[sflag:s24] =	ssyncset.done $0x0  }
0xea: {  	[sflag:s24] =	ssyncadd.s32 $0xFFFFC000  }
0xeb: {  	[spmem:s1] =	stream.indirect.scatter.add.f32 [tilespmem:s20], [sflag:$0x3], $0x80, s19, s19, $0xb8;
	[tilespmem:$0x1C200] =	vst v63  }
0xec: {  	_ =	swait.ge [sflag:s18], $0x4000  }
0xed: {  	[sflag:s18] =	ssyncset.done $0x0  }
0xee: {  	[sflag:s18] =	ssyncadd.s32 $0xFFFFC000  }
0xef: {  	_ =	swait.ge [sflag:s25], $0x4000  }
0xf0: {  	[sflag:s25] =	ssyncset.done $0x0  }
.Ltmp6:
0xf1: {  	[sflag:s25] =	ssyncadd.s32 $0xFFFFC000;
	(pc) =	sbr.rel .LBB2_8-.Ltmp6, $4  }
0xf2: {  	[spmem:s1] =	stream.indirect.scatter.add.f32 [tilespmem:s22], [sflag:$0x3], $0x80, s23, s19, $0xb8;
	[tilespmem:$0x1C200] =	vst v63  }
0xf3: {  	_ =	swait.ge [sflag:s18], $0x4000  }
0xf4: {  	[sflag:s18] =	ssyncset.done $0x0  }
0xf5: {  	s29 =	smov.u32 s8;
	[sflag:s18] =	ssyncadd.s32 $0xFFFFC000  }
.LBB2_9:
0xf6: {  	_ =	sfence.sel $0x180000  }
0xf7: {  	[bflag:$0x0] =	sbarrier.arrive $0xFFFF  }
0xf8: {  	_ =	strace $0x9000004A  }
0xf9: {  	[bflag:$0x2] =	sbarrier.arrive $0xFFFF  }
0xfa: {  	p0 =	sne.s32 s3, $0x0;
	s0 =	rddreg [dreg:$0x2]  }
0xfb: {  	s0 =	sadd.s32 @!p0 $0x100000, s0  }
0xfc: {  	[sflag:s0] =	ssyncadd.tile.s32 @!p0 $0x1;
	_ =	shalt  }
.Lfunc_end2:
_tile_overlayer_lowered:
.L_overlay_start_2:
0xfd: {  	(tag) =	ssettag $0x2  }
0xfe: {  	s0 =	rddreg [dreg:$0x0];
	s2 =	stileid.u32  }
0xff: {  	s1 =	rddreg [dreg:$0x1];
	p0 =	sne.s32 s2, $0x0  }
0x100: {  	s3 =	rddreg [dreg:$0x2];
	[bflag:$0x3] =	sbarrier.arrive $0xFFFF;
	s2 =	simm.s32 @!p0 $0x1C03  }
0x101: {  	[timem:s3], [sflag:s2] =	dma.local @!p0 [hbm:s0], s1  }
0x102: {  	s0 =	simm.s32 @!p0 $0x3  }
0x103: {  	_ =	swait.ge @!p0 [sflag:s0], s1  }
0x104: {  	s1 =	ssub.s32 @!p0 $0x0, s1;
	[sflag:s0] =	ssyncset.done @!p0 $0x0  }
0x105: {  	[sflag:s0] =	ssyncadd.s32 @!p0 s1  }
0x106: {  	[bflag:$0x3] =	sbarrier.arrive $0xFFFF  }
0x107: {  	_ =	shalt  }

// kernel: kernel.16.cloned.1.call-start
scs
__scs_entry_jumppad:
0x0: {  	(pc) =	sbr.rel $0x88, $3  }
0x1: {  	(tag) =	ssettag $0x0;
	lr =	simm.s32 $0x1  }
0x2: {  	[smem:$0x3F95] =	sst lr;
	_ =	strace $0xD0000000  }
0x3: {  	_ = 	snop  }
0x4: {  	_ = 	snop  }
0x5: {  	_ = 	snop  }
0x6: {  	_ = 	snop  }
0x7: {  	_ = 	snop  }
__scs_overlays_trampoline_lowered:
0x8: {  	[smem:$0x3FA4] =	sst s0  }
0x9: {  	[smem:$0x3FA5] =	sst s1  }
0xa: {  	[smem:$0x3FA6] =	sst s2  }
0xb: {  	[smem:$0x3FA7] =	sst s3  }
0xc: {  	[smem:$0x3FA8] =	sst s4  }
0xd: {  	[smem:$0x3FA9] =	sst s5  }
0xe: {  	[smem:$0x3FAA] =	sst s6  }
0xf: {  	[smem:$0x3FAB] =	sst s7  }
0x10: {  	[smem:$0x3FAC] =	sst s8  }
0x11: {  	[smem:$0x3FAD] =	sst s9;
	s0 =	simm.s32 @!p0 $0x0  }
0x12: {  	s1 =	sld [smem:$0x3F93];
	s0 =	simm.s32 @p0 $0x1  }
0x13: {  	[smem:$0x3FAE] =	sst s0;
	s0 =	simm.s32 @!p1 $0x0  }
0x14: {  	s2 =	sld [smem:$0x3F92];
	s0 =	simm.s32 @p1 $0x1  }
0x15: {  	[smem:$0x3FAF] =	sst s0;
	s0 =	simm.s32 @!p2 $0x0  }
0x16: {  	s3 =	sld [smem:$0x3FDB];
	s0 =	simm.s32 @p2 $0x1  }
0x17: {  	s4 =	simm.s32 $0x1BF5;
	[smem:$0x3FB1] =	sst s0  }
0x18: {  	s0 =	sld [smem:$0x3F94];
	_ =	swait.ge [sflag:s4], $0x0  }
0x19: {  	s7 =	sld [smem:$0x3F95]  }
0x1a: {  	s8 =	sadd.s32 $0xFFFFE003, lr  }
0x1b: {  	s9 =	sadd.s32 $0xFFFFFEF7, lr;
	s5 =	simm.s32 $0xFFFFFFFF;
	p2 =	slt.u32 s8, $0xFFFFF086  }
0x1c: {  	p1 =	slt.u32 s9, $0xF7A;
	s5 =	simm.s32 @!p2 $0x0  }
0x1d: {  	s5 =	simm.s32 @p1 $0x1;
	p0 =	seq.s32 s7, s2  }
0x1e: {  	s7 =	smul.u32 @!p0 $0xF7A, s2;
	p2 =	seq.s32 @!p0 s5, $0x0  }
0x1f: {  	s9 =	smul.u32 $0xF7A, s1;
	s8 =	simm.s32 @!p0 $0x1BF5;
	p2 =	por !p2, p0  }
0x20: {  	[sflag:s8] =	ssyncset.s32 @!p0 $0xFFFFF086;
	s6 =	sadd.s32 @!p0 s3, s7;
	s7 =	simm.s32 @!p0 $0x108  }
0x21: {  	s3 =	sadd.s32 s3, s9;
	s6 =	sadd.s32 @!p0 $0x88, s6;
	s7 =	simm.s32 @p2 $0x1082  }
0x22: {  	[simem:s7], [sflag:s8] =	dma.local @!p0 [hbm:s6], $0xF7A  }
0x23: {  	s9 =	sor.u32 $0xD0000000, s2;
	s6 =	simm.s32 $0x108;
	_ =	swait.ge @!p0 [sflag:s8], $0x0  }
0x24: {  	s3 =	sadd.s32 $0x88, s3;
	s6 =	simm.s32 @!p1 $0x1082;
	[sflag:s4] =	ssyncset.s32 $0xFFFFF086  }
0x25: {  	[simem:s6], [sflag:s4] =	dma.local [hbm:s3], $0xF7A  }
0x26: {  	[smem:$0x3F95] =	sst s1;
	(tag) =	ssettag s2;
	_ =	strace s9  }
0x27: {  	s1 =	sld [smem:$0x3FA5]  }
0x28: {  	s2 =	sld [smem:$0x3FA6]  }
0x29: {  	s4 =	sld [smem:$0x3FA8]  }
0x2a: {  	p0 =	seq.s32 s5, $0x0;
	s5 =	sld [smem:$0x3FA9]  }
0x2b: {  	s6 =	sld [smem:$0x3FAA]  }
0x2c: {  	s7 =	sld [smem:$0x3FAB]  }
0x2d: {  	s3 =	simm.s32 $0x108;
	s8 =	sld [smem:$0x3FAC]  }
0x2e: {  	s3 =	simm.s32 @!p0 $0x1082;
	s9 =	sld [smem:$0x3FAD]  }
0x2f: {  	lr =	sadd.s32 s0, s3;
	s0 =	sld [smem:$0x3FA4]  }
0x30: {  	s3 =	sld [smem:$0x3FA7]  }
0x31: {  	[smem:$0x3FB0] =	sst s10  }
0x32: {  	s10 =	sld [smem:$0x3FAE];
	_ =	sdelay $0x3  }
0x33: {  	p0 =	seq.s32 s10, $0x1;
	s10 =	sld [smem:$0x3FB0];
	_ =	sdelay $0x3  }
0x34: {  	[smem:$0x3FB0] =	sst s10  }
0x35: {  	s10 =	sld [smem:$0x3FAF];
	_ =	sdelay $0x3  }
0x36: {  	p1 =	seq.s32 s10, $0x1;
	s10 =	sld [smem:$0x3FB0];
	_ =	sdelay $0x3  }
0x37: {  	[smem:$0x3FB0] =	sst s10  }
0x38: {  	s10 =	sld [smem:$0x3FB1]  }
0x39: {  	_ = 	snop;
	(pc) =	sbr.ind lr, $3  }
0x3a: {  	_ = 	snop  }
0x3b: {  	_ = 	snop  }
0x3c: {  	p2 =	seq.s32 s10, $0x1;
	s10 =	sld [smem:$0x3FB0]  }
0x3d: {  	_ =	shalt  }
0x3e: {  	_ =	shalt  }
0x3f: {  	_ =	shalt  }
0x40: {  	_ =	shalt  }
0x41: {  	_ =	shalt  }
0x42: {  	_ =	shalt  }
0x43: {  	_ =	shalt  }
0x44: {  	_ =	shalt  }
0x45: {  	_ =	shalt  }
0x46: {  	_ =	shalt  }
0x47: {  	_ =	shalt  }
0x48: {  	_ =	shalt  }
0x49: {  	_ =	shalt  }
0x4a: {  	_ =	shalt  }
0x4b: {  	_ =	shalt  }
0x4c: {  	_ =	shalt  }
0x4d: {  	_ =	shalt  }
0x4e: {  	_ =	shalt  }
0x4f: {  	_ =	shalt  }
0x50: {  	_ =	shalt  }
0x51: {  	_ =	shalt  }
0x52: {  	_ =	shalt  }
0x53: {  	_ =	shalt  }
0x54: {  	_ =	shalt  }
0x55: {  	_ =	shalt  }
0x56: {  	_ =	shalt  }
0x57: {  	_ =	shalt  }
0x58: {  	_ =	shalt  }
0x59: {  	_ =	shalt  }
0x5a: {  	_ =	shalt  }
0x5b: {  	_ =	shalt  }
0x5c: {  	_ =	shalt  }
0x5d: {  	_ =	shalt  }
0x5e: {  	_ =	shalt  }
0x5f: {  	_ =	shalt  }
0x60: {  	_ =	shalt  }
0x61: {  	_ =	shalt  }
0x62: {  	_ =	shalt  }
0x63: {  	_ =	shalt  }
0x64: {  	_ =	shalt  }
0x65: {  	_ =	shalt  }
0x66: {  	_ =	shalt  }
0x67: {  	_ =	shalt  }
0x68: {  	_ =	shalt  }
0x69: {  	_ =	shalt  }
0x6a: {  	_ =	shalt  }
0x6b: {  	_ =	shalt  }
0x6c: {  	_ =	shalt  }
0x6d: {  	_ =	shalt  }
0x6e: {  	_ =	shalt  }
0x6f: {  	_ =	shalt  }
0x70: {  	_ =	shalt  }
0x71: {  	_ =	shalt  }
0x72: {  	_ =	shalt  }
0x73: {  	_ =	shalt  }
0x74: {  	_ =	shalt  }
0x75: {  	_ =	shalt  }
0x76: {  	_ =	shalt  }
0x77: {  	_ =	shalt  }
0x78: {  	_ =	shalt  }
0x79: {  	_ =	shalt  }
0x7a: {  	_ =	shalt  }
0x7b: {  	_ =	shalt  }
0x7c: {  	_ =	shalt  }
0x7d: {  	_ =	shalt  }
0x7e: {  	_ =	shalt  }
0x7f: {  	_ =	shalt  }
0x80: {  	_ =	shalt  }
0x81: {  	_ =	shalt  }
0x82: {  	_ =	shalt  }
0x83: {  	_ =	shalt  }
0x84: {  	_ =	shalt  }
0x85: {  	_ =	shalt  }
0x86: {  	_ =	shalt  }
0x87: {  	_ =	shalt  }
.Lfunc_end0:
.L_simem_size_0:
called_computation.2_lowered:
.L_overlay_start_0:
0x88: {  	s2 =	sld [smem:$0x3FD9]  }
0x89: {  	s3 =	sld [smem:$0x3FFE];
	_ =	sdelay $0x1  }
0x8a: {  	s1 =	srdreg.scid  }
0x8b: {  	s0 =	sand.u32 $0x1, s1  }
0x8c: {  	s16 =	sshll.u32 s0, $0xA;
	s2 =	sadd.s32 s3, s2  }
0x8d: {  	s2 =	sadd.s32 s2, s16  }
0x8e: {  	[smem:$0x3FBC] =	sst s2  }
0x8f: {  	_ = 	snop  }
0x90: {  	(tm) =	ssettm $0x1  }
0x91: {  	s17 =	sld [smem:$0x3FFB];
	_ =	sdelay $0x3  }
0x92: {  	_ =	strace s17  }
0x93: {  	s2 =	sld [smem:$0x3FFC];
	_ =	sdelay $0x3  }
0x94: {  	_ =	strace s2  }
0x95: {  	s2 =	sld [smem:$0x3FFD];
	_ =	sdelay $0x3  }
0x96: {  	_ =	strace s2  }
0x97: {  	_ =	strace $0x8FFFFFFF  }
0x98: {  	s18 =	sld [smem:$0x3FDB];
	_ =	sdelay $0x1  }
0x99: {  	s19 =	simm.s32 $_scs_section_size  }
0x9a: {  	s4 =	simm.s32 $_size__tile_overlayer_lowered;
	s5 =	simm.s32 $_tile_overlayer_lowered  }
0x9b: {  	s22 =	simm.s32 $0x1BFF;
	s21 =	sshll.u32 s5, $0x1;
	s2 =	sadd.s32 s19, s18  }
0x9c: {  	s6 =	simm.s32 $0x0;
	s20 =	sshll.u32 s4, $0x1;
	s4 =	sadd.s32 s21, s2  }
0x9d: {  	[timem:s6], [sflag:s22] =	dma.local [hbm:s4], s20  }
0x9e: {  	_ =	swait.ge [sflag:s22], s20  }
0x9f: {  	s3 =	ssub.s32 $0x0, s20;
	[sflag:s22] =	ssyncset.done $0x0  }
0xa0: {  	[sflag:s22] =	ssyncadd.s32 s3;
	_ =	sdelay $0x1  }
0xa1: {  	s23 =	simm.s32 $0x1B8B  }
0xa2: {  	_ =	swait.ge [sflag:s23], $0x1  }
0xa3: {  	[sflag:s23] =	ssyncset.done $0x0  }
0xa4: {  	s25 =	simm.s32 $0x1B8E;
	s24 =	sld [smem:$0x3FFE];
	[sflag:s23] =	ssyncadd.s32 $0xFFFFFFFF  }
0xa5: {  	s26 =	simm.s32 $execute0_lowered;
	[smem:$0x3FD2] =	sst s25  }
0xa6: {  	s4 =	sshll.u32 s26, $0x1;
	_ =	strace $0x8000004C;
	[dreg:$0x1] =	wrdreg $0xFFFFFFFF  }
0xa7: {  	s28 =	simm.s32 $_size_execute0_lowered;
	s2 =	sadd.s32 s2, s4;
	[dreg:$0x0] =	wrdreg $0x0  }
0xa8: {  	s4 =	sshll.u32 s28, $0x1;
	[dreg:$0x2] =	wrdreg s2  }
0xa9: {  	[dreg:$0x3] =	wrdreg s4  }
0xaa: {  	[dreg:$0x4] =	wrdreg $0xC0  }
0xab: {  	_ =	task [dreg:s6], $0x5FFFF  }
0xac: {  	[dreg:$0x1] =	wrdreg $0xFFFFFFFF  }
0xad: {  	[dreg:$0x0] =	wrdreg $0x60  }
0xae: {  	[dreg:$0x2] =	wrdreg s24  }
0xaf: {  	[dreg:$0x3] =	wrdreg $0x82000  }
0xb0: {  	[dreg:$0x4] =	wrdreg $0x9  }
0xb1: {  	_ =	task.clear_ibuf [dreg:s6], $0x5FFFF;
	_ =	strace $0x9000004C  }
0xb2: {  	s29 =	simm.s32 $0x9;
	_ =	strace $0x8000004E  }
0xb3: {  	_ =	swait.ge [sflag:s29], $0x1  }
0xb4: {  	[sflag:s29] =	ssyncadd.s32 $0xFFFFFFFF  }
0xb5: {  	_ =	strace $0x9000004E  }
0xb6: {  	_ =	sfence  }
0xb7: {  	s30 =	sld [smem:$0x0];
	_ =	sdelay $0x2  }
0xb8: {  	s31 =	sshll.u32 s1, $0xD;
	s1 =	sshrl.u32 s1, $0x2  }
0xb9: {  	s3 =	sand.u32 $0x4000, s31;
	s1 =	sadd.s32 s1, s30  }
0xba: {  	s0 =	sor.u32 s3, s0;
	s1 =	sshll.u32 s1, $0x11  }
0xbb: {  	s0 =	sor.u32 s1, s0  }
0xbc: {  	s0 =	sadd.s32 $0x8F2B, s0  }
0xbd: {  	[sflag:s0] =	ssyncadd.remote.s32 $0x1  }
0xbe: {  	_ =	sfence.sel $0xFFFF  }
0xbf: {  	[dreg:$0x0] =	wrdreg $0xFFFFFFFF;
	(pc) =	sbr.abs _section_cstart, $3  }
0xc0: {  	[dreg:$0x1] =	wrdreg $0xFFFFFFFF  }
0xc1: {  	_ =	task.clear_ibuf [dreg:s6], $0x2FFFF;
	_ =	strace $0x9FFFFFFF  }
0xc2: {  	(tm) =	ssettm $0x7FFFFFFF  }
0xc3: {  	_ =	shalt  }
tec
execute0_lowered:
.L_overlay_start_1:
0x0: {  	(tag) =	ssettag $0x1  }
0x1: {  	s10 =	rddreg [dreg:$0x0]  }
0x2: {  	s1 =	rddreg [dreg:$0x1];
	s2 =	simm.s32 $0x0  }
0x3: {  	s7 =	srdreg.scid;
	s3 =	stileid.u32;
	s18 =	simm.s32 $0x3  }
0x4: {  	s19 =	simm.s32 $0x80;
	s20 =	simm.s32 $0x200;
	s21 =	simm.s32 $0x100  }
0x5: {  	s22 =	simm.s32 $0x4200;
	s23 =	simm.s32 $0x180;
	s24 =	simm.s32 $0x1  }
0x6: {  	s25 =	simm.s32 $0x2;
	s26 =	simm.s32 $0x0;
	[smem:$0x7FF] =	sst s2  }
0x7: {  	s4 =	sadd.s32 $0x28600, s10;
	s5 =	sadd.s32 $0x50600, s10;
	s6 =	sadd.s32 $0x1E600, s10  }
0x8: {  	s11 =	sand.u32 $0x1, s7;
	s7 =	sadd.s32 $0x14600, s10;
	s13 =	smul.u32 $0x50000, s3  }
0x9: {  	s8 =	sadd.s32 $0xA0600, s10;
	s9 =	smul.u32 $0x2800, s3;
	s10 =	sadd.s32 $0xC8600, s10  }
.Ltmp0:
0xa: {  	_ =	strace $0x8000004D;
	s12 =	ssub.s32 $0x2, s11;
	(pc) =	sbr.rel .LBB2_1-.Ltmp0, $4  }
0xb: {  	p0 =	seq.s32 s11, $0x1;
	s14 =	sshrl.u32 s12, $0x1;
	s31 =	sshrl.u32 s13, $0x2  }
0xc: {  	s11 =	sadd.s32 s4, s9;
	s13 =	sadd.s32 s5, s9;
	s15 =	ssub.s32 s12, s14  }
0xd: {  	s17 =	sadd.s32 s31, s1;
	s12 =	smul.u32 $0x5000, s3;
	s14 =	sshll.u32 s3, $0x6  }
0xe: {  	s15 =	smax.u32 s15, $0x1;
	s16 =	sor.u32 $0x1C03, s14;
	s17 =	sshrl.u32 s17, $0x3  }
.LBB2_7:
0xf: {  	[spmem:s1] =	stream.indirect.scatter.add.f32 [tilespmem:s22], [sflag:$0x3], $0x80, s23, s19, $0xb8;
	[tilespmem:$0x1C200] =	vst v63  }
0x10: {  	_ =	swait.ge [sflag:s18], $0x4000  }
0x11: {  	[sflag:s18] =	ssyncset.done $0x0  }
0x12: {  	s0 =	sadd.s32 s6, s30;
	[sflag:s18] =	ssyncadd.s32 $0xFFFFC000  }
0x13: {  	[tilespmem:s2], [sflag:$0x3] =	stream.linear.gather [hbm4b:s0+s2], $0x80, $0x38;
	[tilespmem:$0x1C200] =	vst v63  }
0x14: {  	_ =	swait.ge [sflag:s18], $0x80  }
0x15: {  	[sflag:s18] =	ssyncset.done $0x0  }
0x16: {  	[sflag:s18] =	ssyncadd.s32 $0xFFFFFF80  }
0x17: {  	[tilespmem:s20], [sflag:$0x1] =	stream.indirect.gather [hbm4b:s5+s19], $0x80, s2, s19, $0xb8;
	[tilespmem:$0x1C200] =	vst v63  }
0x18: {  	s31 =	sadd.s32 s7, s30  }
0x19: {  	[tilespmem:s19], [sflag:$0x3] =	stream.linear.gather [hbm4b:s31+s2], $0x80, $0x38;
	[tilespmem:$0x1C200] =	vst v63  }
0x1a: {  	_ =	swait.ge [sflag:s18], $0x80  }
0x1b: {  	s31 =	sor.u32 $0x10, s30;
	[sflag:s18] =	ssyncset.done $0x0  }
0x1c: {  	s28 =	sadd.s32 s6, s31;
	[sflag:s18] =	ssyncadd.s32 $0xFFFFFF80  }
0x1d: {  	[tilespmem:s21], [sflag:$0x3] =	stream.linear.gather [hbm4b:s28+s2], $0x80, $0x38;
	[tilespmem:$0x1C200] =	vst v63  }
0x1e: {  	_ =	swait.ge [sflag:s18], $0x80  }
0x1f: {  	[sflag:s18] =	ssyncset.done $0x0  }
0x20: {  	[sflag:s18] =	ssyncadd.s32 $0xFFFFFF80  }
0x21: {  	[tilespmem:s22], [sflag:$0x2] =	stream.indirect.gather [hbm4b:s5+s19], $0x80, s21, s19, $0xb8;
	[tilespmem:$0x1C200] =	vst v63  }
0x22: {  	s0 =	sadd.s32 s7, s31  }
0x23: {  	[tilespmem:s23], [sflag:$0x3] =	stream.linear.gather [hbm4b:s0+s2], $0x80, $0x38;
	[tilespmem:$0x1C200] =	vst v63  }
0x24: {  	_ =	swait.ge [sflag:s18], $0x80  }
0x25: {  	[sflag:s18] =	ssyncset.done $0x0  }
0x26: {  	[sflag:s18] =	ssyncadd.s32 $0xFFFFFF80  }
0x27: {  	_ =	swait.ge [sflag:s24], $0x4000  }
0x28: {  	[sflag:s24] =	ssyncset.done $0x0  }
0x29: {  	[sflag:s24] =	ssyncadd.s32 $0xFFFFC000  }
0x2a: {  	[spmem:s1] =	stream.indirect.scatter.add.f32 [tilespmem:s20], [sflag:$0x3], $0x80, s19, s19, $0xb8;
	[tilespmem:$0x1C200] =	vst v63  }
0x2b: {  	_ =	swait.ge [sflag:s18], $0x4000  }
0x2c: {  	[sflag:s18] =	ssyncset.done $0x0  }
0x2d: {  	[sflag:s18] =	ssyncadd.s32 $0xFFFFC000  }
0x2e: {  	_ =	swait.ge [sflag:s25], $0x4000  }
0x2f: {  	[sflag:s25] =	ssyncset.done $0x0  }
0x30: {  	[sflag:s25] =	ssyncadd.s32 $0xFFFFC000  }
0x31: {  	[spmem:s1] =	stream.indirect.scatter.add.f32 [tilespmem:s22], [sflag:$0x3], $0x80, s23, s19, $0xb8;
	[tilespmem:$0x1C200] =	vst v63  }
0x32: {  	_ =	swait.ge [sflag:s18], $0x4000  }
0x33: {  	[sflag:s18] =	ssyncset.done $0x0  }
0x34: {  	s29 =	smov.u32 s10;
	s28 =	smov.u32 s16;
	[sflag:s18] =	ssyncadd.s32 $0xFFFFC000  }
.LBB2_8:
0x35: {  	s26 =	sadd.s32 $0x1, s26  }
0x36: {  	p1 =	sne.s32 s26, s15  }
.Ltmp1:
0x37: {  	s0 =	sadd.s32 s29, s9;
	[bflag:$0x0] =	sbarrier.arrive $0xFFFF;
	(pc) =	sbr.rel @!p1 .LBB2_9-.Ltmp1, $4  }
0x38: {  	[hbm:s0], [sflag:s28] =	dma.local [spmem:s17], $0x2800  }
0x39: {  	_ =	swait.ge [sflag:s18], $0x2800  }
0x3a: {  	[sflag:s18] =	ssyncset.done $0x0  }
0x3b: {  	[sflag:s18] =	ssyncadd.s32 $0xFFFFD800  }
.LBB2_1:
.Ltmp2:
0x3c: {  	(pc) =	sbr.rel @!p0 .LBB2_2-.Ltmp2, $1  }
0x3d: {  	_ =	sdelay $0x3  }
0x3e: {  	[spmem:s17], [sflag:s16] =	dma.local [hbm:s13], $0x2800  }
0x3f: {  	s0 =	simm.s32 $0x0  }
0x40: {  	s28 =	sand.u32 $0x7C00, s0  }
0x41: {  	_ =	swait.ge [sflag:s18], $0x2800;
	s0 =	sand.u32 $0x300, s0;
	s28 =	sadd.s32 s12, s28  }
0x42: {  	[sflag:s18] =	ssyncset.done $0x0;
	s0 =	sor.u32 s0, s28  }
0x43: {  	[sflag:s18] =	ssyncadd.s32 $0xFFFFD800;
	s0 =	sshrl.u32 s0, $0x3  }
0x44: {  	[bflag:$0x0] =	sbarrier.arrive $0xFFFF;
	s28 =	sadd.s32 s6, s0  }
0x45: {  	[tilespmem:s2], [sflag:$0x3] =	stream.linear.gather [hbm4b:s28+s2], $0x80, $0x38;
	[tilespmem:$0x1C200] =	vst v63  }
0x46: {  	_ =	swait.ge [sflag:s18], $0x80  }
0x47: {  	[sflag:s18] =	ssyncset.done $0x0  }
0x48: {  	[sflag:s18] =	ssyncadd.s32 $0xFFFFFF80  }
0x49: {  	[tilespmem:s20], [sflag:$0x1] =	stream.indirect.gather [hbm4b:s5+s19], $0x80, s2, s19, $0xb8;
	[tilespmem:$0x1C200] =	vst v63  }
0x4a: {  	s28 =	sadd.s32 s7, s0  }
0x4b: {  	[tilespmem:s19], [sflag:$0x3] =	stream.linear.gather [hbm4b:s28+s2], $0x80, $0x38;
	[tilespmem:$0x1C200] =	vst v63  }
0x4c: {  	_ =	swait.ge [sflag:s18], $0x80  }
0x4d: {  	s0 =	sor.u32 $0x10, s0;
	[sflag:s18] =	ssyncset.done $0x0  }
0x4e: {  	s28 =	sadd.s32 s6, s0;
	[sflag:s18] =	ssyncadd.s32 $0xFFFFFF80  }
0x4f: {  	[tilespmem:s21], [sflag:$0x3] =	stream.linear.gather [hbm4b:s28+s2], $0x80, $0x38;
	[tilespmem:$0x1C200] =	vst v63  }
0x50: {  	_ =	swait.ge [sflag:s18], $0x80  }
0x51: {  	[sflag:s18] =	ssyncset.done $0x0  }
0x52: {  	[sflag:s18] =	ssyncadd.s32 $0xFFFFFF80  }
0x53: {  	[tilespmem:s22], [sflag:$0x2] =	stream.indirect.gather [hbm4b:s5+s19], $0x80, s21, s19, $0xb8;
	[tilespmem:$0x1C200] =	vst v63  }
0x54: {  	s0 =	sadd.s32 s7, s0  }
0x55: {  	[tilespmem:s23], [sflag:$0x3] =	stream.linear.gather [hbm4b:s0+s2], $0x80, $0x38;
	[tilespmem:$0x1C200] =	vst v63  }
0x56: {  	_ =	swait.ge [sflag:s18], $0x80  }
0x57: {  	[sflag:s18] =	ssyncset.done $0x0  }
0x58: {  	[sflag:s18] =	ssyncadd.s32 $0xFFFFFF80  }
0x59: {  	_ =	swait.ge [sflag:s24], $0x4000  }
0x5a: {  	[sflag:s24] =	ssyncset.done $0x0  }
0x5b: {  	[sflag:s24] =	ssyncadd.s32 $0xFFFFC000  }
0x5c: {  	[spmem:s1] =	stream.indirect.scatter.add.f32 [tilespmem:s20], [sflag:$0x3], $0x80, s19, s19, $0xb8;
	[tilespmem:$0x1C200] =	vst v63  }
0x5d: {  	_ =	swait.ge [sflag:s18], $0x4000  }
0x5e: {  	s31 =	simm.s32 $0x100;
	[sflag:s18] =	ssyncset.done $0x0  }
0x5f: {  	s28 =	sand.u32 $0x7C00, s31;
	[sflag:s18] =	ssyncadd.s32 $0xFFFFC000  }
0x60: {  	s28 =	sadd.s32 s12, s28;
	s0 =	sand.u32 $0x300, s31;
	_ =	swait.ge [sflag:s25], $0x4000  }
0x61: {  	s0 =	sor.u32 s0, s28;
	[sflag:s25] =	ssyncset.done $0x0  }
0x62: {  	s28 =	simm.s32 $0x200;
	s30 =	sshrl.u32 s0, $0x3;
	[sflag:s25] =	ssyncadd.s32 $0xFFFFC000  }
.LBB2_6:
0x63: {  	[spmem:s1] =	stream.indirect.scatter.add.f32 [tilespmem:s22], [sflag:$0x3], $0x80, s23, s19, $0xb8;
	[tilespmem:$0x1C200] =	vst v63  }
0x64: {  	s29 =	smov.u32 s28  }
0x65: {  	p1 =	sne.s32 s28, $0x4E00;
	s28 =	sadd.s32 $0x100, s28;
	_ =	swait.ge [sflag:s18], $0x4000  }
0x66: {  	[sflag:s18] =	ssyncset.done $0x0  }
0x67: {  	s0 =	sadd.s32 s6, s30;
	[sflag:s18] =	ssyncadd.s32 $0xFFFFC000  }
0x68: {  	[tilespmem:s2], [sflag:$0x3] =	stream.linear.gather [hbm4b:s0+s2], $0x80, $0x38;
	[tilespmem:$0x1C200] =	vst v63  }
0x69: {  	_ =	swait.ge [sflag:s18], $0x80  }
0x6a: {  	[sflag:s18] =	ssyncset.done $0x0  }
0x6b: {  	[sflag:s18] =	ssyncadd.s32 $0xFFFFFF80  }
0x6c: {  	[tilespmem:s20], [sflag:$0x1] =	stream.indirect.gather [hbm4b:s5+s19], $0x80, s2, s19, $0xb8;
	[tilespmem:$0x1C200] =	vst v63  }
0x6d: {  	s0 =	sadd.s32 s7, s30  }
0x6e: {  	[tilespmem:s19], [sflag:$0x3] =	stream.linear.gather [hbm4b:s0+s2], $0x80, $0x38;
	[tilespmem:$0x1C200] =	vst v63  }
0x6f: {  	_ =	swait.ge [sflag:s18], $0x80  }
0x70: {  	s0 =	sor.u32 $0x10, s30;
	[sflag:s18] =	ssyncset.done $0x0  }
0x71: {  	s30 =	sadd.s32 s6, s0;
	[sflag:s18] =	ssyncadd.s32 $0xFFFFFF80  }
0x72: {  	[tilespmem:s21], [sflag:$0x3] =	stream.linear.gather [hbm4b:s30+s2], $0x80, $0x38;
	[tilespmem:$0x1C200] =	vst v63  }
0x73: {  	_ =	swait.ge [sflag:s18], $0x80  }
0x74: {  	[sflag:s18] =	ssyncset.done $0x0  }
0x75: {  	[sflag:s18] =	ssyncadd.s32 $0xFFFFFF80  }
0x76: {  	[tilespmem:s22], [sflag:$0x2] =	stream.indirect.gather [hbm4b:s5+s19], $0x80, s21, s19, $0xb8;
	[tilespmem:$0x1C200] =	vst v63  }
0x77: {  	s0 =	sadd.s32 s7, s0  }
0x78: {  	[tilespmem:s23], [sflag:$0x3] =	stream.linear.gather [hbm4b:s0+s2], $0x80, $0x38;
	[tilespmem:$0x1C200] =	vst v63  }
0x79: {  	_ =	swait.ge [sflag:s18], $0x80  }
0x7a: {  	[sflag:s18] =	ssyncset.done $0x0  }
0x7b: {  	[sflag:s18] =	ssyncadd.s32 $0xFFFFFF80  }
0x7c: {  	_ =	swait.ge [sflag:s24], $0x4000  }
0x7d: {  	[sflag:s24] =	ssyncset.done $0x0  }
0x7e: {  	[sflag:s24] =	ssyncadd.s32 $0xFFFFC000  }
0x7f: {  	[spmem:s1] =	stream.indirect.scatter.add.f32 [tilespmem:s20], [sflag:$0x3], $0x80, s19, s19, $0xb8;
	[tilespmem:$0x1C200] =	vst v63  }
0x80: {  	_ =	swait.ge [sflag:s18], $0x4000  }
.Ltmp3:
0x81: {  	[sflag:s18] =	ssyncset.done $0x0;
	(pc) =	sbr.rel @p1 .LBB2_6-.Ltmp3, $4  }
0x82: {  	s0 =	sand.u32 $0x7C00, s29;
	[sflag:s18] =	ssyncadd.s32 $0xFFFFC000  }
0x83: {  	s29 =	sand.u32 $0x300, s29;
	s0 =	sadd.s32 s12, s0;
	_ =	swait.ge [sflag:s25], $0x4000  }
0x84: {  	s0 =	sor.u32 s29, s0;
	[sflag:s25] =	ssyncset.done $0x0  }
0x85: {  	s30 =	sshrl.u32 s0, $0x3;
	[sflag:s25] =	ssyncadd.s32 $0xFFFFC000  }
.Ltmp4:
0x86: {  	_ = 	snop;
	(pc) =	sbr.rel .LBB2_7-.Ltmp4, $1  }
0x87: {  	_ =	sdelay $0x3  }
.LBB2_2:
0x88: {  	s28 =	sor.u32 $0x1C03, s14;
	s29 =	simm.s32 $0x0  }
0x89: {  	[spmem:s17], [sflag:s28] =	dma.local [hbm:s11], $0x2800  }
0x8a: {  	s30 =	sand.u32 $0x7C00, s29  }
0x8b: {  	s29 =	sand.u32 $0x300, s29;
	_ =	swait.ge [sflag:s18], $0x2800;
	s30 =	sadd.s32 s12, s30  }
0x8c: {  	[sflag:s18] =	ssyncset.done $0x0;
	s29 =	sor.u32 s29, s30  }
0x8d: {  	[sflag:s18] =	ssyncadd.s32 $0xFFFFD800;
	s29 =	sshrl.u32 s29, $0x3  }
0x8e: {  	[bflag:$0x0] =	sbarrier.arrive $0xFFFF;
	s0 =	sadd.s32 s6, s29  }
0x8f: {  	[tilespmem:s2], [sflag:$0x3] =	stream.linear.gather [hbm4b:s0+s2], $0x80, $0x38;
	[tilespmem:$0x1C200] =	vst v63  }
0x90: {  	_ =	swait.ge [sflag:s18], $0x80  }
0x91: {  	[sflag:s18] =	ssyncset.done $0x0  }
0x92: {  	[sflag:s18] =	ssyncadd.s32 $0xFFFFFF80  }
0x93: {  	[tilespmem:s20], [sflag:$0x1] =	stream.indirect.gather [hbm4b:s4+s19], $0x80, s2, s19, $0xb8;
	[tilespmem:$0x1C200] =	vst v63  }
0x94: {  	s0 =	sadd.s32 s7, s29  }
0x95: {  	[tilespmem:s19], [sflag:$0x3] =	stream.linear.gather [hbm4b:s0+s2], $0x80, $0x38;
	[tilespmem:$0x1C200] =	vst v63  }
0x96: {  	_ =	swait.ge [sflag:s18], $0x80  }
0x97: {  	s29 =	sor.u32 $0x10, s29;
	[sflag:s18] =	ssyncset.done $0x0  }
0x98: {  	s0 =	sadd.s32 s6, s29;
	[sflag:s18] =	ssyncadd.s32 $0xFFFFFF80  }
0x99: {  	[tilespmem:s21], [sflag:$0x3] =	stream.linear.gather [hbm4b:s0+s2], $0x80, $0x38;
	[tilespmem:$0x1C200] =	vst v63  }
0x9a: {  	_ =	swait.ge [sflag:s18], $0x80  }
0x9b: {  	[sflag:s18] =	ssyncset.done $0x0  }
0x9c: {  	[sflag:s18] =	ssyncadd.s32 $0xFFFFFF80  }
0x9d: {  	[tilespmem:s22], [sflag:$0x2] =	stream.indirect.gather [hbm4b:s4+s19], $0x80, s21, s19, $0xb8;
	[tilespmem:$0x1C200] =	vst v63  }
0x9e: {  	s29 =	sadd.s32 s7, s29  }
0x9f: {  	[tilespmem:s23], [sflag:$0x3] =	stream.linear.gather [hbm4b:s29+s2], $0x80, $0x38;
	[tilespmem:$0x1C200] =	vst v63  }
0xa0: {  	_ =	swait.ge [sflag:s18], $0x80  }
0xa1: {  	[sflag:s18] =	ssyncset.done $0x0  }
0xa2: {  	[sflag:s18] =	ssyncadd.s32 $0xFFFFFF80  }
0xa3: {  	_ =	swait.ge [sflag:s24], $0x4000  }
0xa4: {  	[sflag:s24] =	ssyncset.done $0x0  }
0xa5: {  	[sflag:s24] =	ssyncadd.s32 $0xFFFFC000  }
0xa6: {  	[spmem:s1] =	stream.indirect.scatter.add.f32 [tilespmem:s20], [sflag:$0x3], $0x80, s19, s19, $0xb8;
	[tilespmem:$0x1C200] =	vst v63  }
0xa7: {  	_ =	swait.ge [sflag:s18], $0x4000  }
0xa8: {  	s29 =	simm.s32 $0x100;
	[sflag:s18] =	ssyncset.done $0x0  }
0xa9: {  	s0 =	sand.u32 $0x7C00, s29;
	[sflag:s18] =	ssyncadd.s32 $0xFFFFC000  }
0xaa: {  	s29 =	sand.u32 $0x300, s29;
	s30 =	sadd.s32 s12, s0;
	_ =	swait.ge [sflag:s25], $0x4000  }
0xab: {  	s30 =	sor.u32 s29, s30;
	[sflag:s25] =	ssyncset.done $0x0  }
0xac: {  	s29 =	simm.s32 $0x200;
	s31 =	sshrl.u32 s30, $0x3;
	[sflag:s25] =	ssyncadd.s32 $0xFFFFC000  }
.LBB2_3:
0xad: {  	[spmem:s1] =	stream.indirect.scatter.add.f32 [tilespmem:s22], [sflag:$0x3], $0x80, s23, s19, $0xb8;
	[tilespmem:$0x1C200] =	vst v63  }
0xae: {  	s30 =	smov.u32 s29  }
0xaf: {  	p1 =	seq.s32 s29, $0x4E00;
	s29 =	sadd.s32 $0x100, s29;
	_ =	swait.ge [sflag:s18], $0x4000  }
0xb0: {  	[sflag:s18] =	ssyncset.done $0x0  }
0xb1: {  	s0 =	sadd.s32 s6, s31;
	[sflag:s18] =	ssyncadd.s32 $0xFFFFC000  }
0xb2: {  	[tilespmem:s2], [sflag:$0x3] =	stream.linear.gather [hbm4b:s0+s2], $0x80, $0x38;
	[tilespmem:$0x1C200] =	vst v63  }
0xb3: {  	_ =	swait.ge [sflag:s18], $0x80  }
0xb4: {  	[sflag:s18] =	ssyncset.done $0x0  }
0xb5: {  	[sflag:s18] =	ssyncadd.s32 $0xFFFFFF80  }
0xb6: {  	[tilespmem:s20], [sflag:$0x1] =	stream.indirect.gather [hbm4b:s4+s19], $0x80, s2, s19, $0xb8;
	[tilespmem:$0x1C200] =	vst v63  }
0xb7: {  	s0 =	sadd.s32 s7, s31  }
0xb8: {  	[tilespmem:s19], [sflag:$0x3] =	stream.linear.gather [hbm4b:s0+s2], $0x80, $0x38;
	[tilespmem:$0x1C200] =	vst v63  }
0xb9: {  	_ =	swait.ge [sflag:s18], $0x80  }
0xba: {  	s0 =	sor.u32 $0x10, s31;
	[sflag:s18] =	ssyncset.done $0x0  }
0xbb: {  	s31 =	sadd.s32 s6, s0;
	[sflag:s18] =	ssyncadd.s32 $0xFFFFFF80  }
0xbc: {  	[tilespmem:s21], [sflag:$0x3] =	stream.linear.gather [hbm4b:s31+s2], $0x80, $0x38;
	[tilespmem:$0x1C200] =	vst v63  }
0xbd: {  	_ =	swait.ge [sflag:s18], $0x80  }
0xbe: {  	[sflag:s18] =	ssyncset.done $0x0  }
0xbf: {  	[sflag:s18] =	ssyncadd.s32 $0xFFFFFF80  }
0xc0: {  	[tilespmem:s22], [sflag:$0x2] =	stream.indirect.gather [hbm4b:s4+s19], $0x80, s21, s19, $0xb8;
	[tilespmem:$0x1C200] =	vst v63  }
0xc1: {  	s0 =	sadd.s32 s7, s0  }
0xc2: {  	[tilespmem:s23], [sflag:$0x3] =	stream.linear.gather [hbm4b:s0+s2], $0x80, $0x38;
	[tilespmem:$0x1C200] =	vst v63  }
0xc3: {  	_ =	swait.ge [sflag:s18], $0x80  }
0xc4: {  	[sflag:s18] =	ssyncset.done $0x0  }
0xc5: {  	[sflag:s18] =	ssyncadd.s32 $0xFFFFFF80  }
0xc6: {  	_ =	swait.ge [sflag:s24], $0x4000  }
0xc7: {  	[sflag:s24] =	ssyncset.done $0x0  }
0xc8: {  	[sflag:s24] =	ssyncadd.s32 $0xFFFFC000  }
0xc9: {  	[spmem:s1] =	stream.indirect.scatter.add.f32 [tilespmem:s20], [sflag:$0x3], $0x80, s19, s19, $0xb8;
	[tilespmem:$0x1C200] =	vst v63  }
0xca: {  	_ =	swait.ge [sflag:s18], $0x4000  }
.Ltmp5:
0xcb: {  	[sflag:s18] =	ssyncset.done $0x0;
	(pc) =	sbr.rel @!p1 .LBB2_3-.Ltmp5, $4  }
0xcc: {  	s0 =	sand.u32 $0x7C00, s30;
	[sflag:s18] =	ssyncadd.s32 $0xFFFFC000  }
0xcd: {  	s30 =	sand.u32 $0x300, s30;
	s0 =	sadd.s32 s12, s0;
	_ =	swait.ge [sflag:s25], $0x4000  }
0xce: {  	s0 =	sor.u32 s30, s0;
	[sflag:s25] =	ssyncset.done $0x0  }
0xcf: {  	s31 =	sshrl.u32 s0, $0x3;
	[sflag:s25] =	ssyncadd.s32 $0xFFFFC000  }
0xd0: {  	[spmem:s1] =	stream.indirect.scatter.add.f32 [tilespmem:s22], [sflag:$0x3], $0x80, s23, s19, $0xb8;
	[tilespmem:$0x1C200] =	vst v63  }
0xd1: {  	_ =	swait.ge [sflag:s18], $0x4000  }
0xd2: {  	[sflag:s18] =	ssyncset.done $0x0  }
0xd3: {  	s0 =	sadd.s32 s6, s31;
	[sflag:s18] =	ssyncadd.s32 $0xFFFFC000  }
0xd4: {  	[tilespmem:s2], [sflag:$0x3] =	stream.linear.gather [hbm4b:s0+s2], $0x80, $0x38;
	[tilespmem:$0x1C200] =	vst v63  }
0xd5: {  	_ =	swait.ge [sflag:s18], $0x80  }
0xd6: {  	[sflag:s18] =	ssyncset.done $0x0  }
0xd7: {  	[sflag:s18] =	ssyncadd.s32 $0xFFFFFF80  }
0xd8: {  	[tilespmem:s20], [sflag:$0x1] =	stream.indirect.gather [hbm4b:s4+s19], $0x80, s2, s19, $0xb8;
	[tilespmem:$0x1C200] =	vst v63  }
0xd9: {  	s30 =	sadd.s32 s7, s31  }
0xda: {  	[tilespmem:s19], [sflag:$0x3] =	stream.linear.gather [hbm4b:s30+s2], $0x80, $0x38;
	[tilespmem:$0x1C200] =	vst v63  }
0xdb: {  	_ =	swait.ge [sflag:s18], $0x80  }
0xdc: {  	s31 =	sor.u32 $0x10, s31;
	[sflag:s18] =	ssyncset.done $0x0  }
0xdd: {  	s29 =	sadd.s32 s6, s31;
	[sflag:s18] =	ssyncadd.s32 $0xFFFFFF80  }
0xde: {  	[tilespmem:s21], [sflag:$0x3] =	stream.linear.gather [hbm4b:s29+s2], $0x80, $0x38;
	[tilespmem:$0x1C200] =	vst v63  }
0xdf: {  	_ =	swait.ge [sflag:s18], $0x80  }
0xe0: {  	[sflag:s18] =	ssyncset.done $0x0  }
0xe1: {  	[sflag:s18] =	ssyncadd.s32 $0xFFFFFF80  }
0xe2: {  	[tilespmem:s22], [sflag:$0x2] =	stream.indirect.gather [hbm4b:s4+s19], $0x80, s21, s19, $0xb8;
	[tilespmem:$0x1C200] =	vst v63  }
0xe3: {  	s0 =	sadd.s32 s7, s31  }
0xe4: {  	[tilespmem:s23], [sflag:$0x3] =	stream.linear.gather [hbm4b:s0+s2], $0x80, $0x38;
	[tilespmem:$0x1C200] =	vst v63  }
0xe5: {  	_ =	swait.ge [sflag:s18], $0x80  }
0xe6: {  	[sflag:s18] =	ssyncset.done $0x0  }
0xe7: {  	[sflag:s18] =	ssyncadd.s32 $0xFFFFFF80  }
0xe8: {  	_ =	swait.ge [sflag:s24], $0x4000  }
0xe9: {  	[sflag:s24] =	ssyncset.done $0x0  }
0xea: {  	[sflag:s24] =	ssyncadd.s32 $0xFFFFC000  }
0xeb: {  	[spmem:s1] =	stream.indirect.scatter.add.f32 [tilespmem:s20], [sflag:$0x3], $0x80, s19, s19, $0xb8;
	[tilespmem:$0x1C200] =	vst v63  }
0xec: {  	_ =	swait.ge [sflag:s18], $0x4000  }
0xed: {  	[sflag:s18] =	ssyncset.done $0x0  }
0xee: {  	[sflag:s18] =	ssyncadd.s32 $0xFFFFC000  }
0xef: {  	_ =	swait.ge [sflag:s25], $0x4000  }
0xf0: {  	[sflag:s25] =	ssyncset.done $0x0  }
.Ltmp6:
0xf1: {  	[sflag:s25] =	ssyncadd.s32 $0xFFFFC000;
	(pc) =	sbr.rel .LBB2_8-.Ltmp6, $4  }
0xf2: {  	[spmem:s1] =	stream.indirect.scatter.add.f32 [tilespmem:s22], [sflag:$0x3], $0x80, s23, s19, $0xb8;
	[tilespmem:$0x1C200] =	vst v63  }
0xf3: {  	_ =	swait.ge [sflag:s18], $0x4000  }
0xf4: {  	[sflag:s18] =	ssyncset.done $0x0  }
0xf5: {  	s29 =	smov.u32 s8;
	[sflag:s18] =	ssyncadd.s32 $0xFFFFC000  }
.LBB2_9:
0xf6: {  	_ =	sfence.sel $0x180000  }
0xf7: {  	[bflag:$0x0] =	sbarrier.arrive $0xFFFF  }
0xf8: {  	_ =	strace $0x9000004D  }
0xf9: {  	[bflag:$0x2] =	sbarrier.arrive $0xFFFF  }
0xfa: {  	p0 =	sne.s32 s3, $0x0;
	s0 =	rddreg [dreg:$0x2]  }
0xfb: {  	s0 =	sadd.s32 @!p0 $0x100000, s0  }
0xfc: {  	[sflag:s0] =	ssyncadd.tile.s32 @!p0 $0x1;
	_ =	shalt  }
.Lfunc_end2:
_tile_overlayer_lowered:
.L_overlay_start_2:
0xfd: {  	(tag) =	ssettag $0x2  }
0xfe: {  	s0 =	rddreg [dreg:$0x0];
	s2 =	stileid.u32  }
0xff: {  	s1 =	rddreg [dreg:$0x1];
	p0 =	sne.s32 s2, $0x0  }
0x100: {  	s3 =	rddreg [dreg:$0x2];
	[bflag:$0x3] =	sbarrier.arrive $0xFFFF;
	s2 =	simm.s32 @!p0 $0x1C03  }
0x101: {  	[timem:s3], [sflag:s2] =	dma.local @!p0 [hbm:s0], s1  }
0x102: {  	s0 =	simm.s32 @!p0 $0x3  }
0x103: {  	_ =	swait.ge @!p0 [sflag:s0], s1  }
0x104: {  	s1 =	ssub.s32 @!p0 $0x0, s1;
	[sflag:s0] =	ssyncset.done @!p0 $0x0  }
0x105: {  	[sflag:s0] =	ssyncadd.s32 @!p0 s1  }
0x106: {  	[bflag:$0x3] =	sbarrier.arrive $0xFFFF  }
0x107: {  	_ =	shalt  }

// kernel: kernel.19.cloned.1.call-start
scs
__scs_entry_jumppad:
0x0: {  	(pc) =	sbr.rel $0x88, $3  }
0x1: {  	(tag) =	ssettag $0x0;
	lr =	simm.s32 $0x1  }
0x2: {  	[smem:$0x3F95] =	sst lr;
	_ =	strace $0xD0000000  }
0x3: {  	_ = 	snop  }
0x4: {  	_ = 	snop  }
0x5: {  	_ = 	snop  }
0x6: {  	_ = 	snop  }
0x7: {  	_ = 	snop  }
__scs_overlays_trampoline_lowered:
0x8: {  	[smem:$0x3FA4] =	sst s0  }
0x9: {  	[smem:$0x3FA5] =	sst s1  }
0xa: {  	[smem:$0x3FA6] =	sst s2  }
0xb: {  	[smem:$0x3FA7] =	sst s3  }
0xc: {  	[smem:$0x3FA8] =	sst s4  }
0xd: {  	[smem:$0x3FA9] =	sst s5  }
0xe: {  	[smem:$0x3FAA] =	sst s6  }
0xf: {  	[smem:$0x3FAB] =	sst s7  }
0x10: {  	[smem:$0x3FAC] =	sst s8  }
0x11: {  	[smem:$0x3FAD] =	sst s9;
	s0 =	simm.s32 @!p0 $0x0  }
0x12: {  	s1 =	sld [smem:$0x3F93];
	s0 =	simm.s32 @p0 $0x1  }
0x13: {  	[smem:$0x3FAE] =	sst s0;
	s0 =	simm.s32 @!p1 $0x0  }
0x14: {  	s2 =	sld [smem:$0x3F92];
	s0 =	simm.s32 @p1 $0x1  }
0x15: {  	[smem:$0x3FAF] =	sst s0;
	s0 =	simm.s32 @!p2 $0x0  }
0x16: {  	s3 =	sld [smem:$0x3FDB];
	s0 =	simm.s32 @p2 $0x1  }
0x17: {  	s4 =	simm.s32 $0x1BF5;
	[smem:$0x3FB1] =	sst s0  }
0x18: {  	s0 =	sld [smem:$0x3F94];
	_ =	swait.ge [sflag:s4], $0x0  }
0x19: {  	s7 =	sld [smem:$0x3F95]  }
0x1a: {  	s8 =	sadd.s32 $0xFFFFE003, lr  }
0x1b: {  	s9 =	sadd.s32 $0xFFFFFEF7, lr;
	s5 =	simm.s32 $0xFFFFFFFF;
	p2 =	slt.u32 s8, $0xFFFFF086  }
0x1c: {  	p1 =	slt.u32 s9, $0xF7A;
	s5 =	simm.s32 @!p2 $0x0  }
0x1d: {  	s5 =	simm.s32 @p1 $0x1;
	p0 =	seq.s32 s7, s2  }
0x1e: {  	s7 =	smul.u32 @!p0 $0xF7A, s2;
	p2 =	seq.s32 @!p0 s5, $0x0  }
0x1f: {  	s9 =	smul.u32 $0xF7A, s1;
	s8 =	simm.s32 @!p0 $0x1BF5;
	p2 =	por !p2, p0  }
0x20: {  	[sflag:s8] =	ssyncset.s32 @!p0 $0xFFFFF086;
	s6 =	sadd.s32 @!p0 s3, s7;
	s7 =	simm.s32 @!p0 $0x108  }
0x21: {  	s3 =	sadd.s32 s3, s9;
	s6 =	sadd.s32 @!p0 $0x88, s6;
	s7 =	simm.s32 @p2 $0x1082  }
0x22: {  	[simem:s7], [sflag:s8] =	dma.local @!p0 [hbm:s6], $0xF7A  }
0x23: {  	s9 =	sor.u32 $0xD0000000, s2;
	s6 =	simm.s32 $0x108;
	_ =	swait.ge @!p0 [sflag:s8], $0x0  }
0x24: {  	s3 =	sadd.s32 $0x88, s3;
	s6 =	simm.s32 @!p1 $0x1082;
	[sflag:s4] =	ssyncset.s32 $0xFFFFF086  }
0x25: {  	[simem:s6], [sflag:s4] =	dma.local [hbm:s3], $0xF7A  }
0x26: {  	[smem:$0x3F95] =	sst s1;
	(tag) =	ssettag s2;
	_ =	strace s9  }
0x27: {  	s1 =	sld [smem:$0x3FA5]  }
0x28: {  	s2 =	sld [smem:$0x3FA6]  }
0x29: {  	s4 =	sld [smem:$0x3FA8]  }
0x2a: {  	p0 =	seq.s32 s5, $0x0;
	s5 =	sld [smem:$0x3FA9]  }
0x2b: {  	s6 =	sld [smem:$0x3FAA]  }
0x2c: {  	s7 =	sld [smem:$0x3FAB]  }
0x2d: {  	s3 =	simm.s32 $0x108;
	s8 =	sld [smem:$0x3FAC]  }
0x2e: {  	s3 =	simm.s32 @!p0 $0x1082;
	s9 =	sld [smem:$0x3FAD]  }
0x2f: {  	lr =	sadd.s32 s0, s3;
	s0 =	sld [smem:$0x3FA4]  }
0x30: {  	s3 =	sld [smem:$0x3FA7]  }
0x31: {  	[smem:$0x3FB0] =	sst s10  }
0x32: {  	s10 =	sld [smem:$0x3FAE];
	_ =	sdelay $0x3  }
0x33: {  	p0 =	seq.s32 s10, $0x1;
	s10 =	sld [smem:$0x3FB0];
	_ =	sdelay $0x3  }
0x34: {  	[smem:$0x3FB0] =	sst s10  }
0x35: {  	s10 =	sld [smem:$0x3FAF];
	_ =	sdelay $0x3  }
0x36: {  	p1 =	seq.s32 s10, $0x1;
	s10 =	sld [smem:$0x3FB0];
	_ =	sdelay $0x3  }
0x37: {  	[smem:$0x3FB0] =	sst s10  }
0x38: {  	s10 =	sld [smem:$0x3FB1]  }
0x39: {  	_ = 	snop;
	(pc) =	sbr.ind lr, $3  }
0x3a: {  	_ = 	snop  }
0x3b: {  	_ = 	snop  }
0x3c: {  	p2 =	seq.s32 s10, $0x1;
	s10 =	sld [smem:$0x3FB0]  }
0x3d: {  	_ =	shalt  }
0x3e: {  	_ =	shalt  }
0x3f: {  	_ =	shalt  }
0x40: {  	_ =	shalt  }
0x41: {  	_ =	shalt  }
0x42: {  	_ =	shalt  }
0x43: {  	_ =	shalt  }
0x44: {  	_ =	shalt  }
0x45: {  	_ =	shalt  }
0x46: {  	_ =	shalt  }
0x47: {  	_ =	shalt  }
0x48: {  	_ =	shalt  }
0x49: {  	_ =	shalt  }
0x4a: {  	_ =	shalt  }
0x4b: {  	_ =	shalt  }
0x4c: {  	_ =	shalt  }
0x4d: {  	_ =	shalt  }
0x4e: {  	_ =	shalt  }
0x4f: {  	_ =	shalt  }
0x50: {  	_ =	shalt  }
0x51: {  	_ =	shalt  }
0x52: {  	_ =	shalt  }
0x53: {  	_ =	shalt  }
0x54: {  	_ =	shalt  }
0x55: {  	_ =	shalt  }
0x56: {  	_ =	shalt  }
0x57: {  	_ =	shalt  }
0x58: {  	_ =	shalt  }
0x59: {  	_ =	shalt  }
0x5a: {  	_ =	shalt  }
0x5b: {  	_ =	shalt  }
0x5c: {  	_ =	shalt  }
0x5d: {  	_ =	shalt  }
0x5e: {  	_ =	shalt  }
0x5f: {  	_ =	shalt  }
0x60: {  	_ =	shalt  }
0x61: {  	_ =	shalt  }
0x62: {  	_ =	shalt  }
0x63: {  	_ =	shalt  }
0x64: {  	_ =	shalt  }
0x65: {  	_ =	shalt  }
0x66: {  	_ =	shalt  }
0x67: {  	_ =	shalt  }
0x68: {  	_ =	shalt  }
0x69: {  	_ =	shalt  }
0x6a: {  	_ =	shalt  }
0x6b: {  	_ =	shalt  }
0x6c: {  	_ =	shalt  }
0x6d: {  	_ =	shalt  }
0x6e: {  	_ =	shalt  }
0x6f: {  	_ =	shalt  }
0x70: {  	_ =	shalt  }
0x71: {  	_ =	shalt  }
0x72: {  	_ =	shalt  }
0x73: {  	_ =	shalt  }
0x74: {  	_ =	shalt  }
0x75: {  	_ =	shalt  }
0x76: {  	_ =	shalt  }
0x77: {  	_ =	shalt  }
0x78: {  	_ =	shalt  }
0x79: {  	_ =	shalt  }
0x7a: {  	_ =	shalt  }
0x7b: {  	_ =	shalt  }
0x7c: {  	_ =	shalt  }
0x7d: {  	_ =	shalt  }
0x7e: {  	_ =	shalt  }
0x7f: {  	_ =	shalt  }
0x80: {  	_ =	shalt  }
0x81: {  	_ =	shalt  }
0x82: {  	_ =	shalt  }
0x83: {  	_ =	shalt  }
0x84: {  	_ =	shalt  }
0x85: {  	_ =	shalt  }
0x86: {  	_ =	shalt  }
0x87: {  	_ =	shalt  }
.Lfunc_end0:
.L_simem_size_0:
called_computation.3_lowered:
.L_overlay_start_0:
0x88: {  	s2 =	sld [smem:$0x3FD9]  }
0x89: {  	s3 =	sld [smem:$0x3FFE];
	_ =	sdelay $0x1  }
0x8a: {  	s1 =	srdreg.scid  }
0x8b: {  	s0 =	sand.u32 $0x1, s1  }
0x8c: {  	s16 =	sshll.u32 s0, $0xA;
	s2 =	sadd.s32 s3, s2  }
0x8d: {  	s2 =	sadd.s32 s2, s16  }
0x8e: {  	[smem:$0x3FBC] =	sst s2  }
0x8f: {  	_ = 	snop  }
0x90: {  	(tm) =	ssettm $0x1  }
0x91: {  	s17 =	sld [smem:$0x3FFB];
	_ =	sdelay $0x3  }
0x92: {  	_ =	strace s17  }
0x93: {  	s2 =	sld [smem:$0x3FFC];
	_ =	sdelay $0x3  }
0x94: {  	_ =	strace s2  }
0x95: {  	s2 =	sld [smem:$0x3FFD];
	_ =	sdelay $0x3  }
0x96: {  	_ =	strace s2  }
0x97: {  	_ =	strace $0x8FFFFFFF  }
0x98: {  	s18 =	sld [smem:$0x3FDB];
	_ =	sdelay $0x1  }
0x99: {  	s19 =	simm.s32 $_scs_section_size  }
0x9a: {  	s4 =	simm.s32 $_size__tile_overlayer_lowered;
	s5 =	simm.s32 $_tile_overlayer_lowered  }
0x9b: {  	s22 =	simm.s32 $0x1BFF;
	s21 =	sshll.u32 s5, $0x1;
	s2 =	sadd.s32 s19, s18  }
0x9c: {  	s6 =	simm.s32 $0x0;
	s20 =	sshll.u32 s4, $0x1;
	s4 =	sadd.s32 s21, s2  }
0x9d: {  	[timem:s6], [sflag:s22] =	dma.local [hbm:s4], s20  }
0x9e: {  	_ =	swait.ge [sflag:s22], s20  }
0x9f: {  	s3 =	ssub.s32 $0x0, s20;
	[sflag:s22] =	ssyncset.done $0x0  }
0xa0: {  	[sflag:s22] =	ssyncadd.s32 s3;
	_ =	sdelay $0x1  }
0xa1: {  	s23 =	simm.s32 $0x1B8B  }
0xa2: {  	_ =	swait.ge [sflag:s23], $0x1  }
0xa3: {  	[sflag:s23] =	ssyncset.done $0x0  }
0xa4: {  	s25 =	simm.s32 $0x1B8E;
	s24 =	sld [smem:$0x3FFE];
	[sflag:s23] =	ssyncadd.s32 $0xFFFFFFFF  }
0xa5: {  	s26 =	simm.s32 $execute0_lowered;
	[smem:$0x3FD2] =	sst s25  }
0xa6: {  	s4 =	sshll.u32 s26, $0x1;
	_ =	strace $0x8000004F;
	[dreg:$0x1] =	wrdreg $0xFFFFFFFF  }
0xa7: {  	s28 =	simm.s32 $_size_execute0_lowered;
	s2 =	sadd.s32 s2, s4;
	[dreg:$0x0] =	wrdreg $0x0  }
0xa8: {  	s4 =	sshll.u32 s28, $0x1;
	[dreg:$0x2] =	wrdreg s2  }
0xa9: {  	[dreg:$0x3] =	wrdreg s4  }
0xaa: {  	[dreg:$0x4] =	wrdreg $0xC0  }
0xab: {  	_ =	task [dreg:s6], $0x5FFFF  }
0xac: {  	[dreg:$0x1] =	wrdreg $0xFFFFFFFF  }
0xad: {  	[dreg:$0x0] =	wrdreg $0x60  }
0xae: {  	[dreg:$0x2] =	wrdreg s24  }
0xaf: {  	[dreg:$0x3] =	wrdreg $0x82000  }
0xb0: {  	[dreg:$0x4] =	wrdreg $0x9  }
0xb1: {  	_ =	task.clear_ibuf [dreg:s6], $0x5FFFF;
	_ =	strace $0x9000004F  }
0xb2: {  	s29 =	simm.s32 $0x9;
	_ =	strace $0x80000051  }
0xb3: {  	_ =	swait.ge [sflag:s29], $0x1  }
0xb4: {  	[sflag:s29] =	ssyncadd.s32 $0xFFFFFFFF  }
0xb5: {  	_ =	strace $0x90000051  }
0xb6: {  	_ =	sfence  }
0xb7: {  	s30 =	sld [smem:$0x0];
	_ =	sdelay $0x2  }
0xb8: {  	s31 =	sshll.u32 s1, $0xD;
	s1 =	sshrl.u32 s1, $0x2  }
0xb9: {  	s3 =	sand.u32 $0x4000, s31;
	s1 =	sadd.s32 s1, s30  }
0xba: {  	s0 =	sor.u32 s3, s0;
	s1 =	sshll.u32 s1, $0x11  }
0xbb: {  	s0 =	sor.u32 s1, s0  }
0xbc: {  	s0 =	sadd.s32 $0x8F2B, s0  }
0xbd: {  	[sflag:s0] =	ssyncadd.remote.s32 $0x1  }
0xbe: {  	_ =	sfence.sel $0xFFFF  }
0xbf: {  	[dreg:$0x0] =	wrdreg $0xFFFFFFFF;
	(pc) =	sbr.abs _section_cstart, $3  }
0xc0: {  	[dreg:$0x1] =	wrdreg $0xFFFFFFFF  }
0xc1: {  	_ =	task.clear_ibuf [dreg:s6], $0x2FFFF;
	_ =	strace $0x9FFFFFFF  }
0xc2: {  	(tm) =	ssettm $0x7FFFFFFF  }
0xc3: {  	_ =	shalt  }
tec
execute0_lowered:
.L_overlay_start_1:
0x0: {  	(tag) =	ssettag $0x1  }
0x1: {  	s10 =	rddreg [dreg:$0x0]  }
0x2: {  	s1 =	rddreg [dreg:$0x1];
	s2 =	simm.s32 $0x0  }
0x3: {  	s7 =	srdreg.scid;
	s3 =	stileid.u32;
	s18 =	simm.s32 $0x3  }
0x4: {  	s19 =	simm.s32 $0x80;
	s20 =	simm.s32 $0x200;
	s21 =	simm.s32 $0x100  }
0x5: {  	s22 =	simm.s32 $0x4200;
	s23 =	simm.s32 $0x180;
	s24 =	simm.s32 $0x1  }
0x6: {  	s25 =	simm.s32 $0x2;
	s26 =	simm.s32 $0x0;
	[smem:$0x7FF] =	sst s2  }
0x7: {  	s4 =	sadd.s32 $0x28600, s10;
	s5 =	sadd.s32 $0x50600, s10;
	s6 =	sadd.s32 $0x1E600, s10  }
0x8: {  	s11 =	sand.u32 $0x1, s7;
	s7 =	sadd.s32 $0x14600, s10;
	s13 =	smul.u32 $0x50000, s3  }
0x9: {  	s8 =	sadd.s32 $0xA0600, s10;
	s9 =	smul.u32 $0x2800, s3;
	s10 =	sadd.s32 $0xC8600, s10  }
.Ltmp0:
0xa: {  	_ =	strace $0x80000050;
	s12 =	ssub.s32 $0x2, s11;
	(pc) =	sbr.rel .LBB2_1-.Ltmp0, $4  }
0xb: {  	p0 =	seq.s32 s11, $0x1;
	s14 =	sshrl.u32 s12, $0x1;
	s31 =	sshrl.u32 s13, $0x2  }
0xc: {  	s11 =	sadd.s32 s4, s9;
	s13 =	sadd.s32 s5, s9;
	s15 =	ssub.s32 s12, s14  }
0xd: {  	s17 =	sadd.s32 s31, s1;
	s12 =	smul.u32 $0x5000, s3;
	s14 =	sshll.u32 s3, $0x6  }
0xe: {  	s15 =	smax.u32 s15, $0x1;
	s16 =	sor.u32 $0x1C03, s14;
	s17 =	sshrl.u32 s17, $0x3  }
.LBB2_7:
0xf: {  	[spmem:s1] =	stream.indirect.scatter.add.f32 [tilespmem:s22], [sflag:$0x3], $0x80, s23, s19, $0xb8;
	[tilespmem:$0x1C200] =	vst v63  }
0x10: {  	_ =	swait.ge [sflag:s18], $0x4000  }
0x11: {  	[sflag:s18] =	ssyncset.done $0x0  }
0x12: {  	s0 =	sadd.s32 s6, s30;
	[sflag:s18] =	ssyncadd.s32 $0xFFFFC000  }
0x13: {  	[tilespmem:s2], [sflag:$0x3] =	stream.linear.gather [hbm4b:s0+s2], $0x80, $0x38;
	[tilespmem:$0x1C200] =	vst v63  }
0x14: {  	_ =	swait.ge [sflag:s18], $0x80  }
0x15: {  	[sflag:s18] =	ssyncset.done $0x0  }
0x16: {  	[sflag:s18] =	ssyncadd.s32 $0xFFFFFF80  }
0x17: {  	[tilespmem:s20], [sflag:$0x1] =	stream.indirect.gather [hbm4b:s5+s19], $0x80, s2, s19, $0xb8;
	[tilespmem:$0x1C200] =	vst v63  }
0x18: {  	s31 =	sadd.s32 s7, s30  }
0x19: {  	[tilespmem:s19], [sflag:$0x3] =	stream.linear.gather [hbm4b:s31+s2], $0x80, $0x38;
	[tilespmem:$0x1C200] =	vst v63  }
0x1a: {  	_ =	swait.ge [sflag:s18], $0x80  }
0x1b: {  	s31 =	sor.u32 $0x10, s30;
	[sflag:s18] =	ssyncset.done $0x0  }
0x1c: {  	s28 =	sadd.s32 s6, s31;
	[sflag:s18] =	ssyncadd.s32 $0xFFFFFF80  }
0x1d: {  	[tilespmem:s21], [sflag:$0x3] =	stream.linear.gather [hbm4b:s28+s2], $0x80, $0x38;
	[tilespmem:$0x1C200] =	vst v63  }
0x1e: {  	_ =	swait.ge [sflag:s18], $0x80  }
0x1f: {  	[sflag:s18] =	ssyncset.done $0x0  }
0x20: {  	[sflag:s18] =	ssyncadd.s32 $0xFFFFFF80  }
0x21: {  	[tilespmem:s22], [sflag:$0x2] =	stream.indirect.gather [hbm4b:s5+s19], $0x80, s21, s19, $0xb8;
	[tilespmem:$0x1C200] =	vst v63  }
0x22: {  	s0 =	sadd.s32 s7, s31  }
0x23: {  	[tilespmem:s23], [sflag:$0x3] =	stream.linear.gather [hbm4b:s0+s2], $0x80, $0x38;
	[tilespmem:$0x1C200] =	vst v63  }
0x24: {  	_ =	swait.ge [sflag:s18], $0x80  }
0x25: {  	[sflag:s18] =	ssyncset.done $0x0  }
0x26: {  	[sflag:s18] =	ssyncadd.s32 $0xFFFFFF80  }
0x27: {  	_ =	swait.ge [sflag:s24], $0x4000  }
0x28: {  	[sflag:s24] =	ssyncset.done $0x0  }
0x29: {  	[sflag:s24] =	ssyncadd.s32 $0xFFFFC000  }
0x2a: {  	[spmem:s1] =	stream.indirect.scatter.add.f32 [tilespmem:s20], [sflag:$0x3], $0x80, s19, s19, $0xb8;
	[tilespmem:$0x1C200] =	vst v63  }
0x2b: {  	_ =	swait.ge [sflag:s18], $0x4000  }
0x2c: {  	[sflag:s18] =	ssyncset.done $0x0  }
0x2d: {  	[sflag:s18] =	ssyncadd.s32 $0xFFFFC000  }
0x2e: {  	_ =	swait.ge [sflag:s25], $0x4000  }
0x2f: {  	[sflag:s25] =	ssyncset.done $0x0  }
0x30: {  	[sflag:s25] =	ssyncadd.s32 $0xFFFFC000  }
0x31: {  	[spmem:s1] =	stream.indirect.scatter.add.f32 [tilespmem:s22], [sflag:$0x3], $0x80, s23, s19, $0xb8;
	[tilespmem:$0x1C200] =	vst v63  }
0x32: {  	_ =	swait.ge [sflag:s18], $0x4000  }
0x33: {  	[sflag:s18] =	ssyncset.done $0x0  }
0x34: {  	s29 =	smov.u32 s10;
	s28 =	smov.u32 s16;
	[sflag:s18] =	ssyncadd.s32 $0xFFFFC000  }
.LBB2_8:
0x35: {  	s26 =	sadd.s32 $0x1, s26  }
0x36: {  	p1 =	sne.s32 s26, s15  }
.Ltmp1:
0x37: {  	s0 =	sadd.s32 s29, s9;
	[bflag:$0x0] =	sbarrier.arrive $0xFFFF;
	(pc) =	sbr.rel @!p1 .LBB2_9-.Ltmp1, $4  }
0x38: {  	[hbm:s0], [sflag:s28] =	dma.local [spmem:s17], $0x2800  }
0x39: {  	_ =	swait.ge [sflag:s18], $0x2800  }
0x3a: {  	[sflag:s18] =	ssyncset.done $0x0  }
0x3b: {  	[sflag:s18] =	ssyncadd.s32 $0xFFFFD800  }
.LBB2_1:
.Ltmp2:
0x3c: {  	(pc) =	sbr.rel @!p0 .LBB2_2-.Ltmp2, $1  }
0x3d: {  	_ =	sdelay $0x3  }
0x3e: {  	[spmem:s17], [sflag:s16] =	dma.local [hbm:s13], $0x2800  }
0x3f: {  	s0 =	simm.s32 $0x0  }
0x40: {  	s28 =	sand.u32 $0x7C00, s0  }
0x41: {  	_ =	swait.ge [sflag:s18], $0x2800;
	s0 =	sand.u32 $0x300, s0;
	s28 =	sadd.s32 s12, s28  }
0x42: {  	[sflag:s18] =	ssyncset.done $0x0;
	s0 =	sor.u32 s0, s28  }
0x43: {  	[sflag:s18] =	ssyncadd.s32 $0xFFFFD800;
	s0 =	sshrl.u32 s0, $0x3  }
0x44: {  	[bflag:$0x0] =	sbarrier.arrive $0xFFFF;
	s28 =	sadd.s32 s6, s0  }
0x45: {  	[tilespmem:s2], [sflag:$0x3] =	stream.linear.gather [hbm4b:s28+s2], $0x80, $0x38;
	[tilespmem:$0x1C200] =	vst v63  }
0x46: {  	_ =	swait.ge [sflag:s18], $0x80  }
0x47: {  	[sflag:s18] =	ssyncset.done $0x0  }
0x48: {  	[sflag:s18] =	ssyncadd.s32 $0xFFFFFF80  }
0x49: {  	[tilespmem:s20], [sflag:$0x1] =	stream.indirect.gather [hbm4b:s5+s19], $0x80, s2, s19, $0xb8;
	[tilespmem:$0x1C200] =	vst v63  }
0x4a: {  	s28 =	sadd.s32 s7, s0  }
0x4b: {  	[tilespmem:s19], [sflag:$0x3] =	stream.linear.gather [hbm4b:s28+s2], $0x80, $0x38;
	[tilespmem:$0x1C200] =	vst v63  }
0x4c: {  	_ =	swait.ge [sflag:s18], $0x80  }
0x4d: {  	s0 =	sor.u32 $0x10, s0;
	[sflag:s18] =	ssyncset.done $0x0  }
0x4e: {  	s28 =	sadd.s32 s6, s0;
	[sflag:s18] =	ssyncadd.s32 $0xFFFFFF80  }
0x4f: {  	[tilespmem:s21], [sflag:$0x3] =	stream.linear.gather [hbm4b:s28+s2], $0x80, $0x38;
	[tilespmem:$0x1C200] =	vst v63  }
0x50: {  	_ =	swait.ge [sflag:s18], $0x80  }
0x51: {  	[sflag:s18] =	ssyncset.done $0x0  }
0x52: {  	[sflag:s18] =	ssyncadd.s32 $0xFFFFFF80  }
0x53: {  	[tilespmem:s22], [sflag:$0x2] =	stream.indirect.gather [hbm4b:s5+s19], $0x80, s21, s19, $0xb8;
	[tilespmem:$0x1C200] =	vst v63  }
0x54: {  	s0 =	sadd.s32 s7, s0  }
0x55: {  	[tilespmem:s23], [sflag:$0x3] =	stream.linear.gather [hbm4b:s0+s2], $0x80, $0x38;
	[tilespmem:$0x1C200] =	vst v63  }
0x56: {  	_ =	swait.ge [sflag:s18], $0x80  }
0x57: {  	[sflag:s18] =	ssyncset.done $0x0  }
0x58: {  	[sflag:s18] =	ssyncadd.s32 $0xFFFFFF80  }
0x59: {  	_ =	swait.ge [sflag:s24], $0x4000  }
0x5a: {  	[sflag:s24] =	ssyncset.done $0x0  }
0x5b: {  	[sflag:s24] =	ssyncadd.s32 $0xFFFFC000  }
0x5c: {  	[spmem:s1] =	stream.indirect.scatter.add.f32 [tilespmem:s20], [sflag:$0x3], $0x80, s19, s19, $0xb8;
	[tilespmem:$0x1C200] =	vst v63  }
0x5d: {  	_ =	swait.ge [sflag:s18], $0x4000  }
0x5e: {  	s31 =	simm.s32 $0x100;
	[sflag:s18] =	ssyncset.done $0x0  }
0x5f: {  	s28 =	sand.u32 $0x7C00, s31;
	[sflag:s18] =	ssyncadd.s32 $0xFFFFC000  }
0x60: {  	s28 =	sadd.s32 s12, s28;
	s0 =	sand.u32 $0x300, s31;
	_ =	swait.ge [sflag:s25], $0x4000  }
0x61: {  	s0 =	sor.u32 s0, s28;
	[sflag:s25] =	ssyncset.done $0x0  }
0x62: {  	s28 =	simm.s32 $0x200;
	s30 =	sshrl.u32 s0, $0x3;
	[sflag:s25] =	ssyncadd.s32 $0xFFFFC000  }
.LBB2_6:
0x63: {  	[spmem:s1] =	stream.indirect.scatter.add.f32 [tilespmem:s22], [sflag:$0x3], $0x80, s23, s19, $0xb8;
	[tilespmem:$0x1C200] =	vst v63  }
0x64: {  	s29 =	smov.u32 s28  }
0x65: {  	p1 =	sne.s32 s28, $0x4E00;
	s28 =	sadd.s32 $0x100, s28;
	_ =	swait.ge [sflag:s18], $0x4000  }
0x66: {  	[sflag:s18] =	ssyncset.done $0x0  }
0x67: {  	s0 =	sadd.s32 s6, s30;
	[sflag:s18] =	ssyncadd.s32 $0xFFFFC000  }
0x68: {  	[tilespmem:s2], [sflag:$0x3] =	stream.linear.gather [hbm4b:s0+s2], $0x80, $0x38;
	[tilespmem:$0x1C200] =	vst v63  }
0x69: {  	_ =	swait.ge [sflag:s18], $0x80  }
0x6a: {  	[sflag:s18] =	ssyncset.done $0x0  }
0x6b: {  	[sflag:s18] =	ssyncadd.s32 $0xFFFFFF80  }
0x6c: {  	[tilespmem:s20], [sflag:$0x1] =	stream.indirect.gather [hbm4b:s5+s19], $0x80, s2, s19, $0xb8;
	[tilespmem:$0x1C200] =	vst v63  }
0x6d: {  	s0 =	sadd.s32 s7, s30  }
0x6e: {  	[tilespmem:s19], [sflag:$0x3] =	stream.linear.gather [hbm4b:s0+s2], $0x80, $0x38;
	[tilespmem:$0x1C200] =	vst v63  }
0x6f: {  	_ =	swait.ge [sflag:s18], $0x80  }
0x70: {  	s0 =	sor.u32 $0x10, s30;
	[sflag:s18] =	ssyncset.done $0x0  }
0x71: {  	s30 =	sadd.s32 s6, s0;
	[sflag:s18] =	ssyncadd.s32 $0xFFFFFF80  }
0x72: {  	[tilespmem:s21], [sflag:$0x3] =	stream.linear.gather [hbm4b:s30+s2], $0x80, $0x38;
	[tilespmem:$0x1C200] =	vst v63  }
0x73: {  	_ =	swait.ge [sflag:s18], $0x80  }
0x74: {  	[sflag:s18] =	ssyncset.done $0x0  }
0x75: {  	[sflag:s18] =	ssyncadd.s32 $0xFFFFFF80  }
0x76: {  	[tilespmem:s22], [sflag:$0x2] =	stream.indirect.gather [hbm4b:s5+s19], $0x80, s21, s19, $0xb8;
	[tilespmem:$0x1C200] =	vst v63  }
0x77: {  	s0 =	sadd.s32 s7, s0  }
0x78: {  	[tilespmem:s23], [sflag:$0x3] =	stream.linear.gather [hbm4b:s0+s2], $0x80, $0x38;
	[tilespmem:$0x1C200] =	vst v63  }
0x79: {  	_ =	swait.ge [sflag:s18], $0x80  }
0x7a: {  	[sflag:s18] =	ssyncset.done $0x0  }
0x7b: {  	[sflag:s18] =	ssyncadd.s32 $0xFFFFFF80  }
0x7c: {  	_ =	swait.ge [sflag:s24], $0x4000  }
0x7d: {  	[sflag:s24] =	ssyncset.done $0x0  }
0x7e: {  	[sflag:s24] =	ssyncadd.s32 $0xFFFFC000  }
0x7f: {  	[spmem:s1] =	stream.indirect.scatter.add.f32 [tilespmem:s20], [sflag:$0x3], $0x80, s19, s19, $0xb8;
	[tilespmem:$0x1C200] =	vst v63  }
0x80: {  	_ =	swait.ge [sflag:s18], $0x4000  }
.Ltmp3:
0x81: {  	[sflag:s18] =	ssyncset.done $0x0;
	(pc) =	sbr.rel @p1 .LBB2_6-.Ltmp3, $4  }
0x82: {  	s0 =	sand.u32 $0x7C00, s29;
	[sflag:s18] =	ssyncadd.s32 $0xFFFFC000  }
0x83: {  	s29 =	sand.u32 $0x300, s29;
	s0 =	sadd.s32 s12, s0;
	_ =	swait.ge [sflag:s25], $0x4000  }
0x84: {  	s0 =	sor.u32 s29, s0;
	[sflag:s25] =	ssyncset.done $0x0  }
0x85: {  	s30 =	sshrl.u32 s0, $0x3;
	[sflag:s25] =	ssyncadd.s32 $0xFFFFC000  }
.Ltmp4:
0x86: {  	_ = 	snop;
	(pc) =	sbr.rel .LBB2_7-.Ltmp4, $1  }
0x87: {  	_ =	sdelay $0x3  }
.LBB2_2:
0x88: {  	s28 =	sor.u32 $0x1C03, s14;
	s29 =	simm.s32 $0x0  }
0x89: {  	[spmem:s17], [sflag:s28] =	dma.local [hbm:s11], $0x2800  }
0x8a: {  	s30 =	sand.u32 $0x7C00, s29  }
0x8b: {  	s29 =	sand.u32 $0x300, s29;
	_ =	swait.ge [sflag:s18], $0x2800;
	s30 =	sadd.s32 s12, s30  }
0x8c: {  	[sflag:s18] =	ssyncset.done $0x0;
	s29 =	sor.u32 s29, s30  }
0x8d: {  	[sflag:s18] =	ssyncadd.s32 $0xFFFFD800;
	s29 =	sshrl.u32 s29, $0x3  }
0x8e: {  	[bflag:$0x0] =	sbarrier.arrive $0xFFFF;
	s0 =	sadd.s32 s6, s29  }
0x8f: {  	[tilespmem:s2], [sflag:$0x3] =	stream.linear.gather [hbm4b:s0+s2], $0x80, $0x38;
	[tilespmem:$0x1C200] =	vst v63  }
0x90: {  	_ =	swait.ge [sflag:s18], $0x80  }
0x91: {  	[sflag:s18] =	ssyncset.done $0x0  }
0x92: {  	[sflag:s18] =	ssyncadd.s32 $0xFFFFFF80  }
0x93: {  	[tilespmem:s20], [sflag:$0x1] =	stream.indirect.gather [hbm4b:s4+s19], $0x80, s2, s19, $0xb8;
	[tilespmem:$0x1C200] =	vst v63  }
0x94: {  	s0 =	sadd.s32 s7, s29  }
0x95: {  	[tilespmem:s19], [sflag:$0x3] =	stream.linear.gather [hbm4b:s0+s2], $0x80, $0x38;
	[tilespmem:$0x1C200] =	vst v63  }
0x96: {  	_ =	swait.ge [sflag:s18], $0x80  }
0x97: {  	s29 =	sor.u32 $0x10, s29;
	[sflag:s18] =	ssyncset.done $0x0  }
0x98: {  	s0 =	sadd.s32 s6, s29;
	[sflag:s18] =	ssyncadd.s32 $0xFFFFFF80  }
0x99: {  	[tilespmem:s21], [sflag:$0x3] =	stream.linear.gather [hbm4b:s0+s2], $0x80, $0x38;
	[tilespmem:$0x1C200] =	vst v63  }
0x9a: {  	_ =	swait.ge [sflag:s18], $0x80  }
0x9b: {  	[sflag:s18] =	ssyncset.done $0x0  }
0x9c: {  	[sflag:s18] =	ssyncadd.s32 $0xFFFFFF80  }
0x9d: {  	[tilespmem:s22], [sflag:$0x2] =	stream.indirect.gather [hbm4b:s4+s19], $0x80, s21, s19, $0xb8;
	[tilespmem:$0x1C200] =	vst v63  }
0x9e: {  	s29 =	sadd.s32 s7, s29  }
0x9f: {  	[tilespmem:s23], [sflag:$0x3] =	stream.linear.gather [hbm4b:s29+s2], $0x80, $0x38;
	[tilespmem:$0x1C200] =	vst v63  }
0xa0: {  	_ =	swait.ge [sflag:s18], $0x80  }
0xa1: {  	[sflag:s18] =	ssyncset.done $0x0  }
0xa2: {  	[sflag:s18] =	ssyncadd.s32 $0xFFFFFF80  }
0xa3: {  	_ =	swait.ge [sflag:s24], $0x4000  }
0xa4: {  	[sflag:s24] =	ssyncset.done $0x0  }
0xa5: {  	[sflag:s24] =	ssyncadd.s32 $0xFFFFC000  }
0xa6: {  	[spmem:s1] =	stream.indirect.scatter.add.f32 [tilespmem:s20], [sflag:$0x3], $0x80, s19, s19, $0xb8;
	[tilespmem:$0x1C200] =	vst v63  }
0xa7: {  	_ =	swait.ge [sflag:s18], $0x4000  }
0xa8: {  	s29 =	simm.s32 $0x100;
	[sflag:s18] =	ssyncset.done $0x0  }
0xa9: {  	s0 =	sand.u32 $0x7C00, s29;
	[sflag:s18] =	ssyncadd.s32 $0xFFFFC000  }
0xaa: {  	s29 =	sand.u32 $0x300, s29;
	s30 =	sadd.s32 s12, s0;
	_ =	swait.ge [sflag:s25], $0x4000  }
0xab: {  	s30 =	sor.u32 s29, s30;
	[sflag:s25] =	ssyncset.done $0x0  }
0xac: {  	s29 =	simm.s32 $0x200;
	s31 =	sshrl.u32 s30, $0x3;
	[sflag:s25] =	ssyncadd.s32 $0xFFFFC000  }
.LBB2_3:
0xad: {  	[spmem:s1] =	stream.indirect.scatter.add.f32 [tilespmem:s22], [sflag:$0x3], $0x80, s23, s19, $0xb8;
	[tilespmem:$0x1C200] =	vst v63  }
0xae: {  	s30 =	smov.u32 s29  }
0xaf: {  	p1 =	seq.s32 s29, $0x4E00;
	s29 =	sadd.s32 $0x100, s29;
	_ =	swait.ge [sflag:s18], $0x4000  }
0xb0: {  	[sflag:s18] =	ssyncset.done $0x0  }
0xb1: {  	s0 =	sadd.s32 s6, s31;
	[sflag:s18] =	ssyncadd.s32 $0xFFFFC000  }
0xb2: {  	[tilespmem:s2], [sflag:$0x3] =	stream.linear.gather [hbm4b:s0+s2], $0x80, $0x38;
	[tilespmem:$0x1C200] =	vst v63  }
0xb3: {  	_ =	swait.ge [sflag:s18], $0x80  }
0xb4: {  	[sflag:s18] =	ssyncset.done $0x0  }
0xb5: {  	[sflag:s18] =	ssyncadd.s32 $0xFFFFFF80  }
0xb6: {  	[tilespmem:s20], [sflag:$0x1] =	stream.indirect.gather [hbm4b:s4+s19], $0x80, s2, s19, $0xb8;
	[tilespmem:$0x1C200] =	vst v63  }
0xb7: {  	s0 =	sadd.s32 s7, s31  }
0xb8: {  	[tilespmem:s19], [sflag:$0x3] =	stream.linear.gather [hbm4b:s0+s2], $0x80, $0x38;
	[tilespmem:$0x1C200] =	vst v63  }
0xb9: {  	_ =	swait.ge [sflag:s18], $0x80  }
0xba: {  	s0 =	sor.u32 $0x10, s31;
	[sflag:s18] =	ssyncset.done $0x0  }
0xbb: {  	s31 =	sadd.s32 s6, s0;
	[sflag:s18] =	ssyncadd.s32 $0xFFFFFF80  }
0xbc: {  	[tilespmem:s21], [sflag:$0x3] =	stream.linear.gather [hbm4b:s31+s2], $0x80, $0x38;
	[tilespmem:$0x1C200] =	vst v63  }
0xbd: {  	_ =	swait.ge [sflag:s18], $0x80  }
0xbe: {  	[sflag:s18] =	ssyncset.done $0x0  }
0xbf: {  	[sflag:s18] =	ssyncadd.s32 $0xFFFFFF80  }
0xc0: {  	[tilespmem:s22], [sflag:$0x2] =	stream.indirect.gather [hbm4b:s4+s19], $0x80, s21, s19, $0xb8;
	[tilespmem:$0x1C200] =	vst v63  }
0xc1: {  	s0 =	sadd.s32 s7, s0  }
0xc2: {  	[tilespmem:s23], [sflag:$0x3] =	stream.linear.gather [hbm4b:s0+s2], $0x80, $0x38;
	[tilespmem:$0x1C200] =	vst v63  }
0xc3: {  	_ =	swait.ge [sflag:s18], $0x80  }
0xc4: {  	[sflag:s18] =	ssyncset.done $0x0  }
0xc5: {  	[sflag:s18] =	ssyncadd.s32 $0xFFFFFF80  }
0xc6: {  	_ =	swait.ge [sflag:s24], $0x4000  }
0xc7: {  	[sflag:s24] =	ssyncset.done $0x0  }
0xc8: {  	[sflag:s24] =	ssyncadd.s32 $0xFFFFC000  }
0xc9: {  	[spmem:s1] =	stream.indirect.scatter.add.f32 [tilespmem:s20], [sflag:$0x3], $0x80, s19, s19, $0xb8;
	[tilespmem:$0x1C200] =	vst v63  }
0xca: {  	_ =	swait.ge [sflag:s18], $0x4000  }
.Ltmp5:
0xcb: {  	[sflag:s18] =	ssyncset.done $0x0;
	(pc) =	sbr.rel @!p1 .LBB2_3-.Ltmp5, $4  }
0xcc: {  	s0 =	sand.u32 $0x7C00, s30;
	[sflag:s18] =	ssyncadd.s32 $0xFFFFC000  }
0xcd: {  	s30 =	sand.u32 $0x300, s30;
	s0 =	sadd.s32 s12, s0;
	_ =	swait.ge [sflag:s25], $0x4000  }
0xce: {  	s0 =	sor.u32 s30, s0;
	[sflag:s25] =	ssyncset.done $0x0  }
0xcf: {  	s31 =	sshrl.u32 s0, $0x3;
	[sflag:s25] =	ssyncadd.s32 $0xFFFFC000  }
0xd0: {  	[spmem:s1] =	stream.indirect.scatter.add.f32 [tilespmem:s22], [sflag:$0x3], $0x80, s23, s19, $0xb8;
	[tilespmem:$0x1C200] =	vst v63  }
0xd1: {  	_ =	swait.ge [sflag:s18], $0x4000  }
0xd2: {  	[sflag:s18] =	ssyncset.done $0x0  }
0xd3: {  	s0 =	sadd.s32 s6, s31;
	[sflag:s18] =	ssyncadd.s32 $0xFFFFC000  }
0xd4: {  	[tilespmem:s2], [sflag:$0x3] =	stream.linear.gather [hbm4b:s0+s2], $0x80, $0x38;
	[tilespmem:$0x1C200] =	vst v63  }
0xd5: {  	_ =	swait.ge [sflag:s18], $0x80  }
0xd6: {  	[sflag:s18] =	ssyncset.done $0x0  }
0xd7: {  	[sflag:s18] =	ssyncadd.s32 $0xFFFFFF80  }
0xd8: {  	[tilespmem:s20], [sflag:$0x1] =	stream.indirect.gather [hbm4b:s4+s19], $0x80, s2, s19, $0xb8;
	[tilespmem:$0x1C200] =	vst v63  }
0xd9: {  	s30 =	sadd.s32 s7, s31  }
0xda: {  	[tilespmem:s19], [sflag:$0x3] =	stream.linear.gather [hbm4b:s30+s2], $0x80, $0x38;
	[tilespmem:$0x1C200] =	vst v63  }
0xdb: {  	_ =	swait.ge [sflag:s18], $0x80  }
0xdc: {  	s31 =	sor.u32 $0x10, s31;
	[sflag:s18] =	ssyncset.done $0x0  }
0xdd: {  	s29 =	sadd.s32 s6, s31;
	[sflag:s18] =	ssyncadd.s32 $0xFFFFFF80  }
0xde: {  	[tilespmem:s21], [sflag:$0x3] =	stream.linear.gather [hbm4b:s29+s2], $0x80, $0x38;
	[tilespmem:$0x1C200] =	vst v63  }
0xdf: {  	_ =	swait.ge [sflag:s18], $0x80  }
0xe0: {  	[sflag:s18] =	ssyncset.done $0x0  }
0xe1: {  	[sflag:s18] =	ssyncadd.s32 $0xFFFFFF80  }
0xe2: {  	[tilespmem:s22], [sflag:$0x2] =	stream.indirect.gather [hbm4b:s4+s19], $0x80, s21, s19, $0xb8;
	[tilespmem:$0x1C200] =	vst v63  }
0xe3: {  	s0 =	sadd.s32 s7, s31  }
0xe4: {  	[tilespmem:s23], [sflag:$0x3] =	stream.linear.gather [hbm4b:s0+s2], $0x80, $0x38;
	[tilespmem:$0x1C200] =	vst v63  }
0xe5: {  	_ =	swait.ge [sflag:s18], $0x80  }
0xe6: {  	[sflag:s18] =	ssyncset.done $0x0  }
0xe7: {  	[sflag:s18] =	ssyncadd.s32 $0xFFFFFF80  }
0xe8: {  	_ =	swait.ge [sflag:s24], $0x4000  }
0xe9: {  	[sflag:s24] =	ssyncset.done $0x0  }
0xea: {  	[sflag:s24] =	ssyncadd.s32 $0xFFFFC000  }
0xeb: {  	[spmem:s1] =	stream.indirect.scatter.add.f32 [tilespmem:s20], [sflag:$0x3], $0x80, s19, s19, $0xb8;
	[tilespmem:$0x1C200] =	vst v63  }
0xec: {  	_ =	swait.ge [sflag:s18], $0x4000  }
0xed: {  	[sflag:s18] =	ssyncset.done $0x0  }
0xee: {  	[sflag:s18] =	ssyncadd.s32 $0xFFFFC000  }
0xef: {  	_ =	swait.ge [sflag:s25], $0x4000  }
0xf0: {  	[sflag:s25] =	ssyncset.done $0x0  }
.Ltmp6:
0xf1: {  	[sflag:s25] =	ssyncadd.s32 $0xFFFFC000;
	(pc) =	sbr.rel .LBB2_8-.Ltmp6, $4  }
0xf2: {  	[spmem:s1] =	stream.indirect.scatter.add.f32 [tilespmem:s22], [sflag:$0x3], $0x80, s23, s19, $0xb8;
	[tilespmem:$0x1C200] =	vst v63  }
0xf3: {  	_ =	swait.ge [sflag:s18], $0x4000  }
0xf4: {  	[sflag:s18] =	ssyncset.done $0x0  }
0xf5: {  	s29 =	smov.u32 s8;
	[sflag:s18] =	ssyncadd.s32 $0xFFFFC000  }
.LBB2_9:
0xf6: {  	_ =	sfence.sel $0x180000  }
0xf7: {  	[bflag:$0x0] =	sbarrier.arrive $0xFFFF  }
0xf8: {  	_ =	strace $0x90000050  }
0xf9: {  	[bflag:$0x2] =	sbarrier.arrive $0xFFFF  }
0xfa: {  	p0 =	sne.s32 s3, $0x0;
	s0 =	rddreg [dreg:$0x2]  }
0xfb: {  	s0 =	sadd.s32 @!p0 $0x100000, s0  }
0xfc: {  	[sflag:s0] =	ssyncadd.tile.s32 @!p0 $0x1;
	_ =	shalt  }
.Lfunc_end2:
_tile_overlayer_lowered:
.L_overlay_start_2:
0xfd: {  	(tag) =	ssettag $0x2  }
0xfe: {  	s0 =	rddreg [dreg:$0x0];
	s2 =	stileid.u32  }
0xff: {  	s1 =	rddreg [dreg:$0x1];
	p0 =	sne.s32 s2, $0x0  }
0x100: {  	s3 =	rddreg [dreg:$0x2];
	[bflag:$0x3] =	sbarrier.arrive $0xFFFF;
	s2 =	simm.s32 @!p0 $0x1C03  }
0x101: {  	[timem:s3], [sflag:s2] =	dma.local @!p0 [hbm:s0], s1  }
0x102: {  	s0 =	simm.s32 @!p0 $0x3  }
0x103: {  	_ =	swait.ge @!p0 [sflag:s0], s1  }
0x104: {  	s1 =	ssub.s32 @!p0 $0x0, s1;
	[sflag:s0] =	ssyncset.done @!p0 $0x0  }
0x105: {  	[sflag:s0] =	ssyncadd.s32 @!p0 s1  }
0x106: {  	[bflag:$0x3] =	sbarrier.arrive $0xFFFF  }
0x107: {  	_ =	shalt  }

</sc_bundles>
